<compile_context>
chip_gen: v7x
topology: tpu7x:2x2x1
jax: 0.10.2.dev20260603
libtpu: 0.0.44.dev20260713+nightly
codegen_flags: <defaults>
</compile_context>

<pallas_src>
import jax
import jax.numpy as jnp
from jax import lax
from jax.experimental import pallas as pl
from jax.experimental.pallas import tpu as pltpu
from jax.experimental.pallas import tpu_sc as plsc

N_ATOMS = 10000
MAX_NB = 32
N_BONDS = 320000
ATOM_FDIM = 128
BOND_FDIM = 16
HIDDEN = 128
DEPTH = 4

NC = 2
NS = 16
NW = NC * NS

A_PAD = 10240
A_PER_W = A_PAD // NW
A_CHUNK = 4
N_ACH = A_PER_W // A_CHUNK

B_PER_W = N_BONDS // NW
B_CHUNK = 80
N_BCH = B_PER_W // B_CHUNK

_K8 = 8


def _worker_id():
    return lax.axis_index("s") * NC + lax.axis_index("c")


def _sc_mesh():
    return plsc.VectorSubcoreMesh(
        core_axis_name="c", subcore_axis_name="s",
        num_cores=NC, num_subcores=NS)


def _sc_gather_sum_body(msg_hbm, a2b_hbm, agg_hbm, idx_v, rows_v, out_v, sem):
    wid = _worker_id()

    def chunk(c, carry):
        ibase = wid * (A_PER_W * MAX_NB) + c * (A_CHUNK * MAX_NB)
        pltpu.sync_copy(a2b_hbm.at[pl.ds(ibase, A_CHUNK * MAX_NB)], idx_v)
        pltpu.async_copy(msg_hbm.at[idx_v], rows_v, sem).wait()
        for g in range(A_CHUNK):
            def red(j, acc):
                r = g * MAX_NB + j
                return tuple(
                    acc[k] + jnp.maximum(rows_v[r, pl.ds(16 * k, 16)], 0.0)
                    for k in range(_K8))
            acc = lax.fori_loop(
                0, MAX_NB, red,
                tuple(jnp.zeros((16,), jnp.float32) for _ in range(_K8)))
            for k in range(_K8):
                out_v[g, pl.ds(16 * k, 16)] = acc[k]
        obase = wid * A_PER_W + c * A_CHUNK
        pltpu.sync_copy(out_v, agg_hbm.at[pl.ds(obase, A_CHUNK)])
        return carry

    lax.fori_loop(0, N_ACH, chunk, 0)


def _sc_gather_sum(msg, a2b_flat):
    fn = pl.kernel(
        _sc_gather_sum_body,
        out_type=jax.ShapeDtypeStruct((A_PAD, HIDDEN), jnp.float32),
        mesh=_sc_mesh(),
        scratch_types=[
            pltpu.VMEM((A_CHUNK * MAX_NB,), jnp.int32),
            pltpu.VMEM((A_CHUNK * MAX_NB, HIDDEN), jnp.float32),
            pltpu.VMEM((A_CHUNK, HIDDEN), jnp.float32),
            pltpu.SemaphoreType.DMA,
        ],
    )
    return fn(msg, a2b_flat)


def _sc_edge_body(msg_hbm, agg_hbm, b2a_hbm, b2revb_hbm, pre_hbm,
                  ia_v, ir_v, rows_a, rows_r, out_v, sem):
    wid = _worker_id()

    def chunk(c, carry):
        base = wid * B_PER_W + c * B_CHUNK
        pltpu.sync_copy(b2a_hbm.at[pl.ds(base, B_CHUNK)], ia_v)
        pltpu.sync_copy(b2revb_hbm.at[pl.ds(base, B_CHUNK)], ir_v)
        ca = pltpu.async_copy(agg_hbm.at[ia_v], rows_a, sem)
        cr = pltpu.async_copy(msg_hbm.at[ir_v], rows_r, sem)
        ca.wait()
        cr.wait()

        def row(r, inner):
            for k in range(_K8):
                out_v[r, pl.ds(16 * k, 16)] = (
                    rows_a[r, pl.ds(16 * k, 16)]
                    - jnp.maximum(rows_r[r, pl.ds(16 * k, 16)], 0.0))
            return inner

        lax.fori_loop(0, B_CHUNK, row, 0)
        pltpu.sync_copy(out_v, pre_hbm.at[pl.ds(base, B_CHUNK)])
        return carry

    lax.fori_loop(0, N_BCH, chunk, 0)


def _sc_edge(msg, agg, b2a, b2revb):
    fn = pl.kernel(
        _sc_edge_body,
        out_type=jax.ShapeDtypeStruct((N_BONDS, HIDDEN), jnp.float32),
        mesh=_sc_mesh(),
        scratch_types=[
            pltpu.VMEM((B_CHUNK,), jnp.int32),
            pltpu.VMEM((B_CHUNK,), jnp.int32),
            pltpu.VMEM((B_CHUNK, HIDDEN), jnp.float32),
            pltpu.VMEM((B_CHUNK, HIDDEN), jnp.float32),
            pltpu.VMEM((B_CHUNK, HIDDEN), jnp.float32),
            pltpu.SemaphoreType.DMA,
        ],
    )
    return fn(msg, agg, b2a, b2revb)


_MM_ROWS = 2000


def _tc_mm_body(x_ref, w_ref, o_ref):
    o_ref[...] = jnp.dot(x_ref[...], w_ref[...],
                         preferred_element_type=jnp.float32)


def _tc_mm(x, w):
    m, k = x.shape
    n = w.shape[1]
    grid = m // _MM_ROWS
    return pl.pallas_call(
        _tc_mm_body,
        grid=(grid,),
        in_specs=[
            pl.BlockSpec((_MM_ROWS, k), lambda i: (i, 0)),
            pl.BlockSpec((k, n), lambda i: (0, 0)),
        ],
        out_specs=pl.BlockSpec((_MM_ROWS, n), lambda i: (i, 0)),
        out_shape=jax.ShapeDtypeStruct((m, n), jnp.float32),
    )(x, w)


def _tc_update_body(pre_ref, inp_ref, w_ref, o_ref):
    o_ref[...] = jnp.maximum(
        inp_ref[...] + jnp.dot(pre_ref[...], w_ref[...],
                               preferred_element_type=jnp.float32), 0.0)


def _tc_update(pre, inp, w):
    m = pre.shape[0]
    grid = m // _MM_ROWS
    return pl.pallas_call(
        _tc_update_body,
        grid=(grid,),
        in_specs=[
            pl.BlockSpec((_MM_ROWS, HIDDEN), lambda i: (i, 0)),
            pl.BlockSpec((_MM_ROWS, HIDDEN), lambda i: (i, 0)),
            pl.BlockSpec((HIDDEN, HIDDEN), lambda i: (0, 0)),
        ],
        out_specs=pl.BlockSpec((_MM_ROWS, HIDDEN), lambda i: (i, 0)),
        out_shape=jax.ShapeDtypeStruct((m, HIDDEN), jnp.float32),
    )(pre, inp, w)


_OUT_ROWS = 2000


def _tc_out_body(fa_ref, am_ref, wa_ref, wm_ref, bo_ref, o_ref):
    acc = jnp.dot(fa_ref[...], wa_ref[...], preferred_element_type=jnp.float32)
    acc = acc + jnp.dot(am_ref[...], wm_ref[...],
                        preferred_element_type=jnp.float32)
    o_ref[...] = jnp.maximum(acc + bo_ref[...], 0.0)


def _tc_out(f_atoms, a_msg, w_a, w_m, b_o):
    m = f_atoms.shape[0]
    grid = m // _OUT_ROWS
    return pl.pallas_call(
        _tc_out_body,
        grid=(grid,),
        in_specs=[
            pl.BlockSpec((_OUT_ROWS, ATOM_FDIM), lambda i: (i, 0)),
            pl.BlockSpec((_OUT_ROWS, HIDDEN), lambda i: (i, 0)),
            pl.BlockSpec((ATOM_FDIM, HIDDEN), lambda i: (0, 0)),
            pl.BlockSpec((HIDDEN, HIDDEN), lambda i: (0, 0)),
            pl.BlockSpec((1, HIDDEN), lambda i: (0, 0)),
        ],
        out_specs=pl.BlockSpec((_OUT_ROWS, HIDDEN), lambda i: (i, 0)),
        out_shape=jax.ShapeDtypeStruct((m, HIDDEN), jnp.float32),
    )(f_atoms, a_msg, w_a, w_m, b_o)


def kernel(f_atoms, f_bonds, a2b, b2a, b2revb, W_i, W_h, W_o, b_o):
    a2b_flat = jnp.pad(a2b, ((0, A_PAD - N_ATOMS), (0, 0))).reshape(-1)
    inp = _tc_mm(f_bonds, W_i)
    msg = inp
    for _ in range(DEPTH - 1):
        agg = _sc_gather_sum(msg, a2b_flat)
        pre = _sc_edge(msg, agg, b2a, b2revb)
        msg = _tc_update(pre, inp, W_h)
    a_msg = _sc_gather_sum(msg, a2b_flat)[:N_ATOMS]
    return _tc_out(f_atoms, a_msg, W_o[:ATOM_FDIM], W_o[ATOM_FDIM:],
                   b_o.reshape(1, HIDDEN))

# --- scband reference (transcript-rebuilt; emitter-appended) ---
"""Pipeline reference for scband-mpnencoder-82858509074740 (READ-ONLY COPY).

The authoritative reference and input builder live on the scoring server;
editing this copy changes nothing except your own understanding.
"""

import jax, jax.numpy as jnp
import numpy as np

N_ATOMS = 10000
MAX_NB = 32
N_BONDS = 320000
ATOM_FDIM = 128
BOND_FDIM = 16
HIDDEN = 128
DEPTH = 4


def setup_inputs(seed: int = 0) -> dict:
    key = jax.random.key(seed)
    ks = jax.random.split(key, 9)
    f_atoms = jax.random.normal(ks[0], (N_ATOMS, ATOM_FDIM), dtype=jnp.float32)
    f_bonds = jax.random.normal(ks[1], (N_BONDS, ATOM_FDIM + BOND_FDIM), dtype=jnp.float32)
    a2b = jax.random.randint(ks[2], (N_ATOMS, MAX_NB), 0, N_BONDS, dtype=jnp.int32)
    b2a = jax.random.randint(ks[3], (N_BONDS,), 0, N_ATOMS, dtype=jnp.int32)
    b2revb = jax.random.randint(ks[4], (N_BONDS,), 0, N_BONDS, dtype=jnp.int32)
    W_i = jax.random.normal(ks[5], (ATOM_FDIM + BOND_FDIM, HIDDEN), dtype=jnp.float32) * (1.0 / np.sqrt(ATOM_FDIM + BOND_FDIM))
    W_h = jax.random.normal(ks[6], (HIDDEN, HIDDEN), dtype=jnp.float32) * (1.0 / np.sqrt(HIDDEN))
    W_o = jax.random.normal(ks[7], (ATOM_FDIM + HIDDEN, HIDDEN), dtype=jnp.float32) * (1.0 / np.sqrt(ATOM_FDIM + HIDDEN))
    b_o = jnp.zeros((HIDDEN,), dtype=jnp.float32)
    return {
        'f_atoms': f_atoms,
        'f_bonds': f_bonds,
        'a2b': a2b,
        'b2a': b2a,
        'b2revb': b2revb,
        'W_i': W_i,
        'W_h': W_h,
        'W_o': W_o,
        'b_o': b_o,
    }


def reference(f_atoms, f_bonds, a2b, b2a, b2revb, W_i, W_h, W_o, b_o):
    # W_i (no bias): bond-feature projection
    inp = f_bonds @ W_i
    message = jax.nn.relu(inp)
    for _ in range(DEPTH - 1):
        # gather neighbor bond messages per atom: [N_ATOMS, MAX_NB, HIDDEN]
        nei_a_message = jnp.take(message, a2b.reshape(-1), axis=0).reshape(a2b.shape + (message.shape[1],))
        agg = nei_a_message.sum(axis=1)  # [N_ATOMS, HIDDEN]
        # directed MPNN update: sum over incoming minus reverse bond
        message = (jnp.take(agg, b2a, axis=0) - jnp.take(message, b2revb, axis=0)) @ W_h
        message = jax.nn.relu(inp + message)  # dropout p=0.0 -> identity
    nei_a_message = jnp.take(message, a2b.reshape(-1), axis=0).reshape(a2b.shape + (message.shape[1],))
    a_message = nei_a_message.sum(axis=1)
    a_input = jnp.concatenate([f_atoms, a_message], axis=1)
    atom_hiddens = jax.nn.relu(a_input @ W_o + b_o)
    # task == 'coordinating_atoms' -> return per-atom hidden states
    return atom_hiddens

if __name__ == "__main__":
    import jax
    _d = setup_inputs()
    print(jax.jit(kernel)(*tuple(_d.values())))

</pallas_src>

<mosaic_0001>
#map = affine_map<(d0, d1) -> (0, 0)>
#map1 = affine_map<(d0, d1) -> (0)>
module attributes {stable_mosaic.version = 14 : i64} {
  func.func @_sc_gather_sum_body(%arg0: i32, %arg1: i32, %arg2: memref<320000x128xf32, #tpu.memory_space<hbm>>, %arg3: memref<327680xi32, #tpu.memory_space<hbm>>, %arg4: memref<10240x128xf32, #tpu.memory_space<hbm>>, %arg5: memref<128xi32, #tpu.memory_space<vmem>>, %arg6: memref<128x128xf32, #tpu.memory_space<vmem>>, %arg7: memref<4x128xf32, #tpu.memory_space<vmem>>, %arg8: memref<!tpu.dma_semaphore, #tpu.memory_space<semaphore_mem>>) attributes {dimension_semantics = [#tpu.dimension_semantics<core_parallel>, #tpu.dimension_semantics<subcore_parallel>], iteration_bounds = array<i64: 2, 16>, scalar_prefetch = 0 : i64, scratch_operands = 4 : i64, tpu.core_type = #tpu.core_type<sc_vector_subcore>, window_params = [{transform_indices = #map}, {transform_indices = #map1}, {transform_indices = #map}]} {
    %mul3A = arith.constant 2 : i32
    %mul3A_0 = arith.muli %arg1, %mul3A : i32
    %add3A = arith.addi %mul3A_0, %arg0 : i32
    %scan3A = arith.constant 0 : i32
    %scan3A_1 = arith.constant 0 : i32
    %scan3A_2 = arith.constant 80 : i32
    %scan3A_3 = arith.addi %scan3A_1, %scan3A_2 : i32
    %scan3A_4 = arith.constant 1 : i32
    scf.for %scan3A_6 = %scan3A_1 to %scan3A_3 step %scan3A_4  : i32 {
      %mul3A_7 = arith.constant 10240 : i32
      %mul3A_8 = arith.muli %add3A, %mul3A_7 : i32
      %mul3A_9 = arith.constant 128 : i32
      %mul3A_10 = arith.muli %scan3A_6, %mul3A_9 : i32
      %add3A_11 = arith.addi %mul3A_8, %mul3A_10 : i32
      "tpu.region"() ({
        %run_scoped3A = tpu.sem_alloc : memref<!tpu.dma_semaphore, #tpu.memory_space<semaphore_mem>>
        %dma_start3A_299 = tpu.memref_slice %arg3[%add3A_11] : memref<327680xi32, #tpu.memory_space<hbm>> -> memref<128xi32, #tpu.memory_space<hbm>>
        %dma_start3A_300 = tpu.memref_slice %arg3[%add3A_11] : memref<327680xi32, #tpu.memory_space<hbm>> -> memref<128xi32, #tpu.memory_space<hbm>>
        tpu.enqueue_dma source(%dma_start3A_300 : memref<128xi32, #tpu.memory_space<hbm>>) target(%arg5 : memref<128xi32, #tpu.memory_space<vmem>>) target_semaphore(%run_scoped3A : memref<!tpu.dma_semaphore, #tpu.memory_space<semaphore_mem>>)
        %dma_wait3A_301 = tpu.memref_slice %arg3[%add3A_11] : memref<327680xi32, #tpu.memory_space<hbm>> -> memref<128xi32, #tpu.memory_space<hbm>>
        %dma_wait3A_302 = tpu.memref_slice %arg3[%add3A_11] : memref<327680xi32, #tpu.memory_space<hbm>> -> memref<128xi32, #tpu.memory_space<hbm>>
        tpu.wait_dma2 semaphore(%run_scoped3A : memref<!tpu.dma_semaphore, #tpu.memory_space<semaphore_mem>>) src(%dma_wait3A_302 : memref<128xi32, #tpu.memory_space<hbm>>) dst(%arg5 : memref<128xi32, #tpu.memory_space<vmem>>)
        tpu.yield
      }) : () -> ()
      %dma_start3A = arith.constant 0 : i32
      %dma_start3A_12 = arith.constant 0 : i32
      %dma_start3A_13 = tpu.memref_slice %arg2[%dma_start3A, %dma_start3A_12] : memref<320000x128xf32, #tpu.memory_space<hbm>> -> memref<320000x128xf32, #tpu.memory_space<hbm>>
      tpu.enqueue_indirect_dma source(%dma_start3A_13 : memref<320000x128xf32, #tpu.memory_space<hbm>>) target(%arg6 : memref<128x128xf32, #tpu.memory_space<vmem>>) offsets(%arg5 : memref<128xi32, #tpu.memory_space<vmem>>) semaphore(%arg8 : memref<!tpu.dma_semaphore, #tpu.memory_space<semaphore_mem>>)
      %dma_wait3A = arith.constant 0 : i32
      %dma_wait3A_14 = arith.constant 0 : i32
      %dma_wait3A_15 = tpu.memref_slice %arg2[%dma_wait3A, %dma_wait3A_14] : memref<320000x128xf32, #tpu.memory_space<hbm>> -> memref<320000x128xf32, #tpu.memory_space<hbm>>
      tpu.wait_indirect_dma semaphore(%arg8 : memref<!tpu.dma_semaphore, #tpu.memory_space<semaphore_mem>>) src(%dma_wait3A_15 : memref<320000x128xf32, #tpu.memory_space<hbm>>) dst(%arg6 : memref<128x128xf32, #tpu.memory_space<vmem>>)
      %broadcast_in_dim3A = arith.constant 0.000000e+00 : f32
      %broadcast_in_dim3A_16 = vector.broadcast %broadcast_in_dim3A : f32 to vector<16xf32>
      %broadcast_in_dim3A_17 = arith.constant 0.000000e+00 : f32
      %broadcast_in_dim3A_18 = vector.broadcast %broadcast_in_dim3A_17 : f32 to vector<16xf32>
      %broadcast_in_dim3A_19 = arith.constant 0.000000e+00 : f32
      %broadcast_in_dim3A_20 = vector.broadcast %broadcast_in_dim3A_19 : f32 to vector<16xf32>
      %broadcast_in_dim3A_21 = arith.constant 0.000000e+00 : f32
      %broadcast_in_dim3A_22 = vector.broadcast %broadcast_in_dim3A_21 : f32 to vector<16xf32>
      %broadcast_in_dim3A_23 = arith.constant 0.000000e+00 : f32
      %broadcast_in_dim3A_24 = vector.broadcast %broadcast_in_dim3A_23 : f32 to vector<16xf32>
      %broadcast_in_dim3A_25 = arith.constant 0.000000e+00 : f32
      %broadcast_in_dim3A_26 = vector.broadcast %broadcast_in_dim3A_25 : f32 to vector<16xf32>
      %broadcast_in_dim3A_27 = arith.constant 0.000000e+00 : f32
      %broadcast_in_dim3A_28 = vector.broadcast %broadcast_in_dim3A_27 : f32 to vector<16xf32>
      %broadcast_in_dim3A_29 = arith.constant 0.000000e+00 : f32
      %broadcast_in_dim3A_30 = vector.broadcast %broadcast_in_dim3A_29 : f32 to vector<16xf32>
      %scan3A_31 = arith.constant 0 : i32
      %scan3A_32 = arith.constant 32 : i32
      %scan3A_33 = arith.addi %scan3A_31, %scan3A_32 : i32
      %scan3A_34 = arith.constant 1 : i32
      %scan3A_35:8 = scf.for %scan3A_299 = %scan3A_31 to %scan3A_33 step %scan3A_34 iter_args(%scan3A_300 = %broadcast_in_dim3A_16, %scan3A_301 = %broadcast_in_dim3A_18, %scan3A_302 = %broadcast_in_dim3A_20, %scan3A_303 = %broadcast_in_dim3A_22, %scan3A_304 = %broadcast_in_dim3A_24, %scan3A_305 = %broadcast_in_dim3A_26, %scan3A_306 = %broadcast_in_dim3A_28, %scan3A_307 = %broadcast_in_dim3A_30) -> (vector<16xf32>, vector<16xf32>, vector<16xf32>, vector<16xf32>, vector<16xf32>, vector<16xf32>, vector<16xf32>, vector<16xf32>)  : i32 {
        %add3A_308 = arith.constant 0 : i32
        %add3A_309 = arith.addi %add3A_308, %scan3A_299 : i32
        %get3A = arith.index_cast %add3A_309 : i32 to index
        %get3A_310 = arith.constant 0 : index
        %get3A_311 = tpu.vector_load %arg6[%get3A, %get3A_310] {strides = array<i32>} : memref<128x128xf32, #tpu.memory_space<vmem>>, vector<1x16xf32>,
        %get3A_312 = vector.shape_cast %get3A_311 : vector<1x16xf32> to vector<16xf32>
        %max3A = arith.constant 0.000000e+00 : f32
        %max3A_313 = vector.broadcast %max3A : f32 to vector<16xf32>
        %max3A_314 = arith.maximumf %get3A_312, %max3A_313 : vector<16xf32>
        %add3A_315 = arith.addf %scan3A_300, %max3A_314 : vector<16xf32>
        %get3A_316 = arith.index_cast %add3A_309 : i32 to index
        %get3A_317 = arith.constant 16 : index
        %get3A_318 = tpu.vector_load %arg6[%get3A_316, %get3A_317] {strides = array<i32>} : memref<128x128xf32, #tpu.memory_space<vmem>>, vector<1x16xf32>,
        %get3A_319 = vector.shape_cast %get3A_318 : vector<1x16xf32> to vector<16xf32>
        %max3A_320 = arith.constant 0.000000e+00 : f32
        %max3A_321 = vector.broadcast %max3A_320 : f32 to vector<16xf32>
        %max3A_322 = arith.maximumf %get3A_319, %max3A_321 : vector<16xf32>
        %add3A_323 = arith.addf %scan3A_301, %max3A_322 : vector<16xf32>
        %get3A_324 = arith.index_cast %add3A_309 : i32 to index
        %get3A_325 = arith.constant 32 : index
        %get3A_326 = tpu.vector_load %arg6[%get3A_324, %get3A_325] {strides = array<i32>} : memref<128x128xf32, #tpu.memory_space<vmem>>, vector<1x16xf32>,
        %get3A_327 = vector.shape_cast %get3A_326 : vector<1x16xf32> to vector<16xf32>
        %max3A_328 = arith.constant 0.000000e+00 : f32
        %max3A_329 = vector.broadcast %max3A_328 : f32 to vector<16xf32>
        %max3A_330 = arith.maximumf %get3A_327, %max3A_329 : vector<16xf32>
        %add3A_331 = arith.addf %scan3A_302, %max3A_330 : vector<16xf32>
        %get3A_332 = arith.index_cast %add3A_309 : i32 to index
        %get3A_333 = arith.constant 48 : index
        %get3A_334 = tpu.vector_load %arg6[%get3A_332, %get3A_333] {strides = array<i32>} : memref<128x128xf32, #tpu.memory_space<vmem>>, vector<1x16xf32>,
        %get3A_335 = vector.shape_cast %get3A_334 : vector<1x16xf32> to vector<16xf32>
        %max3A_336 = arith.constant 0.000000e+00 : f32
        %max3A_337 = vector.broadcast %max3A_336 : f32 to vector<16xf32>
        %max3A_338 = arith.maximumf %get3A_335, %max3A_337 : vector<16xf32>
        %add3A_339 = arith.addf %scan3A_303, %max3A_338 : vector<16xf32>
        %get3A_340 = arith.index_cast %add3A_309 : i32 to index
        %get3A_341 = arith.constant 64 : index
        %get3A_342 = tpu.vector_load %arg6[%get3A_340, %get3A_341] {strides = array<i32>} : memref<128x128xf32, #tpu.memory_space<vmem>>, vector<1x16xf32>,
        %get3A_343 = vector.shape_cast %get3A_342 : vector<1x16xf32> to vector<16xf32>
        %max3A_344 = arith.constant 0.000000e+00 : f32
        %max3A_345 = vector.broadcast %max3A_344 : f32 to vector<16xf32>
        %max3A_346 = arith.maximumf %get3A_343, %max3A_345 : vector<16xf32>
        %add3A_347 = arith.addf %scan3A_304, %max3A_346 : vector<16xf32>
        %get3A_348 = arith.index_cast %add3A_309 : i32 to index
        %get3A_349 = arith.constant 80 : index
        %get3A_350 = tpu.vector_load %arg6[%get3A_348, %get3A_349] {strides = array<i32>} : memref<128x128xf32, #tpu.memory_space<vmem>>, vector<1x16xf32>,
        %get3A_351 = vector.shape_cast %get3A_350 : vector<1x16xf32> to vector<16xf32>
        %max3A_352 = arith.constant 0.000000e+00 : f32
        %max3A_353 = vector.broadcast %max3A_352 : f32 to vector<16xf32>
        %max3A_354 = arith.maximumf %get3A_351, %max3A_353 : vector<16xf32>
        %add3A_355 = arith.addf %scan3A_305, %max3A_354 : vector<16xf32>
        %get3A_356 = arith.index_cast %add3A_309 : i32 to index
        %get3A_357 = arith.constant 96 : index
        %get3A_358 = tpu.vector_load %arg6[%get3A_356, %get3A_357] {strides = array<i32>} : memref<128x128xf32, #tpu.memory_space<vmem>>, vector<1x16xf32>,
        %get3A_359 = vector.shape_cast %get3A_358 : vector<1x16xf32> to vector<16xf32>
        %max3A_360 = arith.constant 0.000000e+00 : f32
        %max3A_361 = vector.broadcast %max3A_360 : f32 to vector<16xf32>
        %max3A_362 = arith.maximumf %get3A_359, %max3A_361 : vector<16xf32>
        %add3A_363 = arith.addf %scan3A_306, %max3A_362 : vector<16xf32>
        %get3A_364 = arith.index_cast %add3A_309 : i32 to index
        %get3A_365 = arith.constant 112 : index
        %get3A_366 = tpu.vector_load %arg6[%get3A_364, %get3A_365] {strides = array<i32>} : memref<128x128xf32, #tpu.memory_space<vmem>>, vector<1x16xf32>,
        %get3A_367 = vector.shape_cast %get3A_366 : vector<1x16xf32> to vector<16xf32>
        %max3A_368 = arith.constant 0.000000e+00 : f32
        %max3A_369 = vector.broadcast %max3A_368 : f32 to vector<16xf32>
        %max3A_370 = arith.maximumf %get3A_367, %max3A_369 : vector<16xf32>
        %add3A_371 = arith.addf %scan3A_307, %max3A_370 : vector<16xf32>
        scf.yield %add3A_315, %add3A_323, %add3A_331, %add3A_339, %add3A_347, %add3A_355, %add3A_363, %add3A_371 : vector<16xf32>, vector<16xf32>, vector<16xf32>, vector<16xf32>, vector<16xf32>, vector<16xf32>, vector<16xf32>, vector<16xf32>
      }
      %scan3A_36 = arith.constant 32 : i32
      %swap3A = arith.constant 0 : i32
      %swap3A_37 = arith.index_cast %swap3A : i32 to index
      %swap3A_38 = arith.constant 0 : index
      %swap3A_39 = tpu.vector_load %arg7[%swap3A_37, %swap3A_38] {strides = array<i32>} : memref<4x128xf32, #tpu.memory_space<vmem>>, vector<1x16xf32>,
      %swap3A_40 = vector.shape_cast %swap3A_39 : vector<1x16xf32> to vector<16xf32>
      %swap3A_41 = vector.shape_cast %scan3A_35#0 : vector<16xf32> to vector<1x16xf32>
      tpu.vector_store %arg7[%swap3A_37, %swap3A_38], %swap3A_41 {strides = array<i32>} : memref<4x128xf32, #tpu.memory_space<vmem>>, vector<1x16xf32>,
      %swap3A_42 = arith.constant 0 : i32
      %swap3A_43 = arith.index_cast %swap3A_42 : i32 to index
      %swap3A_44 = arith.constant 16 : index
      %swap3A_45 = tpu.vector_load %arg7[%swap3A_43, %swap3A_44] {strides = array<i32>} : memref<4x128xf32, #tpu.memory_space<vmem>>, vector<1x16xf32>,
      %swap3A_46 = vector.shape_cast %swap3A_45 : vector<1x16xf32> to vector<16xf32>
      %swap3A_47 = vector.shape_cast %scan3A_35#1 : vector<16xf32> to vector<1x16xf32>
      tpu.vector_store %arg7[%swap3A_43, %swap3A_44], %swap3A_47 {strides = array<i32>} : memref<4x128xf32, #tpu.memory_space<vmem>>, vector<1x16xf32>,
      %swap3A_48 = arith.constant 0 : i32
      %swap3A_49 = arith.index_cast %swap3A_48 : i32 to index
      %swap3A_50 = arith.constant 32 : index
      %swap3A_51 = tpu.vector_load %arg7[%swap3A_49, %swap3A_50] {strides = array<i32>} : memref<4x128xf32, #tpu.memory_space<vmem>>, vector<1x16xf32>,
      %swap3A_52 = vector.shape_cast %swap3A_51 : vector<1x16xf32> to vector<16xf32>
      %swap3A_53 = vector.shape_cast %scan3A_35#2 : vector<16xf32> to vector<1x16xf32>
      tpu.vector_store %arg7[%swap3A_49, %swap3A_50], %swap3A_53 {strides = array<i32>} : memref<4x128xf32, #tpu.memory_space<vmem>>, vector<1x16xf32>,
      %swap3A_54 = arith.constant 0 : i32
      %swap3A_55 = arith.index_cast %swap3A_54 : i32 to index
      %swap3A_56 = arith.constant 48 : index
      %swap3A_57 = tpu.vector_load %arg7[%swap3A_55, %swap3A_56] {strides = array<i32>} : memref<4x128xf32, #tpu.memory_space<vmem>>, vector<1x16xf32>,
      %swap3A_58 = vector.shape_cast %swap3A_57 : vector<1x16xf32> to vector<16xf32>
      %swap3A_59 = vector.shape_cast %scan3A_35#3 : vector<16xf32> to vector<1x16xf32>
      tpu.vector_store %arg7[%swap3A_55, %swap3A_56], %swap3A_59 {strides = array<i32>} : memref<4x128xf32, #tpu.memory_space<vmem>>, vector<1x16xf32>,
      %swap3A_60 = arith.constant 0 : i32
      %swap3A_61 = arith.index_cast %swap3A_60 : i32 to index
      %swap3A_62 = arith.constant 64 : index
      %swap3A_63 = tpu.vector_load %arg7[%swap3A_61, %swap3A_62] {strides = array<i32>} : memref<4x128xf32, #tpu.memory_space<vmem>>, vector<1x16xf32>,
      %swap3A_64 = vector.shape_cast %swap3A_63 : vector<1x16xf32> to vector<16xf32>
      %swap3A_65 = vector.shape_cast %scan3A_35#4 : vector<16xf32> to vector<1x16xf32>
      tpu.vector_store %arg7[%swap3A_61, %swap3A_62], %swap3A_65 {strides = array<i32>} : memref<4x128xf32, #tpu.memory_space<vmem>>, vector<1x16xf32>,
      %swap3A_66 = arith.constant 0 : i32
      %swap3A_67 = arith.index_cast %swap3A_66 : i32 to index
      %swap3A_68 = arith.constant 80 : index
      %swap3A_69 = tpu.vector_load %arg7[%swap3A_67, %swap3A_68] {strides = array<i32>} : memref<4x128xf32, #tpu.memory_space<vmem>>, vector<1x16xf32>,
      %swap3A_70 = vector.shape_cast %swap3A_69 : vector<1x16xf32> to vector<16xf32>
      %swap3A_71 = vector.shape_cast %scan3A_35#5 : vector<16xf32> to vector<1x16xf32>
      tpu.vector_store %arg7[%swap3A_67, %swap3A_68], %swap3A_71 {strides = array<i32>} : memref<4x128xf32, #tpu.memory_space<vmem>>, vector<1x16xf32>,
      %swap3A_72 = arith.constant 0 : i32
      %swap3A_73 = arith.index_cast %swap3A_72 : i32 to index
      %swap3A_74 = arith.constant 96 : index
      %swap3A_75 = tpu.vector_load %arg7[%swap3A_73, %swap3A_74] {strides = array<i32>} : memref<4x128xf32, #tpu.memory_space<vmem>>, vector<1x16xf32>,
      %swap3A_76 = vector.shape_cast %swap3A_75 : vector<1x16xf32> to vector<16xf32>
      %swap3A_77 = vector.shape_cast %scan3A_35#6 : vector<16xf32> to vector<1x16xf32>
      tpu.vector_store %arg7[%swap3A_73, %swap3A_74], %swap3A_77 {strides = array<i32>} : memref<4x128xf32, #tpu.memory_space<vmem>>, vector<1x16xf32>,
      %swap3A_78 = arith.constant 0 : i32
      %swap3A_79 = arith.index_cast %swap3A_78 : i32 to index
      %swap3A_80 = arith.constant 112 : index
      %swap3A_81 = tpu.vector_load %arg7[%swap3A_79, %swap3A_80] {strides = array<i32>} : memref<4x128xf32, #tpu.memory_space<vmem>>, vector<1x16xf32>,
      %swap3A_82 = vector.shape_cast %swap3A_81 : vector<1x16xf32> to vector<16xf32>
      %swap3A_83 = vector.shape_cast %scan3A_35#7 : vector<16xf32> to vector<1x16xf32>
      tpu.vector_store %arg7[%swap3A_79, %swap3A_80], %swap3A_83 {strides = array<i32>} : memref<4x128xf32, #tpu.memory_space<vmem>>, vector<1x16xf32>,
      %broadcast_in_dim3A_84 = arith.constant 0.000000e+00 : f32
      %broadcast_in_dim3A_85 = vector.broadcast %broadcast_in_dim3A_84 : f32 to vector<16xf32>
      %broadcast_in_dim3A_86 = arith.constant 0.000000e+00 : f32
      %broadcast_in_dim3A_87 = vector.broadcast %broadcast_in_dim3A_86 : f32 to vector<16xf32>
      %broadcast_in_dim3A_88 = arith.constant 0.000000e+00 : f32
      %broadcast_in_dim3A_89 = vector.broadcast %broadcast_in_dim3A_88 : f32 to vector<16xf32>
      %broadcast_in_dim3A_90 = arith.constant 0.000000e+00 : f32
      %broadcast_in_dim3A_91 = vector.broadcast %broadcast_in_dim3A_90 : f32 to vector<16xf32>
      %broadcast_in_dim3A_92 = arith.constant 0.000000e+00 : f32
      %broadcast_in_dim3A_93 = vector.broadcast %broadcast_in_dim3A_92 : f32 to vector<16xf32>
      %broadcast_in_dim3A_94 = arith.constant 0.000000e+00 : f32
      %broadcast_in_dim3A_95 = vector.broadcast %broadcast_in_dim3A_94 : f32 to vector<16xf32>
      %broadcast_in_dim3A_96 = arith.constant 0.000000e+00 : f32
      %broadcast_in_dim3A_97 = vector.broadcast %broadcast_in_dim3A_96 : f32 to vector<16xf32>
      %broadcast_in_dim3A_98 = arith.constant 0.000000e+00 : f32
      %broadcast_in_dim3A_99 = vector.broadcast %broadcast_in_dim3A_98 : f32 to vector<16xf32>
      %scan3A_100 = arith.constant 0 : i32
      %scan3A_101 = arith.constant 32 : i32
      %scan3A_102 = arith.addi %scan3A_100, %scan3A_101 : i32
      %scan3A_103 = arith.constant 1 : i32
      %scan3A_104:8 = scf.for %scan3A_299 = %scan3A_100 to %scan3A_102 step %scan3A_103 iter_args(%scan3A_300 = %broadcast_in_dim3A_85, %scan3A_301 = %broadcast_in_dim3A_87, %scan3A_302 = %broadcast_in_dim3A_89, %scan3A_303 = %broadcast_in_dim3A_91, %scan3A_304 = %broadcast_in_dim3A_93, %scan3A_305 = %broadcast_in_dim3A_95, %scan3A_306 = %broadcast_in_dim3A_97, %scan3A_307 = %broadcast_in_dim3A_99) -> (vector<16xf32>, vector<16xf32>, vector<16xf32>, vector<16xf32>, vector<16xf32>, vector<16xf32>, vector<16xf32>, vector<16xf32>)  : i32 {
        %add3A_308 = arith.constant 32 : i32
        %add3A_309 = arith.addi %add3A_308, %scan3A_299 : i32
        %get3A = arith.index_cast %add3A_309 : i32 to index
        %get3A_310 = arith.constant 0 : index
        %get3A_311 = tpu.vector_load %arg6[%get3A, %get3A_310] {strides = array<i32>} : memref<128x128xf32, #tpu.memory_space<vmem>>, vector<1x16xf32>,
        %get3A_312 = vector.shape_cast %get3A_311 : vector<1x16xf32> to vector<16xf32>
        %max3A = arith.constant 0.000000e+00 : f32
        %max3A_313 = vector.broadcast %max3A : f32 to vector<16xf32>
        %max3A_314 = arith.maximumf %get3A_312, %max3A_313 : vector<16xf32>
        %add3A_315 = arith.addf %scan3A_300, %max3A_314 : vector<16xf32>
        %get3A_316 = arith.index_cast %add3A_309 : i32 to index
        %get3A_317 = arith.constant 16 : index
        %get3A_318 = tpu.vector_load %arg6[%get3A_316, %get3A_317] {strides = array<i32>} : memref<128x128xf32, #tpu.memory_space<vmem>>, vector<1x16xf32>,
        %get3A_319 = vector.shape_cast %get3A_318 : vector<1x16xf32> to vector<16xf32>
        %max3A_320 = arith.constant 0.000000e+00 : f32
        %max3A_321 = vector.broadcast %max3A_320 : f32 to vector<16xf32>
        %max3A_322 = arith.maximumf %get3A_319, %max3A_321 : vector<16xf32>
        %add3A_323 = arith.addf %scan3A_301, %max3A_322 : vector<16xf32>
        %get3A_324 = arith.index_cast %add3A_309 : i32 to index
        %get3A_325 = arith.constant 32 : index
        %get3A_326 = tpu.vector_load %arg6[%get3A_324, %get3A_325] {strides = array<i32>} : memref<128x128xf32, #tpu.memory_space<vmem>>, vector<1x16xf32>,
        %get3A_327 = vector.shape_cast %get3A_326 : vector<1x16xf32> to vector<16xf32>
        %max3A_328 = arith.constant 0.000000e+00 : f32
        %max3A_329 = vector.broadcast %max3A_328 : f32 to vector<16xf32>
        %max3A_330 = arith.maximumf %get3A_327, %max3A_329 : vector<16xf32>
        %add3A_331 = arith.addf %scan3A_302, %max3A_330 : vector<16xf32>
        %get3A_332 = arith.index_cast %add3A_309 : i32 to index
        %get3A_333 = arith.constant 48 : index
        %get3A_334 = tpu.vector_load %arg6[%get3A_332, %get3A_333] {strides = array<i32>} : memref<128x128xf32, #tpu.memory_space<vmem>>, vector<1x16xf32>,
        %get3A_335 = vector.shape_cast %get3A_334 : vector<1x16xf32> to vector<16xf32>
        %max3A_336 = arith.constant 0.000000e+00 : f32
        %max3A_337 = vector.broadcast %max3A_336 : f32 to vector<16xf32>
        %max3A_338 = arith.maximumf %get3A_335, %max3A_337 : vector<16xf32>
        %add3A_339 = arith.addf %scan3A_303, %max3A_338 : vector<16xf32>
        %get3A_340 = arith.index_cast %add3A_309 : i32 to index
        %get3A_341 = arith.constant 64 : index
        %get3A_342 = tpu.vector_load %arg6[%get3A_340, %get3A_341] {strides = array<i32>} : memref<128x128xf32, #tpu.memory_space<vmem>>, vector<1x16xf32>,
        %get3A_343 = vector.shape_cast %get3A_342 : vector<1x16xf32> to vector<16xf32>
        %max3A_344 = arith.constant 0.000000e+00 : f32
        %max3A_345 = vector.broadcast %max3A_344 : f32 to vector<16xf32>
        %max3A_346 = arith.maximumf %get3A_343, %max3A_345 : vector<16xf32>
        %add3A_347 = arith.addf %scan3A_304, %max3A_346 : vector<16xf32>
        %get3A_348 = arith.index_cast %add3A_309 : i32 to index
        %get3A_349 = arith.constant 80 : index
        %get3A_350 = tpu.vector_load %arg6[%get3A_348, %get3A_349] {strides = array<i32>} : memref<128x128xf32, #tpu.memory_space<vmem>>, vector<1x16xf32>,
        %get3A_351 = vector.shape_cast %get3A_350 : vector<1x16xf32> to vector<16xf32>
        %max3A_352 = arith.constant 0.000000e+00 : f32
        %max3A_353 = vector.broadcast %max3A_352 : f32 to vector<16xf32>
        %max3A_354 = arith.maximumf %get3A_351, %max3A_353 : vector<16xf32>
        %add3A_355 = arith.addf %scan3A_305, %max3A_354 : vector<16xf32>
        %get3A_356 = arith.index_cast %add3A_309 : i32 to index
        %get3A_357 = arith.constant 96 : index
        %get3A_358 = tpu.vector_load %arg6[%get3A_356, %get3A_357] {strides = array<i32>} : memref<128x128xf32, #tpu.memory_space<vmem>>, vector<1x16xf32>,
        %get3A_359 = vector.shape_cast %get3A_358 : vector<1x16xf32> to vector<16xf32>
        %max3A_360 = arith.constant 0.000000e+00 : f32
        %max3A_361 = vector.broadcast %max3A_360 : f32 to vector<16xf32>
        %max3A_362 = arith.maximumf %get3A_359, %max3A_361 : vector<16xf32>
        %add3A_363 = arith.addf %scan3A_306, %max3A_362 : vector<16xf32>
        %get3A_364 = arith.index_cast %add3A_309 : i32 to index
        %get3A_365 = arith.constant 112 : index
        %get3A_366 = tpu.vector_load %arg6[%get3A_364, %get3A_365] {strides = array<i32>} : memref<128x128xf32, #tpu.memory_space<vmem>>, vector<1x16xf32>,
        %get3A_367 = vector.shape_cast %get3A_366 : vector<1x16xf32> to vector<16xf32>
        %max3A_368 = arith.constant 0.000000e+00 : f32
        %max3A_369 = vector.broadcast %max3A_368 : f32 to vector<16xf32>
        %max3A_370 = arith.maximumf %get3A_367, %max3A_369 : vector<16xf32>
        %add3A_371 = arith.addf %scan3A_307, %max3A_370 : vector<16xf32>
        scf.yield %add3A_315, %add3A_323, %add3A_331, %add3A_339, %add3A_347, %add3A_355, %add3A_363, %add3A_371 : vector<16xf32>, vector<16xf32>, vector<16xf32>, vector<16xf32>, vector<16xf32>, vector<16xf32>, vector<16xf32>, vector<16xf32>
      }
      %scan3A_105 = arith.constant 32 : i32
      %swap3A_106 = arith.constant 1 : i32
      %swap3A_107 = arith.index_cast %swap3A_106 : i32 to index
      %swap3A_108 = arith.constant 0 : index
      %swap3A_109 = tpu.vector_load %arg7[%swap3A_107, %swap3A_108] {strides = array<i32>} : memref<4x128xf32, #tpu.memory_space<vmem>>, vector<1x16xf32>,
      %swap3A_110 = vector.shape_cast %swap3A_109 : vector<1x16xf32> to vector<16xf32>
      %swap3A_111 = vector.shape_cast %scan3A_104#0 : vector<16xf32> to vector<1x16xf32>
      tpu.vector_store %arg7[%swap3A_107, %swap3A_108], %swap3A_111 {strides = array<i32>} : memref<4x128xf32, #tpu.memory_space<vmem>>, vector<1x16xf32>,
      %swap3A_112 = arith.constant 1 : i32
      %swap3A_113 = arith.index_cast %swap3A_112 : i32 to index
      %swap3A_114 = arith.constant 16 : index
      %swap3A_115 = tpu.vector_load %arg7[%swap3A_113, %swap3A_114] {strides = array<i32>} : memref<4x128xf32, #tpu.memory_space<vmem>>, vector<1x16xf32>,
      %swap3A_116 = vector.shape_cast %swap3A_115 : vector<1x16xf32> to vector<16xf32>
      %swap3A_117 = vector.shape_cast %scan3A_104#1 : vector<16xf32> to vector<1x16xf32>
      tpu.vector_store %arg7[%swap3A_113, %swap3A_114], %swap3A_117 {strides = array<i32>} : memref<4x128xf32, #tpu.memory_space<vmem>>, vector<1x16xf32>,
      %swap3A_118 = arith.constant 1 : i32
      %swap3A_119 = arith.index_cast %swap3A_118 : i32 to index
      %swap3A_120 = arith.constant 32 : index
      %swap3A_121 = tpu.vector_load %arg7[%swap3A_119, %swap3A_120] {strides = array<i32>} : memref<4x128xf32, #tpu.memory_space<vmem>>, vector<1x16xf32>,
      %swap3A_122 = vector.shape_cast %swap3A_121 : vector<1x16xf32> to vector<16xf32>
      %swap3A_123 = vector.shape_cast %scan3A_104#2 : vector<16xf32> to vector<1x16xf32>
      tpu.vector_store %arg7[%swap3A_119, %swap3A_120], %swap3A_123 {strides = array<i32>} : memref<4x128xf32, #tpu.memory_space<vmem>>, vector<1x16xf32>,
      %swap3A_124 = arith.constant 1 : i32
      %swap3A_125 = arith.index_cast %swap3A_124 : i32 to index
      %swap3A_126 = arith.constant 48 : index
      %swap3A_127 = tpu.vector_load %arg7[%swap3A_125, %swap3A_126] {strides = array<i32>} : memref<4x128xf32, #tpu.memory_space<vmem>>, vector<1x16xf32>,
      %swap3A_128 = vector.shape_cast %swap3A_127 : vector<1x16xf32> to vector<16xf32>
      %swap3A_129 = vector.shape_cast %scan3A_104#3 : vector<16xf32> to vector<1x16xf32>
      tpu.vector_store %arg7[%swap3A_125, %swap3A_126], %swap3A_129 {strides = array<i32>} : memref<4x128xf32, #tpu.memory_space<vmem>>, vector<1x16xf32>,
      %swap3A_130 = arith.constant 1 : i32
      %swap3A_131 = arith.index_cast %swap3A_130 : i32 to index
      %swap3A_132 = arith.constant 64 : index
      %swap3A_133 = tpu.vector_load %arg7[%swap3A_131, %swap3A_132] {strides = array<i32>} : memref<4x128xf32, #tpu.memory_space<vmem>>, vector<1x16xf32>,
      %swap3A_134 = vector.shape_cast %swap3A_133 : vector<1x16xf32> to vector<16xf32>
      %swap3A_135 = vector.shape_cast %scan3A_104#4 : vector<16xf32> to vector<1x16xf32>
      tpu.vector_store %arg7[%swap3A_131, %swap3A_132], %swap3A_135 {strides = array<i32>} : memref<4x128xf32, #tpu.memory_space<vmem>>, vector<1x16xf32>,
      %swap3A_136 = arith.constant 1 : i32
      %swap3A_137 = arith.index_cast %swap3A_136 : i32 to index
      %swap3A_138 = arith.constant 80 : index
      %swap3A_139 = tpu.vector_load %arg7[%swap3A_137, %swap3A_138] {strides = array<i32>} : memref<4x128xf32, #tpu.memory_space<vmem>>, vector<1x16xf32>,
      %swap3A_140 = vector.shape_cast %swap3A_139 : vector<1x16xf32> to vector<16xf32>
      %swap3A_141 = vector.shape_cast %scan3A_104#5 : vector<16xf32> to vector<1x16xf32>
      tpu.vector_store %arg7[%swap3A_137, %swap3A_138], %swap3A_141 {strides = array<i32>} : memref<4x128xf32, #tpu.memory_space<vmem>>, vector<1x16xf32>,
      %swap3A_142 = arith.constant 1 : i32
      %swap3A_143 = arith.index_cast %swap3A_142 : i32 to index
      %swap3A_144 = arith.constant 96 : index
      %swap3A_145 = tpu.vector_load %arg7[%swap3A_143, %swap3A_144] {strides = array<i32>} : memref<4x128xf32, #tpu.memory_space<vmem>>, vector<1x16xf32>,
      %swap3A_146 = vector.shape_cast %swap3A_145 : vector<1x16xf32> to vector<16xf32>
      %swap3A_147 = vector.shape_cast %scan3A_104#6 : vector<16xf32> to vector<1x16xf32>
      tpu.vector_store %arg7[%swap3A_143, %swap3A_144], %swap3A_147 {strides = array<i32>} : memref<4x128xf32, #tpu.memory_space<vmem>>, vector<1x16xf32>,
      %swap3A_148 = arith.constant 1 : i32
      %swap3A_149 = arith.index_cast %swap3A_148 : i32 to index
      %swap3A_150 = arith.constant 112 : index
      %swap3A_151 = tpu.vector_load %arg7[%swap3A_149, %swap3A_150] {strides = array<i32>} : memref<4x128xf32, #tpu.memory_space<vmem>>, vector<1x16xf32>,
      %swap3A_152 = vector.shape_cast %swap3A_151 : vector<1x16xf32> to vector<16xf32>
      %swap3A_153 = vector.shape_cast %scan3A_104#7 : vector<16xf32> to vector<1x16xf32>
      tpu.vector_store %arg7[%swap3A_149, %swap3A_150], %swap3A_153 {strides = array<i32>} : memref<4x128xf32, #tpu.memory_space<vmem>>, vector<1x16xf32>,
      %broadcast_in_dim3A_154 = arith.constant 0.000000e+00 : f32
      %broadcast_in_dim3A_155 = vector.broadcast %broadcast_in_dim3A_154 : f32 to vector<16xf32>
      %broadcast_in_dim3A_156 = arith.constant 0.000000e+00 : f32
      %broadcast_in_dim3A_157 = vector.broadcast %broadcast_in_dim3A_156 : f32 to vector<16xf32>
      %broadcast_in_dim3A_158 = arith.constant 0.000000e+00 : f32
      %broadcast_in_dim3A_159 = vector.broadcast %broadcast_in_dim3A_158 : f32 to vector<16xf32>
      %broadcast_in_dim3A_160 = arith.constant 0.000000e+00 : f32
      %broadcast_in_dim3A_161 = vector.broadcast %broadcast_in_dim3A_160 : f32 to vector<16xf32>
      %broadcast_in_dim3A_162 = arith.constant 0.000000e+00 : f32
      %broadcast_in_dim3A_163 = vector.broadcast %broadcast_in_dim3A_162 : f32 to vector<16xf32>
      %broadcast_in_dim3A_164 = arith.constant 0.000000e+00 : f32
      %broadcast_in_dim3A_165 = vector.broadcast %broadcast_in_dim3A_164 : f32 to vector<16xf32>
      %broadcast_in_dim3A_166 = arith.constant 0.000000e+00 : f32
      %broadcast_in_dim3A_167 = vector.broadcast %broadcast_in_dim3A_166 : f32 to vector<16xf32>
      %broadcast_in_dim3A_168 = arith.constant 0.000000e+00 : f32
      %broadcast_in_dim3A_169 = vector.broadcast %broadcast_in_dim3A_168 : f32 to vector<16xf32>
      %scan3A_170 = arith.constant 0 : i32
      %scan3A_171 = arith.constant 32 : i32
      %scan3A_172 = arith.addi %scan3A_170, %scan3A_171 : i32
      %scan3A_173 = arith.constant 1 : i32
      %scan3A_174:8 = scf.for %scan3A_299 = %scan3A_170 to %scan3A_172 step %scan3A_173 iter_args(%scan3A_300 = %broadcast_in_dim3A_155, %scan3A_301 = %broadcast_in_dim3A_157, %scan3A_302 = %broadcast_in_dim3A_159, %scan3A_303 = %broadcast_in_dim3A_161, %scan3A_304 = %broadcast_in_dim3A_163, %scan3A_305 = %broadcast_in_dim3A_165, %scan3A_306 = %broadcast_in_dim3A_167, %scan3A_307 = %broadcast_in_dim3A_169) -> (vector<16xf32>, vector<16xf32>, vector<16xf32>, vector<16xf32>, vector<16xf32>, vector<16xf32>, vector<16xf32>, vector<16xf32>)  : i32 {
        %add3A_308 = arith.constant 64 : i32
        %add3A_309 = arith.addi %add3A_308, %scan3A_299 : i32
        %get3A = arith.index_cast %add3A_309 : i32 to index
        %get3A_310 = arith.constant 0 : index
        %get3A_311 = tpu.vector_load %arg6[%get3A, %get3A_310] {strides = array<i32>} : memref<128x128xf32, #tpu.memory_space<vmem>>, vector<1x16xf32>,
        %get3A_312 = vector.shape_cast %get3A_311 : vector<1x16xf32> to vector<16xf32>
        %max3A = arith.constant 0.000000e+00 : f32
        %max3A_313 = vector.broadcast %max3A : f32 to vector<16xf32>
        %max3A_314 = arith.maximumf %get3A_312, %max3A_313 : vector<16xf32>
        %add3A_315 = arith.addf %scan3A_300, %max3A_314 : vector<16xf32>
        %get3A_316 = arith.index_cast %add3A_309 : i32 to index
        %get3A_317 = arith.constant 16 : index
        %get3A_318 = tpu.vector_load %arg6[%get3A_316, %get3A_317] {strides = array<i32>} : memref<128x128xf32, #tpu.memory_space<vmem>>, vector<1x16xf32>,
        %get3A_319 = vector.shape_cast %get3A_318 : vector<1x16xf32> to vector<16xf32>
        %max3A_320 = arith.constant 0.000000e+00 : f32
        %max3A_321 = vector.broadcast %max3A_320 : f32 to vector<16xf32>
        %max3A_322 = arith.maximumf %get3A_319, %max3A_321 : vector<16xf32>
        %add3A_323 = arith.addf %scan3A_301, %max3A_322 : vector<16xf32>
        %get3A_324 = arith.index_cast %add3A_309 : i32 to index
        %get3A_325 = arith.constant 32 : index
        %get3A_326 = tpu.vector_load %arg6[%get3A_324, %get3A_325] {strides = array<i32>} : memref<128x128xf32, #tpu.memory_space<vmem>>, vector<1x16xf32>,
        %get3A_327 = vector.shape_cast %get3A_326 : vector<1x16xf32> to vector<16xf32>
        %max3A_328 = arith.constant 0.000000e+00 : f32
        %max3A_329 = vector.broadcast %max3A_328 : f32 to vector<16xf32>
        %max3A_330 = arith.maximumf %get3A_327, %max3A_329 : vector<16xf32>
        %add3A_331 = arith.addf %scan3A_302, %max3A_330 : vector<16xf32>
        %get3A_332 = arith.index_cast %add3A_309 : i32 to index
        %get3A_333 = arith.constant 48 : index
        %get3A_334 = tpu.vector_load %arg6[%get3A_332, %get3A_333] {strides = array<i32>} : memref<128x128xf32, #tpu.memory_space<vmem>>, vector<1x16xf32>,
        %get3A_335 = vector.shape_cast %get3A_334 : vector<1x16xf32> to vector<16xf32>
        %max3A_336 = arith.constant 0.000000e+00 : f32
        %max3A_337 = vector.broadcast %max3A_336 : f32 to vector<16xf32>
        %max3A_338 = arith.maximumf %get3A_335, %max3A_337 : vector<16xf32>
        %add3A_339 = arith.addf %scan3A_303, %max3A_338 : vector<16xf32>
        %get3A_340 = arith.index_cast %add3A_309 : i32 to index
        %get3A_341 = arith.constant 64 : index
        %get3A_342 = tpu.vector_load %arg6[%get3A_340, %get3A_341] {strides = array<i32>} : memref<128x128xf32, #tpu.memory_space<vmem>>, vector<1x16xf32>,
        %get3A_343 = vector.shape_cast %get3A_342 : vector<1x16xf32> to vector<16xf32>
        %max3A_344 = arith.constant 0.000000e+00 : f32
        %max3A_345 = vector.broadcast %max3A_344 : f32 to vector<16xf32>
        %max3A_346 = arith.maximumf %get3A_343, %max3A_345 : vector<16xf32>
        %add3A_347 = arith.addf %scan3A_304, %max3A_346 : vector<16xf32>
        %get3A_348 = arith.index_cast %add3A_309 : i32 to index
        %get3A_349 = arith.constant 80 : index
        %get3A_350 = tpu.vector_load %arg6[%get3A_348, %get3A_349] {strides = array<i32>} : memref<128x128xf32, #tpu.memory_space<vmem>>, vector<1x16xf32>,
        %get3A_351 = vector.shape_cast %get3A_350 : vector<1x16xf32> to vector<16xf32>
        %max3A_352 = arith.constant 0.000000e+00 : f32
        %max3A_353 = vector.broadcast %max3A_352 : f32 to vector<16xf32>
        %max3A_354 = arith.maximumf %get3A_351, %max3A_353 : vector<16xf32>
        %add3A_355 = arith.addf %scan3A_305, %max3A_354 : vector<16xf32>
        %get3A_356 = arith.index_cast %add3A_309 : i32 to index
        %get3A_357 = arith.constant 96 : index
        %get3A_358 = tpu.vector_load %arg6[%get3A_356, %get3A_357] {strides = array<i32>} : memref<128x128xf32, #tpu.memory_space<vmem>>, vector<1x16xf32>,
        %get3A_359 = vector.shape_cast %get3A_358 : vector<1x16xf32> to vector<16xf32>
        %max3A_360 = arith.constant 0.000000e+00 : f32
        %max3A_361 = vector.broadcast %max3A_360 : f32 to vector<16xf32>
        %max3A_362 = arith.maximumf %get3A_359, %max3A_361 : vector<16xf32>
        %add3A_363 = arith.addf %scan3A_306, %max3A_362 : vector<16xf32>
        %get3A_364 = arith.index_cast %add3A_309 : i32 to index
        %get3A_365 = arith.constant 112 : index
        %get3A_366 = tpu.vector_load %arg6[%get3A_364, %get3A_365] {strides = array<i32>} : memref<128x128xf32, #tpu.memory_space<vmem>>, vector<1x16xf32>,
        %get3A_367 = vector.shape_cast %get3A_366 : vector<1x16xf32> to vector<16xf32>
        %max3A_368 = arith.constant 0.000000e+00 : f32
        %max3A_369 = vector.broadcast %max3A_368 : f32 to vector<16xf32>
        %max3A_370 = arith.maximumf %get3A_367, %max3A_369 : vector<16xf32>
        %add3A_371 = arith.addf %scan3A_307, %max3A_370 : vector<16xf32>
        scf.yield %add3A_315, %add3A_323, %add3A_331, %add3A_339, %add3A_347, %add3A_355, %add3A_363, %add3A_371 : vector<16xf32>, vector<16xf32>, vector<16xf32>, vector<16xf32>, vector<16xf32>, vector<16xf32>, vector<16xf32>, vector<16xf32>
      }
      %scan3A_175 = arith.constant 32 : i32
      %swap3A_176 = arith.constant 2 : i32
      %swap3A_177 = arith.index_cast %swap3A_176 : i32 to index
      %swap3A_178 = arith.constant 0 : index
      %swap3A_179 = tpu.vector_load %arg7[%swap3A_177, %swap3A_178] {strides = array<i32>} : memref<4x128xf32, #tpu.memory_space<vmem>>, vector<1x16xf32>,
      %swap3A_180 = vector.shape_cast %swap3A_179 : vector<1x16xf32> to vector<16xf32>
      %swap3A_181 = vector.shape_cast %scan3A_174#0 : vector<16xf32> to vector<1x16xf32>
      tpu.vector_store %arg7[%swap3A_177, %swap3A_178], %swap3A_181 {strides = array<i32>} : memref<4x128xf32, #tpu.memory_space<vmem>>, vector<1x16xf32>,
      %swap3A_182 = arith.constant 2 : i32
      %swap3A_183 = arith.index_cast %swap3A_182 : i32 to index
      %swap3A_184 = arith.constant 16 : index
      %swap3A_185 = tpu.vector_load %arg7[%swap3A_183, %swap3A_184] {strides = array<i32>} : memref<4x128xf32, #tpu.memory_space<vmem>>, vector<1x16xf32>,
      %swap3A_186 = vector.shape_cast %swap3A_185 : vector<1x16xf32> to vector<16xf32>
      %swap3A_187 = vector.shape_cast %scan3A_174#1 : vector<16xf32> to vector<1x16xf32>
      tpu.vector_store %arg7[%swap3A_183, %swap3A_184], %swap3A_187 {strides = array<i32>} : memref<4x128xf32, #tpu.memory_space<vmem>>, vector<1x16xf32>,
      %swap3A_188 = arith.constant 2 : i32
      %swap3A_189 = arith.index_cast %swap3A_188 : i32 to index
      %swap3A_190 = arith.constant 32 : index
      %swap3A_191 = tpu.vector_load %arg7[%swap3A_189, %swap3A_190] {strides = array<i32>} : memref<4x128xf32, #tpu.memory_space<vmem>>, vector<1x16xf32>,
      %swap3A_192 = vector.shape_cast %swap3A_191 : vector<1x16xf32> to vector<16xf32>
      %swap3A_193 = vector.shape_cast %scan3A_174#2 : vector<16xf32> to vector<1x16xf32>
      tpu.vector_store %arg7[%swap3A_189, %swap3A_190], %swap3A_193 {strides = array<i32>} : memref<4x128xf32, #tpu.memory_space<vmem>>, vector<1x16xf32>,
      %swap3A_194 = arith.constant 2 : i32
      %swap3A_195 = arith.index_cast %swap3A_194 : i32 to index
      %swap3A_196 = arith.constant 48 : index
      %swap3A_197 = tpu.vector_load %arg7[%swap3A_195, %swap3A_196] {strides = array<i32>} : memref<4x128xf32, #tpu.memory_space<vmem>>, vector<1x16xf32>,
      %swap3A_198 = vector.shape_cast %swap3A_197 : vector<1x16xf32> to vector<16xf32>
      %swap3A_199 = vector.shape_cast %scan3A_174#3 : vector<16xf32> to vector<1x16xf32>
      tpu.vector_store %arg7[%swap3A_195, %swap3A_196], %swap3A_199 {strides = array<i32>} : memref<4x128xf32, #tpu.memory_space<vmem>>, vector<1x16xf32>,
      %swap3A_200 = arith.constant 2 : i32
      %swap3A_201 = arith.index_cast %swap3A_200 : i32 to index
      %swap3A_202 = arith.constant 64 : index
      %swap3A_203 = tpu.vector_load %arg7[%swap3A_201, %swap3A_202] {strides = array<i32>} : memref<4x128xf32, #tpu.memory_space<vmem>>, vector<1x16xf32>,
      %swap3A_204 = vector.shape_cast %swap3A_203 : vector<1x16xf32> to vector<16xf32>
      %swap3A_205 = vector.shape_cast %scan3A_174#4 : vector<16xf32> to vector<1x16xf32>
      tpu.vector_store %arg7[%swap3A_201, %swap3A_202], %swap3A_205 {strides = array<i32>} : memref<4x128xf32, #tpu.memory_space<vmem>>, vector<1x16xf32>,
      %swap3A_206 = arith.constant 2 : i32
      %swap3A_207 = arith.index_cast %swap3A_206 : i32 to index
      %swap3A_208 = arith.constant 80 : index
      %swap3A_209 = tpu.vector_load %arg7[%swap3A_207, %swap3A_208] {strides = array<i32>} : memref<4x128xf32, #tpu.memory_space<vmem>>, vector<1x16xf32>,
      %swap3A_210 = vector.shape_cast %swap3A_209 : vector<1x16xf32> to vector<16xf32>
      %swap3A_211 = vector.shape_cast %scan3A_174#5 : vector<16xf32> to vector<1x16xf32>
      tpu.vector_store %arg7[%swap3A_207, %swap3A_208], %swap3A_211 {strides = array<i32>} : memref<4x128xf32, #tpu.memory_space<vmem>>, vector<1x16xf32>,
      %swap3A_212 = arith.constant 2 : i32
      %swap3A_213 = arith.index_cast %swap3A_212 : i32 to index
      %swap3A_214 = arith.constant 96 : index
      %swap3A_215 = tpu.vector_load %arg7[%swap3A_213, %swap3A_214] {strides = array<i32>} : memref<4x128xf32, #tpu.memory_space<vmem>>, vector<1x16xf32>,
      %swap3A_216 = vector.shape_cast %swap3A_215 : vector<1x16xf32> to vector<16xf32>
      %swap3A_217 = vector.shape_cast %scan3A_174#6 : vector<16xf32> to vector<1x16xf32>
      tpu.vector_store %arg7[%swap3A_213, %swap3A_214], %swap3A_217 {strides = array<i32>} : memref<4x128xf32, #tpu.memory_space<vmem>>, vector<1x16xf32>,
      %swap3A_218 = arith.constant 2 : i32
      %swap3A_219 = arith.index_cast %swap3A_218 : i32 to index
      %swap3A_220 = arith.constant 112 : index
      %swap3A_221 = tpu.vector_load %arg7[%swap3A_219, %swap3A_220] {strides = array<i32>} : memref<4x128xf32, #tpu.memory_space<vmem>>, vector<1x16xf32>,
      %swap3A_222 = vector.shape_cast %swap3A_221 : vector<1x16xf32> to vector<16xf32>
      %swap3A_223 = vector.shape_cast %scan3A_174#7 : vector<16xf32> to vector<1x16xf32>
      tpu.vector_store %arg7[%swap3A_219, %swap3A_220], %swap3A_223 {strides = array<i32>} : memref<4x128xf32, #tpu.memory_space<vmem>>, vector<1x16xf32>,
      %broadcast_in_dim3A_224 = arith.constant 0.000000e+00 : f32
      %broadcast_in_dim3A_225 = vector.broadcast %broadcast_in_dim3A_224 : f32 to vector<16xf32>
      %broadcast_in_dim3A_226 = arith.constant 0.000000e+00 : f32
      %broadcast_in_dim3A_227 = vector.broadcast %broadcast_in_dim3A_226 : f32 to vector<16xf32>
      %broadcast_in_dim3A_228 = arith.constant 0.000000e+00 : f32
      %broadcast_in_dim3A_229 = vector.broadcast %broadcast_in_dim3A_228 : f32 to vector<16xf32>
      %broadcast_in_dim3A_230 = arith.constant 0.000000e+00 : f32
      %broadcast_in_dim3A_231 = vector.broadcast %broadcast_in_dim3A_230 : f32 to vector<16xf32>
      %broadcast_in_dim3A_232 = arith.constant 0.000000e+00 : f32
      %broadcast_in_dim3A_233 = vector.broadcast %broadcast_in_dim3A_232 : f32 to vector<16xf32>
      %broadcast_in_dim3A_234 = arith.constant 0.000000e+00 : f32
      %broadcast_in_dim3A_235 = vector.broadcast %broadcast_in_dim3A_234 : f32 to vector<16xf32>
      %broadcast_in_dim3A_236 = arith.constant 0.000000e+00 : f32
      %broadcast_in_dim3A_237 = vector.broadcast %broadcast_in_dim3A_236 : f32 to vector<16xf32>
      %broadcast_in_dim3A_238 = arith.constant 0.000000e+00 : f32
      %broadcast_in_dim3A_239 = vector.broadcast %broadcast_in_dim3A_238 : f32 to vector<16xf32>
      %scan3A_240 = arith.constant 0 : i32
      %scan3A_241 = arith.constant 32 : i32
      %scan3A_242 = arith.addi %scan3A_240, %scan3A_241 : i32
      %scan3A_243 = arith.constant 1 : i32
      %scan3A_244:8 = scf.for %scan3A_299 = %scan3A_240 to %scan3A_242 step %scan3A_243 iter_args(%scan3A_300 = %broadcast_in_dim3A_225, %scan3A_301 = %broadcast_in_dim3A_227, %scan3A_302 = %broadcast_in_dim3A_229, %scan3A_303 = %broadcast_in_dim3A_231, %scan3A_304 = %broadcast_in_dim3A_233, %scan3A_305 = %broadcast_in_dim3A_235, %scan3A_306 = %broadcast_in_dim3A_237, %scan3A_307 = %broadcast_in_dim3A_239) -> (vector<16xf32>, vector<16xf32>, vector<16xf32>, vector<16xf32>, vector<16xf32>, vector<16xf32>, vector<16xf32>, vector<16xf32>)  : i32 {
        %add3A_308 = arith.constant 96 : i32
        %add3A_309 = arith.addi %add3A_308, %scan3A_299 : i32
        %get3A = arith.index_cast %add3A_309 : i32 to index
        %get3A_310 = arith.constant 0 : index
        %get3A_311 = tpu.vector_load %arg6[%get3A, %get3A_310] {strides = array<i32>} : memref<128x128xf32, #tpu.memory_space<vmem>>, vector<1x16xf32>,
        %get3A_312 = vector.shape_cast %get3A_311 : vector<1x16xf32> to vector<16xf32>
        %max3A = arith.constant 0.000000e+00 : f32
        %max3A_313 = vector.broadcast %max3A : f32 to vector<16xf32>
        %max3A_314 = arith.maximumf %get3A_312, %max3A_313 : vector<16xf32>
        %add3A_315 = arith.addf %scan3A_300, %max3A_314 : vector<16xf32>
        %get3A_316 = arith.index_cast %add3A_309 : i32 to index
        %get3A_317 = arith.constant 16 : index
        %get3A_318 = tpu.vector_load %arg6[%get3A_316, %get3A_317] {strides = array<i32>} : memref<128x128xf32, #tpu.memory_space<vmem>>, vector<1x16xf32>,
        %get3A_319 = vector.shape_cast %get3A_318 : vector<1x16xf32> to vector<16xf32>
        %max3A_320 = arith.constant 0.000000e+00 : f32
        %max3A_321 = vector.broadcast %max3A_320 : f32 to vector<16xf32>
        %max3A_322 = arith.maximumf %get3A_319, %max3A_321 : vector<16xf32>
        %add3A_323 = arith.addf %scan3A_301, %max3A_322 : vector<16xf32>
        %get3A_324 = arith.index_cast %add3A_309 : i32 to index
        %get3A_325 = arith.constant 32 : index
        %get3A_326 = tpu.vector_load %arg6[%get3A_324, %get3A_325] {strides = array<i32>} : memref<128x128xf32, #tpu.memory_space<vmem>>, vector<1x16xf32>,
        %get3A_327 = vector.shape_cast %get3A_326 : vector<1x16xf32> to vector<16xf32>
        %max3A_328 = arith.constant 0.000000e+00 : f32
        %max3A_329 = vector.broadcast %max3A_328 : f32 to vector<16xf32>
        %max3A_330 = arith.maximumf %get3A_327, %max3A_329 : vector<16xf32>
        %add3A_331 = arith.addf %scan3A_302, %max3A_330 : vector<16xf32>
        %get3A_332 = arith.index_cast %add3A_309 : i32 to index
        %get3A_333 = arith.constant 48 : index
        %get3A_334 = tpu.vector_load %arg6[%get3A_332, %get3A_333] {strides = array<i32>} : memref<128x128xf32, #tpu.memory_space<vmem>>, vector<1x16xf32>,
        %get3A_335 = vector.shape_cast %get3A_334 : vector<1x16xf32> to vector<16xf32>
        %max3A_336 = arith.constant 0.000000e+00 : f32
        %max3A_337 = vector.broadcast %max3A_336 : f32 to vector<16xf32>
        %max3A_338 = arith.maximumf %get3A_335, %max3A_337 : vector<16xf32>
        %add3A_339 = arith.addf %scan3A_303, %max3A_338 : vector<16xf32>
        %get3A_340 = arith.index_cast %add3A_309 : i32 to index
        %get3A_341 = arith.constant 64 : index
        %get3A_342 = tpu.vector_load %arg6[%get3A_340, %get3A_341] {strides = array<i32>} : memref<128x128xf32, #tpu.memory_space<vmem>>, vector<1x16xf32>,
        %get3A_343 = vector.shape_cast %get3A_342 : vector<1x16xf32> to vector<16xf32>
        %max3A_344 = arith.constant 0.000000e+00 : f32
        %max3A_345 = vector.broadcast %max3A_344 : f32 to vector<16xf32>
        %max3A_346 = arith.maximumf %get3A_343, %max3A_345 : vector<16xf32>
        %add3A_347 = arith.addf %scan3A_304, %max3A_346 : vector<16xf32>
        %get3A_348 = arith.index_cast %add3A_309 : i32 to index
        %get3A_349 = arith.constant 80 : index
        %get3A_350 = tpu.vector_load %arg6[%get3A_348, %get3A_349] {strides = array<i32>} : memref<128x128xf32, #tpu.memory_space<vmem>>, vector<1x16xf32>,
        %get3A_351 = vector.shape_cast %get3A_350 : vector<1x16xf32> to vector<16xf32>
        %max3A_352 = arith.constant 0.000000e+00 : f32
        %max3A_353 = vector.broadcast %max3A_352 : f32 to vector<16xf32>
        %max3A_354 = arith.maximumf %get3A_351, %max3A_353 : vector<16xf32>
        %add3A_355 = arith.addf %scan3A_305, %max3A_354 : vector<16xf32>
        %get3A_356 = arith.index_cast %add3A_309 : i32 to index
        %get3A_357 = arith.constant 96 : index
        %get3A_358 = tpu.vector_load %arg6[%get3A_356, %get3A_357] {strides = array<i32>} : memref<128x128xf32, #tpu.memory_space<vmem>>, vector<1x16xf32>,
        %get3A_359 = vector.shape_cast %get3A_358 : vector<1x16xf32> to vector<16xf32>
        %max3A_360 = arith.constant 0.000000e+00 : f32
        %max3A_361 = vector.broadcast %max3A_360 : f32 to vector<16xf32>
        %max3A_362 = arith.maximumf %get3A_359, %max3A_361 : vector<16xf32>
        %add3A_363 = arith.addf %scan3A_306, %max3A_362 : vector<16xf32>
        %get3A_364 = arith.index_cast %add3A_309 : i32 to index
        %get3A_365 = arith.constant 112 : index
        %get3A_366 = tpu.vector_load %arg6[%get3A_364, %get3A_365] {strides = array<i32>} : memref<128x128xf32, #tpu.memory_space<vmem>>, vector<1x16xf32>,
        %get3A_367 = vector.shape_cast %get3A_366 : vector<1x16xf32> to vector<16xf32>
        %max3A_368 = arith.constant 0.000000e+00 : f32
        %max3A_369 = vector.broadcast %max3A_368 : f32 to vector<16xf32>
        %max3A_370 = arith.maximumf %get3A_367, %max3A_369 : vector<16xf32>
        %add3A_371 = arith.addf %scan3A_307, %max3A_370 : vector<16xf32>
        scf.yield %add3A_315, %add3A_323, %add3A_331, %add3A_339, %add3A_347, %add3A_355, %add3A_363, %add3A_371 : vector<16xf32>, vector<16xf32>, vector<16xf32>, vector<16xf32>, vector<16xf32>, vector<16xf32>, vector<16xf32>, vector<16xf32>
      }
      %scan3A_245 = arith.constant 32 : i32
      %swap3A_246 = arith.constant 3 : i32
      %swap3A_247 = arith.index_cast %swap3A_246 : i32 to index
      %swap3A_248 = arith.constant 0 : index
      %swap3A_249 = tpu.vector_load %arg7[%swap3A_247, %swap3A_248] {strides = array<i32>} : memref<4x128xf32, #tpu.memory_space<vmem>>, vector<1x16xf32>,
      %swap3A_250 = vector.shape_cast %swap3A_249 : vector<1x16xf32> to vector<16xf32>
      %swap3A_251 = vector.shape_cast %scan3A_244#0 : vector<16xf32> to vector<1x16xf32>
      tpu.vector_store %arg7[%swap3A_247, %swap3A_248], %swap3A_251 {strides = array<i32>} : memref<4x128xf32, #tpu.memory_space<vmem>>, vector<1x16xf32>,
      %swap3A_252 = arith.constant 3 : i32
      %swap3A_253 = arith.index_cast %swap3A_252 : i32 to index
      %swap3A_254 = arith.constant 16 : index
      %swap3A_255 = tpu.vector_load %arg7[%swap3A_253, %swap3A_254] {strides = array<i32>} : memref<4x128xf32, #tpu.memory_space<vmem>>, vector<1x16xf32>,
      %swap3A_256 = vector.shape_cast %swap3A_255 : vector<1x16xf32> to vector<16xf32>
      %swap3A_257 = vector.shape_cast %scan3A_244#1 : vector<16xf32> to vector<1x16xf32>
      tpu.vector_store %arg7[%swap3A_253, %swap3A_254], %swap3A_257 {strides = array<i32>} : memref<4x128xf32, #tpu.memory_space<vmem>>, vector<1x16xf32>,
      %swap3A_258 = arith.constant 3 : i32
      %swap3A_259 = arith.index_cast %swap3A_258 : i32 to index
      %swap3A_260 = arith.constant 32 : index
      %swap3A_261 = tpu.vector_load %arg7[%swap3A_259, %swap3A_260] {strides = array<i32>} : memref<4x128xf32, #tpu.memory_space<vmem>>, vector<1x16xf32>,
      %swap3A_262 = vector.shape_cast %swap3A_261 : vector<1x16xf32> to vector<16xf32>
      %swap3A_263 = vector.shape_cast %scan3A_244#2 : vector<16xf32> to vector<1x16xf32>
      tpu.vector_store %arg7[%swap3A_259, %swap3A_260], %swap3A_263 {strides = array<i32>} : memref<4x128xf32, #tpu.memory_space<vmem>>, vector<1x16xf32>,
      %swap3A_264 = arith.constant 3 : i32
      %swap3A_265 = arith.index_cast %swap3A_264 : i32 to index
      %swap3A_266 = arith.constant 48 : index
      %swap3A_267 = tpu.vector_load %arg7[%swap3A_265, %swap3A_266] {strides = array<i32>} : memref<4x128xf32, #tpu.memory_space<vmem>>, vector<1x16xf32>,
      %swap3A_268 = vector.shape_cast %swap3A_267 : vector<1x16xf32> to vector<16xf32>
      %swap3A_269 = vector.shape_cast %scan3A_244#3 : vector<16xf32> to vector<1x16xf32>
      tpu.vector_store %arg7[%swap3A_265, %swap3A_266], %swap3A_269 {strides = array<i32>} : memref<4x128xf32, #tpu.memory_space<vmem>>, vector<1x16xf32>,
      %swap3A_270 = arith.constant 3 : i32
      %swap3A_271 = arith.index_cast %swap3A_270 : i32 to index
      %swap3A_272 = arith.constant 64 : index
      %swap3A_273 = tpu.vector_load %arg7[%swap3A_271, %swap3A_272] {strides = array<i32>} : memref<4x128xf32, #tpu.memory_space<vmem>>, vector<1x16xf32>,
      %swap3A_274 = vector.shape_cast %swap3A_273 : vector<1x16xf32> to vector<16xf32>
      %swap3A_275 = vector.shape_cast %scan3A_244#4 : vector<16xf32> to vector<1x16xf32>
      tpu.vector_store %arg7[%swap3A_271, %swap3A_272], %swap3A_275 {strides = array<i32>} : memref<4x128xf32, #tpu.memory_space<vmem>>, vector<1x16xf32>,
      %swap3A_276 = arith.constant 3 : i32
      %swap3A_277 = arith.index_cast %swap3A_276 : i32 to index
      %swap3A_278 = arith.constant 80 : index
      %swap3A_279 = tpu.vector_load %arg7[%swap3A_277, %swap3A_278] {strides = array<i32>} : memref<4x128xf32, #tpu.memory_space<vmem>>, vector<1x16xf32>,
      %swap3A_280 = vector.shape_cast %swap3A_279 : vector<1x16xf32> to vector<16xf32>
      %swap3A_281 = vector.shape_cast %scan3A_244#5 : vector<16xf32> to vector<1x16xf32>
      tpu.vector_store %arg7[%swap3A_277, %swap3A_278], %swap3A_281 {strides = array<i32>} : memref<4x128xf32, #tpu.memory_space<vmem>>, vector<1x16xf32>,
      %swap3A_282 = arith.constant 3 : i32
      %swap3A_283 = arith.index_cast %swap3A_282 : i32 to index
      %swap3A_284 = arith.constant 96 : index
      %swap3A_285 = tpu.vector_load %arg7[%swap3A_283, %swap3A_284] {strides = array<i32>} : memref<4x128xf32, #tpu.memory_space<vmem>>, vector<1x16xf32>,
      %swap3A_286 = vector.shape_cast %swap3A_285 : vector<1x16xf32> to vector<16xf32>
      %swap3A_287 = vector.shape_cast %scan3A_244#6 : vector<16xf32> to vector<1x16xf32>
      tpu.vector_store %arg7[%swap3A_283, %swap3A_284], %swap3A_287 {strides = array<i32>} : memref<4x128xf32, #tpu.memory_space<vmem>>, vector<1x16xf32>,
      %swap3A_288 = arith.constant 3 : i32
      %swap3A_289 = arith.index_cast %swap3A_288 : i32 to index
      %swap3A_290 = arith.constant 112 : index
      %swap3A_291 = tpu.vector_load %arg7[%swap3A_289, %swap3A_290] {strides = array<i32>} : memref<4x128xf32, #tpu.memory_space<vmem>>, vector<1x16xf32>,
      %swap3A_292 = vector.shape_cast %swap3A_291 : vector<1x16xf32> to vector<16xf32>
      %swap3A_293 = vector.shape_cast %scan3A_244#7 : vector<16xf32> to vector<1x16xf32>
      tpu.vector_store %arg7[%swap3A_289, %swap3A_290], %swap3A_293 {strides = array<i32>} : memref<4x128xf32, #tpu.memory_space<vmem>>, vector<1x16xf32>,
      %mul3A_294 = arith.constant 320 : i32
      %mul3A_295 = arith.muli %add3A, %mul3A_294 : i32
      %mul3A_296 = arith.constant 4 : i32
      %mul3A_297 = arith.muli %scan3A_6, %mul3A_296 : i32
      %add3A_298 = arith.addi %mul3A_295, %mul3A_297 : i32
      "tpu.region"() ({
        %run_scoped3A = tpu.sem_alloc : memref<!tpu.dma_semaphore, #tpu.memory_space<semaphore_mem>>
        %dma_start3A_299 = arith.constant 0 : i32
        %dma_start3A_300 = tpu.memref_slice %arg4[%add3A_298, %dma_start3A_299] : memref<10240x128xf32, #tpu.memory_space<hbm>> -> memref<4x128xf32, #tpu.memory_space<hbm>>
        %dma_start3A_301 = arith.constant 0 : i32
        %dma_start3A_302 = tpu.memref_slice %arg4[%add3A_298, %dma_start3A_301] : memref<10240x128xf32, #tpu.memory_space<hbm>> -> memref<4x128xf32, #tpu.memory_space<hbm>>
        tpu.enqueue_dma source(%arg7 : memref<4x128xf32, #tpu.memory_space<vmem>>) target(%dma_start3A_302 : memref<4x128xf32, #tpu.memory_space<hbm>>) target_semaphore(%run_scoped3A : memref<!tpu.dma_semaphore, #tpu.memory_space<semaphore_mem>>)
        %dma_wait3A_303 = arith.constant 0 : i32
        %dma_wait3A_304 = tpu.memref_slice %arg4[%add3A_298, %dma_wait3A_303] : memref<10240x128xf32, #tpu.memory_space<hbm>> -> memref<4x128xf32, #tpu.memory_space<hbm>>
        %dma_wait3A_305 = arith.constant 0 : i32
        %dma_wait3A_306 = tpu.memref_slice %arg4[%add3A_298, %dma_wait3A_305] : memref<10240x128xf32, #tpu.memory_space<hbm>> -> memref<4x128xf32, #tpu.memory_space<hbm>>
        tpu.wait_dma2 semaphore(%run_scoped3A : memref<!tpu.dma_semaphore, #tpu.memory_space<semaphore_mem>>) src(%arg7 : memref<4x128xf32, #tpu.memory_space<vmem>>) dst(%dma_wait3A_306 : memref<4x128xf32, #tpu.memory_space<hbm>>)
        tpu.yield
      }) : () -> ()
    }
    %scan3A_5 = arith.constant 80 : i32
    return
  }
}

#map = affine_map<(d0, d1) -> (0, 0)>
#map1 = affine_map<(d0, d1) -> (0)>
module attributes {stable_mosaic.version = 14 : i64} {
  func.func @_sc_edge_body(%arg0: i32, %arg1: i32, %arg2: memref<320000x128xf32, #tpu.memory_space<hbm>>, %arg3: memref<10240x128xf32, #tpu.memory_space<hbm>>, %arg4: memref<320000xi32, #tpu.memory_space<hbm>>, %arg5: memref<320000xi32, #tpu.memory_space<hbm>>, %arg6: memref<320000x128xf32, #tpu.memory_space<hbm>>, %arg7: memref<80xi32, #tpu.memory_space<vmem>>, %arg8: memref<80xi32, #tpu.memory_space<vmem>>, %arg9: memref<80x128xf32, #tpu.memory_space<vmem>>, %arg10: memref<80x128xf32, #tpu.memory_space<vmem>>, %arg11: memref<80x128xf32, #tpu.memory_space<vmem>>, %arg12: memref<!tpu.dma_semaphore, #tpu.memory_space<semaphore_mem>>) attributes {dimension_semantics = [#tpu.dimension_semantics<core_parallel>, #tpu.dimension_semantics<subcore_parallel>], iteration_bounds = array<i64: 2, 16>, scalar_prefetch = 0 : i64, scratch_operands = 6 : i64, tpu.core_type = #tpu.core_type<sc_vector_subcore>, window_params = [{transform_indices = #map}, {transform_indices = #map}, {transform_indices = #map1}, {transform_indices = #map1}, {transform_indices = #map}]} {
    %mul3A = arith.constant 2 : i32
    %mul3A_0 = arith.muli %arg1, %mul3A : i32
    %add3A = arith.addi %mul3A_0, %arg0 : i32
    %scan3A = arith.constant 0 : i32
    %scan3A_1 = arith.constant 0 : i32
    %scan3A_2 = arith.constant 125 : i32
    %scan3A_3 = arith.addi %scan3A_1, %scan3A_2 : i32
    %scan3A_4 = arith.constant 1 : i32
    scf.for %scan3A_6 = %scan3A_1 to %scan3A_3 step %scan3A_4  : i32 {
      %mul3A_7 = arith.constant 10000 : i32
      %mul3A_8 = arith.muli %add3A, %mul3A_7 : i32
      %mul3A_9 = arith.constant 80 : i32
      %mul3A_10 = arith.muli %scan3A_6, %mul3A_9 : i32
      %add3A_11 = arith.addi %mul3A_8, %mul3A_10 : i32
      "tpu.region"() ({
        %run_scoped3A = tpu.sem_alloc : memref<!tpu.dma_semaphore, #tpu.memory_space<semaphore_mem>>
        %dma_start3A_28 = tpu.memref_slice %arg4[%add3A_11] : memref<320000xi32, #tpu.memory_space<hbm>> -> memref<80xi32, #tpu.memory_space<hbm>>
        %dma_start3A_29 = tpu.memref_slice %arg4[%add3A_11] : memref<320000xi32, #tpu.memory_space<hbm>> -> memref<80xi32, #tpu.memory_space<hbm>>
        tpu.enqueue_dma source(%dma_start3A_29 : memref<80xi32, #tpu.memory_space<hbm>>) target(%arg7 : memref<80xi32, #tpu.memory_space<vmem>>) target_semaphore(%run_scoped3A : memref<!tpu.dma_semaphore, #tpu.memory_space<semaphore_mem>>)
        %dma_wait3A_30 = tpu.memref_slice %arg4[%add3A_11] : memref<320000xi32, #tpu.memory_space<hbm>> -> memref<80xi32, #tpu.memory_space<hbm>>
        %dma_wait3A_31 = tpu.memref_slice %arg4[%add3A_11] : memref<320000xi32, #tpu.memory_space<hbm>> -> memref<80xi32, #tpu.memory_space<hbm>>
        tpu.wait_dma2 semaphore(%run_scoped3A : memref<!tpu.dma_semaphore, #tpu.memory_space<semaphore_mem>>) src(%dma_wait3A_31 : memref<80xi32, #tpu.memory_space<hbm>>) dst(%arg7 : memref<80xi32, #tpu.memory_space<vmem>>)
        tpu.yield
      }) : () -> ()
      "tpu.region"() ({
        %run_scoped3A = tpu.sem_alloc : memref<!tpu.dma_semaphore, #tpu.memory_space<semaphore_mem>>
        %dma_start3A_28 = tpu.memref_slice %arg5[%add3A_11] : memref<320000xi32, #tpu.memory_space<hbm>> -> memref<80xi32, #tpu.memory_space<hbm>>
        %dma_start3A_29 = tpu.memref_slice %arg5[%add3A_11] : memref<320000xi32, #tpu.memory_space<hbm>> -> memref<80xi32, #tpu.memory_space<hbm>>
        tpu.enqueue_dma source(%dma_start3A_29 : memref<80xi32, #tpu.memory_space<hbm>>) target(%arg8 : memref<80xi32, #tpu.memory_space<vmem>>) target_semaphore(%run_scoped3A : memref<!tpu.dma_semaphore, #tpu.memory_space<semaphore_mem>>)
        %dma_wait3A_30 = tpu.memref_slice %arg5[%add3A_11] : memref<320000xi32, #tpu.memory_space<hbm>> -> memref<80xi32, #tpu.memory_space<hbm>>
        %dma_wait3A_31 = tpu.memref_slice %arg5[%add3A_11] : memref<320000xi32, #tpu.memory_space<hbm>> -> memref<80xi32, #tpu.memory_space<hbm>>
        tpu.wait_dma2 semaphore(%run_scoped3A : memref<!tpu.dma_semaphore, #tpu.memory_space<semaphore_mem>>) src(%dma_wait3A_31 : memref<80xi32, #tpu.memory_space<hbm>>) dst(%arg8 : memref<80xi32, #tpu.memory_space<vmem>>)
        tpu.yield
      }) : () -> ()
      %dma_start3A = arith.constant 0 : i32
      %dma_start3A_12 = arith.constant 0 : i32
      %dma_start3A_13 = tpu.memref_slice %arg3[%dma_start3A, %dma_start3A_12] : memref<10240x128xf32, #tpu.memory_space<hbm>> -> memref<10240x128xf32, #tpu.memory_space<hbm>>
      tpu.enqueue_indirect_dma source(%dma_start3A_13 : memref<10240x128xf32, #tpu.memory_space<hbm>>) target(%arg9 : memref<80x128xf32, #tpu.memory_space<vmem>>) offsets(%arg7 : memref<80xi32, #tpu.memory_space<vmem>>) semaphore(%arg12 : memref<!tpu.dma_semaphore, #tpu.memory_space<semaphore_mem>>)
      %dma_start3A_14 = arith.constant 0 : i32
      %dma_start3A_15 = arith.constant 0 : i32
      %dma_start3A_16 = tpu.memref_slice %arg2[%dma_start3A_14, %dma_start3A_15] : memref<320000x128xf32, #tpu.memory_space<hbm>> -> memref<320000x128xf32, #tpu.memory_space<hbm>>
      tpu.enqueue_indirect_dma source(%dma_start3A_16 : memref<320000x128xf32, #tpu.memory_space<hbm>>) target(%arg10 : memref<80x128xf32, #tpu.memory_space<vmem>>) offsets(%arg8 : memref<80xi32, #tpu.memory_space<vmem>>) semaphore(%arg12 : memref<!tpu.dma_semaphore, #tpu.memory_space<semaphore_mem>>)
      %dma_wait3A = arith.constant 0 : i32
      %dma_wait3A_17 = arith.constant 0 : i32
      %dma_wait3A_18 = tpu.memref_slice %arg3[%dma_wait3A, %dma_wait3A_17] : memref<10240x128xf32, #tpu.memory_space<hbm>> -> memref<10240x128xf32, #tpu.memory_space<hbm>>
      tpu.wait_indirect_dma semaphore(%arg12 : memref<!tpu.dma_semaphore, #tpu.memory_space<semaphore_mem>>) src(%dma_wait3A_18 : memref<10240x128xf32, #tpu.memory_space<hbm>>) dst(%arg9 : memref<80x128xf32, #tpu.memory_space<vmem>>)
      %dma_wait3A_19 = arith.constant 0 : i32
      %dma_wait3A_20 = arith.constant 0 : i32
      %dma_wait3A_21 = tpu.memref_slice %arg2[%dma_wait3A_19, %dma_wait3A_20] : memref<320000x128xf32, #tpu.memory_space<hbm>> -> memref<320000x128xf32, #tpu.memory_space<hbm>>
      tpu.wait_indirect_dma semaphore(%arg12 : memref<!tpu.dma_semaphore, #tpu.memory_space<semaphore_mem>>) src(%dma_wait3A_21 : memref<320000x128xf32, #tpu.memory_space<hbm>>) dst(%arg10 : memref<80x128xf32, #tpu.memory_space<vmem>>)
      %scan3A_22 = arith.constant 0 : i32
      %scan3A_23 = arith.constant 0 : i32
      %scan3A_24 = arith.constant 80 : i32
      %scan3A_25 = arith.addi %scan3A_23, %scan3A_24 : i32
      %scan3A_26 = arith.constant 1 : i32
      scf.for %scan3A_28 = %scan3A_23 to %scan3A_25 step %scan3A_26  : i32 {
        %get3A = arith.index_cast %scan3A_28 : i32 to index
        %get3A_29 = arith.constant 0 : index
        %get3A_30 = tpu.vector_load %arg9[%get3A, %get3A_29] {strides = array<i32>} : memref<80x128xf32, #tpu.memory_space<vmem>>, vector<1x16xf32>,
        %get3A_31 = vector.shape_cast %get3A_30 : vector<1x16xf32> to vector<16xf32>
        %get3A_32 = arith.index_cast %scan3A_28 : i32 to index
        %get3A_33 = arith.constant 0 : index
        %get3A_34 = tpu.vector_load %arg10[%get3A_32, %get3A_33] {strides = array<i32>} : memref<80x128xf32, #tpu.memory_space<vmem>>, vector<1x16xf32>,
        %get3A_35 = vector.shape_cast %get3A_34 : vector<1x16xf32> to vector<16xf32>
        %max3A = arith.constant 0.000000e+00 : f32
        %max3A_36 = vector.broadcast %max3A : f32 to vector<16xf32>
        %max3A_37 = arith.maximumf %get3A_35, %max3A_36 : vector<16xf32>
        %sub3A = arith.subf %get3A_31, %max3A_37 : vector<16xf32>
        %swap3A = arith.index_cast %scan3A_28 : i32 to index
        %swap3A_38 = arith.constant 0 : index
        %swap3A_39 = tpu.vector_load %arg11[%swap3A, %swap3A_38] {strides = array<i32>} : memref<80x128xf32, #tpu.memory_space<vmem>>, vector<1x16xf32>,
        %swap3A_40 = vector.shape_cast %swap3A_39 : vector<1x16xf32> to vector<16xf32>
        %swap3A_41 = vector.shape_cast %sub3A : vector<16xf32> to vector<1x16xf32>
        tpu.vector_store %arg11[%swap3A, %swap3A_38], %swap3A_41 {strides = array<i32>} : memref<80x128xf32, #tpu.memory_space<vmem>>, vector<1x16xf32>,
        %get3A_42 = arith.index_cast %scan3A_28 : i32 to index
        %get3A_43 = arith.constant 16 : index
        %get3A_44 = tpu.vector_load %arg9[%get3A_42, %get3A_43] {strides = array<i32>} : memref<80x128xf32, #tpu.memory_space<vmem>>, vector<1x16xf32>,
        %get3A_45 = vector.shape_cast %get3A_44 : vector<1x16xf32> to vector<16xf32>
        %get3A_46 = arith.index_cast %scan3A_28 : i32 to index
        %get3A_47 = arith.constant 16 : index
        %get3A_48 = tpu.vector_load %arg10[%get3A_46, %get3A_47] {strides = array<i32>} : memref<80x128xf32, #tpu.memory_space<vmem>>, vector<1x16xf32>,
        %get3A_49 = vector.shape_cast %get3A_48 : vector<1x16xf32> to vector<16xf32>
        %max3A_50 = arith.constant 0.000000e+00 : f32
        %max3A_51 = vector.broadcast %max3A_50 : f32 to vector<16xf32>
        %max3A_52 = arith.maximumf %get3A_49, %max3A_51 : vector<16xf32>
        %sub3A_53 = arith.subf %get3A_45, %max3A_52 : vector<16xf32>
        %swap3A_54 = arith.index_cast %scan3A_28 : i32 to index
        %swap3A_55 = arith.constant 16 : index
        %swap3A_56 = tpu.vector_load %arg11[%swap3A_54, %swap3A_55] {strides = array<i32>} : memref<80x128xf32, #tpu.memory_space<vmem>>, vector<1x16xf32>,
        %swap3A_57 = vector.shape_cast %swap3A_56 : vector<1x16xf32> to vector<16xf32>
        %swap3A_58 = vector.shape_cast %sub3A_53 : vector<16xf32> to vector<1x16xf32>
        tpu.vector_store %arg11[%swap3A_54, %swap3A_55], %swap3A_58 {strides = array<i32>} : memref<80x128xf32, #tpu.memory_space<vmem>>, vector<1x16xf32>,
        %get3A_59 = arith.index_cast %scan3A_28 : i32 to index
        %get3A_60 = arith.constant 32 : index
        %get3A_61 = tpu.vector_load %arg9[%get3A_59, %get3A_60] {strides = array<i32>} : memref<80x128xf32, #tpu.memory_space<vmem>>, vector<1x16xf32>,
        %get3A_62 = vector.shape_cast %get3A_61 : vector<1x16xf32> to vector<16xf32>
        %get3A_63 = arith.index_cast %scan3A_28 : i32 to index
        %get3A_64 = arith.constant 32 : index
        %get3A_65 = tpu.vector_load %arg10[%get3A_63, %get3A_64] {strides = array<i32>} : memref<80x128xf32, #tpu.memory_space<vmem>>, vector<1x16xf32>,
        %get3A_66 = vector.shape_cast %get3A_65 : vector<1x16xf32> to vector<16xf32>
        %max3A_67 = arith.constant 0.000000e+00 : f32
        %max3A_68 = vector.broadcast %max3A_67 : f32 to vector<16xf32>
        %max3A_69 = arith.maximumf %get3A_66, %max3A_68 : vector<16xf32>
        %sub3A_70 = arith.subf %get3A_62, %max3A_69 : vector<16xf32>
        %swap3A_71 = arith.index_cast %scan3A_28 : i32 to index
        %swap3A_72 = arith.constant 32 : index
        %swap3A_73 = tpu.vector_load %arg11[%swap3A_71, %swap3A_72] {strides = array<i32>} : memref<80x128xf32, #tpu.memory_space<vmem>>, vector<1x16xf32>,
        %swap3A_74 = vector.shape_cast %swap3A_73 : vector<1x16xf32> to vector<16xf32>
        %swap3A_75 = vector.shape_cast %sub3A_70 : vector<16xf32> to vector<1x16xf32>
        tpu.vector_store %arg11[%swap3A_71, %swap3A_72], %swap3A_75 {strides = array<i32>} : memref<80x128xf32, #tpu.memory_space<vmem>>, vector<1x16xf32>,
        %get3A_76 = arith.index_cast %scan3A_28 : i32 to index
        %get3A_77 = arith.constant 48 : index
        %get3A_78 = tpu.vector_load %arg9[%get3A_76, %get3A_77] {strides = array<i32>} : memref<80x128xf32, #tpu.memory_space<vmem>>, vector<1x16xf32>,
        %get3A_79 = vector.shape_cast %get3A_78 : vector<1x16xf32> to vector<16xf32>
        %get3A_80 = arith.index_cast %scan3A_28 : i32 to index
        %get3A_81 = arith.constant 48 : index
        %get3A_82 = tpu.vector_load %arg10[%get3A_80, %get3A_81] {strides = array<i32>} : memref<80x128xf32, #tpu.memory_space<vmem>>, vector<1x16xf32>,
        %get3A_83 = vector.shape_cast %get3A_82 : vector<1x16xf32> to vector<16xf32>
        %max3A_84 = arith.constant 0.000000e+00 : f32
        %max3A_85 = vector.broadcast %max3A_84 : f32 to vector<16xf32>
        %max3A_86 = arith.maximumf %get3A_83, %max3A_85 : vector<16xf32>
        %sub3A_87 = arith.subf %get3A_79, %max3A_86 : vector<16xf32>
        %swap3A_88 = arith.index_cast %scan3A_28 : i32 to index
        %swap3A_89 = arith.constant 48 : index
        %swap3A_90 = tpu.vector_load %arg11[%swap3A_88, %swap3A_89] {strides = array<i32>} : memref<80x128xf32, #tpu.memory_space<vmem>>, vector<1x16xf32>,
        %swap3A_91 = vector.shape_cast %swap3A_90 : vector<1x16xf32> to vector<16xf32>
        %swap3A_92 = vector.shape_cast %sub3A_87 : vector<16xf32> to vector<1x16xf32>
        tpu.vector_store %arg11[%swap3A_88, %swap3A_89], %swap3A_92 {strides = array<i32>} : memref<80x128xf32, #tpu.memory_space<vmem>>, vector<1x16xf32>,
        %get3A_93 = arith.index_cast %scan3A_28 : i32 to index
        %get3A_94 = arith.constant 64 : index
        %get3A_95 = tpu.vector_load %arg9[%get3A_93, %get3A_94] {strides = array<i32>} : memref<80x128xf32, #tpu.memory_space<vmem>>, vector<1x16xf32>,
        %get3A_96 = vector.shape_cast %get3A_95 : vector<1x16xf32> to vector<16xf32>
        %get3A_97 = arith.index_cast %scan3A_28 : i32 to index
        %get3A_98 = arith.constant 64 : index
        %get3A_99 = tpu.vector_load %arg10[%get3A_97, %get3A_98] {strides = array<i32>} : memref<80x128xf32, #tpu.memory_space<vmem>>, vector<1x16xf32>,
        %get3A_100 = vector.shape_cast %get3A_99 : vector<1x16xf32> to vector<16xf32>
        %max3A_101 = arith.constant 0.000000e+00 : f32
        %max3A_102 = vector.broadcast %max3A_101 : f32 to vector<16xf32>
        %max3A_103 = arith.maximumf %get3A_100, %max3A_102 : vector<16xf32>
        %sub3A_104 = arith.subf %get3A_96, %max3A_103 : vector<16xf32>
        %swap3A_105 = arith.index_cast %scan3A_28 : i32 to index
        %swap3A_106 = arith.constant 64 : index
        %swap3A_107 = tpu.vector_load %arg11[%swap3A_105, %swap3A_106] {strides = array<i32>} : memref<80x128xf32, #tpu.memory_space<vmem>>, vector<1x16xf32>,
        %swap3A_108 = vector.shape_cast %swap3A_107 : vector<1x16xf32> to vector<16xf32>
        %swap3A_109 = vector.shape_cast %sub3A_104 : vector<16xf32> to vector<1x16xf32>
        tpu.vector_store %arg11[%swap3A_105, %swap3A_106], %swap3A_109 {strides = array<i32>} : memref<80x128xf32, #tpu.memory_space<vmem>>, vector<1x16xf32>,
        %get3A_110 = arith.index_cast %scan3A_28 : i32 to index
        %get3A_111 = arith.constant 80 : index
        %get3A_112 = tpu.vector_load %arg9[%get3A_110, %get3A_111] {strides = array<i32>} : memref<80x128xf32, #tpu.memory_space<vmem>>, vector<1x16xf32>,
        %get3A_113 = vector.shape_cast %get3A_112 : vector<1x16xf32> to vector<16xf32>
        %get3A_114 = arith.index_cast %scan3A_28 : i32 to index
        %get3A_115 = arith.constant 80 : index
        %get3A_116 = tpu.vector_load %arg10[%get3A_114, %get3A_115] {strides = array<i32>} : memref<80x128xf32, #tpu.memory_space<vmem>>, vector<1x16xf32>,
        %get3A_117 = vector.shape_cast %get3A_116 : vector<1x16xf32> to vector<16xf32>
        %max3A_118 = arith.constant 0.000000e+00 : f32
        %max3A_119 = vector.broadcast %max3A_118 : f32 to vector<16xf32>
        %max3A_120 = arith.maximumf %get3A_117, %max3A_119 : vector<16xf32>
        %sub3A_121 = arith.subf %get3A_113, %max3A_120 : vector<16xf32>
        %swap3A_122 = arith.index_cast %scan3A_28 : i32 to index
        %swap3A_123 = arith.constant 80 : index
        %swap3A_124 = tpu.vector_load %arg11[%swap3A_122, %swap3A_123] {strides = array<i32>} : memref<80x128xf32, #tpu.memory_space<vmem>>, vector<1x16xf32>,
        %swap3A_125 = vector.shape_cast %swap3A_124 : vector<1x16xf32> to vector<16xf32>
        %swap3A_126 = vector.shape_cast %sub3A_121 : vector<16xf32> to vector<1x16xf32>
        tpu.vector_store %arg11[%swap3A_122, %swap3A_123], %swap3A_126 {strides = array<i32>} : memref<80x128xf32, #tpu.memory_space<vmem>>, vector<1x16xf32>,
        %get3A_127 = arith.index_cast %scan3A_28 : i32 to index
        %get3A_128 = arith.constant 96 : index
        %get3A_129 = tpu.vector_load %arg9[%get3A_127, %get3A_128] {strides = array<i32>} : memref<80x128xf32, #tpu.memory_space<vmem>>, vector<1x16xf32>,
        %get3A_130 = vector.shape_cast %get3A_129 : vector<1x16xf32> to vector<16xf32>
        %get3A_131 = arith.index_cast %scan3A_28 : i32 to index
        %get3A_132 = arith.constant 96 : index
        %get3A_133 = tpu.vector_load %arg10[%get3A_131, %get3A_132] {strides = array<i32>} : memref<80x128xf32, #tpu.memory_space<vmem>>, vector<1x16xf32>,
        %get3A_134 = vector.shape_cast %get3A_133 : vector<1x16xf32> to vector<16xf32>
        %max3A_135 = arith.constant 0.000000e+00 : f32
        %max3A_136 = vector.broadcast %max3A_135 : f32 to vector<16xf32>
        %max3A_137 = arith.maximumf %get3A_134, %max3A_136 : vector<16xf32>
        %sub3A_138 = arith.subf %get3A_130, %max3A_137 : vector<16xf32>
        %swap3A_139 = arith.index_cast %scan3A_28 : i32 to index
        %swap3A_140 = arith.constant 96 : index
        %swap3A_141 = tpu.vector_load %arg11[%swap3A_139, %swap3A_140] {strides = array<i32>} : memref<80x128xf32, #tpu.memory_space<vmem>>, vector<1x16xf32>,
        %swap3A_142 = vector.shape_cast %swap3A_141 : vector<1x16xf32> to vector<16xf32>
        %swap3A_143 = vector.shape_cast %sub3A_138 : vector<16xf32> to vector<1x16xf32>
        tpu.vector_store %arg11[%swap3A_139, %swap3A_140], %swap3A_143 {strides = array<i32>} : memref<80x128xf32, #tpu.memory_space<vmem>>, vector<1x16xf32>,
        %get3A_144 = arith.index_cast %scan3A_28 : i32 to index
        %get3A_145 = arith.constant 112 : index
        %get3A_146 = tpu.vector_load %arg9[%get3A_144, %get3A_145] {strides = array<i32>} : memref<80x128xf32, #tpu.memory_space<vmem>>, vector<1x16xf32>,
        %get3A_147 = vector.shape_cast %get3A_146 : vector<1x16xf32> to vector<16xf32>
        %get3A_148 = arith.index_cast %scan3A_28 : i32 to index
        %get3A_149 = arith.constant 112 : index
        %get3A_150 = tpu.vector_load %arg10[%get3A_148, %get3A_149] {strides = array<i32>} : memref<80x128xf32, #tpu.memory_space<vmem>>, vector<1x16xf32>,
        %get3A_151 = vector.shape_cast %get3A_150 : vector<1x16xf32> to vector<16xf32>
        %max3A_152 = arith.constant 0.000000e+00 : f32
        %max3A_153 = vector.broadcast %max3A_152 : f32 to vector<16xf32>
        %max3A_154 = arith.maximumf %get3A_151, %max3A_153 : vector<16xf32>
        %sub3A_155 = arith.subf %get3A_147, %max3A_154 : vector<16xf32>
        %swap3A_156 = arith.index_cast %scan3A_28 : i32 to index
        %swap3A_157 = arith.constant 112 : index
        %swap3A_158 = tpu.vector_load %arg11[%swap3A_156, %swap3A_157] {strides = array<i32>} : memref<80x128xf32, #tpu.memory_space<vmem>>, vector<1x16xf32>,
        %swap3A_159 = vector.shape_cast %swap3A_158 : vector<1x16xf32> to vector<16xf32>
        %swap3A_160 = vector.shape_cast %sub3A_155 : vector<16xf32> to vector<1x16xf32>
        tpu.vector_store %arg11[%swap3A_156, %swap3A_157], %swap3A_160 {strides = array<i32>} : memref<80x128xf32, #tpu.memory_space<vmem>>, vector<1x16xf32>,
      }
      %scan3A_27 = arith.constant 80 : i32
      "tpu.region"() ({
        %run_scoped3A = tpu.sem_alloc : memref<!tpu.dma_semaphore, #tpu.memory_space<semaphore_mem>>
        %dma_start3A_28 = arith.constant 0 : i32
        %dma_start3A_29 = tpu.memref_slice %arg6[%add3A_11, %dma_start3A_28] : memref<320000x128xf32, #tpu.memory_space<hbm>> -> memref<80x128xf32, #tpu.memory_space<hbm>>
        %dma_start3A_30 = arith.constant 0 : i32
        %dma_start3A_31 = tpu.memref_slice %arg6[%add3A_11, %dma_start3A_30] : memref<320000x128xf32, #tpu.memory_space<hbm>> -> memref<80x128xf32, #tpu.memory_space<hbm>>
        tpu.enqueue_dma source(%arg11 : memref<80x128xf32, #tpu.memory_space<vmem>>) target(%dma_start3A_31 : memref<80x128xf32, #tpu.memory_space<hbm>>) target_semaphore(%run_scoped3A : memref<!tpu.dma_semaphore, #tpu.memory_space<semaphore_mem>>)
        %dma_wait3A_32 = arith.constant 0 : i32
        %dma_wait3A_33 = tpu.memref_slice %arg6[%add3A_11, %dma_wait3A_32] : memref<320000x128xf32, #tpu.memory_space<hbm>> -> memref<80x128xf32, #tpu.memory_space<hbm>>
        %dma_wait3A_34 = arith.constant 0 : i32
        %dma_wait3A_35 = tpu.memref_slice %arg6[%add3A_11, %dma_wait3A_34] : memref<320000x128xf32, #tpu.memory_space<hbm>> -> memref<80x128xf32, #tpu.memory_space<hbm>>
        tpu.wait_dma2 semaphore(%run_scoped3A : memref<!tpu.dma_semaphore, #tpu.memory_space<semaphore_mem>>) src(%arg11 : memref<80x128xf32, #tpu.memory_space<vmem>>) dst(%dma_wait3A_35 : memref<80x128xf32, #tpu.memory_space<hbm>>)
        tpu.yield
      }) : () -> ()
    }
    %scan3A_5 = arith.constant 125 : i32
    return
  }
}

#map = affine_map<(d0, d1) -> (0, 0)>
#map1 = affine_map<(d0, d1) -> (0)>
module attributes {stable_mosaic.version = 14 : i64} {
  func.func @_sc_gather_sum_body(%arg0: i32, %arg1: i32, %arg2: memref<320000x128xf32, #tpu.memory_space<hbm>>, %arg3: memref<327680xi32, #tpu.memory_space<hbm>>, %arg4: memref<10240x128xf32, #tpu.memory_space<hbm>>, %arg5: memref<128xi32, #tpu.memory_space<vmem>>, %arg6: memref<128x128xf32, #tpu.memory_space<vmem>>, %arg7: memref<4x128xf32, #tpu.memory_space<vmem>>, %arg8: memref<!tpu.dma_semaphore, #tpu.memory_space<semaphore_mem>>) attributes {dimension_semantics = [#tpu.dimension_semantics<core_parallel>, #tpu.dimension_semantics<subcore_parallel>], iteration_bounds = array<i64: 2, 16>, scalar_prefetch = 0 : i64, scratch_operands = 4 : i64, tpu.core_type = #tpu.core_type<sc_vector_subcore>, window_params = [{transform_indices = #map}, {transform_indices = #map1}, {transform_indices = #map}]} {
    %mul3A = arith.constant 2 : i32
    %mul3A_0 = arith.muli %arg1, %mul3A : i32
    %add3A = arith.addi %mul3A_0, %arg0 : i32
    %scan3A = arith.constant 0 : i32
    %scan3A_1 = arith.constant 0 : i32
    %scan3A_2 = arith.constant 80 : i32
    %scan3A_3 = arith.addi %scan3A_1, %scan3A_2 : i32
    %scan3A_4 = arith.constant 1 : i32
    scf.for %scan3A_6 = %scan3A_1 to %scan3A_3 step %scan3A_4  : i32 {
      %mul3A_7 = arith.constant 10240 : i32
      %mul3A_8 = arith.muli %add3A, %mul3A_7 : i32
      %mul3A_9 = arith.constant 128 : i32
      %mul3A_10 = arith.muli %scan3A_6, %mul3A_9 : i32
      %add3A_11 = arith.addi %mul3A_8, %mul3A_10 : i32
      "tpu.region"() ({
        %run_scoped3A = tpu.sem_alloc : memref<!tpu.dma_semaphore, #tpu.memory_space<semaphore_mem>>
        %dma_start3A_299 = tpu.memref_slice %arg3[%add3A_11] : memref<327680xi32, #tpu.memory_space<hbm>> -> memref<128xi32, #tpu.memory_space<hbm>>
        %dma_start3A_300 = tpu.memref_slice %arg3[%add3A_11] : memref<327680xi32, #tpu.memory_space<hbm>> -> memref<128xi32, #tpu.memory_space<hbm>>
        tpu.enqueue_dma source(%dma_start3A_300 : memref<128xi32, #tpu.memory_space<hbm>>) target(%arg5 : memref<128xi32, #tpu.memory_space<vmem>>) target_semaphore(%run_scoped3A : memref<!tpu.dma_semaphore, #tpu.memory_space<semaphore_mem>>)
        %dma_wait3A_301 = tpu.memref_slice %arg3[%add3A_11] : memref<327680xi32, #tpu.memory_space<hbm>> -> memref<128xi32, #tpu.memory_space<hbm>>
        %dma_wait3A_302 = tpu.memref_slice %arg3[%add3A_11] : memref<327680xi32, #tpu.memory_space<hbm>> -> memref<128xi32, #tpu.memory_space<hbm>>
        tpu.wait_dma2 semaphore(%run_scoped3A : memref<!tpu.dma_semaphore, #tpu.memory_space<semaphore_mem>>) src(%dma_wait3A_302 : memref<128xi32, #tpu.memory_space<hbm>>) dst(%arg5 : memref<128xi32, #tpu.memory_space<vmem>>)
        tpu.yield
      }) : () -> ()
      %dma_start3A = arith.constant 0 : i32
      %dma_start3A_12 = arith.constant 0 : i32
      %dma_start3A_13 = tpu.memref_slice %arg2[%dma_start3A, %dma_start3A_12] : memref<320000x128xf32, #tpu.memory_space<hbm>> -> memref<320000x128xf32, #tpu.memory_space<hbm>>
      tpu.enqueue_indirect_dma source(%dma_start3A_13 : memref<320000x128xf32, #tpu.memory_space<hbm>>) target(%arg6 : memref<128x128xf32, #tpu.memory_space<vmem>>) offsets(%arg5 : memref<128xi32, #tpu.memory_space<vmem>>) semaphore(%arg8 : memref<!tpu.dma_semaphore, #tpu.memory_space<semaphore_mem>>)
      %dma_wait3A = arith.constant 0 : i32
      %dma_wait3A_14 = arith.constant 0 : i32
      %dma_wait3A_15 = tpu.memref_slice %arg2[%dma_wait3A, %dma_wait3A_14] : memref<320000x128xf32, #tpu.memory_space<hbm>> -> memref<320000x128xf32, #tpu.memory_space<hbm>>
      tpu.wait_indirect_dma semaphore(%arg8 : memref<!tpu.dma_semaphore, #tpu.memory_space<semaphore_mem>>) src(%dma_wait3A_15 : memref<320000x128xf32, #tpu.memory_space<hbm>>) dst(%arg6 : memref<128x128xf32, #tpu.memory_space<vmem>>)
      %broadcast_in_dim3A = arith.constant 0.000000e+00 : f32
      %broadcast_in_dim3A_16 = vector.broadcast %broadcast_in_dim3A : f32 to vector<16xf32>
      %broadcast_in_dim3A_17 = arith.constant 0.000000e+00 : f32
      %broadcast_in_dim3A_18 = vector.broadcast %broadcast_in_dim3A_17 : f32 to vector<16xf32>
      %broadcast_in_dim3A_19 = arith.constant 0.000000e+00 : f32
      %broadcast_in_dim3A_20 = vector.broadcast %broadcast_in_dim3A_19 : f32 to vector<16xf32>
      %broadcast_in_dim3A_21 = arith.constant 0.000000e+00 : f32
      %broadcast_in_dim3A_22 = vector.broadcast %broadcast_in_dim3A_21 : f32 to vector<16xf32>
      %broadcast_in_dim3A_23 = arith.constant 0.000000e+00 : f32
      %broadcast_in_dim3A_24 = vector.broadcast %broadcast_in_dim3A_23 : f32 to vector<16xf32>
      %broadcast_in_dim3A_25 = arith.constant 0.000000e+00 : f32
      %broadcast_in_dim3A_26 = vector.broadcast %broadcast_in_dim3A_25 : f32 to vector<16xf32>
      %broadcast_in_dim3A_27 = arith.constant 0.000000e+00 : f32
      %broadcast_in_dim3A_28 = vector.broadcast %broadcast_in_dim3A_27 : f32 to vector<16xf32>
      %broadcast_in_dim3A_29 = arith.constant 0.000000e+00 : f32
      %broadcast_in_dim3A_30 = vector.broadcast %broadcast_in_dim3A_29 : f32 to vector<16xf32>
      %scan3A_31 = arith.constant 0 : i32
      %scan3A_32 = arith.constant 32 : i32
      %scan3A_33 = arith.addi %scan3A_31, %scan3A_32 : i32
      %scan3A_34 = arith.constant 1 : i32
      %scan3A_35:8 = scf.for %scan3A_299 = %scan3A_31 to %scan3A_33 step %scan3A_34 iter_args(%scan3A_300 = %broadcast_in_dim3A_16, %scan3A_301 = %broadcast_in_dim3A_18, %scan3A_302 = %broadcast_in_dim3A_20, %scan3A_303 = %broadcast_in_dim3A_22, %scan3A_304 = %broadcast_in_dim3A_24, %scan3A_305 = %broadcast_in_dim3A_26, %scan3A_306 = %broadcast_in_dim3A_28, %scan3A_307 = %broadcast_in_dim3A_30) -> (vector<16xf32>, vector<16xf32>, vector<16xf32>, vector<16xf32>, vector<16xf32>, vector<16xf32>, vector<16xf32>, vector<16xf32>)  : i32 {
        %add3A_308 = arith.constant 0 : i32
        %add3A_309 = arith.addi %add3A_308, %scan3A_299 : i32
        %get3A = arith.index_cast %add3A_309 : i32 to index
        %get3A_310 = arith.constant 0 : index
        %get3A_311 = tpu.vector_load %arg6[%get3A, %get3A_310] {strides = array<i32>} : memref<128x128xf32, #tpu.memory_space<vmem>>, vector<1x16xf32>,
        %get3A_312 = vector.shape_cast %get3A_311 : vector<1x16xf32> to vector<16xf32>
        %max3A = arith.constant 0.000000e+00 : f32
        %max3A_313 = vector.broadcast %max3A : f32 to vector<16xf32>
        %max3A_314 = arith.maximumf %get3A_312, %max3A_313 : vector<16xf32>
        %add3A_315 = arith.addf %scan3A_300, %max3A_314 : vector<16xf32>
        %get3A_316 = arith.index_cast %add3A_309 : i32 to index
        %get3A_317 = arith.constant 16 : index
        %get3A_318 = tpu.vector_load %arg6[%get3A_316, %get3A_317] {strides = array<i32>} : memref<128x128xf32, #tpu.memory_space<vmem>>, vector<1x16xf32>,
        %get3A_319 = vector.shape_cast %get3A_318 : vector<1x16xf32> to vector<16xf32>
        %max3A_320 = arith.constant 0.000000e+00 : f32
        %max3A_321 = vector.broadcast %max3A_320 : f32 to vector<16xf32>
        %max3A_322 = arith.maximumf %get3A_319, %max3A_321 : vector<16xf32>
        %add3A_323 = arith.addf %scan3A_301, %max3A_322 : vector<16xf32>
        %get3A_324 = arith.index_cast %add3A_309 : i32 to index
        %get3A_325 = arith.constant 32 : index
        %get3A_326 = tpu.vector_load %arg6[%get3A_324, %get3A_325] {strides = array<i32>} : memref<128x128xf32, #tpu.memory_space<vmem>>, vector<1x16xf32>,
        %get3A_327 = vector.shape_cast %get3A_326 : vector<1x16xf32> to vector<16xf32>
        %max3A_328 = arith.constant 0.000000e+00 : f32
        %max3A_329 = vector.broadcast %max3A_328 : f32 to vector<16xf32>
        %max3A_330 = arith.maximumf %get3A_327, %max3A_329 : vector<16xf32>
        %add3A_331 = arith.addf %scan3A_302, %max3A_330 : vector<16xf32>
        %get3A_332 = arith.index_cast %add3A_309 : i32 to index
        %get3A_333 = arith.constant 48 : index
        %get3A_334 = tpu.vector_load %arg6[%get3A_332, %get3A_333] {strides = array<i32>} : memref<128x128xf32, #tpu.memory_space<vmem>>, vector<1x16xf32>,
        %get3A_335 = vector.shape_cast %get3A_334 : vector<1x16xf32> to vector<16xf32>
        %max3A_336 = arith.constant 0.000000e+00 : f32
        %max3A_337 = vector.broadcast %max3A_336 : f32 to vector<16xf32>
        %max3A_338 = arith.maximumf %get3A_335, %max3A_337 : vector<16xf32>
        %add3A_339 = arith.addf %scan3A_303, %max3A_338 : vector<16xf32>
        %get3A_340 = arith.index_cast %add3A_309 : i32 to index
        %get3A_341 = arith.constant 64 : index
        %get3A_342 = tpu.vector_load %arg6[%get3A_340, %get3A_341] {strides = array<i32>} : memref<128x128xf32, #tpu.memory_space<vmem>>, vector<1x16xf32>,
        %get3A_343 = vector.shape_cast %get3A_342 : vector<1x16xf32> to vector<16xf32>
        %max3A_344 = arith.constant 0.000000e+00 : f32
        %max3A_345 = vector.broadcast %max3A_344 : f32 to vector<16xf32>
        %max3A_346 = arith.maximumf %get3A_343, %max3A_345 : vector<16xf32>
        %add3A_347 = arith.addf %scan3A_304, %max3A_346 : vector<16xf32>
        %get3A_348 = arith.index_cast %add3A_309 : i32 to index
        %get3A_349 = arith.constant 80 : index
        %get3A_350 = tpu.vector_load %arg6[%get3A_348, %get3A_349] {strides = array<i32>} : memref<128x128xf32, #tpu.memory_space<vmem>>, vector<1x16xf32>,
        %get3A_351 = vector.shape_cast %get3A_350 : vector<1x16xf32> to vector<16xf32>
        %max3A_352 = arith.constant 0.000000e+00 : f32
        %max3A_353 = vector.broadcast %max3A_352 : f32 to vector<16xf32>
        %max3A_354 = arith.maximumf %get3A_351, %max3A_353 : vector<16xf32>
        %add3A_355 = arith.addf %scan3A_305, %max3A_354 : vector<16xf32>
        %get3A_356 = arith.index_cast %add3A_309 : i32 to index
        %get3A_357 = arith.constant 96 : index
        %get3A_358 = tpu.vector_load %arg6[%get3A_356, %get3A_357] {strides = array<i32>} : memref<128x128xf32, #tpu.memory_space<vmem>>, vector<1x16xf32>,
        %get3A_359 = vector.shape_cast %get3A_358 : vector<1x16xf32> to vector<16xf32>
        %max3A_360 = arith.constant 0.000000e+00 : f32
        %max3A_361 = vector.broadcast %max3A_360 : f32 to vector<16xf32>
        %max3A_362 = arith.maximumf %get3A_359, %max3A_361 : vector<16xf32>
        %add3A_363 = arith.addf %scan3A_306, %max3A_362 : vector<16xf32>
        %get3A_364 = arith.index_cast %add3A_309 : i32 to index
        %get3A_365 = arith.constant 112 : index
        %get3A_366 = tpu.vector_load %arg6[%get3A_364, %get3A_365] {strides = array<i32>} : memref<128x128xf32, #tpu.memory_space<vmem>>, vector<1x16xf32>,
        %get3A_367 = vector.shape_cast %get3A_366 : vector<1x16xf32> to vector<16xf32>
        %max3A_368 = arith.constant 0.000000e+00 : f32
        %max3A_369 = vector.broadcast %max3A_368 : f32 to vector<16xf32>
        %max3A_370 = arith.maximumf %get3A_367, %max3A_369 : vector<16xf32>
        %add3A_371 = arith.addf %scan3A_307, %max3A_370 : vector<16xf32>
        scf.yield %add3A_315, %add3A_323, %add3A_331, %add3A_339, %add3A_347, %add3A_355, %add3A_363, %add3A_371 : vector<16xf32>, vector<16xf32>, vector<16xf32>, vector<16xf32>, vector<16xf32>, vector<16xf32>, vector<16xf32>, vector<16xf32>
      }
      %scan3A_36 = arith.constant 32 : i32
      %swap3A = arith.constant 0 : i32
      %swap3A_37 = arith.index_cast %swap3A : i32 to index
      %swap3A_38 = arith.constant 0 : index
      %swap3A_39 = tpu.vector_load %arg7[%swap3A_37, %swap3A_38] {strides = array<i32>} : memref<4x128xf32, #tpu.memory_space<vmem>>, vector<1x16xf32>,
      %swap3A_40 = vector.shape_cast %swap3A_39 : vector<1x16xf32> to vector<16xf32>
      %swap3A_41 = vector.shape_cast %scan3A_35#0 : vector<16xf32> to vector<1x16xf32>
      tpu.vector_store %arg7[%swap3A_37, %swap3A_38], %swap3A_41 {strides = array<i32>} : memref<4x128xf32, #tpu.memory_space<vmem>>, vector<1x16xf32>,
      %swap3A_42 = arith.constant 0 : i32
      %swap3A_43 = arith.index_cast %swap3A_42 : i32 to index
      %swap3A_44 = arith.constant 16 : index
      %swap3A_45 = tpu.vector_load %arg7[%swap3A_43, %swap3A_44] {strides = array<i32>} : memref<4x128xf32, #tpu.memory_space<vmem>>, vector<1x16xf32>,
      %swap3A_46 = vector.shape_cast %swap3A_45 : vector<1x16xf32> to vector<16xf32>
      %swap3A_47 = vector.shape_cast %scan3A_35#1 : vector<16xf32> to vector<1x16xf32>
      tpu.vector_store %arg7[%swap3A_43, %swap3A_44], %swap3A_47 {strides = array<i32>} : memref<4x128xf32, #tpu.memory_space<vmem>>, vector<1x16xf32>,
      %swap3A_48 = arith.constant 0 : i32
      %swap3A_49 = arith.index_cast %swap3A_48 : i32 to index
      %swap3A_50 = arith.constant 32 : index
      %swap3A_51 = tpu.vector_load %arg7[%swap3A_49, %swap3A_50] {strides = array<i32>} : memref<4x128xf32, #tpu.memory_space<vmem>>, vector<1x16xf32>,
      %swap3A_52 = vector.shape_cast %swap3A_51 : vector<1x16xf32> to vector<16xf32>
      %swap3A_53 = vector.shape_cast %scan3A_35#2 : vector<16xf32> to vector<1x16xf32>
      tpu.vector_store %arg7[%swap3A_49, %swap3A_50], %swap3A_53 {strides = array<i32>} : memref<4x128xf32, #tpu.memory_space<vmem>>, vector<1x16xf32>,
      %swap3A_54 = arith.constant 0 : i32
      %swap3A_55 = arith.index_cast %swap3A_54 : i32 to index
      %swap3A_56 = arith.constant 48 : index
      %swap3A_57 = tpu.vector_load %arg7[%swap3A_55, %swap3A_56] {strides = array<i32>} : memref<4x128xf32, #tpu.memory_space<vmem>>, vector<1x16xf32>,
      %swap3A_58 = vector.shape_cast %swap3A_57 : vector<1x16xf32> to vector<16xf32>
      %swap3A_59 = vector.shape_cast %scan3A_35#3 : vector<16xf32> to vector<1x16xf32>
      tpu.vector_store %arg7[%swap3A_55, %swap3A_56], %swap3A_59 {strides = array<i32>} : memref<4x128xf32, #tpu.memory_space<vmem>>, vector<1x16xf32>,
      %swap3A_60 = arith.constant 0 : i32
      %swap3A_61 = arith.index_cast %swap3A_60 : i32 to index
      %swap3A_62 = arith.constant 64 : index
      %swap3A_63 = tpu.vector_load %arg7[%swap3A_61, %swap3A_62] {strides = array<i32>} : memref<4x128xf32, #tpu.memory_space<vmem>>, vector<1x16xf32>,
      %swap3A_64 = vector.shape_cast %swap3A_63 : vector<1x16xf32> to vector<16xf32>
      %swap3A_65 = vector.shape_cast %scan3A_35#4 : vector<16xf32> to vector<1x16xf32>
      tpu.vector_store %arg7[%swap3A_61, %swap3A_62], %swap3A_65 {strides = array<i32>} : memref<4x128xf32, #tpu.memory_space<vmem>>, vector<1x16xf32>,
      %swap3A_66 = arith.constant 0 : i32
      %swap3A_67 = arith.index_cast %swap3A_66 : i32 to index
      %swap3A_68 = arith.constant 80 : index
      %swap3A_69 = tpu.vector_load %arg7[%swap3A_67, %swap3A_68] {strides = array<i32>} : memref<4x128xf32, #tpu.memory_space<vmem>>, vector<1x16xf32>,
      %swap3A_70 = vector.shape_cast %swap3A_69 : vector<1x16xf32> to vector<16xf32>
      %swap3A_71 = vector.shape_cast %scan3A_35#5 : vector<16xf32> to vector<1x16xf32>
      tpu.vector_store %arg7[%swap3A_67, %swap3A_68], %swap3A_71 {strides = array<i32>} : memref<4x128xf32, #tpu.memory_space<vmem>>, vector<1x16xf32>,
      %swap3A_72 = arith.constant 0 : i32
      %swap3A_73 = arith.index_cast %swap3A_72 : i32 to index
      %swap3A_74 = arith.constant 96 : index
      %swap3A_75 = tpu.vector_load %arg7[%swap3A_73, %swap3A_74] {strides = array<i32>} : memref<4x128xf32, #tpu.memory_space<vmem>>, vector<1x16xf32>,
      %swap3A_76 = vector.shape_cast %swap3A_75 : vector<1x16xf32> to vector<16xf32>
      %swap3A_77 = vector.shape_cast %scan3A_35#6 : vector<16xf32> to vector<1x16xf32>
      tpu.vector_store %arg7[%swap3A_73, %swap3A_74], %swap3A_77 {strides = array<i32>} : memref<4x128xf32, #tpu.memory_space<vmem>>, vector<1x16xf32>,
      %swap3A_78 = arith.constant 0 : i32
      %swap3A_79 = arith.index_cast %swap3A_78 : i32 to index
      %swap3A_80 = arith.constant 112 : index
      %swap3A_81 = tpu.vector_load %arg7[%swap3A_79, %swap3A_80] {strides = array<i32>} : memref<4x128xf32, #tpu.memory_space<vmem>>, vector<1x16xf32>,
      %swap3A_82 = vector.shape_cast %swap3A_81 : vector<1x16xf32> to vector<16xf32>
      %swap3A_83 = vector.shape_cast %scan3A_35#7 : vector<16xf32> to vector<1x16xf32>
      tpu.vector_store %arg7[%swap3A_79, %swap3A_80], %swap3A_83 {strides = array<i32>} : memref<4x128xf32, #tpu.memory_space<vmem>>, vector<1x16xf32>,
      %broadcast_in_dim3A_84 = arith.constant 0.000000e+00 : f32
      %broadcast_in_dim3A_85 = vector.broadcast %broadcast_in_dim3A_84 : f32 to vector<16xf32>
      %broadcast_in_dim3A_86 = arith.constant 0.000000e+00 : f32
      %broadcast_in_dim3A_87 = vector.broadcast %broadcast_in_dim3A_86 : f32 to vector<16xf32>
      %broadcast_in_dim3A_88 = arith.constant 0.000000e+00 : f32
      %broadcast_in_dim3A_89 = vector.broadcast %broadcast_in_dim3A_88 : f32 to vector<16xf32>
      %broadcast_in_dim3A_90 = arith.constant 0.000000e+00 : f32
      %broadcast_in_dim3A_91 = vector.broadcast %broadcast_in_dim3A_90 : f32 to vector<16xf32>
      %broadcast_in_dim3A_92 = arith.constant 0.000000e+00 : f32
      %broadcast_in_dim3A_93 = vector.broadcast %broadcast_in_dim3A_92 : f32 to vector<16xf32>
      %broadcast_in_dim3A_94 = arith.constant 0.000000e+00 : f32
      %broadcast_in_dim3A_95 = vector.broadcast %broadcast_in_dim3A_94 : f32 to vector<16xf32>
      %broadcast_in_dim3A_96 = arith.constant 0.000000e+00 : f32
      %broadcast_in_dim3A_97 = vector.broadcast %broadcast_in_dim3A_96 : f32 to vector<16xf32>
      %broadcast_in_dim3A_98 = arith.constant 0.000000e+00 : f32
      %broadcast_in_dim3A_99 = vector.broadcast %broadcast_in_dim3A_98 : f32 to vector<16xf32>
      %scan3A_100 = arith.constant 0 : i32
      %scan3A_101 = arith.constant 32 : i32
      %scan3A_102 = arith.addi %scan3A_100, %scan3A_101 : i32
      %scan3A_103 = arith.constant 1 : i32
      %scan3A_104:8 = scf.for %scan3A_299 = %scan3A_100 to %scan3A_102 step %scan3A_103 iter_args(%scan3A_300 = %broadcast_in_dim3A_85, %scan3A_301 = %broadcast_in_dim3A_87, %scan3A_302 = %broadcast_in_dim3A_89, %scan3A_303 = %broadcast_in_dim3A_91, %scan3A_304 = %broadcast_in_dim3A_93, %scan3A_305 = %broadcast_in_dim3A_95, %scan3A_306 = %broadcast_in_dim3A_97, %scan3A_307 = %broadcast_in_dim3A_99) -> (vector<16xf32>, vector<16xf32>, vector<16xf32>, vector<16xf32>, vector<16xf32>, vector<16xf32>, vector<16xf32>, vector<16xf32>)  : i32 {
        %add3A_308 = arith.constant 32 : i32
        %add3A_309 = arith.addi %add3A_308, %scan3A_299 : i32
        %get3A = arith.index_cast %add3A_309 : i32 to index
        %get3A_310 = arith.constant 0 : index
        %get3A_311 = tpu.vector_load %arg6[%get3A, %get3A_310] {strides = array<i32>} : memref<128x128xf32, #tpu.memory_space<vmem>>, vector<1x16xf32>,
        %get3A_312 = vector.shape_cast %get3A_311 : vector<1x16xf32> to vector<16xf32>
        %max3A = arith.constant 0.000000e+00 : f32
        %max3A_313 = vector.broadcast %max3A : f32 to vector<16xf32>
        %max3A_314 = arith.maximumf %get3A_312, %max3A_313 : vector<16xf32>
        %add3A_315 = arith.addf %scan3A_300, %max3A_314 : vector<16xf32>
        %get3A_316 = arith.index_cast %add3A_309 : i32 to index
        %get3A_317 = arith.constant 16 : index
        %get3A_318 = tpu.vector_load %arg6[%get3A_316, %get3A_317] {strides = array<i32>} : memref<128x128xf32, #tpu.memory_space<vmem>>, vector<1x16xf32>,
        %get3A_319 = vector.shape_cast %get3A_318 : vector<1x16xf32> to vector<16xf32>
        %max3A_320 = arith.constant 0.000000e+00 : f32
        %max3A_321 = vector.broadcast %max3A_320 : f32 to vector<16xf32>
        %max3A_322 = arith.maximumf %get3A_319, %max3A_321 : vector<16xf32>
        %add3A_323 = arith.addf %scan3A_301, %max3A_322 : vector<16xf32>
        %get3A_324 = arith.index_cast %add3A_309 : i32 to index
        %get3A_325 = arith.constant 32 : index
        %get3A_326 = tpu.vector_load %arg6[%get3A_324, %get3A_325] {strides = array<i32>} : memref<128x128xf32, #tpu.memory_space<vmem>>, vector<1x16xf32>,
        %get3A_327 = vector.shape_cast %get3A_326 : vector<1x16xf32> to vector<16xf32>
        %max3A_328 = arith.constant 0.000000e+00 : f32
        %max3A_329 = vector.broadcast %max3A_328 : f32 to vector<16xf32>
        %max3A_330 = arith.maximumf %get3A_327, %max3A_329 : vector<16xf32>
        %add3A_331 = arith.addf %scan3A_302, %max3A_330 : vector<16xf32>
        %get3A_332 = arith.index_cast %add3A_309 : i32 to index
        %get3A_333 = arith.constant 48 : index
        %get3A_334 = tpu.vector_load %arg6[%get3A_332, %get3A_333] {strides = array<i32>} : memref<128x128xf32, #tpu.memory_space<vmem>>, vector<1x16xf32>,
        %get3A_335 = vector.shape_cast %get3A_334 : vector<1x16xf32> to vector<16xf32>
        %max3A_336 = arith.constant 0.000000e+00 : f32
        %max3A_337 = vector.broadcast %max3A_336 : f32 to vector<16xf32>
        %max3A_338 = arith.maximumf %get3A_335, %max3A_337 : vector<16xf32>
        %add3A_339 = arith.addf %scan3A_303, %max3A_338 : vector<16xf32>
        %get3A_340 = arith.index_cast %add3A_309 : i32 to index
        %get3A_341 = arith.constant 64 : index
        %get3A_342 = tpu.vector_load %arg6[%get3A_340, %get3A_341] {strides = array<i32>} : memref<128x128xf32, #tpu.memory_space<vmem>>, vector<1x16xf32>,
        %get3A_343 = vector.shape_cast %get3A_342 : vector<1x16xf32> to vector<16xf32>
        %max3A_344 = arith.constant 0.000000e+00 : f32
        %max3A_345 = vector.broadcast %max3A_344 : f32 to vector<16xf32>
        %max3A_346 = arith.maximumf %get3A_343, %max3A_345 : vector<16xf32>
        %add3A_347 = arith.addf %scan3A_304, %max3A_346 : vector<16xf32>
        %get3A_348 = arith.index_cast %add3A_309 : i32 to index
        %get3A_349 = arith.constant 80 : index
        %get3A_350 = tpu.vector_load %arg6[%get3A_348, %get3A_349] {strides = array<i32>} : memref<128x128xf32, #tpu.memory_space<vmem>>, vector<1x16xf32>,
        %get3A_351 = vector.shape_cast %get3A_350 : vector<1x16xf32> to vector<16xf32>
        %max3A_352 = arith.constant 0.000000e+00 : f32
        %max3A_353 = vector.broadcast %max3A_352 : f32 to vector<16xf32>
        %max3A_354 = arith.maximumf %get3A_351, %max3A_353 : vector<16xf32>
        %add3A_355 = arith.addf %scan3A_305, %max3A_354 : vector<16xf32>
        %get3A_356 = arith.index_cast %add3A_309 : i32 to index
        %get3A_357 = arith.constant 96 : index
        %get3A_358 = tpu.vector_load %arg6[%get3A_356, %get3A_357] {strides = array<i32>} : memref<128x128xf32, #tpu.memory_space<vmem>>, vector<1x16xf32>,
        %get3A_359 = vector.shape_cast %get3A_358 : vector<1x16xf32> to vector<16xf32>
        %max3A_360 = arith.constant 0.000000e+00 : f32
        %max3A_361 = vector.broadcast %max3A_360 : f32 to vector<16xf32>
        %max3A_362 = arith.maximumf %get3A_359, %max3A_361 : vector<16xf32>
        %add3A_363 = arith.addf %scan3A_306, %max3A_362 : vector<16xf32>
        %get3A_364 = arith.index_cast %add3A_309 : i32 to index
        %get3A_365 = arith.constant 112 : index
        %get3A_366 = tpu.vector_load %arg6[%get3A_364, %get3A_365] {strides = array<i32>} : memref<128x128xf32, #tpu.memory_space<vmem>>, vector<1x16xf32>,
        %get3A_367 = vector.shape_cast %get3A_366 : vector<1x16xf32> to vector<16xf32>
        %max3A_368 = arith.constant 0.000000e+00 : f32
        %max3A_369 = vector.broadcast %max3A_368 : f32 to vector<16xf32>
        %max3A_370 = arith.maximumf %get3A_367, %max3A_369 : vector<16xf32>
        %add3A_371 = arith.addf %scan3A_307, %max3A_370 : vector<16xf32>
        scf.yield %add3A_315, %add3A_323, %add3A_331, %add3A_339, %add3A_347, %add3A_355, %add3A_363, %add3A_371 : vector<16xf32>, vector<16xf32>, vector<16xf32>, vector<16xf32>, vector<16xf32>, vector<16xf32>, vector<16xf32>, vector<16xf32>
      }
      %scan3A_105 = arith.constant 32 : i32
      %swap3A_106 = arith.constant 1 : i32
      %swap3A_107 = arith.index_cast %swap3A_106 : i32 to index
      %swap3A_108 = arith.constant 0 : index
      %swap3A_109 = tpu.vector_load %arg7[%swap3A_107, %swap3A_108] {strides = array<i32>} : memref<4x128xf32, #tpu.memory_space<vmem>>, vector<1x16xf32>,
      %swap3A_110 = vector.shape_cast %swap3A_109 : vector<1x16xf32> to vector<16xf32>
      %swap3A_111 = vector.shape_cast %scan3A_104#0 : vector<16xf32> to vector<1x16xf32>
      tpu.vector_store %arg7[%swap3A_107, %swap3A_108], %swap3A_111 {strides = array<i32>} : memref<4x128xf32, #tpu.memory_space<vmem>>, vector<1x16xf32>,
      %swap3A_112 = arith.constant 1 : i32
      %swap3A_113 = arith.index_cast %swap3A_112 : i32 to index
      %swap3A_114 = arith.constant 16 : index
      %swap3A_115 = tpu.vector_load %arg7[%swap3A_113, %swap3A_114] {strides = array<i32>} : memref<4x128xf32, #tpu.memory_space<vmem>>, vector<1x16xf32>,
      %swap3A_116 = vector.shape_cast %swap3A_115 : vector<1x16xf32> to vector<16xf32>
      %swap3A_117 = vector.shape_cast %scan3A_104#1 : vector<16xf32> to vector<1x16xf32>
      tpu.vector_store %arg7[%swap3A_113, %swap3A_114], %swap3A_117 {strides = array<i32>} : memref<4x128xf32, #tpu.memory_space<vmem>>, vector<1x16xf32>,
      %swap3A_118 = arith.constant 1 : i32
      %swap3A_119 = arith.index_cast %swap3A_118 : i32 to index
      %swap3A_120 = arith.constant 32 : index
      %swap3A_121 = tpu.vector_load %arg7[%swap3A_119, %swap3A_120] {strides = array<i32>} : memref<4x128xf32, #tpu.memory_space<vmem>>, vector<1x16xf32>,
      %swap3A_122 = vector.shape_cast %swap3A_121 : vector<1x16xf32> to vector<16xf32>
      %swap3A_123 = vector.shape_cast %scan3A_104#2 : vector<16xf32> to vector<1x16xf32>
      tpu.vector_store %arg7[%swap3A_119, %swap3A_120], %swap3A_123 {strides = array<i32>} : memref<4x128xf32, #tpu.memory_space<vmem>>, vector<1x16xf32>,
      %swap3A_124 = arith.constant 1 : i32
      %swap3A_125 = arith.index_cast %swap3A_124 : i32 to index
      %swap3A_126 = arith.constant 48 : index
      %swap3A_127 = tpu.vector_load %arg7[%swap3A_125, %swap3A_126] {strides = array<i32>} : memref<4x128xf32, #tpu.memory_space<vmem>>, vector<1x16xf32>,
      %swap3A_128 = vector.shape_cast %swap3A_127 : vector<1x16xf32> to vector<16xf32>
      %swap3A_129 = vector.shape_cast %scan3A_104#3 : vector<16xf32> to vector<1x16xf32>
      tpu.vector_store %arg7[%swap3A_125, %swap3A_126], %swap3A_129 {strides = array<i32>} : memref<4x128xf32, #tpu.memory_space<vmem>>, vector<1x16xf32>,
      %swap3A_130 = arith.constant 1 : i32
      %swap3A_131 = arith.index_cast %swap3A_130 : i32 to index
      %swap3A_132 = arith.constant 64 : index
      %swap3A_133 = tpu.vector_load %arg7[%swap3A_131, %swap3A_132] {strides = array<i32>} : memref<4x128xf32, #tpu.memory_space<vmem>>, vector<1x16xf32>,
      %swap3A_134 = vector.shape_cast %swap3A_133 : vector<1x16xf32> to vector<16xf32>
      %swap3A_135 = vector.shape_cast %scan3A_104#4 : vector<16xf32> to vector<1x16xf32>
      tpu.vector_store %arg7[%swap3A_131, %swap3A_132], %swap3A_135 {strides = array<i32>} : memref<4x128xf32, #tpu.memory_space<vmem>>, vector<1x16xf32>,
      %swap3A_136 = arith.constant 1 : i32
      %swap3A_137 = arith.index_cast %swap3A_136 : i32 to index
      %swap3A_138 = arith.constant 80 : index
      %swap3A_139 = tpu.vector_load %arg7[%swap3A_137, %swap3A_138] {strides = array<i32>} : memref<4x128xf32, #tpu.memory_space<vmem>>, vector<1x16xf32>,
      %swap3A_140 = vector.shape_cast %swap3A_139 : vector<1x16xf32> to vector<16xf32>
      %swap3A_141 = vector.shape_cast %scan3A_104#5 : vector<16xf32> to vector<1x16xf32>
      tpu.vector_store %arg7[%swap3A_137, %swap3A_138], %swap3A_141 {strides = array<i32>} : memref<4x128xf32, #tpu.memory_space<vmem>>, vector<1x16xf32>,
      %swap3A_142 = arith.constant 1 : i32
      %swap3A_143 = arith.index_cast %swap3A_142 : i32 to index
      %swap3A_144 = arith.constant 96 : index
      %swap3A_145 = tpu.vector_load %arg7[%swap3A_143, %swap3A_144] {strides = array<i32>} : memref<4x128xf32, #tpu.memory_space<vmem>>, vector<1x16xf32>,
      %swap3A_146 = vector.shape_cast %swap3A_145 : vector<1x16xf32> to vector<16xf32>
      %swap3A_147 = vector.shape_cast %scan3A_104#6 : vector<16xf32> to vector<1x16xf32>
      tpu.vector_store %arg7[%swap3A_143, %swap3A_144], %swap3A_147 {strides = array<i32>} : memref<4x128xf32, #tpu.memory_space<vmem>>, vector<1x16xf32>,
      %swap3A_148 = arith.constant 1 : i32
      %swap3A_149 = arith.index_cast %swap3A_148 : i32 to index
      %swap3A_150 = arith.constant 112 : index
      %swap3A_151 = tpu.vector_load %arg7[%swap3A_149, %swap3A_150] {strides = array<i32>} : memref<4x128xf32, #tpu.memory_space<vmem>>, vector<1x16xf32>,
      %swap3A_152 = vector.shape_cast %swap3A_151 : vector<1x16xf32> to vector<16xf32>
      %swap3A_153 = vector.shape_cast %scan3A_104#7 : vector<16xf32> to vector<1x16xf32>
      tpu.vector_store %arg7[%swap3A_149, %swap3A_150], %swap3A_153 {strides = array<i32>} : memref<4x128xf32, #tpu.memory_space<vmem>>, vector<1x16xf32>,
      %broadcast_in_dim3A_154 = arith.constant 0.000000e+00 : f32
      %broadcast_in_dim3A_155 = vector.broadcast %broadcast_in_dim3A_154 : f32 to vector<16xf32>
      %broadcast_in_dim3A_156 = arith.constant 0.000000e+00 : f32
      %broadcast_in_dim3A_157 = vector.broadcast %broadcast_in_dim3A_156 : f32 to vector<16xf32>
      %broadcast_in_dim3A_158 = arith.constant 0.000000e+00 : f32
      %broadcast_in_dim3A_159 = vector.broadcast %broadcast_in_dim3A_158 : f32 to vector<16xf32>
      %broadcast_in_dim3A_160 = arith.constant 0.000000e+00 : f32
      %broadcast_in_dim3A_161 = vector.broadcast %broadcast_in_dim3A_160 : f32 to vector<16xf32>
      %broadcast_in_dim3A_162 = arith.constant 0.000000e+00 : f32
      %broadcast_in_dim3A_163 = vector.broadcast %broadcast_in_dim3A_162 : f32 to vector<16xf32>
      %broadcast_in_dim3A_164 = arith.constant 0.000000e+00 : f32
      %broadcast_in_dim3A_165 = vector.broadcast %broadcast_in_dim3A_164 : f32 to vector<16xf32>
      %broadcast_in_dim3A_166 = arith.constant 0.000000e+00 : f32
      %broadcast_in_dim3A_167 = vector.broadcast %broadcast_in_dim3A_166 : f32 to vector<16xf32>
      %broadcast_in_dim3A_168 = arith.constant 0.000000e+00 : f32
      %broadcast_in_dim3A_169 = vector.broadcast %broadcast_in_dim3A_168 : f32 to vector<16xf32>
      %scan3A_170 = arith.constant 0 : i32
      %scan3A_171 = arith.constant 32 : i32
      %scan3A_172 = arith.addi %scan3A_170, %scan3A_171 : i32
      %scan3A_173 = arith.constant 1 : i32
      %scan3A_174:8 = scf.for %scan3A_299 = %scan3A_170 to %scan3A_172 step %scan3A_173 iter_args(%scan3A_300 = %broadcast_in_dim3A_155, %scan3A_301 = %broadcast_in_dim3A_157, %scan3A_302 = %broadcast_in_dim3A_159, %scan3A_303 = %broadcast_in_dim3A_161, %scan3A_304 = %broadcast_in_dim3A_163, %scan3A_305 = %broadcast_in_dim3A_165, %scan3A_306 = %broadcast_in_dim3A_167, %scan3A_307 = %broadcast_in_dim3A_169) -> (vector<16xf32>, vector<16xf32>, vector<16xf32>, vector<16xf32>, vector<16xf32>, vector<16xf32>, vector<16xf32>, vector<16xf32>)  : i32 {
        %add3A_308 = arith.constant 64 : i32
        %add3A_309 = arith.addi %add3A_308, %scan3A_299 : i32
        %get3A = arith.index_cast %add3A_309 : i32 to index
        %get3A_310 = arith.constant 0 : index
        %get3A_311 = tpu.vector_load %arg6[%get3A, %get3A_310] {strides = array<i32>} : memref<128x128xf32, #tpu.memory_space<vmem>>, vector<1x16xf32>,
        %get3A_312 = vector.shape_cast %get3A_311 : vector<1x16xf32> to vector<16xf32>
        %max3A = arith.constant 0.000000e+00 : f32
        %max3A_313 = vector.broadcast %max3A : f32 to vector<16xf32>
        %max3A_314 = arith.maximumf %get3A_312, %max3A_313 : vector<16xf32>
        %add3A_315 = arith.addf %scan3A_300, %max3A_314 : vector<16xf32>
        %get3A_316 = arith.index_cast %add3A_309 : i32 to index
        %get3A_317 = arith.constant 16 : index
        %get3A_318 = tpu.vector_load %arg6[%get3A_316, %get3A_317] {strides = array<i32>} : memref<128x128xf32, #tpu.memory_space<vmem>>, vector<1x16xf32>,
        %get3A_319 = vector.shape_cast %get3A_318 : vector<1x16xf32> to vector<16xf32>
        %max3A_320 = arith.constant 0.000000e+00 : f32
        %max3A_321 = vector.broadcast %max3A_320 : f32 to vector<16xf32>
        %max3A_322 = arith.maximumf %get3A_319, %max3A_321 : vector<16xf32>
        %add3A_323 = arith.addf %scan3A_301, %max3A_322 : vector<16xf32>
        %get3A_324 = arith.index_cast %add3A_309 : i32 to index
        %get3A_325 = arith.constant 32 : index
        %get3A_326 = tpu.vector_load %arg6[%get3A_324, %get3A_325] {strides = array<i32>} : memref<128x128xf32, #tpu.memory_space<vmem>>, vector<1x16xf32>,
        %get3A_327 = vector.shape_cast %get3A_326 : vector<1x16xf32> to vector<16xf32>
        %max3A_328 = arith.constant 0.000000e+00 : f32
        %max3A_329 = vector.broadcast %max3A_328 : f32 to vector<16xf32>
        %max3A_330 = arith.maximumf %get3A_327, %max3A_329 : vector<16xf32>
        %add3A_331 = arith.addf %scan3A_302, %max3A_330 : vector<16xf32>
        %get3A_332 = arith.index_cast %add3A_309 : i32 to index
        %get3A_333 = arith.constant 48 : index
        %get3A_334 = tpu.vector_load %arg6[%get3A_332, %get3A_333] {strides = array<i32>} : memref<128x128xf32, #tpu.memory_space<vmem>>, vector<1x16xf32>,
        %get3A_335 = vector.shape_cast %get3A_334 : vector<1x16xf32> to vector<16xf32>
        %max3A_336 = arith.constant 0.000000e+00 : f32
        %max3A_337 = vector.broadcast %max3A_336 : f32 to vector<16xf32>
        %max3A_338 = arith.maximumf %get3A_335, %max3A_337 : vector<16xf32>
        %add3A_339 = arith.addf %scan3A_303, %max3A_338 : vector<16xf32>
        %get3A_340 = arith.index_cast %add3A_309 : i32 to index
        %get3A_341 = arith.constant 64 : index
        %get3A_342 = tpu.vector_load %arg6[%get3A_340, %get3A_341] {strides = array<i32>} : memref<128x128xf32, #tpu.memory_space<vmem>>, vector<1x16xf32>,
        %get3A_343 = vector.shape_cast %get3A_342 : vector<1x16xf32> to vector<16xf32>
        %max3A_344 = arith.constant 0.000000e+00 : f32
        %max3A_345 = vector.broadcast %max3A_344 : f32 to vector<16xf32>
        %max3A_346 = arith.maximumf %get3A_343, %max3A_345 : vector<16xf32>
        %add3A_347 = arith.addf %scan3A_304, %max3A_346 : vector<16xf32>
        %get3A_348 = arith.index_cast %add3A_309 : i32 to index
        %get3A_349 = arith.constant 80 : index
        %get3A_350 = tpu.vector_load %arg6[%get3A_348, %get3A_349] {strides = array<i32>} : memref<128x128xf32, #tpu.memory_space<vmem>>, vector<1x16xf32>,
        %get3A_351 = vector.shape_cast %get3A_350 : vector<1x16xf32> to vector<16xf32>
        %max3A_352 = arith.constant 0.000000e+00 : f32
        %max3A_353 = vector.broadcast %max3A_352 : f32 to vector<16xf32>
        %max3A_354 = arith.maximumf %get3A_351, %max3A_353 : vector<16xf32>
        %add3A_355 = arith.addf %scan3A_305, %max3A_354 : vector<16xf32>
        %get3A_356 = arith.index_cast %add3A_309 : i32 to index
        %get3A_357 = arith.constant 96 : index
        %get3A_358 = tpu.vector_load %arg6[%get3A_356, %get3A_357] {strides = array<i32>} : memref<128x128xf32, #tpu.memory_space<vmem>>, vector<1x16xf32>,
        %get3A_359 = vector.shape_cast %get3A_358 : vector<1x16xf32> to vector<16xf32>
        %max3A_360 = arith.constant 0.000000e+00 : f32
        %max3A_361 = vector.broadcast %max3A_360 : f32 to vector<16xf32>
        %max3A_362 = arith.maximumf %get3A_359, %max3A_361 : vector<16xf32>
        %add3A_363 = arith.addf %scan3A_306, %max3A_362 : vector<16xf32>
        %get3A_364 = arith.index_cast %add3A_309 : i32 to index
        %get3A_365 = arith.constant 112 : index
        %get3A_366 = tpu.vector_load %arg6[%get3A_364, %get3A_365] {strides = array<i32>} : memref<128x128xf32, #tpu.memory_space<vmem>>, vector<1x16xf32>,
        %get3A_367 = vector.shape_cast %get3A_366 : vector<1x16xf32> to vector<16xf32>
        %max3A_368 = arith.constant 0.000000e+00 : f32
        %max3A_369 = vector.broadcast %max3A_368 : f32 to vector<16xf32>
        %max3A_370 = arith.maximumf %get3A_367, %max3A_369 : vector<16xf32>
        %add3A_371 = arith.addf %scan3A_307, %max3A_370 : vector<16xf32>
        scf.yield %add3A_315, %add3A_323, %add3A_331, %add3A_339, %add3A_347, %add3A_355, %add3A_363, %add3A_371 : vector<16xf32>, vector<16xf32>, vector<16xf32>, vector<16xf32>, vector<16xf32>, vector<16xf32>, vector<16xf32>, vector<16xf32>
      }
      %scan3A_175 = arith.constant 32 : i32
      %swap3A_176 = arith.constant 2 : i32
      %swap3A_177 = arith.index_cast %swap3A_176 : i32 to index
      %swap3A_178 = arith.constant 0 : index
      %swap3A_179 = tpu.vector_load %arg7[%swap3A_177, %swap3A_178] {strides = array<i32>} : memref<4x128xf32, #tpu.memory_space<vmem>>, vector<1x16xf32>,
      %swap3A_180 = vector.shape_cast %swap3A_179 : vector<1x16xf32> to vector<16xf32>
      %swap3A_181 = vector.shape_cast %scan3A_174#0 : vector<16xf32> to vector<1x16xf32>
      tpu.vector_store %arg7[%swap3A_177, %swap3A_178], %swap3A_181 {strides = array<i32>} : memref<4x128xf32, #tpu.memory_space<vmem>>, vector<1x16xf32>,
      %swap3A_182 = arith.constant 2 : i32
      %swap3A_183 = arith.index_cast %swap3A_182 : i32 to index
      %swap3A_184 = arith.constant 16 : index
      %swap3A_185 = tpu.vector_load %arg7[%swap3A_183, %swap3A_184] {strides = array<i32>} : memref<4x128xf32, #tpu.memory_space<vmem>>, vector<1x16xf32>,
      %swap3A_186 = vector.shape_cast %swap3A_185 : vector<1x16xf32> to vector<16xf32>
      %swap3A_187 = vector.shape_cast %scan3A_174#1 : vector<16xf32> to vector<1x16xf32>
      tpu.vector_store %arg7[%swap3A_183, %swap3A_184], %swap3A_187 {strides = array<i32>} : memref<4x128xf32, #tpu.memory_space<vmem>>, vector<1x16xf32>,
      %swap3A_188 = arith.constant 2 : i32
      %swap3A_189 = arith.index_cast %swap3A_188 : i32 to index
      %swap3A_190 = arith.constant 32 : index
      %swap3A_191 = tpu.vector_load %arg7[%swap3A_189, %swap3A_190] {strides = array<i32>} : memref<4x128xf32, #tpu.memory_space<vmem>>, vector<1x16xf32>,
      %swap3A_192 = vector.shape_cast %swap3A_191 : vector<1x16xf32> to vector<16xf32>
      %swap3A_193 = vector.shape_cast %scan3A_174#2 : vector<16xf32> to vector<1x16xf32>
      tpu.vector_store %arg7[%swap3A_189, %swap3A_190], %swap3A_193 {strides = array<i32>} : memref<4x128xf32, #tpu.memory_space<vmem>>, vector<1x16xf32>,
      %swap3A_194 = arith.constant 2 : i32
      %swap3A_195 = arith.index_cast %swap3A_194 : i32 to index
      %swap3A_196 = arith.constant 48 : index
      %swap3A_197 = tpu.vector_load %arg7[%swap3A_195, %swap3A_196] {strides = array<i32>} : memref<4x128xf32, #tpu.memory_space<vmem>>, vector<1x16xf32>,
      %swap3A_198 = vector.shape_cast %swap3A_197 : vector<1x16xf32> to vector<16xf32>
      %swap3A_199 = vector.shape_cast %scan3A_174#3 : vector<16xf32> to vector<1x16xf32>
      tpu.vector_store %arg7[%swap3A_195, %swap3A_196], %swap3A_199 {strides = array<i32>} : memref<4x128xf32, #tpu.memory_space<vmem>>, vector<1x16xf32>,
      %swap3A_200 = arith.constant 2 : i32
      %swap3A_201 = arith.index_cast %swap3A_200 : i32 to index
      %swap3A_202 = arith.constant 64 : index
      %swap3A_203 = tpu.vector_load %arg7[%swap3A_201, %swap3A_202] {strides = array<i32>} : memref<4x128xf32, #tpu.memory_space<vmem>>, vector<1x16xf32>,
      %swap3A_204 = vector.shape_cast %swap3A_203 : vector<1x16xf32> to vector<16xf32>
      %swap3A_205 = vector.shape_cast %scan3A_174#4 : vector<16xf32> to vector<1x16xf32>
      tpu.vector_store %arg7[%swap3A_201, %swap3A_202], %swap3A_205 {strides = array<i32>} : memref<4x128xf32, #tpu.memory_space<vmem>>, vector<1x16xf32>,
      %swap3A_206 = arith.constant 2 : i32
      %swap3A_207 = arith.index_cast %swap3A_206 : i32 to index
      %swap3A_208 = arith.constant 80 : index
      %swap3A_209 = tpu.vector_load %arg7[%swap3A_207, %swap3A_208] {strides = array<i32>} : memref<4x128xf32, #tpu.memory_space<vmem>>, vector<1x16xf32>,
      %swap3A_210 = vector.shape_cast %swap3A_209 : vector<1x16xf32> to vector<16xf32>
      %swap3A_211 = vector.shape_cast %scan3A_174#5 : vector<16xf32> to vector<1x16xf32>
      tpu.vector_store %arg7[%swap3A_207, %swap3A_208], %swap3A_211 {strides = array<i32>} : memref<4x128xf32, #tpu.memory_space<vmem>>, vector<1x16xf32>,
      %swap3A_212 = arith.constant 2 : i32
      %swap3A_213 = arith.index_cast %swap3A_212 : i32 to index
      %swap3A_214 = arith.constant 96 : index
      %swap3A_215 = tpu.vector_load %arg7[%swap3A_213, %swap3A_214] {strides = array<i32>} : memref<4x128xf32, #tpu.memory_space<vmem>>, vector<1x16xf32>,
      %swap3A_216 = vector.shape_cast %swap3A_215 : vector<1x16xf32> to vector<16xf32>
      %swap3A_217 = vector.shape_cast %scan3A_174#6 : vector<16xf32> to vector<1x16xf32>
      tpu.vector_store %arg7[%swap3A_213, %swap3A_214], %swap3A_217 {strides = array<i32>} : memref<4x128xf32, #tpu.memory_space<vmem>>, vector<1x16xf32>,
      %swap3A_218 = arith.constant 2 : i32
      %swap3A_219 = arith.index_cast %swap3A_218 : i32 to index
      %swap3A_220 = arith.constant 112 : index
      %swap3A_221 = tpu.vector_load %arg7[%swap3A_219, %swap3A_220] {strides = array<i32>} : memref<4x128xf32, #tpu.memory_space<vmem>>, vector<1x16xf32>,
      %swap3A_222 = vector.shape_cast %swap3A_221 : vector<1x16xf32> to vector<16xf32>
      %swap3A_223 = vector.shape_cast %scan3A_174#7 : vector<16xf32> to vector<1x16xf32>
      tpu.vector_store %arg7[%swap3A_219, %swap3A_220], %swap3A_223 {strides = array<i32>} : memref<4x128xf32, #tpu.memory_space<vmem>>, vector<1x16xf32>,
      %broadcast_in_dim3A_224 = arith.constant 0.000000e+00 : f32
      %broadcast_in_dim3A_225 = vector.broadcast %broadcast_in_dim3A_224 : f32 to vector<16xf32>
      %broadcast_in_dim3A_226 = arith.constant 0.000000e+00 : f32
      %broadcast_in_dim3A_227 = vector.broadcast %broadcast_in_dim3A_226 : f32 to vector<16xf32>
      %broadcast_in_dim3A_228 = arith.constant 0.000000e+00 : f32
      %broadcast_in_dim3A_229 = vector.broadcast %broadcast_in_dim3A_228 : f32 to vector<16xf32>
      %broadcast_in_dim3A_230 = arith.constant 0.000000e+00 : f32
      %broadcast_in_dim3A_231 = vector.broadcast %broadcast_in_dim3A_230 : f32 to vector<16xf32>
      %broadcast_in_dim3A_232 = arith.constant 0.000000e+00 : f32
      %broadcast_in_dim3A_233 = vector.broadcast %broadcast_in_dim3A_232 : f32 to vector<16xf32>
      %broadcast_in_dim3A_234 = arith.constant 0.000000e+00 : f32
      %broadcast_in_dim3A_235 = vector.broadcast %broadcast_in_dim3A_234 : f32 to vector<16xf32>
      %broadcast_in_dim3A_236 = arith.constant 0.000000e+00 : f32
      %broadcast_in_dim3A_237 = vector.broadcast %broadcast_in_dim3A_236 : f32 to vector<16xf32>
      %broadcast_in_dim3A_238 = arith.constant 0.000000e+00 : f32
      %broadcast_in_dim3A_239 = vector.broadcast %broadcast_in_dim3A_238 : f32 to vector<16xf32>
      %scan3A_240 = arith.constant 0 : i32
      %scan3A_241 = arith.constant 32 : i32
      %scan3A_242 = arith.addi %scan3A_240, %scan3A_241 : i32
      %scan3A_243 = arith.constant 1 : i32
      %scan3A_244:8 = scf.for %scan3A_299 = %scan3A_240 to %scan3A_242 step %scan3A_243 iter_args(%scan3A_300 = %broadcast_in_dim3A_225, %scan3A_301 = %broadcast_in_dim3A_227, %scan3A_302 = %broadcast_in_dim3A_229, %scan3A_303 = %broadcast_in_dim3A_231, %scan3A_304 = %broadcast_in_dim3A_233, %scan3A_305 = %broadcast_in_dim3A_235, %scan3A_306 = %broadcast_in_dim3A_237, %scan3A_307 = %broadcast_in_dim3A_239) -> (vector<16xf32>, vector<16xf32>, vector<16xf32>, vector<16xf32>, vector<16xf32>, vector<16xf32>, vector<16xf32>, vector<16xf32>)  : i32 {
        %add3A_308 = arith.constant 96 : i32
        %add3A_309 = arith.addi %add3A_308, %scan3A_299 : i32
        %get3A = arith.index_cast %add3A_309 : i32 to index
        %get3A_310 = arith.constant 0 : index
        %get3A_311 = tpu.vector_load %arg6[%get3A, %get3A_310] {strides = array<i32>} : memref<128x128xf32, #tpu.memory_space<vmem>>, vector<1x16xf32>,
        %get3A_312 = vector.shape_cast %get3A_311 : vector<1x16xf32> to vector<16xf32>
        %max3A = arith.constant 0.000000e+00 : f32
        %max3A_313 = vector.broadcast %max3A : f32 to vector<16xf32>
        %max3A_314 = arith.maximumf %get3A_312, %max3A_313 : vector<16xf32>
        %add3A_315 = arith.addf %scan3A_300, %max3A_314 : vector<16xf32>
        %get3A_316 = arith.index_cast %add3A_309 : i32 to index
        %get3A_317 = arith.constant 16 : index
        %get3A_318 = tpu.vector_load %arg6[%get3A_316, %get3A_317] {strides = array<i32>} : memref<128x128xf32, #tpu.memory_space<vmem>>, vector<1x16xf32>,
        %get3A_319 = vector.shape_cast %get3A_318 : vector<1x16xf32> to vector<16xf32>
        %max3A_320 = arith.constant 0.000000e+00 : f32
        %max3A_321 = vector.broadcast %max3A_320 : f32 to vector<16xf32>
        %max3A_322 = arith.maximumf %get3A_319, %max3A_321 : vector<16xf32>
        %add3A_323 = arith.addf %scan3A_301, %max3A_322 : vector<16xf32>
        %get3A_324 = arith.index_cast %add3A_309 : i32 to index
        %get3A_325 = arith.constant 32 : index
        %get3A_326 = tpu.vector_load %arg6[%get3A_324, %get3A_325] {strides = array<i32>} : memref<128x128xf32, #tpu.memory_space<vmem>>, vector<1x16xf32>,
        %get3A_327 = vector.shape_cast %get3A_326 : vector<1x16xf32> to vector<16xf32>
        %max3A_328 = arith.constant 0.000000e+00 : f32
        %max3A_329 = vector.broadcast %max3A_328 : f32 to vector<16xf32>
        %max3A_330 = arith.maximumf %get3A_327, %max3A_329 : vector<16xf32>
        %add3A_331 = arith.addf %scan3A_302, %max3A_330 : vector<16xf32>
        %get3A_332 = arith.index_cast %add3A_309 : i32 to index
        %get3A_333 = arith.constant 48 : index
        %get3A_334 = tpu.vector_load %arg6[%get3A_332, %get3A_333] {strides = array<i32>} : memref<128x128xf32, #tpu.memory_space<vmem>>, vector<1x16xf32>,
        %get3A_335 = vector.shape_cast %get3A_334 : vector<1x16xf32> to vector<16xf32>
        %max3A_336 = arith.constant 0.000000e+00 : f32
        %max3A_337 = vector.broadcast %max3A_336 : f32 to vector<16xf32>
        %max3A_338 = arith.maximumf %get3A_335, %max3A_337 : vector<16xf32>
        %add3A_339 = arith.addf %scan3A_303, %max3A_338 : vector<16xf32>
        %get3A_340 = arith.index_cast %add3A_309 : i32 to index
        %get3A_341 = arith.constant 64 : index
        %get3A_342 = tpu.vector_load %arg6[%get3A_340, %get3A_341] {strides = array<i32>} : memref<128x128xf32, #tpu.memory_space<vmem>>, vector<1x16xf32>,
        %get3A_343 = vector.shape_cast %get3A_342 : vector<1x16xf32> to vector<16xf32>
        %max3A_344 = arith.constant 0.000000e+00 : f32
        %max3A_345 = vector.broadcast %max3A_344 : f32 to vector<16xf32>
        %max3A_346 = arith.maximumf %get3A_343, %max3A_345 : vector<16xf32>
        %add3A_347 = arith.addf %scan3A_304, %max3A_346 : vector<16xf32>
        %get3A_348 = arith.index_cast %add3A_309 : i32 to index
        %get3A_349 = arith.constant 80 : index
        %get3A_350 = tpu.vector_load %arg6[%get3A_348, %get3A_349] {strides = array<i32>} : memref<128x128xf32, #tpu.memory_space<vmem>>, vector<1x16xf32>,
        %get3A_351 = vector.shape_cast %get3A_350 : vector<1x16xf32> to vector<16xf32>
        %max3A_352 = arith.constant 0.000000e+00 : f32
        %max3A_353 = vector.broadcast %max3A_352 : f32 to vector<16xf32>
        %max3A_354 = arith.maximumf %get3A_351, %max3A_353 : vector<16xf32>
        %add3A_355 = arith.addf %scan3A_305, %max3A_354 : vector<16xf32>
        %get3A_356 = arith.index_cast %add3A_309 : i32 to index
        %get3A_357 = arith.constant 96 : index
        %get3A_358 = tpu.vector_load %arg6[%get3A_356, %get3A_357] {strides = array<i32>} : memref<128x128xf32, #tpu.memory_space<vmem>>, vector<1x16xf32>,
        %get3A_359 = vector.shape_cast %get3A_358 : vector<1x16xf32> to vector<16xf32>
        %max3A_360 = arith.constant 0.000000e+00 : f32
        %max3A_361 = vector.broadcast %max3A_360 : f32 to vector<16xf32>
        %max3A_362 = arith.maximumf %get3A_359, %max3A_361 : vector<16xf32>
        %add3A_363 = arith.addf %scan3A_306, %max3A_362 : vector<16xf32>
        %get3A_364 = arith.index_cast %add3A_309 : i32 to index
        %get3A_365 = arith.constant 112 : index
        %get3A_366 = tpu.vector_load %arg6[%get3A_364, %get3A_365] {strides = array<i32>} : memref<128x128xf32, #tpu.memory_space<vmem>>, vector<1x16xf32>,
        %get3A_367 = vector.shape_cast %get3A_366 : vector<1x16xf32> to vector<16xf32>
        %max3A_368 = arith.constant 0.000000e+00 : f32
        %max3A_369 = vector.broadcast %max3A_368 : f32 to vector<16xf32>
        %max3A_370 = arith.maximumf %get3A_367, %max3A_369 : vector<16xf32>
        %add3A_371 = arith.addf %scan3A_307, %max3A_370 : vector<16xf32>
        scf.yield %add3A_315, %add3A_323, %add3A_331, %add3A_339, %add3A_347, %add3A_355, %add3A_363, %add3A_371 : vector<16xf32>, vector<16xf32>, vector<16xf32>, vector<16xf32>, vector<16xf32>, vector<16xf32>, vector<16xf32>, vector<16xf32>
      }
      %scan3A_245 = arith.constant 32 : i32
      %swap3A_246 = arith.constant 3 : i32
      %swap3A_247 = arith.index_cast %swap3A_246 : i32 to index
      %swap3A_248 = arith.constant 0 : index
      %swap3A_249 = tpu.vector_load %arg7[%swap3A_247, %swap3A_248] {strides = array<i32>} : memref<4x128xf32, #tpu.memory_space<vmem>>, vector<1x16xf32>,
      %swap3A_250 = vector.shape_cast %swap3A_249 : vector<1x16xf32> to vector<16xf32>
      %swap3A_251 = vector.shape_cast %scan3A_244#0 : vector<16xf32> to vector<1x16xf32>
      tpu.vector_store %arg7[%swap3A_247, %swap3A_248], %swap3A_251 {strides = array<i32>} : memref<4x128xf32, #tpu.memory_space<vmem>>, vector<1x16xf32>,
      %swap3A_252 = arith.constant 3 : i32
      %swap3A_253 = arith.index_cast %swap3A_252 : i32 to index
      %swap3A_254 = arith.constant 16 : index
      %swap3A_255 = tpu.vector_load %arg7[%swap3A_253, %swap3A_254] {strides = array<i32>} : memref<4x128xf32, #tpu.memory_space<vmem>>, vector<1x16xf32>,
      %swap3A_256 = vector.shape_cast %swap3A_255 : vector<1x16xf32> to vector<16xf32>
      %swap3A_257 = vector.shape_cast %scan3A_244#1 : vector<16xf32> to vector<1x16xf32>
      tpu.vector_store %arg7[%swap3A_253, %swap3A_254], %swap3A_257 {strides = array<i32>} : memref<4x128xf32, #tpu.memory_space<vmem>>, vector<1x16xf32>,
      %swap3A_258 = arith.constant 3 : i32
      %swap3A_259 = arith.index_cast %swap3A_258 : i32 to index
      %swap3A_260 = arith.constant 32 : index
      %swap3A_261 = tpu.vector_load %arg7[%swap3A_259, %swap3A_260] {strides = array<i32>} : memref<4x128xf32, #tpu.memory_space<vmem>>, vector<1x16xf32>,
      %swap3A_262 = vector.shape_cast %swap3A_261 : vector<1x16xf32> to vector<16xf32>
      %swap3A_263 = vector.shape_cast %scan3A_244#2 : vector<16xf32> to vector<1x16xf32>
      tpu.vector_store %arg7[%swap3A_259, %swap3A_260], %swap3A_263 {strides = array<i32>} : memref<4x128xf32, #tpu.memory_space<vmem>>, vector<1x16xf32>,
      %swap3A_264 = arith.constant 3 : i32
      %swap3A_265 = arith.index_cast %swap3A_264 : i32 to index
      %swap3A_266 = arith.constant 48 : index
      %swap3A_267 = tpu.vector_load %arg7[%swap3A_265, %swap3A_266] {strides = array<i32>} : memref<4x128xf32, #tpu.memory_space<vmem>>, vector<1x16xf32>,
      %swap3A_268 = vector.shape_cast %swap3A_267 : vector<1x16xf32> to vector<16xf32>
      %swap3A_269 = vector.shape_cast %scan3A_244#3 : vector<16xf32> to vector<1x16xf32>
      tpu.vector_store %arg7[%swap3A_265, %swap3A_266], %swap3A_269 {strides = array<i32>} : memref<4x128xf32, #tpu.memory_space<vmem>>, vector<1x16xf32>,
      %swap3A_270 = arith.constant 3 : i32
      %swap3A_271 = arith.index_cast %swap3A_270 : i32 to index
      %swap3A_272 = arith.constant 64 : index
      %swap3A_273 = tpu.vector_load %arg7[%swap3A_271, %swap3A_272] {strides = array<i32>} : memref<4x128xf32, #tpu.memory_space<vmem>>, vector<1x16xf32>,
      %swap3A_274 = vector.shape_cast %swap3A_273 : vector<1x16xf32> to vector<16xf32>
      %swap3A_275 = vector.shape_cast %scan3A_244#4 : vector<16xf32> to vector<1x16xf32>
      tpu.vector_store %arg7[%swap3A_271, %swap3A_272], %swap3A_275 {strides = array<i32>} : memref<4x128xf32, #tpu.memory_space<vmem>>, vector<1x16xf32>,
      %swap3A_276 = arith.constant 3 : i32
      %swap3A_277 = arith.index_cast %swap3A_276 : i32 to index
      %swap3A_278 = arith.constant 80 : index
      %swap3A_279 = tpu.vector_load %arg7[%swap3A_277, %swap3A_278] {strides = array<i32>} : memref<4x128xf32, #tpu.memory_space<vmem>>, vector<1x16xf32>,
      %swap3A_280 = vector.shape_cast %swap3A_279 : vector<1x16xf32> to vector<16xf32>
      %swap3A_281 = vector.shape_cast %scan3A_244#5 : vector<16xf32> to vector<1x16xf32>
      tpu.vector_store %arg7[%swap3A_277, %swap3A_278], %swap3A_281 {strides = array<i32>} : memref<4x128xf32, #tpu.memory_space<vmem>>, vector<1x16xf32>,
      %swap3A_282 = arith.constant 3 : i32
      %swap3A_283 = arith.index_cast %swap3A_282 : i32 to index
      %swap3A_284 = arith.constant 96 : index
      %swap3A_285 = tpu.vector_load %arg7[%swap3A_283, %swap3A_284] {strides = array<i32>} : memref<4x128xf32, #tpu.memory_space<vmem>>, vector<1x16xf32>,
      %swap3A_286 = vector.shape_cast %swap3A_285 : vector<1x16xf32> to vector<16xf32>
      %swap3A_287 = vector.shape_cast %scan3A_244#6 : vector<16xf32> to vector<1x16xf32>
      tpu.vector_store %arg7[%swap3A_283, %swap3A_284], %swap3A_287 {strides = array<i32>} : memref<4x128xf32, #tpu.memory_space<vmem>>, vector<1x16xf32>,
      %swap3A_288 = arith.constant 3 : i32
      %swap3A_289 = arith.index_cast %swap3A_288 : i32 to index
      %swap3A_290 = arith.constant 112 : index
      %swap3A_291 = tpu.vector_load %arg7[%swap3A_289, %swap3A_290] {strides = array<i32>} : memref<4x128xf32, #tpu.memory_space<vmem>>, vector<1x16xf32>,
      %swap3A_292 = vector.shape_cast %swap3A_291 : vector<1x16xf32> to vector<16xf32>
      %swap3A_293 = vector.shape_cast %scan3A_244#7 : vector<16xf32> to vector<1x16xf32>
      tpu.vector_store %arg7[%swap3A_289, %swap3A_290], %swap3A_293 {strides = array<i32>} : memref<4x128xf32, #tpu.memory_space<vmem>>, vector<1x16xf32>,
      %mul3A_294 = arith.constant 320 : i32
      %mul3A_295 = arith.muli %add3A, %mul3A_294 : i32
      %mul3A_296 = arith.constant 4 : i32
      %mul3A_297 = arith.muli %scan3A_6, %mul3A_296 : i32
      %add3A_298 = arith.addi %mul3A_295, %mul3A_297 : i32
      "tpu.region"() ({
        %run_scoped3A = tpu.sem_alloc : memref<!tpu.dma_semaphore, #tpu.memory_space<semaphore_mem>>
        %dma_start3A_299 = arith.constant 0 : i32
        %dma_start3A_300 = tpu.memref_slice %arg4[%add3A_298, %dma_start3A_299] : memref<10240x128xf32, #tpu.memory_space<hbm>> -> memref<4x128xf32, #tpu.memory_space<hbm>>
        %dma_start3A_301 = arith.constant 0 : i32
        %dma_start3A_302 = tpu.memref_slice %arg4[%add3A_298, %dma_start3A_301] : memref<10240x128xf32, #tpu.memory_space<hbm>> -> memref<4x128xf32, #tpu.memory_space<hbm>>
        tpu.enqueue_dma source(%arg7 : memref<4x128xf32, #tpu.memory_space<vmem>>) target(%dma_start3A_302 : memref<4x128xf32, #tpu.memory_space<hbm>>) target_semaphore(%run_scoped3A : memref<!tpu.dma_semaphore, #tpu.memory_space<semaphore_mem>>)
        %dma_wait3A_303 = arith.constant 0 : i32
        %dma_wait3A_304 = tpu.memref_slice %arg4[%add3A_298, %dma_wait3A_303] : memref<10240x128xf32, #tpu.memory_space<hbm>> -> memref<4x128xf32, #tpu.memory_space<hbm>>
        %dma_wait3A_305 = arith.constant 0 : i32
        %dma_wait3A_306 = tpu.memref_slice %arg4[%add3A_298, %dma_wait3A_305] : memref<10240x128xf32, #tpu.memory_space<hbm>> -> memref<4x128xf32, #tpu.memory_space<hbm>>
        tpu.wait_dma2 semaphore(%run_scoped3A : memref<!tpu.dma_semaphore, #tpu.memory_space<semaphore_mem>>) src(%arg7 : memref<4x128xf32, #tpu.memory_space<vmem>>) dst(%dma_wait3A_306 : memref<4x128xf32, #tpu.memory_space<hbm>>)
        tpu.yield
      }) : () -> ()
    }
    %scan3A_5 = arith.constant 80 : i32
    return
  }
}

#map = affine_map<(d0, d1) -> (0, 0)>
#map1 = affine_map<(d0, d1) -> (0)>
module attributes {stable_mosaic.version = 14 : i64} {
  func.func @_sc_edge_body(%arg0: i32, %arg1: i32, %arg2: memref<320000x128xf32, #tpu.memory_space<hbm>>, %arg3: memref<10240x128xf32, #tpu.memory_space<hbm>>, %arg4: memref<320000xi32, #tpu.memory_space<hbm>>, %arg5: memref<320000xi32, #tpu.memory_space<hbm>>, %arg6: memref<320000x128xf32, #tpu.memory_space<hbm>>, %arg7: memref<80xi32, #tpu.memory_space<vmem>>, %arg8: memref<80xi32, #tpu.memory_space<vmem>>, %arg9: memref<80x128xf32, #tpu.memory_space<vmem>>, %arg10: memref<80x128xf32, #tpu.memory_space<vmem>>, %arg11: memref<80x128xf32, #tpu.memory_space<vmem>>, %arg12: memref<!tpu.dma_semaphore, #tpu.memory_space<semaphore_mem>>) attributes {dimension_semantics = [#tpu.dimension_semantics<core_parallel>, #tpu.dimension_semantics<subcore_parallel>], iteration_bounds = array<i64: 2, 16>, scalar_prefetch = 0 : i64, scratch_operands = 6 : i64, tpu.core_type = #tpu.core_type<sc_vector_subcore>, window_params = [{transform_indices = #map}, {transform_indices = #map}, {transform_indices = #map1}, {transform_indices = #map1}, {transform_indices = #map}]} {
    %mul3A = arith.constant 2 : i32
    %mul3A_0 = arith.muli %arg1, %mul3A : i32
    %add3A = arith.addi %mul3A_0, %arg0 : i32
    %scan3A = arith.constant 0 : i32
    %scan3A_1 = arith.constant 0 : i32
    %scan3A_2 = arith.constant 125 : i32
    %scan3A_3 = arith.addi %scan3A_1, %scan3A_2 : i32
    %scan3A_4 = arith.constant 1 : i32
    scf.for %scan3A_6 = %scan3A_1 to %scan3A_3 step %scan3A_4  : i32 {
      %mul3A_7 = arith.constant 10000 : i32
      %mul3A_8 = arith.muli %add3A, %mul3A_7 : i32
      %mul3A_9 = arith.constant 80 : i32
      %mul3A_10 = arith.muli %scan3A_6, %mul3A_9 : i32
      %add3A_11 = arith.addi %mul3A_8, %mul3A_10 : i32
      "tpu.region"() ({
        %run_scoped3A = tpu.sem_alloc : memref<!tpu.dma_semaphore, #tpu.memory_space<semaphore_mem>>
        %dma_start3A_28 = tpu.memref_slice %arg4[%add3A_11] : memref<320000xi32, #tpu.memory_space<hbm>> -> memref<80xi32, #tpu.memory_space<hbm>>
        %dma_start3A_29 = tpu.memref_slice %arg4[%add3A_11] : memref<320000xi32, #tpu.memory_space<hbm>> -> memref<80xi32, #tpu.memory_space<hbm>>
        tpu.enqueue_dma source(%dma_start3A_29 : memref<80xi32, #tpu.memory_space<hbm>>) target(%arg7 : memref<80xi32, #tpu.memory_space<vmem>>) target_semaphore(%run_scoped3A : memref<!tpu.dma_semaphore, #tpu.memory_space<semaphore_mem>>)
        %dma_wait3A_30 = tpu.memref_slice %arg4[%add3A_11] : memref<320000xi32, #tpu.memory_space<hbm>> -> memref<80xi32, #tpu.memory_space<hbm>>
        %dma_wait3A_31 = tpu.memref_slice %arg4[%add3A_11] : memref<320000xi32, #tpu.memory_space<hbm>> -> memref<80xi32, #tpu.memory_space<hbm>>
        tpu.wait_dma2 semaphore(%run_scoped3A : memref<!tpu.dma_semaphore, #tpu.memory_space<semaphore_mem>>) src(%dma_wait3A_31 : memref<80xi32, #tpu.memory_space<hbm>>) dst(%arg7 : memref<80xi32, #tpu.memory_space<vmem>>)
        tpu.yield
      }) : () -> ()
      "tpu.region"() ({
        %run_scoped3A = tpu.sem_alloc : memref<!tpu.dma_semaphore, #tpu.memory_space<semaphore_mem>>
        %dma_start3A_28 = tpu.memref_slice %arg5[%add3A_11] : memref<320000xi32, #tpu.memory_space<hbm>> -> memref<80xi32, #tpu.memory_space<hbm>>
        %dma_start3A_29 = tpu.memref_slice %arg5[%add3A_11] : memref<320000xi32, #tpu.memory_space<hbm>> -> memref<80xi32, #tpu.memory_space<hbm>>
        tpu.enqueue_dma source(%dma_start3A_29 : memref<80xi32, #tpu.memory_space<hbm>>) target(%arg8 : memref<80xi32, #tpu.memory_space<vmem>>) target_semaphore(%run_scoped3A : memref<!tpu.dma_semaphore, #tpu.memory_space<semaphore_mem>>)
        %dma_wait3A_30 = tpu.memref_slice %arg5[%add3A_11] : memref<320000xi32, #tpu.memory_space<hbm>> -> memref<80xi32, #tpu.memory_space<hbm>>
        %dma_wait3A_31 = tpu.memref_slice %arg5[%add3A_11] : memref<320000xi32, #tpu.memory_space<hbm>> -> memref<80xi32, #tpu.memory_space<hbm>>
        tpu.wait_dma2 semaphore(%run_scoped3A : memref<!tpu.dma_semaphore, #tpu.memory_space<semaphore_mem>>) src(%dma_wait3A_31 : memref<80xi32, #tpu.memory_space<hbm>>) dst(%arg8 : memref<80xi32, #tpu.memory_space<vmem>>)
        tpu.yield
      }) : () -> ()
      %dma_start3A = arith.constant 0 : i32
      %dma_start3A_12 = arith.constant 0 : i32
      %dma_start3A_13 = tpu.memref_slice %arg3[%dma_start3A, %dma_start3A_12] : memref<10240x128xf32, #tpu.memory_space<hbm>> -> memref<10240x128xf32, #tpu.memory_space<hbm>>
      tpu.enqueue_indirect_dma source(%dma_start3A_13 : memref<10240x128xf32, #tpu.memory_space<hbm>>) target(%arg9 : memref<80x128xf32, #tpu.memory_space<vmem>>) offsets(%arg7 : memref<80xi32, #tpu.memory_space<vmem>>) semaphore(%arg12 : memref<!tpu.dma_semaphore, #tpu.memory_space<semaphore_mem>>)
      %dma_start3A_14 = arith.constant 0 : i32
      %dma_start3A_15 = arith.constant 0 : i32
      %dma_start3A_16 = tpu.memref_slice %arg2[%dma_start3A_14, %dma_start3A_15] : memref<320000x128xf32, #tpu.memory_space<hbm>> -> memref<320000x128xf32, #tpu.memory_space<hbm>>
      tpu.enqueue_indirect_dma source(%dma_start3A_16 : memref<320000x128xf32, #tpu.memory_space<hbm>>) target(%arg10 : memref<80x128xf32, #tpu.memory_space<vmem>>) offsets(%arg8 : memref<80xi32, #tpu.memory_space<vmem>>) semaphore(%arg12 : memref<!tpu.dma_semaphore, #tpu.memory_space<semaphore_mem>>)
      %dma_wait3A = arith.constant 0 : i32
      %dma_wait3A_17 = arith.constant 0 : i32
      %dma_wait3A_18 = tpu.memref_slice %arg3[%dma_wait3A, %dma_wait3A_17] : memref<10240x128xf32, #tpu.memory_space<hbm>> -> memref<10240x128xf32, #tpu.memory_space<hbm>>
      tpu.wait_indirect_dma semaphore(%arg12 : memref<!tpu.dma_semaphore, #tpu.memory_space<semaphore_mem>>) src(%dma_wait3A_18 : memref<10240x128xf32, #tpu.memory_space<hbm>>) dst(%arg9 : memref<80x128xf32, #tpu.memory_space<vmem>>)
      %dma_wait3A_19 = arith.constant 0 : i32
      %dma_wait3A_20 = arith.constant 0 : i32
      %dma_wait3A_21 = tpu.memref_slice %arg2[%dma_wait3A_19, %dma_wait3A_20] : memref<320000x128xf32, #tpu.memory_space<hbm>> -> memref<320000x128xf32, #tpu.memory_space<hbm>>
      tpu.wait_indirect_dma semaphore(%arg12 : memref<!tpu.dma_semaphore, #tpu.memory_space<semaphore_mem>>) src(%dma_wait3A_21 : memref<320000x128xf32, #tpu.memory_space<hbm>>) dst(%arg10 : memref<80x128xf32, #tpu.memory_space<vmem>>)
      %scan3A_22 = arith.constant 0 : i32
      %scan3A_23 = arith.constant 0 : i32
      %scan3A_24 = arith.constant 80 : i32
      %scan3A_25 = arith.addi %scan3A_23, %scan3A_24 : i32
      %scan3A_26 = arith.constant 1 : i32
      scf.for %scan3A_28 = %scan3A_23 to %scan3A_25 step %scan3A_26  : i32 {
        %get3A = arith.index_cast %scan3A_28 : i32 to index
        %get3A_29 = arith.constant 0 : index
        %get3A_30 = tpu.vector_load %arg9[%get3A, %get3A_29] {strides = array<i32>} : memref<80x128xf32, #tpu.memory_space<vmem>>, vector<1x16xf32>,
        %get3A_31 = vector.shape_cast %get3A_30 : vector<1x16xf32> to vector<16xf32>
        %get3A_32 = arith.index_cast %scan3A_28 : i32 to index
        %get3A_33 = arith.constant 0 : index
        %get3A_34 = tpu.vector_load %arg10[%get3A_32, %get3A_33] {strides = array<i32>} : memref<80x128xf32, #tpu.memory_space<vmem>>, vector<1x16xf32>,
        %get3A_35 = vector.shape_cast %get3A_34 : vector<1x16xf32> to vector<16xf32>
        %max3A = arith.constant 0.000000e+00 : f32
        %max3A_36 = vector.broadcast %max3A : f32 to vector<16xf32>
        %max3A_37 = arith.maximumf %get3A_35, %max3A_36 : vector<16xf32>
        %sub3A = arith.subf %get3A_31, %max3A_37 : vector<16xf32>
        %swap3A = arith.index_cast %scan3A_28 : i32 to index
        %swap3A_38 = arith.constant 0 : index
        %swap3A_39 = tpu.vector_load %arg11[%swap3A, %swap3A_38] {strides = array<i32>} : memref<80x128xf32, #tpu.memory_space<vmem>>, vector<1x16xf32>,
        %swap3A_40 = vector.shape_cast %swap3A_39 : vector<1x16xf32> to vector<16xf32>
        %swap3A_41 = vector.shape_cast %sub3A : vector<16xf32> to vector<1x16xf32>
        tpu.vector_store %arg11[%swap3A, %swap3A_38], %swap3A_41 {strides = array<i32>} : memref<80x128xf32, #tpu.memory_space<vmem>>, vector<1x16xf32>,
        %get3A_42 = arith.index_cast %scan3A_28 : i32 to index
        %get3A_43 = arith.constant 16 : index
        %get3A_44 = tpu.vector_load %arg9[%get3A_42, %get3A_43] {strides = array<i32>} : memref<80x128xf32, #tpu.memory_space<vmem>>, vector<1x16xf32>,
        %get3A_45 = vector.shape_cast %get3A_44 : vector<1x16xf32> to vector<16xf32>
        %get3A_46 = arith.index_cast %scan3A_28 : i32 to index
        %get3A_47 = arith.constant 16 : index
        %get3A_48 = tpu.vector_load %arg10[%get3A_46, %get3A_47] {strides = array<i32>} : memref<80x128xf32, #tpu.memory_space<vmem>>, vector<1x16xf32>,
        %get3A_49 = vector.shape_cast %get3A_48 : vector<1x16xf32> to vector<16xf32>
        %max3A_50 = arith.constant 0.000000e+00 : f32
        %max3A_51 = vector.broadcast %max3A_50 : f32 to vector<16xf32>
        %max3A_52 = arith.maximumf %get3A_49, %max3A_51 : vector<16xf32>
        %sub3A_53 = arith.subf %get3A_45, %max3A_52 : vector<16xf32>
        %swap3A_54 = arith.index_cast %scan3A_28 : i32 to index
        %swap3A_55 = arith.constant 16 : index
        %swap3A_56 = tpu.vector_load %arg11[%swap3A_54, %swap3A_55] {strides = array<i32>} : memref<80x128xf32, #tpu.memory_space<vmem>>, vector<1x16xf32>,
        %swap3A_57 = vector.shape_cast %swap3A_56 : vector<1x16xf32> to vector<16xf32>
        %swap3A_58 = vector.shape_cast %sub3A_53 : vector<16xf32> to vector<1x16xf32>
        tpu.vector_store %arg11[%swap3A_54, %swap3A_55], %swap3A_58 {strides = array<i32>} : memref<80x128xf32, #tpu.memory_space<vmem>>, vector<1x16xf32>,
        %get3A_59 = arith.index_cast %scan3A_28 : i32 to index
        %get3A_60 = arith.constant 32 : index
        %get3A_61 = tpu.vector_load %arg9[%get3A_59, %get3A_60] {strides = array<i32>} : memref<80x128xf32, #tpu.memory_space<vmem>>, vector<1x16xf32>,
        %get3A_62 = vector.shape_cast %get3A_61 : vector<1x16xf32> to vector<16xf32>
        %get3A_63 = arith.index_cast %scan3A_28 : i32 to index
        %get3A_64 = arith.constant 32 : index
        %get3A_65 = tpu.vector_load %arg10[%get3A_63, %get3A_64] {strides = array<i32>} : memref<80x128xf32, #tpu.memory_space<vmem>>, vector<1x16xf32>,
        %get3A_66 = vector.shape_cast %get3A_65 : vector<1x16xf32> to vector<16xf32>
        %max3A_67 = arith.constant 0.000000e+00 : f32
        %max3A_68 = vector.broadcast %max3A_67 : f32 to vector<16xf32>
        %max3A_69 = arith.maximumf %get3A_66, %max3A_68 : vector<16xf32>
        %sub3A_70 = arith.subf %get3A_62, %max3A_69 : vector<16xf32>
        %swap3A_71 = arith.index_cast %scan3A_28 : i32 to index
        %swap3A_72 = arith.constant 32 : index
        %swap3A_73 = tpu.vector_load %arg11[%swap3A_71, %swap3A_72] {strides = array<i32>} : memref<80x128xf32, #tpu.memory_space<vmem>>, vector<1x16xf32>,
        %swap3A_74 = vector.shape_cast %swap3A_73 : vector<1x16xf32> to vector<16xf32>
        %swap3A_75 = vector.shape_cast %sub3A_70 : vector<16xf32> to vector<1x16xf32>
        tpu.vector_store %arg11[%swap3A_71, %swap3A_72], %swap3A_75 {strides = array<i32>} : memref<80x128xf32, #tpu.memory_space<vmem>>, vector<1x16xf32>,
        %get3A_76 = arith.index_cast %scan3A_28 : i32 to index
        %get3A_77 = arith.constant 48 : index
        %get3A_78 = tpu.vector_load %arg9[%get3A_76, %get3A_77] {strides = array<i32>} : memref<80x128xf32, #tpu.memory_space<vmem>>, vector<1x16xf32>,
        %get3A_79 = vector.shape_cast %get3A_78 : vector<1x16xf32> to vector<16xf32>
        %get3A_80 = arith.index_cast %scan3A_28 : i32 to index
        %get3A_81 = arith.constant 48 : index
        %get3A_82 = tpu.vector_load %arg10[%get3A_80, %get3A_81] {strides = array<i32>} : memref<80x128xf32, #tpu.memory_space<vmem>>, vector<1x16xf32>,
        %get3A_83 = vector.shape_cast %get3A_82 : vector<1x16xf32> to vector<16xf32>
        %max3A_84 = arith.constant 0.000000e+00 : f32
        %max3A_85 = vector.broadcast %max3A_84 : f32 to vector<16xf32>
        %max3A_86 = arith.maximumf %get3A_83, %max3A_85 : vector<16xf32>
        %sub3A_87 = arith.subf %get3A_79, %max3A_86 : vector<16xf32>
        %swap3A_88 = arith.index_cast %scan3A_28 : i32 to index
        %swap3A_89 = arith.constant 48 : index
        %swap3A_90 = tpu.vector_load %arg11[%swap3A_88, %swap3A_89] {strides = array<i32>} : memref<80x128xf32, #tpu.memory_space<vmem>>, vector<1x16xf32>,
        %swap3A_91 = vector.shape_cast %swap3A_90 : vector<1x16xf32> to vector<16xf32>
        %swap3A_92 = vector.shape_cast %sub3A_87 : vector<16xf32> to vector<1x16xf32>
        tpu.vector_store %arg11[%swap3A_88, %swap3A_89], %swap3A_92 {strides = array<i32>} : memref<80x128xf32, #tpu.memory_space<vmem>>, vector<1x16xf32>,
        %get3A_93 = arith.index_cast %scan3A_28 : i32 to index
        %get3A_94 = arith.constant 64 : index
        %get3A_95 = tpu.vector_load %arg9[%get3A_93, %get3A_94] {strides = array<i32>} : memref<80x128xf32, #tpu.memory_space<vmem>>, vector<1x16xf32>,
        %get3A_96 = vector.shape_cast %get3A_95 : vector<1x16xf32> to vector<16xf32>
        %get3A_97 = arith.index_cast %scan3A_28 : i32 to index
        %get3A_98 = arith.constant 64 : index
        %get3A_99 = tpu.vector_load %arg10[%get3A_97, %get3A_98] {strides = array<i32>} : memref<80x128xf32, #tpu.memory_space<vmem>>, vector<1x16xf32>,
        %get3A_100 = vector.shape_cast %get3A_99 : vector<1x16xf32> to vector<16xf32>
        %max3A_101 = arith.constant 0.000000e+00 : f32
        %max3A_102 = vector.broadcast %max3A_101 : f32 to vector<16xf32>
        %max3A_103 = arith.maximumf %get3A_100, %max3A_102 : vector<16xf32>
        %sub3A_104 = arith.subf %get3A_96, %max3A_103 : vector<16xf32>
        %swap3A_105 = arith.index_cast %scan3A_28 : i32 to index
        %swap3A_106 = arith.constant 64 : index
        %swap3A_107 = tpu.vector_load %arg11[%swap3A_105, %swap3A_106] {strides = array<i32>} : memref<80x128xf32, #tpu.memory_space<vmem>>, vector<1x16xf32>,
        %swap3A_108 = vector.shape_cast %swap3A_107 : vector<1x16xf32> to vector<16xf32>
        %swap3A_109 = vector.shape_cast %sub3A_104 : vector<16xf32> to vector<1x16xf32>
        tpu.vector_store %arg11[%swap3A_105, %swap3A_106], %swap3A_109 {strides = array<i32>} : memref<80x128xf32, #tpu.memory_space<vmem>>, vector<1x16xf32>,
        %get3A_110 = arith.index_cast %scan3A_28 : i32 to index
        %get3A_111 = arith.constant 80 : index
        %get3A_112 = tpu.vector_load %arg9[%get3A_110, %get3A_111] {strides = array<i32>} : memref<80x128xf32, #tpu.memory_space<vmem>>, vector<1x16xf32>,
        %get3A_113 = vector.shape_cast %get3A_112 : vector<1x16xf32> to vector<16xf32>
        %get3A_114 = arith.index_cast %scan3A_28 : i32 to index
        %get3A_115 = arith.constant 80 : index
        %get3A_116 = tpu.vector_load %arg10[%get3A_114, %get3A_115] {strides = array<i32>} : memref<80x128xf32, #tpu.memory_space<vmem>>, vector<1x16xf32>,
        %get3A_117 = vector.shape_cast %get3A_116 : vector<1x16xf32> to vector<16xf32>
        %max3A_118 = arith.constant 0.000000e+00 : f32
        %max3A_119 = vector.broadcast %max3A_118 : f32 to vector<16xf32>
        %max3A_120 = arith.maximumf %get3A_117, %max3A_119 : vector<16xf32>
        %sub3A_121 = arith.subf %get3A_113, %max3A_120 : vector<16xf32>
        %swap3A_122 = arith.index_cast %scan3A_28 : i32 to index
        %swap3A_123 = arith.constant 80 : index
        %swap3A_124 = tpu.vector_load %arg11[%swap3A_122, %swap3A_123] {strides = array<i32>} : memref<80x128xf32, #tpu.memory_space<vmem>>, vector<1x16xf32>,
        %swap3A_125 = vector.shape_cast %swap3A_124 : vector<1x16xf32> to vector<16xf32>
        %swap3A_126 = vector.shape_cast %sub3A_121 : vector<16xf32> to vector<1x16xf32>
        tpu.vector_store %arg11[%swap3A_122, %swap3A_123], %swap3A_126 {strides = array<i32>} : memref<80x128xf32, #tpu.memory_space<vmem>>, vector<1x16xf32>,
        %get3A_127 = arith.index_cast %scan3A_28 : i32 to index
        %get3A_128 = arith.constant 96 : index
        %get3A_129 = tpu.vector_load %arg9[%get3A_127, %get3A_128] {strides = array<i32>} : memref<80x128xf32, #tpu.memory_space<vmem>>, vector<1x16xf32>,
        %get3A_130 = vector.shape_cast %get3A_129 : vector<1x16xf32> to vector<16xf32>
        %get3A_131 = arith.index_cast %scan3A_28 : i32 to index
        %get3A_132 = arith.constant 96 : index
        %get3A_133 = tpu.vector_load %arg10[%get3A_131, %get3A_132] {strides = array<i32>} : memref<80x128xf32, #tpu.memory_space<vmem>>, vector<1x16xf32>,
        %get3A_134 = vector.shape_cast %get3A_133 : vector<1x16xf32> to vector<16xf32>
        %max3A_135 = arith.constant 0.000000e+00 : f32
        %max3A_136 = vector.broadcast %max3A_135 : f32 to vector<16xf32>
        %max3A_137 = arith.maximumf %get3A_134, %max3A_136 : vector<16xf32>
        %sub3A_138 = arith.subf %get3A_130, %max3A_137 : vector<16xf32>
        %swap3A_139 = arith.index_cast %scan3A_28 : i32 to index
        %swap3A_140 = arith.constant 96 : index
        %swap3A_141 = tpu.vector_load %arg11[%swap3A_139, %swap3A_140] {strides = array<i32>} : memref<80x128xf32, #tpu.memory_space<vmem>>, vector<1x16xf32>,
        %swap3A_142 = vector.shape_cast %swap3A_141 : vector<1x16xf32> to vector<16xf32>
        %swap3A_143 = vector.shape_cast %sub3A_138 : vector<16xf32> to vector<1x16xf32>
        tpu.vector_store %arg11[%swap3A_139, %swap3A_140], %swap3A_143 {strides = array<i32>} : memref<80x128xf32, #tpu.memory_space<vmem>>, vector<1x16xf32>,
        %get3A_144 = arith.index_cast %scan3A_28 : i32 to index
        %get3A_145 = arith.constant 112 : index
        %get3A_146 = tpu.vector_load %arg9[%get3A_144, %get3A_145] {strides = array<i32>} : memref<80x128xf32, #tpu.memory_space<vmem>>, vector<1x16xf32>,
        %get3A_147 = vector.shape_cast %get3A_146 : vector<1x16xf32> to vector<16xf32>
        %get3A_148 = arith.index_cast %scan3A_28 : i32 to index
        %get3A_149 = arith.constant 112 : index
        %get3A_150 = tpu.vector_load %arg10[%get3A_148, %get3A_149] {strides = array<i32>} : memref<80x128xf32, #tpu.memory_space<vmem>>, vector<1x16xf32>,
        %get3A_151 = vector.shape_cast %get3A_150 : vector<1x16xf32> to vector<16xf32>
        %max3A_152 = arith.constant 0.000000e+00 : f32
        %max3A_153 = vector.broadcast %max3A_152 : f32 to vector<16xf32>
        %max3A_154 = arith.maximumf %get3A_151, %max3A_153 : vector<16xf32>
        %sub3A_155 = arith.subf %get3A_147, %max3A_154 : vector<16xf32>
        %swap3A_156 = arith.index_cast %scan3A_28 : i32 to index
        %swap3A_157 = arith.constant 112 : index
        %swap3A_158 = tpu.vector_load %arg11[%swap3A_156, %swap3A_157] {strides = array<i32>} : memref<80x128xf32, #tpu.memory_space<vmem>>, vector<1x16xf32>,
        %swap3A_159 = vector.shape_cast %swap3A_158 : vector<1x16xf32> to vector<16xf32>
        %swap3A_160 = vector.shape_cast %sub3A_155 : vector<16xf32> to vector<1x16xf32>
        tpu.vector_store %arg11[%swap3A_156, %swap3A_157], %swap3A_160 {strides = array<i32>} : memref<80x128xf32, #tpu.memory_space<vmem>>, vector<1x16xf32>,
      }
      %scan3A_27 = arith.constant 80 : i32
      "tpu.region"() ({
        %run_scoped3A = tpu.sem_alloc : memref<!tpu.dma_semaphore, #tpu.memory_space<semaphore_mem>>
        %dma_start3A_28 = arith.constant 0 : i32
        %dma_start3A_29 = tpu.memref_slice %arg6[%add3A_11, %dma_start3A_28] : memref<320000x128xf32, #tpu.memory_space<hbm>> -> memref<80x128xf32, #tpu.memory_space<hbm>>
        %dma_start3A_30 = arith.constant 0 : i32
        %dma_start3A_31 = tpu.memref_slice %arg6[%add3A_11, %dma_start3A_30] : memref<320000x128xf32, #tpu.memory_space<hbm>> -> memref<80x128xf32, #tpu.memory_space<hbm>>
        tpu.enqueue_dma source(%arg11 : memref<80x128xf32, #tpu.memory_space<vmem>>) target(%dma_start3A_31 : memref<80x128xf32, #tpu.memory_space<hbm>>) target_semaphore(%run_scoped3A : memref<!tpu.dma_semaphore, #tpu.memory_space<semaphore_mem>>)
        %dma_wait3A_32 = arith.constant 0 : i32
        %dma_wait3A_33 = tpu.memref_slice %arg6[%add3A_11, %dma_wait3A_32] : memref<320000x128xf32, #tpu.memory_space<hbm>> -> memref<80x128xf32, #tpu.memory_space<hbm>>
        %dma_wait3A_34 = arith.constant 0 : i32
        %dma_wait3A_35 = tpu.memref_slice %arg6[%add3A_11, %dma_wait3A_34] : memref<320000x128xf32, #tpu.memory_space<hbm>> -> memref<80x128xf32, #tpu.memory_space<hbm>>
        tpu.wait_dma2 semaphore(%run_scoped3A : memref<!tpu.dma_semaphore, #tpu.memory_space<semaphore_mem>>) src(%arg11 : memref<80x128xf32, #tpu.memory_space<vmem>>) dst(%dma_wait3A_35 : memref<80x128xf32, #tpu.memory_space<hbm>>)
        tpu.yield
      }) : () -> ()
    }
    %scan3A_5 = arith.constant 125 : i32
    return
  }
}

#map = affine_map<(d0, d1) -> (0, 0)>
#map1 = affine_map<(d0, d1) -> (0)>
module attributes {stable_mosaic.version = 14 : i64} {
  func.func @_sc_gather_sum_body(%arg0: i32, %arg1: i32, %arg2: memref<320000x128xf32, #tpu.memory_space<hbm>>, %arg3: memref<327680xi32, #tpu.memory_space<hbm>>, %arg4: memref<10240x128xf32, #tpu.memory_space<hbm>>, %arg5: memref<128xi32, #tpu.memory_space<vmem>>, %arg6: memref<128x128xf32, #tpu.memory_space<vmem>>, %arg7: memref<4x128xf32, #tpu.memory_space<vmem>>, %arg8: memref<!tpu.dma_semaphore, #tpu.memory_space<semaphore_mem>>) attributes {dimension_semantics = [#tpu.dimension_semantics<core_parallel>, #tpu.dimension_semantics<subcore_parallel>], iteration_bounds = array<i64: 2, 16>, scalar_prefetch = 0 : i64, scratch_operands = 4 : i64, tpu.core_type = #tpu.core_type<sc_vector_subcore>, window_params = [{transform_indices = #map}, {transform_indices = #map1}, {transform_indices = #map}]} {
    %mul3A = arith.constant 2 : i32
    %mul3A_0 = arith.muli %arg1, %mul3A : i32
    %add3A = arith.addi %mul3A_0, %arg0 : i32
    %scan3A = arith.constant 0 : i32
    %scan3A_1 = arith.constant 0 : i32
    %scan3A_2 = arith.constant 80 : i32
    %scan3A_3 = arith.addi %scan3A_1, %scan3A_2 : i32
    %scan3A_4 = arith.constant 1 : i32
    scf.for %scan3A_6 = %scan3A_1 to %scan3A_3 step %scan3A_4  : i32 {
      %mul3A_7 = arith.constant 10240 : i32
      %mul3A_8 = arith.muli %add3A, %mul3A_7 : i32
      %mul3A_9 = arith.constant 128 : i32
      %mul3A_10 = arith.muli %scan3A_6, %mul3A_9 : i32
      %add3A_11 = arith.addi %mul3A_8, %mul3A_10 : i32
      "tpu.region"() ({
        %run_scoped3A = tpu.sem_alloc : memref<!tpu.dma_semaphore, #tpu.memory_space<semaphore_mem>>
        %dma_start3A_299 = tpu.memref_slice %arg3[%add3A_11] : memref<327680xi32, #tpu.memory_space<hbm>> -> memref<128xi32, #tpu.memory_space<hbm>>
        %dma_start3A_300 = tpu.memref_slice %arg3[%add3A_11] : memref<327680xi32, #tpu.memory_space<hbm>> -> memref<128xi32, #tpu.memory_space<hbm>>
        tpu.enqueue_dma source(%dma_start3A_300 : memref<128xi32, #tpu.memory_space<hbm>>) target(%arg5 : memref<128xi32, #tpu.memory_space<vmem>>) target_semaphore(%run_scoped3A : memref<!tpu.dma_semaphore, #tpu.memory_space<semaphore_mem>>)
        %dma_wait3A_301 = tpu.memref_slice %arg3[%add3A_11] : memref<327680xi32, #tpu.memory_space<hbm>> -> memref<128xi32, #tpu.memory_space<hbm>>
        %dma_wait3A_302 = tpu.memref_slice %arg3[%add3A_11] : memref<327680xi32, #tpu.memory_space<hbm>> -> memref<128xi32, #tpu.memory_space<hbm>>
        tpu.wait_dma2 semaphore(%run_scoped3A : memref<!tpu.dma_semaphore, #tpu.memory_space<semaphore_mem>>) src(%dma_wait3A_302 : memref<128xi32, #tpu.memory_space<hbm>>) dst(%arg5 : memref<128xi32, #tpu.memory_space<vmem>>)
        tpu.yield
      }) : () -> ()
      %dma_start3A = arith.constant 0 : i32
      %dma_start3A_12 = arith.constant 0 : i32
      %dma_start3A_13 = tpu.memref_slice %arg2[%dma_start3A, %dma_start3A_12] : memref<320000x128xf32, #tpu.memory_space<hbm>> -> memref<320000x128xf32, #tpu.memory_space<hbm>>
      tpu.enqueue_indirect_dma source(%dma_start3A_13 : memref<320000x128xf32, #tpu.memory_space<hbm>>) target(%arg6 : memref<128x128xf32, #tpu.memory_space<vmem>>) offsets(%arg5 : memref<128xi32, #tpu.memory_space<vmem>>) semaphore(%arg8 : memref<!tpu.dma_semaphore, #tpu.memory_space<semaphore_mem>>)
      %dma_wait3A = arith.constant 0 : i32
      %dma_wait3A_14 = arith.constant 0 : i32
      %dma_wait3A_15 = tpu.memref_slice %arg2[%dma_wait3A, %dma_wait3A_14] : memref<320000x128xf32, #tpu.memory_space<hbm>> -> memref<320000x128xf32, #tpu.memory_space<hbm>>
      tpu.wait_indirect_dma semaphore(%arg8 : memref<!tpu.dma_semaphore, #tpu.memory_space<semaphore_mem>>) src(%dma_wait3A_15 : memref<320000x128xf32, #tpu.memory_space<hbm>>) dst(%arg6 : memref<128x128xf32, #tpu.memory_space<vmem>>)
      %broadcast_in_dim3A = arith.constant 0.000000e+00 : f32
      %broadcast_in_dim3A_16 = vector.broadcast %broadcast_in_dim3A : f32 to vector<16xf32>
      %broadcast_in_dim3A_17 = arith.constant 0.000000e+00 : f32
      %broadcast_in_dim3A_18 = vector.broadcast %broadcast_in_dim3A_17 : f32 to vector<16xf32>
      %broadcast_in_dim3A_19 = arith.constant 0.000000e+00 : f32
      %broadcast_in_dim3A_20 = vector.broadcast %broadcast_in_dim3A_19 : f32 to vector<16xf32>
      %broadcast_in_dim3A_21 = arith.constant 0.000000e+00 : f32
      %broadcast_in_dim3A_22 = vector.broadcast %broadcast_in_dim3A_21 : f32 to vector<16xf32>
      %broadcast_in_dim3A_23 = arith.constant 0.000000e+00 : f32
      %broadcast_in_dim3A_24 = vector.broadcast %broadcast_in_dim3A_23 : f32 to vector<16xf32>
      %broadcast_in_dim3A_25 = arith.constant 0.000000e+00 : f32
      %broadcast_in_dim3A_26 = vector.broadcast %broadcast_in_dim3A_25 : f32 to vector<16xf32>
      %broadcast_in_dim3A_27 = arith.constant 0.000000e+00 : f32
      %broadcast_in_dim3A_28 = vector.broadcast %broadcast_in_dim3A_27 : f32 to vector<16xf32>
      %broadcast_in_dim3A_29 = arith.constant 0.000000e+00 : f32
      %broadcast_in_dim3A_30 = vector.broadcast %broadcast_in_dim3A_29 : f32 to vector<16xf32>
      %scan3A_31 = arith.constant 0 : i32
      %scan3A_32 = arith.constant 32 : i32
      %scan3A_33 = arith.addi %scan3A_31, %scan3A_32 : i32
      %scan3A_34 = arith.constant 1 : i32
      %scan3A_35:8 = scf.for %scan3A_299 = %scan3A_31 to %scan3A_33 step %scan3A_34 iter_args(%scan3A_300 = %broadcast_in_dim3A_16, %scan3A_301 = %broadcast_in_dim3A_18, %scan3A_302 = %broadcast_in_dim3A_20, %scan3A_303 = %broadcast_in_dim3A_22, %scan3A_304 = %broadcast_in_dim3A_24, %scan3A_305 = %broadcast_in_dim3A_26, %scan3A_306 = %broadcast_in_dim3A_28, %scan3A_307 = %broadcast_in_dim3A_30) -> (vector<16xf32>, vector<16xf32>, vector<16xf32>, vector<16xf32>, vector<16xf32>, vector<16xf32>, vector<16xf32>, vector<16xf32>)  : i32 {
        %add3A_308 = arith.constant 0 : i32
        %add3A_309 = arith.addi %add3A_308, %scan3A_299 : i32
        %get3A = arith.index_cast %add3A_309 : i32 to index
        %get3A_310 = arith.constant 0 : index
        %get3A_311 = tpu.vector_load %arg6[%get3A, %get3A_310] {strides = array<i32>} : memref<128x128xf32, #tpu.memory_space<vmem>>, vector<1x16xf32>,
        %get3A_312 = vector.shape_cast %get3A_311 : vector<1x16xf32> to vector<16xf32>
        %max3A = arith.constant 0.000000e+00 : f32
        %max3A_313 = vector.broadcast %max3A : f32 to vector<16xf32>
        %max3A_314 = arith.maximumf %get3A_312, %max3A_313 : vector<16xf32>
        %add3A_315 = arith.addf %scan3A_300, %max3A_314 : vector<16xf32>
        %get3A_316 = arith.index_cast %add3A_309 : i32 to index
        %get3A_317 = arith.constant 16 : index
        %get3A_318 = tpu.vector_load %arg6[%get3A_316, %get3A_317] {strides = array<i32>} : memref<128x128xf32, #tpu.memory_space<vmem>>, vector<1x16xf32>,
        %get3A_319 = vector.shape_cast %get3A_318 : vector<1x16xf32> to vector<16xf32>
        %max3A_320 = arith.constant 0.000000e+00 : f32
        %max3A_321 = vector.broadcast %max3A_320 : f32 to vector<16xf32>
        %max3A_322 = arith.maximumf %get3A_319, %max3A_321 : vector<16xf32>
        %add3A_323 = arith.addf %scan3A_301, %max3A_322 : vector<16xf32>
        %get3A_324 = arith.index_cast %add3A_309 : i32 to index
        %get3A_325 = arith.constant 32 : index
        %get3A_326 = tpu.vector_load %arg6[%get3A_324, %get3A_325] {strides = array<i32>} : memref<128x128xf32, #tpu.memory_space<vmem>>, vector<1x16xf32>,
        %get3A_327 = vector.shape_cast %get3A_326 : vector<1x16xf32> to vector<16xf32>
        %max3A_328 = arith.constant 0.000000e+00 : f32
        %max3A_329 = vector.broadcast %max3A_328 : f32 to vector<16xf32>
        %max3A_330 = arith.maximumf %get3A_327, %max3A_329 : vector<16xf32>
        %add3A_331 = arith.addf %scan3A_302, %max3A_330 : vector<16xf32>
        %get3A_332 = arith.index_cast %add3A_309 : i32 to index
        %get3A_333 = arith.constant 48 : index
        %get3A_334 = tpu.vector_load %arg6[%get3A_332, %get3A_333] {strides = array<i32>} : memref<128x128xf32, #tpu.memory_space<vmem>>, vector<1x16xf32>,
        %get3A_335 = vector.shape_cast %get3A_334 : vector<1x16xf32> to vector<16xf32>
        %max3A_336 = arith.constant 0.000000e+00 : f32
        %max3A_337 = vector.broadcast %max3A_336 : f32 to vector<16xf32>
        %max3A_338 = arith.maximumf %get3A_335, %max3A_337 : vector<16xf32>
        %add3A_339 = arith.addf %scan3A_303, %max3A_338 : vector<16xf32>
        %get3A_340 = arith.index_cast %add3A_309 : i32 to index
        %get3A_341 = arith.constant 64 : index
        %get3A_342 = tpu.vector_load %arg6[%get3A_340, %get3A_341] {strides = array<i32>} : memref<128x128xf32, #tpu.memory_space<vmem>>, vector<1x16xf32>,
        %get3A_343 = vector.shape_cast %get3A_342 : vector<1x16xf32> to vector<16xf32>
        %max3A_344 = arith.constant 0.000000e+00 : f32
        %max3A_345 = vector.broadcast %max3A_344 : f32 to vector<16xf32>
        %max3A_346 = arith.maximumf %get3A_343, %max3A_345 : vector<16xf32>
        %add3A_347 = arith.addf %scan3A_304, %max3A_346 : vector<16xf32>
        %get3A_348 = arith.index_cast %add3A_309 : i32 to index
        %get3A_349 = arith.constant 80 : index
        %get3A_350 = tpu.vector_load %arg6[%get3A_348, %get3A_349] {strides = array<i32>} : memref<128x128xf32, #tpu.memory_space<vmem>>, vector<1x16xf32>,
        %get3A_351 = vector.shape_cast %get3A_350 : vector<1x16xf32> to vector<16xf32>
        %max3A_352 = arith.constant 0.000000e+00 : f32
        %max3A_353 = vector.broadcast %max3A_352 : f32 to vector<16xf32>
        %max3A_354 = arith.maximumf %get3A_351, %max3A_353 : vector<16xf32>
        %add3A_355 = arith.addf %scan3A_305, %max3A_354 : vector<16xf32>
        %get3A_356 = arith.index_cast %add3A_309 : i32 to index
        %get3A_357 = arith.constant 96 : index
        %get3A_358 = tpu.vector_load %arg6[%get3A_356, %get3A_357] {strides = array<i32>} : memref<128x128xf32, #tpu.memory_space<vmem>>, vector<1x16xf32>,
        %get3A_359 = vector.shape_cast %get3A_358 : vector<1x16xf32> to vector<16xf32>
        %max3A_360 = arith.constant 0.000000e+00 : f32
        %max3A_361 = vector.broadcast %max3A_360 : f32 to vector<16xf32>
        %max3A_362 = arith.maximumf %get3A_359, %max3A_361 : vector<16xf32>
        %add3A_363 = arith.addf %scan3A_306, %max3A_362 : vector<16xf32>
        %get3A_364 = arith.index_cast %add3A_309 : i32 to index
        %get3A_365 = arith.constant 112 : index
        %get3A_366 = tpu.vector_load %arg6[%get3A_364, %get3A_365] {strides = array<i32>} : memref<128x128xf32, #tpu.memory_space<vmem>>, vector<1x16xf32>,
        %get3A_367 = vector.shape_cast %get3A_366 : vector<1x16xf32> to vector<16xf32>
        %max3A_368 = arith.constant 0.000000e+00 : f32
        %max3A_369 = vector.broadcast %max3A_368 : f32 to vector<16xf32>
        %max3A_370 = arith.maximumf %get3A_367, %max3A_369 : vector<16xf32>
        %add3A_371 = arith.addf %scan3A_307, %max3A_370 : vector<16xf32>
        scf.yield %add3A_315, %add3A_323, %add3A_331, %add3A_339, %add3A_347, %add3A_355, %add3A_363, %add3A_371 : vector<16xf32>, vector<16xf32>, vector<16xf32>, vector<16xf32>, vector<16xf32>, vector<16xf32>, vector<16xf32>, vector<16xf32>
      }
      %scan3A_36 = arith.constant 32 : i32
      %swap3A = arith.constant 0 : i32
      %swap3A_37 = arith.index_cast %swap3A : i32 to index
      %swap3A_38 = arith.constant 0 : index
      %swap3A_39 = tpu.vector_load %arg7[%swap3A_37, %swap3A_38] {strides = array<i32>} : memref<4x128xf32, #tpu.memory_space<vmem>>, vector<1x16xf32>,
      %swap3A_40 = vector.shape_cast %swap3A_39 : vector<1x16xf32> to vector<16xf32>
      %swap3A_41 = vector.shape_cast %scan3A_35#0 : vector<16xf32> to vector<1x16xf32>
      tpu.vector_store %arg7[%swap3A_37, %swap3A_38], %swap3A_41 {strides = array<i32>} : memref<4x128xf32, #tpu.memory_space<vmem>>, vector<1x16xf32>,
      %swap3A_42 = arith.constant 0 : i32
      %swap3A_43 = arith.index_cast %swap3A_42 : i32 to index
      %swap3A_44 = arith.constant 16 : index
      %swap3A_45 = tpu.vector_load %arg7[%swap3A_43, %swap3A_44] {strides = array<i32>} : memref<4x128xf32, #tpu.memory_space<vmem>>, vector<1x16xf32>,
      %swap3A_46 = vector.shape_cast %swap3A_45 : vector<1x16xf32> to vector<16xf32>
      %swap3A_47 = vector.shape_cast %scan3A_35#1 : vector<16xf32> to vector<1x16xf32>
      tpu.vector_store %arg7[%swap3A_43, %swap3A_44], %swap3A_47 {strides = array<i32>} : memref<4x128xf32, #tpu.memory_space<vmem>>, vector<1x16xf32>,
      %swap3A_48 = arith.constant 0 : i32
      %swap3A_49 = arith.index_cast %swap3A_48 : i32 to index
      %swap3A_50 = arith.constant 32 : index
      %swap3A_51 = tpu.vector_load %arg7[%swap3A_49, %swap3A_50] {strides = array<i32>} : memref<4x128xf32, #tpu.memory_space<vmem>>, vector<1x16xf32>,
      %swap3A_52 = vector.shape_cast %swap3A_51 : vector<1x16xf32> to vector<16xf32>
      %swap3A_53 = vector.shape_cast %scan3A_35#2 : vector<16xf32> to vector<1x16xf32>
      tpu.vector_store %arg7[%swap3A_49, %swap3A_50], %swap3A_53 {strides = array<i32>} : memref<4x128xf32, #tpu.memory_space<vmem>>, vector<1x16xf32>,
      %swap3A_54 = arith.constant 0 : i32
      %swap3A_55 = arith.index_cast %swap3A_54 : i32 to index
      %swap3A_56 = arith.constant 48 : index
      %swap3A_57 = tpu.vector_load %arg7[%swap3A_55, %swap3A_56] {strides = array<i32>} : memref<4x128xf32, #tpu.memory_space<vmem>>, vector<1x16xf32>,
      %swap3A_58 = vector.shape_cast %swap3A_57 : vector<1x16xf32> to vector<16xf32>
      %swap3A_59 = vector.shape_cast %scan3A_35#3 : vector<16xf32> to vector<1x16xf32>
      tpu.vector_store %arg7[%swap3A_55, %swap3A_56], %swap3A_59 {strides = array<i32>} : memref<4x128xf32, #tpu.memory_space<vmem>>, vector<1x16xf32>,
      %swap3A_60 = arith.constant 0 : i32
      %swap3A_61 = arith.index_cast %swap3A_60 : i32 to index
      %swap3A_62 = arith.constant 64 : index
      %swap3A_63 = tpu.vector_load %arg7[%swap3A_61, %swap3A_62] {strides = array<i32>} : memref<4x128xf32, #tpu.memory_space<vmem>>, vector<1x16xf32>,
      %swap3A_64 = vector.shape_cast %swap3A_63 : vector<1x16xf32> to vector<16xf32>
      %swap3A_65 = vector.shape_cast %scan3A_35#4 : vector<16xf32> to vector<1x16xf32>
      tpu.vector_store %arg7[%swap3A_61, %swap3A_62], %swap3A_65 {strides = array<i32>} : memref<4x128xf32, #tpu.memory_space<vmem>>, vector<1x16xf32>,
      %swap3A_66 = arith.constant 0 : i32
      %swap3A_67 = arith.index_cast %swap3A_66 : i32 to index
      %swap3A_68 = arith.constant 80 : index
      %swap3A_69 = tpu.vector_load %arg7[%swap3A_67, %swap3A_68] {strides = array<i32>} : memref<4x128xf32, #tpu.memory_space<vmem>>, vector<1x16xf32>,
      %swap3A_70 = vector.shape_cast %swap3A_69 : vector<1x16xf32> to vector<16xf32>
      %swap3A_71 = vector.shape_cast %scan3A_35#5 : vector<16xf32> to vector<1x16xf32>
      tpu.vector_store %arg7[%swap3A_67, %swap3A_68], %swap3A_71 {strides = array<i32>} : memref<4x128xf32, #tpu.memory_space<vmem>>, vector<1x16xf32>,
      %swap3A_72 = arith.constant 0 : i32
      %swap3A_73 = arith.index_cast %swap3A_72 : i32 to index
      %swap3A_74 = arith.constant 96 : index
      %swap3A_75 = tpu.vector_load %arg7[%swap3A_73, %swap3A_74] {strides = array<i32>} : memref<4x128xf32, #tpu.memory_space<vmem>>, vector<1x16xf32>,
      %swap3A_76 = vector.shape_cast %swap3A_75 : vector<1x16xf32> to vector<16xf32>
      %swap3A_77 = vector.shape_cast %scan3A_35#6 : vector<16xf32> to vector<1x16xf32>
      tpu.vector_store %arg7[%swap3A_73, %swap3A_74], %swap3A_77 {strides = array<i32>} : memref<4x128xf32, #tpu.memory_space<vmem>>, vector<1x16xf32>,
      %swap3A_78 = arith.constant 0 : i32
      %swap3A_79 = arith.index_cast %swap3A_78 : i32 to index
      %swap3A_80 = arith.constant 112 : index
      %swap3A_81 = tpu.vector_load %arg7[%swap3A_79, %swap3A_80] {strides = array<i32>} : memref<4x128xf32, #tpu.memory_space<vmem>>, vector<1x16xf32>,
      %swap3A_82 = vector.shape_cast %swap3A_81 : vector<1x16xf32> to vector<16xf32>
      %swap3A_83 = vector.shape_cast %scan3A_35#7 : vector<16xf32> to vector<1x16xf32>
      tpu.vector_store %arg7[%swap3A_79, %swap3A_80], %swap3A_83 {strides = array<i32>} : memref<4x128xf32, #tpu.memory_space<vmem>>, vector<1x16xf32>,
      %broadcast_in_dim3A_84 = arith.constant 0.000000e+00 : f32
      %broadcast_in_dim3A_85 = vector.broadcast %broadcast_in_dim3A_84 : f32 to vector<16xf32>
      %broadcast_in_dim3A_86 = arith.constant 0.000000e+00 : f32
      %broadcast_in_dim3A_87 = vector.broadcast %broadcast_in_dim3A_86 : f32 to vector<16xf32>
      %broadcast_in_dim3A_88 = arith.constant 0.000000e+00 : f32
      %broadcast_in_dim3A_89 = vector.broadcast %broadcast_in_dim3A_88 : f32 to vector<16xf32>
      %broadcast_in_dim3A_90 = arith.constant 0.000000e+00 : f32
      %broadcast_in_dim3A_91 = vector.broadcast %broadcast_in_dim3A_90 : f32 to vector<16xf32>
      %broadcast_in_dim3A_92 = arith.constant 0.000000e+00 : f32
      %broadcast_in_dim3A_93 = vector.broadcast %broadcast_in_dim3A_92 : f32 to vector<16xf32>
      %broadcast_in_dim3A_94 = arith.constant 0.000000e+00 : f32
      %broadcast_in_dim3A_95 = vector.broadcast %broadcast_in_dim3A_94 : f32 to vector<16xf32>
      %broadcast_in_dim3A_96 = arith.constant 0.000000e+00 : f32
      %broadcast_in_dim3A_97 = vector.broadcast %broadcast_in_dim3A_96 : f32 to vector<16xf32>
      %broadcast_in_dim3A_98 = arith.constant 0.000000e+00 : f32
      %broadcast_in_dim3A_99 = vector.broadcast %broadcast_in_dim3A_98 : f32 to vector<16xf32>
      %scan3A_100 = arith.constant 0 : i32
      %scan3A_101 = arith.constant 32 : i32
      %scan3A_102 = arith.addi %scan3A_100, %scan3A_101 : i32
      %scan3A_103 = arith.constant 1 : i32
      %scan3A_104:8 = scf.for %scan3A_299 = %scan3A_100 to %scan3A_102 step %scan3A_103 iter_args(%scan3A_300 = %broadcast_in_dim3A_85, %scan3A_301 = %broadcast_in_dim3A_87, %scan3A_302 = %broadcast_in_dim3A_89, %scan3A_303 = %broadcast_in_dim3A_91, %scan3A_304 = %broadcast_in_dim3A_93, %scan3A_305 = %broadcast_in_dim3A_95, %scan3A_306 = %broadcast_in_dim3A_97, %scan3A_307 = %broadcast_in_dim3A_99) -> (vector<16xf32>, vector<16xf32>, vector<16xf32>, vector<16xf32>, vector<16xf32>, vector<16xf32>, vector<16xf32>, vector<16xf32>)  : i32 {
        %add3A_308 = arith.constant 32 : i32
        %add3A_309 = arith.addi %add3A_308, %scan3A_299 : i32
        %get3A = arith.index_cast %add3A_309 : i32 to index
        %get3A_310 = arith.constant 0 : index
        %get3A_311 = tpu.vector_load %arg6[%get3A, %get3A_310] {strides = array<i32>} : memref<128x128xf32, #tpu.memory_space<vmem>>, vector<1x16xf32>,
        %get3A_312 = vector.shape_cast %get3A_311 : vector<1x16xf32> to vector<16xf32>
        %max3A = arith.constant 0.000000e+00 : f32
        %max3A_313 = vector.broadcast %max3A : f32 to vector<16xf32>
        %max3A_314 = arith.maximumf %get3A_312, %max3A_313 : vector<16xf32>
        %add3A_315 = arith.addf %scan3A_300, %max3A_314 : vector<16xf32>
        %get3A_316 = arith.index_cast %add3A_309 : i32 to index
        %get3A_317 = arith.constant 16 : index
        %get3A_318 = tpu.vector_load %arg6[%get3A_316, %get3A_317] {strides = array<i32>} : memref<128x128xf32, #tpu.memory_space<vmem>>, vector<1x16xf32>,
        %get3A_319 = vector.shape_cast %get3A_318 : vector<1x16xf32> to vector<16xf32>
        %max3A_320 = arith.constant 0.000000e+00 : f32
        %max3A_321 = vector.broadcast %max3A_320 : f32 to vector<16xf32>
        %max3A_322 = arith.maximumf %get3A_319, %max3A_321 : vector<16xf32>
        %add3A_323 = arith.addf %scan3A_301, %max3A_322 : vector<16xf32>
        %get3A_324 = arith.index_cast %add3A_309 : i32 to index
        %get3A_325 = arith.constant 32 : index
        %get3A_326 = tpu.vector_load %arg6[%get3A_324, %get3A_325] {strides = array<i32>} : memref<128x128xf32, #tpu.memory_space<vmem>>, vector<1x16xf32>,
        %get3A_327 = vector.shape_cast %get3A_326 : vector<1x16xf32> to vector<16xf32>
        %max3A_328 = arith.constant 0.000000e+00 : f32
        %max3A_329 = vector.broadcast %max3A_328 : f32 to vector<16xf32>
        %max3A_330 = arith.maximumf %get3A_327, %max3A_329 : vector<16xf32>
        %add3A_331 = arith.addf %scan3A_302, %max3A_330 : vector<16xf32>
        %get3A_332 = arith.index_cast %add3A_309 : i32 to index
        %get3A_333 = arith.constant 48 : index
        %get3A_334 = tpu.vector_load %arg6[%get3A_332, %get3A_333] {strides = array<i32>} : memref<128x128xf32, #tpu.memory_space<vmem>>, vector<1x16xf32>,
        %get3A_335 = vector.shape_cast %get3A_334 : vector<1x16xf32> to vector<16xf32>
        %max3A_336 = arith.constant 0.000000e+00 : f32
        %max3A_337 = vector.broadcast %max3A_336 : f32 to vector<16xf32>
        %max3A_338 = arith.maximumf %get3A_335, %max3A_337 : vector<16xf32>
        %add3A_339 = arith.addf %scan3A_303, %max3A_338 : vector<16xf32>
        %get3A_340 = arith.index_cast %add3A_309 : i32 to index
        %get3A_341 = arith.constant 64 : index
        %get3A_342 = tpu.vector_load %arg6[%get3A_340, %get3A_341] {strides = array<i32>} : memref<128x128xf32, #tpu.memory_space<vmem>>, vector<1x16xf32>,
        %get3A_343 = vector.shape_cast %get3A_342 : vector<1x16xf32> to vector<16xf32>
        %max3A_344 = arith.constant 0.000000e+00 : f32
        %max3A_345 = vector.broadcast %max3A_344 : f32 to vector<16xf32>
        %max3A_346 = arith.maximumf %get3A_343, %max3A_345 : vector<16xf32>
        %add3A_347 = arith.addf %scan3A_304, %max3A_346 : vector<16xf32>
        %get3A_348 = arith.index_cast %add3A_309 : i32 to index
        %get3A_349 = arith.constant 80 : index
        %get3A_350 = tpu.vector_load %arg6[%get3A_348, %get3A_349] {strides = array<i32>} : memref<128x128xf32, #tpu.memory_space<vmem>>, vector<1x16xf32>,
        %get3A_351 = vector.shape_cast %get3A_350 : vector<1x16xf32> to vector<16xf32>
        %max3A_352 = arith.constant 0.000000e+00 : f32
        %max3A_353 = vector.broadcast %max3A_352 : f32 to vector<16xf32>
        %max3A_354 = arith.maximumf %get3A_351, %max3A_353 : vector<16xf32>
        %add3A_355 = arith.addf %scan3A_305, %max3A_354 : vector<16xf32>
        %get3A_356 = arith.index_cast %add3A_309 : i32 to index
        %get3A_357 = arith.constant 96 : index
        %get3A_358 = tpu.vector_load %arg6[%get3A_356, %get3A_357] {strides = array<i32>} : memref<128x128xf32, #tpu.memory_space<vmem>>, vector<1x16xf32>,
        %get3A_359 = vector.shape_cast %get3A_358 : vector<1x16xf32> to vector<16xf32>
        %max3A_360 = arith.constant 0.000000e+00 : f32
        %max3A_361 = vector.broadcast %max3A_360 : f32 to vector<16xf32>
        %max3A_362 = arith.maximumf %get3A_359, %max3A_361 : vector<16xf32>
        %add3A_363 = arith.addf %scan3A_306, %max3A_362 : vector<16xf32>
        %get3A_364 = arith.index_cast %add3A_309 : i32 to index
        %get3A_365 = arith.constant 112 : index
        %get3A_366 = tpu.vector_load %arg6[%get3A_364, %get3A_365] {strides = array<i32>} : memref<128x128xf32, #tpu.memory_space<vmem>>, vector<1x16xf32>,
        %get3A_367 = vector.shape_cast %get3A_366 : vector<1x16xf32> to vector<16xf32>
        %max3A_368 = arith.constant 0.000000e+00 : f32
        %max3A_369 = vector.broadcast %max3A_368 : f32 to vector<16xf32>
        %max3A_370 = arith.maximumf %get3A_367, %max3A_369 : vector<16xf32>
        %add3A_371 = arith.addf %scan3A_307, %max3A_370 : vector<16xf32>
        scf.yield %add3A_315, %add3A_323, %add3A_331, %add3A_339, %add3A_347, %add3A_355, %add3A_363, %add3A_371 : vector<16xf32>, vector<16xf32>, vector<16xf32>, vector<16xf32>, vector<16xf32>, vector<16xf32>, vector<16xf32>, vector<16xf32>
      }
      %scan3A_105 = arith.constant 32 : i32
      %swap3A_106 = arith.constant 1 : i32
      %swap3A_107 = arith.index_cast %swap3A_106 : i32 to index
      %swap3A_108 = arith.constant 0 : index
      %swap3A_109 = tpu.vector_load %arg7[%swap3A_107, %swap3A_108] {strides = array<i32>} : memref<4x128xf32, #tpu.memory_space<vmem>>, vector<1x16xf32>,
      %swap3A_110 = vector.shape_cast %swap3A_109 : vector<1x16xf32> to vector<16xf32>
      %swap3A_111 = vector.shape_cast %scan3A_104#0 : vector<16xf32> to vector<1x16xf32>
      tpu.vector_store %arg7[%swap3A_107, %swap3A_108], %swap3A_111 {strides = array<i32>} : memref<4x128xf32, #tpu.memory_space<vmem>>, vector<1x16xf32>,
      %swap3A_112 = arith.constant 1 : i32
      %swap3A_113 = arith.index_cast %swap3A_112 : i32 to index
      %swap3A_114 = arith.constant 16 : index
      %swap3A_115 = tpu.vector_load %arg7[%swap3A_113, %swap3A_114] {strides = array<i32>} : memref<4x128xf32, #tpu.memory_space<vmem>>, vector<1x16xf32>,
      %swap3A_116 = vector.shape_cast %swap3A_115 : vector<1x16xf32> to vector<16xf32>
      %swap3A_117 = vector.shape_cast %scan3A_104#1 : vector<16xf32> to vector<1x16xf32>
      tpu.vector_store %arg7[%swap3A_113, %swap3A_114], %swap3A_117 {strides = array<i32>} : memref<4x128xf32, #tpu.memory_space<vmem>>, vector<1x16xf32>,
      %swap3A_118 = arith.constant 1 : i32
      %swap3A_119 = arith.index_cast %swap3A_118 : i32 to index
      %swap3A_120 = arith.constant 32 : index
      %swap3A_121 = tpu.vector_load %arg7[%swap3A_119, %swap3A_120] {strides = array<i32>} : memref<4x128xf32, #tpu.memory_space<vmem>>, vector<1x16xf32>,
      %swap3A_122 = vector.shape_cast %swap3A_121 : vector<1x16xf32> to vector<16xf32>
      %swap3A_123 = vector.shape_cast %scan3A_104#2 : vector<16xf32> to vector<1x16xf32>
      tpu.vector_store %arg7[%swap3A_119, %swap3A_120], %swap3A_123 {strides = array<i32>} : memref<4x128xf32, #tpu.memory_space<vmem>>, vector<1x16xf32>,
      %swap3A_124 = arith.constant 1 : i32
      %swap3A_125 = arith.index_cast %swap3A_124 : i32 to index
      %swap3A_126 = arith.constant 48 : index
      %swap3A_127 = tpu.vector_load %arg7[%swap3A_125, %swap3A_126] {strides = array<i32>} : memref<4x128xf32, #tpu.memory_space<vmem>>, vector<1x16xf32>,
      %swap3A_128 = vector.shape_cast %swap3A_127 : vector<1x16xf32> to vector<16xf32>
      %swap3A_129 = vector.shape_cast %scan3A_104#3 : vector<16xf32> to vector<1x16xf32>
      tpu.vector_store %arg7[%swap3A_125, %swap3A_126], %swap3A_129 {strides = array<i32>} : memref<4x128xf32, #tpu.memory_space<vmem>>, vector<1x16xf32>,
      %swap3A_130 = arith.constant 1 : i32
      %swap3A_131 = arith.index_cast %swap3A_130 : i32 to index
      %swap3A_132 = arith.constant 64 : index
      %swap3A_133 = tpu.vector_load %arg7[%swap3A_131, %swap3A_132] {strides = array<i32>} : memref<4x128xf32, #tpu.memory_space<vmem>>, vector<1x16xf32>,
      %swap3A_134 = vector.shape_cast %swap3A_133 : vector<1x16xf32> to vector<16xf32>
      %swap3A_135 = vector.shape_cast %scan3A_104#4 : vector<16xf32> to vector<1x16xf32>
      tpu.vector_store %arg7[%swap3A_131, %swap3A_132], %swap3A_135 {strides = array<i32>} : memref<4x128xf32, #tpu.memory_space<vmem>>, vector<1x16xf32>,
      %swap3A_136 = arith.constant 1 : i32
      %swap3A_137 = arith.index_cast %swap3A_136 : i32 to index
      %swap3A_138 = arith.constant 80 : index
      %swap3A_139 = tpu.vector_load %arg7[%swap3A_137, %swap3A_138] {strides = array<i32>} : memref<4x128xf32, #tpu.memory_space<vmem>>, vector<1x16xf32>,
      %swap3A_140 = vector.shape_cast %swap3A_139 : vector<1x16xf32> to vector<16xf32>
      %swap3A_141 = vector.shape_cast %scan3A_104#5 : vector<16xf32> to vector<1x16xf32>
      tpu.vector_store %arg7[%swap3A_137, %swap3A_138], %swap3A_141 {strides = array<i32>} : memref<4x128xf32, #tpu.memory_space<vmem>>, vector<1x16xf32>,
      %swap3A_142 = arith.constant 1 : i32
      %swap3A_143 = arith.index_cast %swap3A_142 : i32 to index
      %swap3A_144 = arith.constant 96 : index
      %swap3A_145 = tpu.vector_load %arg7[%swap3A_143, %swap3A_144] {strides = array<i32>} : memref<4x128xf32, #tpu.memory_space<vmem>>, vector<1x16xf32>,
      %swap3A_146 = vector.shape_cast %swap3A_145 : vector<1x16xf32> to vector<16xf32>
      %swap3A_147 = vector.shape_cast %scan3A_104#6 : vector<16xf32> to vector<1x16xf32>
      tpu.vector_store %arg7[%swap3A_143, %swap3A_144], %swap3A_147 {strides = array<i32>} : memref<4x128xf32, #tpu.memory_space<vmem>>, vector<1x16xf32>,
      %swap3A_148 = arith.constant 1 : i32
      %swap3A_149 = arith.index_cast %swap3A_148 : i32 to index
      %swap3A_150 = arith.constant 112 : index
      %swap3A_151 = tpu.vector_load %arg7[%swap3A_149, %swap3A_150] {strides = array<i32>} : memref<4x128xf32, #tpu.memory_space<vmem>>, vector<1x16xf32>,
      %swap3A_152 = vector.shape_cast %swap3A_151 : vector<1x16xf32> to vector<16xf32>
      %swap3A_153 = vector.shape_cast %scan3A_104#7 : vector<16xf32> to vector<1x16xf32>
      tpu.vector_store %arg7[%swap3A_149, %swap3A_150], %swap3A_153 {strides = array<i32>} : memref<4x128xf32, #tpu.memory_space<vmem>>, vector<1x16xf32>,
      %broadcast_in_dim3A_154 = arith.constant 0.000000e+00 : f32
      %broadcast_in_dim3A_155 = vector.broadcast %broadcast_in_dim3A_154 : f32 to vector<16xf32>
      %broadcast_in_dim3A_156 = arith.constant 0.000000e+00 : f32
      %broadcast_in_dim3A_157 = vector.broadcast %broadcast_in_dim3A_156 : f32 to vector<16xf32>
      %broadcast_in_dim3A_158 = arith.constant 0.000000e+00 : f32
      %broadcast_in_dim3A_159 = vector.broadcast %broadcast_in_dim3A_158 : f32 to vector<16xf32>
      %broadcast_in_dim3A_160 = arith.constant 0.000000e+00 : f32
      %broadcast_in_dim3A_161 = vector.broadcast %broadcast_in_dim3A_160 : f32 to vector<16xf32>
      %broadcast_in_dim3A_162 = arith.constant 0.000000e+00 : f32
      %broadcast_in_dim3A_163 = vector.broadcast %broadcast_in_dim3A_162 : f32 to vector<16xf32>
      %broadcast_in_dim3A_164 = arith.constant 0.000000e+00 : f32
      %broadcast_in_dim3A_165 = vector.broadcast %broadcast_in_dim3A_164 : f32 to vector<16xf32>
      %broadcast_in_dim3A_166 = arith.constant 0.000000e+00 : f32
      %broadcast_in_dim3A_167 = vector.broadcast %broadcast_in_dim3A_166 : f32 to vector<16xf32>
      %broadcast_in_dim3A_168 = arith.constant 0.000000e+00 : f32
      %broadcast_in_dim3A_169 = vector.broadcast %broadcast_in_dim3A_168 : f32 to vector<16xf32>
      %scan3A_170 = arith.constant 0 : i32
      %scan3A_171 = arith.constant 32 : i32
      %scan3A_172 = arith.addi %scan3A_170, %scan3A_171 : i32
      %scan3A_173 = arith.constant 1 : i32
      %scan3A_174:8 = scf.for %scan3A_299 = %scan3A_170 to %scan3A_172 step %scan3A_173 iter_args(%scan3A_300 = %broadcast_in_dim3A_155, %scan3A_301 = %broadcast_in_dim3A_157, %scan3A_302 = %broadcast_in_dim3A_159, %scan3A_303 = %broadcast_in_dim3A_161, %scan3A_304 = %broadcast_in_dim3A_163, %scan3A_305 = %broadcast_in_dim3A_165, %scan3A_306 = %broadcast_in_dim3A_167, %scan3A_307 = %broadcast_in_dim3A_169) -> (vector<16xf32>, vector<16xf32>, vector<16xf32>, vector<16xf32>, vector<16xf32>, vector<16xf32>, vector<16xf32>, vector<16xf32>)  : i32 {
        %add3A_308 = arith.constant 64 : i32
        %add3A_309 = arith.addi %add3A_308, %scan3A_299 : i32
        %get3A = arith.index_cast %add3A_309 : i32 to index
        %get3A_310 = arith.constant 0 : index
        %get3A_311 = tpu.vector_load %arg6[%get3A, %get3A_310] {strides = array<i32>} : memref<128x128xf32, #tpu.memory_space<vmem>>, vector<1x16xf32>,
        %get3A_312 = vector.shape_cast %get3A_311 : vector<1x16xf32> to vector<16xf32>
        %max3A = arith.constant 0.000000e+00 : f32
        %max3A_313 = vector.broadcast %max3A : f32 to vector<16xf32>
        %max3A_314 = arith.maximumf %get3A_312, %max3A_313 : vector<16xf32>
        %add3A_315 = arith.addf %scan3A_300, %max3A_314 : vector<16xf32>
        %get3A_316 = arith.index_cast %add3A_309 : i32 to index
        %get3A_317 = arith.constant 16 : index
        %get3A_318 = tpu.vector_load %arg6[%get3A_316, %get3A_317] {strides = array<i32>} : memref<128x128xf32, #tpu.memory_space<vmem>>, vector<1x16xf32>,
        %get3A_319 = vector.shape_cast %get3A_318 : vector<1x16xf32> to vector<16xf32>
        %max3A_320 = arith.constant 0.000000e+00 : f32
        %max3A_321 = vector.broadcast %max3A_320 : f32 to vector<16xf32>
        %max3A_322 = arith.maximumf %get3A_319, %max3A_321 : vector<16xf32>
        %add3A_323 = arith.addf %scan3A_301, %max3A_322 : vector<16xf32>
        %get3A_324 = arith.index_cast %add3A_309 : i32 to index
        %get3A_325 = arith.constant 32 : index
        %get3A_326 = tpu.vector_load %arg6[%get3A_324, %get3A_325] {strides = array<i32>} : memref<128x128xf32, #tpu.memory_space<vmem>>, vector<1x16xf32>,
        %get3A_327 = vector.shape_cast %get3A_326 : vector<1x16xf32> to vector<16xf32>
        %max3A_328 = arith.constant 0.000000e+00 : f32
        %max3A_329 = vector.broadcast %max3A_328 : f32 to vector<16xf32>
        %max3A_330 = arith.maximumf %get3A_327, %max3A_329 : vector<16xf32>
        %add3A_331 = arith.addf %scan3A_302, %max3A_330 : vector<16xf32>
        %get3A_332 = arith.index_cast %add3A_309 : i32 to index
        %get3A_333 = arith.constant 48 : index
        %get3A_334 = tpu.vector_load %arg6[%get3A_332, %get3A_333] {strides = array<i32>} : memref<128x128xf32, #tpu.memory_space<vmem>>, vector<1x16xf32>,
        %get3A_335 = vector.shape_cast %get3A_334 : vector<1x16xf32> to vector<16xf32>
        %max3A_336 = arith.constant 0.000000e+00 : f32
        %max3A_337 = vector.broadcast %max3A_336 : f32 to vector<16xf32>
        %max3A_338 = arith.maximumf %get3A_335, %max3A_337 : vector<16xf32>
        %add3A_339 = arith.addf %scan3A_303, %max3A_338 : vector<16xf32>
        %get3A_340 = arith.index_cast %add3A_309 : i32 to index
        %get3A_341 = arith.constant 64 : index
        %get3A_342 = tpu.vector_load %arg6[%get3A_340, %get3A_341] {strides = array<i32>} : memref<128x128xf32, #tpu.memory_space<vmem>>, vector<1x16xf32>,
        %get3A_343 = vector.shape_cast %get3A_342 : vector<1x16xf32> to vector<16xf32>
        %max3A_344 = arith.constant 0.000000e+00 : f32
        %max3A_345 = vector.broadcast %max3A_344 : f32 to vector<16xf32>
        %max3A_346 = arith.maximumf %get3A_343, %max3A_345 : vector<16xf32>
        %add3A_347 = arith.addf %scan3A_304, %max3A_346 : vector<16xf32>
        %get3A_348 = arith.index_cast %add3A_309 : i32 to index
        %get3A_349 = arith.constant 80 : index
        %get3A_350 = tpu.vector_load %arg6[%get3A_348, %get3A_349] {strides = array<i32>} : memref<128x128xf32, #tpu.memory_space<vmem>>, vector<1x16xf32>,
        %get3A_351 = vector.shape_cast %get3A_350 : vector<1x16xf32> to vector<16xf32>
        %max3A_352 = arith.constant 0.000000e+00 : f32
        %max3A_353 = vector.broadcast %max3A_352 : f32 to vector<16xf32>
        %max3A_354 = arith.maximumf %get3A_351, %max3A_353 : vector<16xf32>
        %add3A_355 = arith.addf %scan3A_305, %max3A_354 : vector<16xf32>
        %get3A_356 = arith.index_cast %add3A_309 : i32 to index
        %get3A_357 = arith.constant 96 : index
        %get3A_358 = tpu.vector_load %arg6[%get3A_356, %get3A_357] {strides = array<i32>} : memref<128x128xf32, #tpu.memory_space<vmem>>, vector<1x16xf32>,
        %get3A_359 = vector.shape_cast %get3A_358 : vector<1x16xf32> to vector<16xf32>
        %max3A_360 = arith.constant 0.000000e+00 : f32
        %max3A_361 = vector.broadcast %max3A_360 : f32 to vector<16xf32>
        %max3A_362 = arith.maximumf %get3A_359, %max3A_361 : vector<16xf32>
        %add3A_363 = arith.addf %scan3A_306, %max3A_362 : vector<16xf32>
        %get3A_364 = arith.index_cast %add3A_309 : i32 to index
        %get3A_365 = arith.constant 112 : index
        %get3A_366 = tpu.vector_load %arg6[%get3A_364, %get3A_365] {strides = array<i32>} : memref<128x128xf32, #tpu.memory_space<vmem>>, vector<1x16xf32>,
        %get3A_367 = vector.shape_cast %get3A_366 : vector<1x16xf32> to vector<16xf32>
        %max3A_368 = arith.constant 0.000000e+00 : f32
        %max3A_369 = vector.broadcast %max3A_368 : f32 to vector<16xf32>
        %max3A_370 = arith.maximumf %get3A_367, %max3A_369 : vector<16xf32>
        %add3A_371 = arith.addf %scan3A_307, %max3A_370 : vector<16xf32>
        scf.yield %add3A_315, %add3A_323, %add3A_331, %add3A_339, %add3A_347, %add3A_355, %add3A_363, %add3A_371 : vector<16xf32>, vector<16xf32>, vector<16xf32>, vector<16xf32>, vector<16xf32>, vector<16xf32>, vector<16xf32>, vector<16xf32>
      }
      %scan3A_175 = arith.constant 32 : i32
      %swap3A_176 = arith.constant 2 : i32
      %swap3A_177 = arith.index_cast %swap3A_176 : i32 to index
      %swap3A_178 = arith.constant 0 : index
      %swap3A_179 = tpu.vector_load %arg7[%swap3A_177, %swap3A_178] {strides = array<i32>} : memref<4x128xf32, #tpu.memory_space<vmem>>, vector<1x16xf32>,
      %swap3A_180 = vector.shape_cast %swap3A_179 : vector<1x16xf32> to vector<16xf32>
      %swap3A_181 = vector.shape_cast %scan3A_174#0 : vector<16xf32> to vector<1x16xf32>
      tpu.vector_store %arg7[%swap3A_177, %swap3A_178], %swap3A_181 {strides = array<i32>} : memref<4x128xf32, #tpu.memory_space<vmem>>, vector<1x16xf32>,
      %swap3A_182 = arith.constant 2 : i32
      %swap3A_183 = arith.index_cast %swap3A_182 : i32 to index
      %swap3A_184 = arith.constant 16 : index
      %swap3A_185 = tpu.vector_load %arg7[%swap3A_183, %swap3A_184] {strides = array<i32>} : memref<4x128xf32, #tpu.memory_space<vmem>>, vector<1x16xf32>,
      %swap3A_186 = vector.shape_cast %swap3A_185 : vector<1x16xf32> to vector<16xf32>
      %swap3A_187 = vector.shape_cast %scan3A_174#1 : vector<16xf32> to vector<1x16xf32>
      tpu.vector_store %arg7[%swap3A_183, %swap3A_184], %swap3A_187 {strides = array<i32>} : memref<4x128xf32, #tpu.memory_space<vmem>>, vector<1x16xf32>,
      %swap3A_188 = arith.constant 2 : i32
      %swap3A_189 = arith.index_cast %swap3A_188 : i32 to index
      %swap3A_190 = arith.constant 32 : index
      %swap3A_191 = tpu.vector_load %arg7[%swap3A_189, %swap3A_190] {strides = array<i32>} : memref<4x128xf32, #tpu.memory_space<vmem>>, vector<1x16xf32>,
      %swap3A_192 = vector.shape_cast %swap3A_191 : vector<1x16xf32> to vector<16xf32>
      %swap3A_193 = vector.shape_cast %scan3A_174#2 : vector<16xf32> to vector<1x16xf32>
      tpu.vector_store %arg7[%swap3A_189, %swap3A_190], %swap3A_193 {strides = array<i32>} : memref<4x128xf32, #tpu.memory_space<vmem>>, vector<1x16xf32>,
      %swap3A_194 = arith.constant 2 : i32
      %swap3A_195 = arith.index_cast %swap3A_194 : i32 to index
      %swap3A_196 = arith.constant 48 : index
      %swap3A_197 = tpu.vector_load %arg7[%swap3A_195, %swap3A_196] {strides = array<i32>} : memref<4x128xf32, #tpu.memory_space<vmem>>, vector<1x16xf32>,
      %swap3A_198 = vector.shape_cast %swap3A_197 : vector<1x16xf32> to vector<16xf32>
      %swap3A_199 = vector.shape_cast %scan3A_174#3 : vector<16xf32> to vector<1x16xf32>
      tpu.vector_store %arg7[%swap3A_195, %swap3A_196], %swap3A_199 {strides = array<i32>} : memref<4x128xf32, #tpu.memory_space<vmem>>, vector<1x16xf32>,
      %swap3A_200 = arith.constant 2 : i32
      %swap3A_201 = arith.index_cast %swap3A_200 : i32 to index
      %swap3A_202 = arith.constant 64 : index
      %swap3A_203 = tpu.vector_load %arg7[%swap3A_201, %swap3A_202] {strides = array<i32>} : memref<4x128xf32, #tpu.memory_space<vmem>>, vector<1x16xf32>,
      %swap3A_204 = vector.shape_cast %swap3A_203 : vector<1x16xf32> to vector<16xf32>
      %swap3A_205 = vector.shape_cast %scan3A_174#4 : vector<16xf32> to vector<1x16xf32>
      tpu.vector_store %arg7[%swap3A_201, %swap3A_202], %swap3A_205 {strides = array<i32>} : memref<4x128xf32, #tpu.memory_space<vmem>>, vector<1x16xf32>,
      %swap3A_206 = arith.constant 2 : i32
      %swap3A_207 = arith.index_cast %swap3A_206 : i32 to index
      %swap3A_208 = arith.constant 80 : index
      %swap3A_209 = tpu.vector_load %arg7[%swap3A_207, %swap3A_208] {strides = array<i32>} : memref<4x128xf32, #tpu.memory_space<vmem>>, vector<1x16xf32>,
      %swap3A_210 = vector.shape_cast %swap3A_209 : vector<1x16xf32> to vector<16xf32>
      %swap3A_211 = vector.shape_cast %scan3A_174#5 : vector<16xf32> to vector<1x16xf32>
      tpu.vector_store %arg7[%swap3A_207, %swap3A_208], %swap3A_211 {strides = array<i32>} : memref<4x128xf32, #tpu.memory_space<vmem>>, vector<1x16xf32>,
      %swap3A_212 = arith.constant 2 : i32
      %swap3A_213 = arith.index_cast %swap3A_212 : i32 to index
      %swap3A_214 = arith.constant 96 : index
      %swap3A_215 = tpu.vector_load %arg7[%swap3A_213, %swap3A_214] {strides = array<i32>} : memref<4x128xf32, #tpu.memory_space<vmem>>, vector<1x16xf32>,
      %swap3A_216 = vector.shape_cast %swap3A_215 : vector<1x16xf32> to vector<16xf32>
      %swap3A_217 = vector.shape_cast %scan3A_174#6 : vector<16xf32> to vector<1x16xf32>
      tpu.vector_store %arg7[%swap3A_213, %swap3A_214], %swap3A_217 {strides = array<i32>} : memref<4x128xf32, #tpu.memory_space<vmem>>, vector<1x16xf32>,
      %swap3A_218 = arith.constant 2 : i32
      %swap3A_219 = arith.index_cast %swap3A_218 : i32 to index
      %swap3A_220 = arith.constant 112 : index
      %swap3A_221 = tpu.vector_load %arg7[%swap3A_219, %swap3A_220] {strides = array<i32>} : memref<4x128xf32, #tpu.memory_space<vmem>>, vector<1x16xf32>,
      %swap3A_222 = vector.shape_cast %swap3A_221 : vector<1x16xf32> to vector<16xf32>
      %swap3A_223 = vector.shape_cast %scan3A_174#7 : vector<16xf32> to vector<1x16xf32>
      tpu.vector_store %arg7[%swap3A_219, %swap3A_220], %swap3A_223 {strides = array<i32>} : memref<4x128xf32, #tpu.memory_space<vmem>>, vector<1x16xf32>,
      %broadcast_in_dim3A_224 = arith.constant 0.000000e+00 : f32
      %broadcast_in_dim3A_225 = vector.broadcast %broadcast_in_dim3A_224 : f32 to vector<16xf32>
      %broadcast_in_dim3A_226 = arith.constant 0.000000e+00 : f32
      %broadcast_in_dim3A_227 = vector.broadcast %broadcast_in_dim3A_226 : f32 to vector<16xf32>
      %broadcast_in_dim3A_228 = arith.constant 0.000000e+00 : f32
      %broadcast_in_dim3A_229 = vector.broadcast %broadcast_in_dim3A_228 : f32 to vector<16xf32>
      %broadcast_in_dim3A_230 = arith.constant 0.000000e+00 : f32
      %broadcast_in_dim3A_231 = vector.broadcast %broadcast_in_dim3A_230 : f32 to vector<16xf32>
      %broadcast_in_dim3A_232 = arith.constant 0.000000e+00 : f32
      %broadcast_in_dim3A_233 = vector.broadcast %broadcast_in_dim3A_232 : f32 to vector<16xf32>
      %broadcast_in_dim3A_234 = arith.constant 0.000000e+00 : f32
      %broadcast_in_dim3A_235 = vector.broadcast %broadcast_in_dim3A_234 : f32 to vector<16xf32>
      %broadcast_in_dim3A_236 = arith.constant 0.000000e+00 : f32
      %broadcast_in_dim3A_237 = vector.broadcast %broadcast_in_dim3A_236 : f32 to vector<16xf32>
      %broadcast_in_dim3A_238 = arith.constant 0.000000e+00 : f32
      %broadcast_in_dim3A_239 = vector.broadcast %broadcast_in_dim3A_238 : f32 to vector<16xf32>
      %scan3A_240 = arith.constant 0 : i32
      %scan3A_241 = arith.constant 32 : i32
      %scan3A_242 = arith.addi %scan3A_240, %scan3A_241 : i32
      %scan3A_243 = arith.constant 1 : i32
      %scan3A_244:8 = scf.for %scan3A_299 = %scan3A_240 to %scan3A_242 step %scan3A_243 iter_args(%scan3A_300 = %broadcast_in_dim3A_225, %scan3A_301 = %broadcast_in_dim3A_227, %scan3A_302 = %broadcast_in_dim3A_229, %scan3A_303 = %broadcast_in_dim3A_231, %scan3A_304 = %broadcast_in_dim3A_233, %scan3A_305 = %broadcast_in_dim3A_235, %scan3A_306 = %broadcast_in_dim3A_237, %scan3A_307 = %broadcast_in_dim3A_239) -> (vector<16xf32>, vector<16xf32>, vector<16xf32>, vector<16xf32>, vector<16xf32>, vector<16xf32>, vector<16xf32>, vector<16xf32>)  : i32 {
        %add3A_308 = arith.constant 96 : i32
        %add3A_309 = arith.addi %add3A_308, %scan3A_299 : i32
        %get3A = arith.index_cast %add3A_309 : i32 to index
        %get3A_310 = arith.constant 0 : index
        %get3A_311 = tpu.vector_load %arg6[%get3A, %get3A_310] {strides = array<i32>} : memref<128x128xf32, #tpu.memory_space<vmem>>, vector<1x16xf32>,
        %get3A_312 = vector.shape_cast %get3A_311 : vector<1x16xf32> to vector<16xf32>
        %max3A = arith.constant 0.000000e+00 : f32
        %max3A_313 = vector.broadcast %max3A : f32 to vector<16xf32>
        %max3A_314 = arith.maximumf %get3A_312, %max3A_313 : vector<16xf32>
        %add3A_315 = arith.addf %scan3A_300, %max3A_314 : vector<16xf32>
        %get3A_316 = arith.index_cast %add3A_309 : i32 to index
        %get3A_317 = arith.constant 16 : index
        %get3A_318 = tpu.vector_load %arg6[%get3A_316, %get3A_317] {strides = array<i32>} : memref<128x128xf32, #tpu.memory_space<vmem>>, vector<1x16xf32>,
        %get3A_319 = vector.shape_cast %get3A_318 : vector<1x16xf32> to vector<16xf32>
        %max3A_320 = arith.constant 0.000000e+00 : f32
        %max3A_321 = vector.broadcast %max3A_320 : f32 to vector<16xf32>
        %max3A_322 = arith.maximumf %get3A_319, %max3A_321 : vector<16xf32>
        %add3A_323 = arith.addf %scan3A_301, %max3A_322 : vector<16xf32>
        %get3A_324 = arith.index_cast %add3A_309 : i32 to index
        %get3A_325 = arith.constant 32 : index
        %get3A_326 = tpu.vector_load %arg6[%get3A_324, %get3A_325] {strides = array<i32>} : memref<128x128xf32, #tpu.memory_space<vmem>>, vector<1x16xf32>,
        %get3A_327 = vector.shape_cast %get3A_326 : vector<1x16xf32> to vector<16xf32>
        %max3A_328 = arith.constant 0.000000e+00 : f32
        %max3A_329 = vector.broadcast %max3A_328 : f32 to vector<16xf32>
        %max3A_330 = arith.maximumf %get3A_327, %max3A_329 : vector<16xf32>
        %add3A_331 = arith.addf %scan3A_302, %max3A_330 : vector<16xf32>
        %get3A_332 = arith.index_cast %add3A_309 : i32 to index
        %get3A_333 = arith.constant 48 : index
        %get3A_334 = tpu.vector_load %arg6[%get3A_332, %get3A_333] {strides = array<i32>} : memref<128x128xf32, #tpu.memory_space<vmem>>, vector<1x16xf32>,
        %get3A_335 = vector.shape_cast %get3A_334 : vector<1x16xf32> to vector<16xf32>
        %max3A_336 = arith.constant 0.000000e+00 : f32
        %max3A_337 = vector.broadcast %max3A_336 : f32 to vector<16xf32>
        %max3A_338 = arith.maximumf %get3A_335, %max3A_337 : vector<16xf32>
        %add3A_339 = arith.addf %scan3A_303, %max3A_338 : vector<16xf32>
        %get3A_340 = arith.index_cast %add3A_309 : i32 to index
        %get3A_341 = arith.constant 64 : index
        %get3A_342 = tpu.vector_load %arg6[%get3A_340, %get3A_341] {strides = array<i32>} : memref<128x128xf32, #tpu.memory_space<vmem>>, vector<1x16xf32>,
        %get3A_343 = vector.shape_cast %get3A_342 : vector<1x16xf32> to vector<16xf32>
        %max3A_344 = arith.constant 0.000000e+00 : f32
        %max3A_345 = vector.broadcast %max3A_344 : f32 to vector<16xf32>
        %max3A_346 = arith.maximumf %get3A_343, %max3A_345 : vector<16xf32>
        %add3A_347 = arith.addf %scan3A_304, %max3A_346 : vector<16xf32>
        %get3A_348 = arith.index_cast %add3A_309 : i32 to index
        %get3A_349 = arith.constant 80 : index
        %get3A_350 = tpu.vector_load %arg6[%get3A_348, %get3A_349] {strides = array<i32>} : memref<128x128xf32, #tpu.memory_space<vmem>>, vector<1x16xf32>,
        %get3A_351 = vector.shape_cast %get3A_350 : vector<1x16xf32> to vector<16xf32>
        %max3A_352 = arith.constant 0.000000e+00 : f32
        %max3A_353 = vector.broadcast %max3A_352 : f32 to vector<16xf32>
        %max3A_354 = arith.maximumf %get3A_351, %max3A_353 : vector<16xf32>
        %add3A_355 = arith.addf %scan3A_305, %max3A_354 : vector<16xf32>
        %get3A_356 = arith.index_cast %add3A_309 : i32 to index
        %get3A_357 = arith.constant 96 : index
        %get3A_358 = tpu.vector_load %arg6[%get3A_356, %get3A_357] {strides = array<i32>} : memref<128x128xf32, #tpu.memory_space<vmem>>, vector<1x16xf32>,
        %get3A_359 = vector.shape_cast %get3A_358 : vector<1x16xf32> to vector<16xf32>
        %max3A_360 = arith.constant 0.000000e+00 : f32
        %max3A_361 = vector.broadcast %max3A_360 : f32 to vector<16xf32>
        %max3A_362 = arith.maximumf %get3A_359, %max3A_361 : vector<16xf32>
        %add3A_363 = arith.addf %scan3A_306, %max3A_362 : vector<16xf32>
        %get3A_364 = arith.index_cast %add3A_309 : i32 to index
        %get3A_365 = arith.constant 112 : index
        %get3A_366 = tpu.vector_load %arg6[%get3A_364, %get3A_365] {strides = array<i32>} : memref<128x128xf32, #tpu.memory_space<vmem>>, vector<1x16xf32>,
        %get3A_367 = vector.shape_cast %get3A_366 : vector<1x16xf32> to vector<16xf32>
        %max3A_368 = arith.constant 0.000000e+00 : f32
        %max3A_369 = vector.broadcast %max3A_368 : f32 to vector<16xf32>
        %max3A_370 = arith.maximumf %get3A_367, %max3A_369 : vector<16xf32>
        %add3A_371 = arith.addf %scan3A_307, %max3A_370 : vector<16xf32>
        scf.yield %add3A_315, %add3A_323, %add3A_331, %add3A_339, %add3A_347, %add3A_355, %add3A_363, %add3A_371 : vector<16xf32>, vector<16xf32>, vector<16xf32>, vector<16xf32>, vector<16xf32>, vector<16xf32>, vector<16xf32>, vector<16xf32>
      }
      %scan3A_245 = arith.constant 32 : i32
      %swap3A_246 = arith.constant 3 : i32
      %swap3A_247 = arith.index_cast %swap3A_246 : i32 to index
      %swap3A_248 = arith.constant 0 : index
      %swap3A_249 = tpu.vector_load %arg7[%swap3A_247, %swap3A_248] {strides = array<i32>} : memref<4x128xf32, #tpu.memory_space<vmem>>, vector<1x16xf32>,
      %swap3A_250 = vector.shape_cast %swap3A_249 : vector<1x16xf32> to vector<16xf32>
      %swap3A_251 = vector.shape_cast %scan3A_244#0 : vector<16xf32> to vector<1x16xf32>
      tpu.vector_store %arg7[%swap3A_247, %swap3A_248], %swap3A_251 {strides = array<i32>} : memref<4x128xf32, #tpu.memory_space<vmem>>, vector<1x16xf32>,
      %swap3A_252 = arith.constant 3 : i32
      %swap3A_253 = arith.index_cast %swap3A_252 : i32 to index
      %swap3A_254 = arith.constant 16 : index
      %swap3A_255 = tpu.vector_load %arg7[%swap3A_253, %swap3A_254] {strides = array<i32>} : memref<4x128xf32, #tpu.memory_space<vmem>>, vector<1x16xf32>,
      %swap3A_256 = vector.shape_cast %swap3A_255 : vector<1x16xf32> to vector<16xf32>
      %swap3A_257 = vector.shape_cast %scan3A_244#1 : vector<16xf32> to vector<1x16xf32>
      tpu.vector_store %arg7[%swap3A_253, %swap3A_254], %swap3A_257 {strides = array<i32>} : memref<4x128xf32, #tpu.memory_space<vmem>>, vector<1x16xf32>,
      %swap3A_258 = arith.constant 3 : i32
      %swap3A_259 = arith.index_cast %swap3A_258 : i32 to index
      %swap3A_260 = arith.constant 32 : index
      %swap3A_261 = tpu.vector_load %arg7[%swap3A_259, %swap3A_260] {strides = array<i32>} : memref<4x128xf32, #tpu.memory_space<vmem>>, vector<1x16xf32>,
      %swap3A_262 = vector.shape_cast %swap3A_261 : vector<1x16xf32> to vector<16xf32>
      %swap3A_263 = vector.shape_cast %scan3A_244#2 : vector<16xf32> to vector<1x16xf32>
      tpu.vector_store %arg7[%swap3A_259, %swap3A_260], %swap3A_263 {strides = array<i32>} : memref<4x128xf32, #tpu.memory_space<vmem>>, vector<1x16xf32>,
      %swap3A_264 = arith.constant 3 : i32
      %swap3A_265 = arith.index_cast %swap3A_264 : i32 to index
      %swap3A_266 = arith.constant 48 : index
      %swap3A_267 = tpu.vector_load %arg7[%swap3A_265, %swap3A_266] {strides = array<i32>} : memref<4x128xf32, #tpu.memory_space<vmem>>, vector<1x16xf32>,
      %swap3A_268 = vector.shape_cast %swap3A_267 : vector<1x16xf32> to vector<16xf32>
      %swap3A_269 = vector.shape_cast %scan3A_244#3 : vector<16xf32> to vector<1x16xf32>
      tpu.vector_store %arg7[%swap3A_265, %swap3A_266], %swap3A_269 {strides = array<i32>} : memref<4x128xf32, #tpu.memory_space<vmem>>, vector<1x16xf32>,
      %swap3A_270 = arith.constant 3 : i32
      %swap3A_271 = arith.index_cast %swap3A_270 : i32 to index
      %swap3A_272 = arith.constant 64 : index
      %swap3A_273 = tpu.vector_load %arg7[%swap3A_271, %swap3A_272] {strides = array<i32>} : memref<4x128xf32, #tpu.memory_space<vmem>>, vector<1x16xf32>,
      %swap3A_274 = vector.shape_cast %swap3A_273 : vector<1x16xf32> to vector<16xf32>
      %swap3A_275 = vector.shape_cast %scan3A_244#4 : vector<16xf32> to vector<1x16xf32>
      tpu.vector_store %arg7[%swap3A_271, %swap3A_272], %swap3A_275 {strides = array<i32>} : memref<4x128xf32, #tpu.memory_space<vmem>>, vector<1x16xf32>,
      %swap3A_276 = arith.constant 3 : i32
      %swap3A_277 = arith.index_cast %swap3A_276 : i32 to index
      %swap3A_278 = arith.constant 80 : index
      %swap3A_279 = tpu.vector_load %arg7[%swap3A_277, %swap3A_278] {strides = array<i32>} : memref<4x128xf32, #tpu.memory_space<vmem>>, vector<1x16xf32>,
      %swap3A_280 = vector.shape_cast %swap3A_279 : vector<1x16xf32> to vector<16xf32>
      %swap3A_281 = vector.shape_cast %scan3A_244#5 : vector<16xf32> to vector<1x16xf32>
      tpu.vector_store %arg7[%swap3A_277, %swap3A_278], %swap3A_281 {strides = array<i32>} : memref<4x128xf32, #tpu.memory_space<vmem>>, vector<1x16xf32>,
      %swap3A_282 = arith.constant 3 : i32
      %swap3A_283 = arith.index_cast %swap3A_282 : i32 to index
      %swap3A_284 = arith.constant 96 : index
      %swap3A_285 = tpu.vector_load %arg7[%swap3A_283, %swap3A_284] {strides = array<i32>} : memref<4x128xf32, #tpu.memory_space<vmem>>, vector<1x16xf32>,
      %swap3A_286 = vector.shape_cast %swap3A_285 : vector<1x16xf32> to vector<16xf32>
      %swap3A_287 = vector.shape_cast %scan3A_244#6 : vector<16xf32> to vector<1x16xf32>
      tpu.vector_store %arg7[%swap3A_283, %swap3A_284], %swap3A_287 {strides = array<i32>} : memref<4x128xf32, #tpu.memory_space<vmem>>, vector<1x16xf32>,
      %swap3A_288 = arith.constant 3 : i32
      %swap3A_289 = arith.index_cast %swap3A_288 : i32 to index
      %swap3A_290 = arith.constant 112 : index
      %swap3A_291 = tpu.vector_load %arg7[%swap3A_289, %swap3A_290] {strides = array<i32>} : memref<4x128xf32, #tpu.memory_space<vmem>>, vector<1x16xf32>,
      %swap3A_292 = vector.shape_cast %swap3A_291 : vector<1x16xf32> to vector<16xf32>
      %swap3A_293 = vector.shape_cast %scan3A_244#7 : vector<16xf32> to vector<1x16xf32>
      tpu.vector_store %arg7[%swap3A_289, %swap3A_290], %swap3A_293 {strides = array<i32>} : memref<4x128xf32, #tpu.memory_space<vmem>>, vector<1x16xf32>,
      %mul3A_294 = arith.constant 320 : i32
      %mul3A_295 = arith.muli %add3A, %mul3A_294 : i32
      %mul3A_296 = arith.constant 4 : i32
      %mul3A_297 = arith.muli %scan3A_6, %mul3A_296 : i32
      %add3A_298 = arith.addi %mul3A_295, %mul3A_297 : i32
      "tpu.region"() ({
        %run_scoped3A = tpu.sem_alloc : memref<!tpu.dma_semaphore, #tpu.memory_space<semaphore_mem>>
        %dma_start3A_299 = arith.constant 0 : i32
        %dma_start3A_300 = tpu.memref_slice %arg4[%add3A_298, %dma_start3A_299] : memref<10240x128xf32, #tpu.memory_space<hbm>> -> memref<4x128xf32, #tpu.memory_space<hbm>>
        %dma_start3A_301 = arith.constant 0 : i32
        %dma_start3A_302 = tpu.memref_slice %arg4[%add3A_298, %dma_start3A_301] : memref<10240x128xf32, #tpu.memory_space<hbm>> -> memref<4x128xf32, #tpu.memory_space<hbm>>
        tpu.enqueue_dma source(%arg7 : memref<4x128xf32, #tpu.memory_space<vmem>>) target(%dma_start3A_302 : memref<4x128xf32, #tpu.memory_space<hbm>>) target_semaphore(%run_scoped3A : memref<!tpu.dma_semaphore, #tpu.memory_space<semaphore_mem>>)
        %dma_wait3A_303 = arith.constant 0 : i32
        %dma_wait3A_304 = tpu.memref_slice %arg4[%add3A_298, %dma_wait3A_303] : memref<10240x128xf32, #tpu.memory_space<hbm>> -> memref<4x128xf32, #tpu.memory_space<hbm>>
        %dma_wait3A_305 = arith.constant 0 : i32
        %dma_wait3A_306 = tpu.memref_slice %arg4[%add3A_298, %dma_wait3A_305] : memref<10240x128xf32, #tpu.memory_space<hbm>> -> memref<4x128xf32, #tpu.memory_space<hbm>>
        tpu.wait_dma2 semaphore(%run_scoped3A : memref<!tpu.dma_semaphore, #tpu.memory_space<semaphore_mem>>) src(%arg7 : memref<4x128xf32, #tpu.memory_space<vmem>>) dst(%dma_wait3A_306 : memref<4x128xf32, #tpu.memory_space<hbm>>)
        tpu.yield
      }) : () -> ()
    }
    %scan3A_5 = arith.constant 80 : i32
    return
  }
}

#map = affine_map<(d0, d1) -> (0, 0)>
#map1 = affine_map<(d0, d1) -> (0)>
module attributes {stable_mosaic.version = 14 : i64} {
  func.func @_sc_edge_body(%arg0: i32, %arg1: i32, %arg2: memref<320000x128xf32, #tpu.memory_space<hbm>>, %arg3: memref<10240x128xf32, #tpu.memory_space<hbm>>, %arg4: memref<320000xi32, #tpu.memory_space<hbm>>, %arg5: memref<320000xi32, #tpu.memory_space<hbm>>, %arg6: memref<320000x128xf32, #tpu.memory_space<hbm>>, %arg7: memref<80xi32, #tpu.memory_space<vmem>>, %arg8: memref<80xi32, #tpu.memory_space<vmem>>, %arg9: memref<80x128xf32, #tpu.memory_space<vmem>>, %arg10: memref<80x128xf32, #tpu.memory_space<vmem>>, %arg11: memref<80x128xf32, #tpu.memory_space<vmem>>, %arg12: memref<!tpu.dma_semaphore, #tpu.memory_space<semaphore_mem>>) attributes {dimension_semantics = [#tpu.dimension_semantics<core_parallel>, #tpu.dimension_semantics<subcore_parallel>], iteration_bounds = array<i64: 2, 16>, scalar_prefetch = 0 : i64, scratch_operands = 6 : i64, tpu.core_type = #tpu.core_type<sc_vector_subcore>, window_params = [{transform_indices = #map}, {transform_indices = #map}, {transform_indices = #map1}, {transform_indices = #map1}, {transform_indices = #map}]} {
    %mul3A = arith.constant 2 : i32
    %mul3A_0 = arith.muli %arg1, %mul3A : i32
    %add3A = arith.addi %mul3A_0, %arg0 : i32
    %scan3A = arith.constant 0 : i32
    %scan3A_1 = arith.constant 0 : i32
    %scan3A_2 = arith.constant 125 : i32
    %scan3A_3 = arith.addi %scan3A_1, %scan3A_2 : i32
    %scan3A_4 = arith.constant 1 : i32
    scf.for %scan3A_6 = %scan3A_1 to %scan3A_3 step %scan3A_4  : i32 {
      %mul3A_7 = arith.constant 10000 : i32
      %mul3A_8 = arith.muli %add3A, %mul3A_7 : i32
      %mul3A_9 = arith.constant 80 : i32
      %mul3A_10 = arith.muli %scan3A_6, %mul3A_9 : i32
      %add3A_11 = arith.addi %mul3A_8, %mul3A_10 : i32
      "tpu.region"() ({
        %run_scoped3A = tpu.sem_alloc : memref<!tpu.dma_semaphore, #tpu.memory_space<semaphore_mem>>
        %dma_start3A_28 = tpu.memref_slice %arg4[%add3A_11] : memref<320000xi32, #tpu.memory_space<hbm>> -> memref<80xi32, #tpu.memory_space<hbm>>
        %dma_start3A_29 = tpu.memref_slice %arg4[%add3A_11] : memref<320000xi32, #tpu.memory_space<hbm>> -> memref<80xi32, #tpu.memory_space<hbm>>
        tpu.enqueue_dma source(%dma_start3A_29 : memref<80xi32, #tpu.memory_space<hbm>>) target(%arg7 : memref<80xi32, #tpu.memory_space<vmem>>) target_semaphore(%run_scoped3A : memref<!tpu.dma_semaphore, #tpu.memory_space<semaphore_mem>>)
        %dma_wait3A_30 = tpu.memref_slice %arg4[%add3A_11] : memref<320000xi32, #tpu.memory_space<hbm>> -> memref<80xi32, #tpu.memory_space<hbm>>
        %dma_wait3A_31 = tpu.memref_slice %arg4[%add3A_11] : memref<320000xi32, #tpu.memory_space<hbm>> -> memref<80xi32, #tpu.memory_space<hbm>>
        tpu.wait_dma2 semaphore(%run_scoped3A : memref<!tpu.dma_semaphore, #tpu.memory_space<semaphore_mem>>) src(%dma_wait3A_31 : memref<80xi32, #tpu.memory_space<hbm>>) dst(%arg7 : memref<80xi32, #tpu.memory_space<vmem>>)
        tpu.yield
      }) : () -> ()
      "tpu.region"() ({
        %run_scoped3A = tpu.sem_alloc : memref<!tpu.dma_semaphore, #tpu.memory_space<semaphore_mem>>
        %dma_start3A_28 = tpu.memref_slice %arg5[%add3A_11] : memref<320000xi32, #tpu.memory_space<hbm>> -> memref<80xi32, #tpu.memory_space<hbm>>
        %dma_start3A_29 = tpu.memref_slice %arg5[%add3A_11] : memref<320000xi32, #tpu.memory_space<hbm>> -> memref<80xi32, #tpu.memory_space<hbm>>
        tpu.enqueue_dma source(%dma_start3A_29 : memref<80xi32, #tpu.memory_space<hbm>>) target(%arg8 : memref<80xi32, #tpu.memory_space<vmem>>) target_semaphore(%run_scoped3A : memref<!tpu.dma_semaphore, #tpu.memory_space<semaphore_mem>>)
        %dma_wait3A_30 = tpu.memref_slice %arg5[%add3A_11] : memref<320000xi32, #tpu.memory_space<hbm>> -> memref<80xi32, #tpu.memory_space<hbm>>
        %dma_wait3A_31 = tpu.memref_slice %arg5[%add3A_11] : memref<320000xi32, #tpu.memory_space<hbm>> -> memref<80xi32, #tpu.memory_space<hbm>>
        tpu.wait_dma2 semaphore(%run_scoped3A : memref<!tpu.dma_semaphore, #tpu.memory_space<semaphore_mem>>) src(%dma_wait3A_31 : memref<80xi32, #tpu.memory_space<hbm>>) dst(%arg8 : memref<80xi32, #tpu.memory_space<vmem>>)
        tpu.yield
      }) : () -> ()
      %dma_start3A = arith.constant 0 : i32
      %dma_start3A_12 = arith.constant 0 : i32
      %dma_start3A_13 = tpu.memref_slice %arg3[%dma_start3A, %dma_start3A_12] : memref<10240x128xf32, #tpu.memory_space<hbm>> -> memref<10240x128xf32, #tpu.memory_space<hbm>>
      tpu.enqueue_indirect_dma source(%dma_start3A_13 : memref<10240x128xf32, #tpu.memory_space<hbm>>) target(%arg9 : memref<80x128xf32, #tpu.memory_space<vmem>>) offsets(%arg7 : memref<80xi32, #tpu.memory_space<vmem>>) semaphore(%arg12 : memref<!tpu.dma_semaphore, #tpu.memory_space<semaphore_mem>>)
      %dma_start3A_14 = arith.constant 0 : i32
      %dma_start3A_15 = arith.constant 0 : i32
      %dma_start3A_16 = tpu.memref_slice %arg2[%dma_start3A_14, %dma_start3A_15] : memref<320000x128xf32, #tpu.memory_space<hbm>> -> memref<320000x128xf32, #tpu.memory_space<hbm>>
      tpu.enqueue_indirect_dma source(%dma_start3A_16 : memref<320000x128xf32, #tpu.memory_space<hbm>>) target(%arg10 : memref<80x128xf32, #tpu.memory_space<vmem>>) offsets(%arg8 : memref<80xi32, #tpu.memory_space<vmem>>) semaphore(%arg12 : memref<!tpu.dma_semaphore, #tpu.memory_space<semaphore_mem>>)
      %dma_wait3A = arith.constant 0 : i32
      %dma_wait3A_17 = arith.constant 0 : i32
      %dma_wait3A_18 = tpu.memref_slice %arg3[%dma_wait3A, %dma_wait3A_17] : memref<10240x128xf32, #tpu.memory_space<hbm>> -> memref<10240x128xf32, #tpu.memory_space<hbm>>
      tpu.wait_indirect_dma semaphore(%arg12 : memref<!tpu.dma_semaphore, #tpu.memory_space<semaphore_mem>>) src(%dma_wait3A_18 : memref<10240x128xf32, #tpu.memory_space<hbm>>) dst(%arg9 : memref<80x128xf32, #tpu.memory_space<vmem>>)
      %dma_wait3A_19 = arith.constant 0 : i32
      %dma_wait3A_20 = arith.constant 0 : i32
      %dma_wait3A_21 = tpu.memref_slice %arg2[%dma_wait3A_19, %dma_wait3A_20] : memref<320000x128xf32, #tpu.memory_space<hbm>> -> memref<320000x128xf32, #tpu.memory_space<hbm>>
      tpu.wait_indirect_dma semaphore(%arg12 : memref<!tpu.dma_semaphore, #tpu.memory_space<semaphore_mem>>) src(%dma_wait3A_21 : memref<320000x128xf32, #tpu.memory_space<hbm>>) dst(%arg10 : memref<80x128xf32, #tpu.memory_space<vmem>>)
      %scan3A_22 = arith.constant 0 : i32
      %scan3A_23 = arith.constant 0 : i32
      %scan3A_24 = arith.constant 80 : i32
      %scan3A_25 = arith.addi %scan3A_23, %scan3A_24 : i32
      %scan3A_26 = arith.constant 1 : i32
      scf.for %scan3A_28 = %scan3A_23 to %scan3A_25 step %scan3A_26  : i32 {
        %get3A = arith.index_cast %scan3A_28 : i32 to index
        %get3A_29 = arith.constant 0 : index
        %get3A_30 = tpu.vector_load %arg9[%get3A, %get3A_29] {strides = array<i32>} : memref<80x128xf32, #tpu.memory_space<vmem>>, vector<1x16xf32>,
        %get3A_31 = vector.shape_cast %get3A_30 : vector<1x16xf32> to vector<16xf32>
        %get3A_32 = arith.index_cast %scan3A_28 : i32 to index
        %get3A_33 = arith.constant 0 : index
        %get3A_34 = tpu.vector_load %arg10[%get3A_32, %get3A_33] {strides = array<i32>} : memref<80x128xf32, #tpu.memory_space<vmem>>, vector<1x16xf32>,
        %get3A_35 = vector.shape_cast %get3A_34 : vector<1x16xf32> to vector<16xf32>
        %max3A = arith.constant 0.000000e+00 : f32
        %max3A_36 = vector.broadcast %max3A : f32 to vector<16xf32>
        %max3A_37 = arith.maximumf %get3A_35, %max3A_36 : vector<16xf32>
        %sub3A = arith.subf %get3A_31, %max3A_37 : vector<16xf32>
        %swap3A = arith.index_cast %scan3A_28 : i32 to index
        %swap3A_38 = arith.constant 0 : index
        %swap3A_39 = tpu.vector_load %arg11[%swap3A, %swap3A_38] {strides = array<i32>} : memref<80x128xf32, #tpu.memory_space<vmem>>, vector<1x16xf32>,
        %swap3A_40 = vector.shape_cast %swap3A_39 : vector<1x16xf32> to vector<16xf32>
        %swap3A_41 = vector.shape_cast %sub3A : vector<16xf32> to vector<1x16xf32>
        tpu.vector_store %arg11[%swap3A, %swap3A_38], %swap3A_41 {strides = array<i32>} : memref<80x128xf32, #tpu.memory_space<vmem>>, vector<1x16xf32>,
        %get3A_42 = arith.index_cast %scan3A_28 : i32 to index
        %get3A_43 = arith.constant 16 : index
        %get3A_44 = tpu.vector_load %arg9[%get3A_42, %get3A_43] {strides = array<i32>} : memref<80x128xf32, #tpu.memory_space<vmem>>, vector<1x16xf32>,
        %get3A_45 = vector.shape_cast %get3A_44 : vector<1x16xf32> to vector<16xf32>
        %get3A_46 = arith.index_cast %scan3A_28 : i32 to index
        %get3A_47 = arith.constant 16 : index
        %get3A_48 = tpu.vector_load %arg10[%get3A_46, %get3A_47] {strides = array<i32>} : memref<80x128xf32, #tpu.memory_space<vmem>>, vector<1x16xf32>,
        %get3A_49 = vector.shape_cast %get3A_48 : vector<1x16xf32> to vector<16xf32>
        %max3A_50 = arith.constant 0.000000e+00 : f32
        %max3A_51 = vector.broadcast %max3A_50 : f32 to vector<16xf32>
        %max3A_52 = arith.maximumf %get3A_49, %max3A_51 : vector<16xf32>
        %sub3A_53 = arith.subf %get3A_45, %max3A_52 : vector<16xf32>
        %swap3A_54 = arith.index_cast %scan3A_28 : i32 to index
        %swap3A_55 = arith.constant 16 : index
        %swap3A_56 = tpu.vector_load %arg11[%swap3A_54, %swap3A_55] {strides = array<i32>} : memref<80x128xf32, #tpu.memory_space<vmem>>, vector<1x16xf32>,
        %swap3A_57 = vector.shape_cast %swap3A_56 : vector<1x16xf32> to vector<16xf32>
        %swap3A_58 = vector.shape_cast %sub3A_53 : vector<16xf32> to vector<1x16xf32>
        tpu.vector_store %arg11[%swap3A_54, %swap3A_55], %swap3A_58 {strides = array<i32>} : memref<80x128xf32, #tpu.memory_space<vmem>>, vector<1x16xf32>,
        %get3A_59 = arith.index_cast %scan3A_28 : i32 to index
        %get3A_60 = arith.constant 32 : index
        %get3A_61 = tpu.vector_load %arg9[%get3A_59, %get3A_60] {strides = array<i32>} : memref<80x128xf32, #tpu.memory_space<vmem>>, vector<1x16xf32>,
        %get3A_62 = vector.shape_cast %get3A_61 : vector<1x16xf32> to vector<16xf32>
        %get3A_63 = arith.index_cast %scan3A_28 : i32 to index
        %get3A_64 = arith.constant 32 : index
        %get3A_65 = tpu.vector_load %arg10[%get3A_63, %get3A_64] {strides = array<i32>} : memref<80x128xf32, #tpu.memory_space<vmem>>, vector<1x16xf32>,
        %get3A_66 = vector.shape_cast %get3A_65 : vector<1x16xf32> to vector<16xf32>
        %max3A_67 = arith.constant 0.000000e+00 : f32
        %max3A_68 = vector.broadcast %max3A_67 : f32 to vector<16xf32>
        %max3A_69 = arith.maximumf %get3A_66, %max3A_68 : vector<16xf32>
        %sub3A_70 = arith.subf %get3A_62, %max3A_69 : vector<16xf32>
        %swap3A_71 = arith.index_cast %scan3A_28 : i32 to index
        %swap3A_72 = arith.constant 32 : index
        %swap3A_73 = tpu.vector_load %arg11[%swap3A_71, %swap3A_72] {strides = array<i32>} : memref<80x128xf32, #tpu.memory_space<vmem>>, vector<1x16xf32>,
        %swap3A_74 = vector.shape_cast %swap3A_73 : vector<1x16xf32> to vector<16xf32>
        %swap3A_75 = vector.shape_cast %sub3A_70 : vector<16xf32> to vector<1x16xf32>
        tpu.vector_store %arg11[%swap3A_71, %swap3A_72], %swap3A_75 {strides = array<i32>} : memref<80x128xf32, #tpu.memory_space<vmem>>, vector<1x16xf32>,
        %get3A_76 = arith.index_cast %scan3A_28 : i32 to index
        %get3A_77 = arith.constant 48 : index
        %get3A_78 = tpu.vector_load %arg9[%get3A_76, %get3A_77] {strides = array<i32>} : memref<80x128xf32, #tpu.memory_space<vmem>>, vector<1x16xf32>,
        %get3A_79 = vector.shape_cast %get3A_78 : vector<1x16xf32> to vector<16xf32>
        %get3A_80 = arith.index_cast %scan3A_28 : i32 to index
        %get3A_81 = arith.constant 48 : index
        %get3A_82 = tpu.vector_load %arg10[%get3A_80, %get3A_81] {strides = array<i32>} : memref<80x128xf32, #tpu.memory_space<vmem>>, vector<1x16xf32>,
        %get3A_83 = vector.shape_cast %get3A_82 : vector<1x16xf32> to vector<16xf32>
        %max3A_84 = arith.constant 0.000000e+00 : f32
        %max3A_85 = vector.broadcast %max3A_84 : f32 to vector<16xf32>
        %max3A_86 = arith.maximumf %get3A_83, %max3A_85 : vector<16xf32>
        %sub3A_87 = arith.subf %get3A_79, %max3A_86 : vector<16xf32>
        %swap3A_88 = arith.index_cast %scan3A_28 : i32 to index
        %swap3A_89 = arith.constant 48 : index
        %swap3A_90 = tpu.vector_load %arg11[%swap3A_88, %swap3A_89] {strides = array<i32>} : memref<80x128xf32, #tpu.memory_space<vmem>>, vector<1x16xf32>,
        %swap3A_91 = vector.shape_cast %swap3A_90 : vector<1x16xf32> to vector<16xf32>
        %swap3A_92 = vector.shape_cast %sub3A_87 : vector<16xf32> to vector<1x16xf32>
        tpu.vector_store %arg11[%swap3A_88, %swap3A_89], %swap3A_92 {strides = array<i32>} : memref<80x128xf32, #tpu.memory_space<vmem>>, vector<1x16xf32>,
        %get3A_93 = arith.index_cast %scan3A_28 : i32 to index
        %get3A_94 = arith.constant 64 : index
        %get3A_95 = tpu.vector_load %arg9[%get3A_93, %get3A_94] {strides = array<i32>} : memref<80x128xf32, #tpu.memory_space<vmem>>, vector<1x16xf32>,
        %get3A_96 = vector.shape_cast %get3A_95 : vector<1x16xf32> to vector<16xf32>
        %get3A_97 = arith.index_cast %scan3A_28 : i32 to index
        %get3A_98 = arith.constant 64 : index
        %get3A_99 = tpu.vector_load %arg10[%get3A_97, %get3A_98] {strides = array<i32>} : memref<80x128xf32, #tpu.memory_space<vmem>>, vector<1x16xf32>,
        %get3A_100 = vector.shape_cast %get3A_99 : vector<1x16xf32> to vector<16xf32>
        %max3A_101 = arith.constant 0.000000e+00 : f32
        %max3A_102 = vector.broadcast %max3A_101 : f32 to vector<16xf32>
        %max3A_103 = arith.maximumf %get3A_100, %max3A_102 : vector<16xf32>
        %sub3A_104 = arith.subf %get3A_96, %max3A_103 : vector<16xf32>
        %swap3A_105 = arith.index_cast %scan3A_28 : i32 to index
        %swap3A_106 = arith.constant 64 : index
        %swap3A_107 = tpu.vector_load %arg11[%swap3A_105, %swap3A_106] {strides = array<i32>} : memref<80x128xf32, #tpu.memory_space<vmem>>, vector<1x16xf32>,
        %swap3A_108 = vector.shape_cast %swap3A_107 : vector<1x16xf32> to vector<16xf32>
        %swap3A_109 = vector.shape_cast %sub3A_104 : vector<16xf32> to vector<1x16xf32>
        tpu.vector_store %arg11[%swap3A_105, %swap3A_106], %swap3A_109 {strides = array<i32>} : memref<80x128xf32, #tpu.memory_space<vmem>>, vector<1x16xf32>,
        %get3A_110 = arith.index_cast %scan3A_28 : i32 to index
        %get3A_111 = arith.constant 80 : index
        %get3A_112 = tpu.vector_load %arg9[%get3A_110, %get3A_111] {strides = array<i32>} : memref<80x128xf32, #tpu.memory_space<vmem>>, vector<1x16xf32>,
        %get3A_113 = vector.shape_cast %get3A_112 : vector<1x16xf32> to vector<16xf32>
        %get3A_114 = arith.index_cast %scan3A_28 : i32 to index
        %get3A_115 = arith.constant 80 : index
        %get3A_116 = tpu.vector_load %arg10[%get3A_114, %get3A_115] {strides = array<i32>} : memref<80x128xf32, #tpu.memory_space<vmem>>, vector<1x16xf32>,
        %get3A_117 = vector.shape_cast %get3A_116 : vector<1x16xf32> to vector<16xf32>
        %max3A_118 = arith.constant 0.000000e+00 : f32
        %max3A_119 = vector.broadcast %max3A_118 : f32 to vector<16xf32>
        %max3A_120 = arith.maximumf %get3A_117, %max3A_119 : vector<16xf32>
        %sub3A_121 = arith.subf %get3A_113, %max3A_120 : vector<16xf32>
        %swap3A_122 = arith.index_cast %scan3A_28 : i32 to index
        %swap3A_123 = arith.constant 80 : index
        %swap3A_124 = tpu.vector_load %arg11[%swap3A_122, %swap3A_123] {strides = array<i32>} : memref<80x128xf32, #tpu.memory_space<vmem>>, vector<1x16xf32>,
        %swap3A_125 = vector.shape_cast %swap3A_124 : vector<1x16xf32> to vector<16xf32>
        %swap3A_126 = vector.shape_cast %sub3A_121 : vector<16xf32> to vector<1x16xf32>
        tpu.vector_store %arg11[%swap3A_122, %swap3A_123], %swap3A_126 {strides = array<i32>} : memref<80x128xf32, #tpu.memory_space<vmem>>, vector<1x16xf32>,
        %get3A_127 = arith.index_cast %scan3A_28 : i32 to index
        %get3A_128 = arith.constant 96 : index
        %get3A_129 = tpu.vector_load %arg9[%get3A_127, %get3A_128] {strides = array<i32>} : memref<80x128xf32, #tpu.memory_space<vmem>>, vector<1x16xf32>,
        %get3A_130 = vector.shape_cast %get3A_129 : vector<1x16xf32> to vector<16xf32>
        %get3A_131 = arith.index_cast %scan3A_28 : i32 to index
        %get3A_132 = arith.constant 96 : index
        %get3A_133 = tpu.vector_load %arg10[%get3A_131, %get3A_132] {strides = array<i32>} : memref<80x128xf32, #tpu.memory_space<vmem>>, vector<1x16xf32>,
        %get3A_134 = vector.shape_cast %get3A_133 : vector<1x16xf32> to vector<16xf32>
        %max3A_135 = arith.constant 0.000000e+00 : f32
        %max3A_136 = vector.broadcast %max3A_135 : f32 to vector<16xf32>
        %max3A_137 = arith.maximumf %get3A_134, %max3A_136 : vector<16xf32>
        %sub3A_138 = arith.subf %get3A_130, %max3A_137 : vector<16xf32>
        %swap3A_139 = arith.index_cast %scan3A_28 : i32 to index
        %swap3A_140 = arith.constant 96 : index
        %swap3A_141 = tpu.vector_load %arg11[%swap3A_139, %swap3A_140] {strides = array<i32>} : memref<80x128xf32, #tpu.memory_space<vmem>>, vector<1x16xf32>,
        %swap3A_142 = vector.shape_cast %swap3A_141 : vector<1x16xf32> to vector<16xf32>
        %swap3A_143 = vector.shape_cast %sub3A_138 : vector<16xf32> to vector<1x16xf32>
        tpu.vector_store %arg11[%swap3A_139, %swap3A_140], %swap3A_143 {strides = array<i32>} : memref<80x128xf32, #tpu.memory_space<vmem>>, vector<1x16xf32>,
        %get3A_144 = arith.index_cast %scan3A_28 : i32 to index
        %get3A_145 = arith.constant 112 : index
        %get3A_146 = tpu.vector_load %arg9[%get3A_144, %get3A_145] {strides = array<i32>} : memref<80x128xf32, #tpu.memory_space<vmem>>, vector<1x16xf32>,
        %get3A_147 = vector.shape_cast %get3A_146 : vector<1x16xf32> to vector<16xf32>
        %get3A_148 = arith.index_cast %scan3A_28 : i32 to index
        %get3A_149 = arith.constant 112 : index
        %get3A_150 = tpu.vector_load %arg10[%get3A_148, %get3A_149] {strides = array<i32>} : memref<80x128xf32, #tpu.memory_space<vmem>>, vector<1x16xf32>,
        %get3A_151 = vector.shape_cast %get3A_150 : vector<1x16xf32> to vector<16xf32>
        %max3A_152 = arith.constant 0.000000e+00 : f32
        %max3A_153 = vector.broadcast %max3A_152 : f32 to vector<16xf32>
        %max3A_154 = arith.maximumf %get3A_151, %max3A_153 : vector<16xf32>
        %sub3A_155 = arith.subf %get3A_147, %max3A_154 : vector<16xf32>
        %swap3A_156 = arith.index_cast %scan3A_28 : i32 to index
        %swap3A_157 = arith.constant 112 : index
        %swap3A_158 = tpu.vector_load %arg11[%swap3A_156, %swap3A_157] {strides = array<i32>} : memref<80x128xf32, #tpu.memory_space<vmem>>, vector<1x16xf32>,
        %swap3A_159 = vector.shape_cast %swap3A_158 : vector<1x16xf32> to vector<16xf32>
        %swap3A_160 = vector.shape_cast %sub3A_155 : vector<16xf32> to vector<1x16xf32>
        tpu.vector_store %arg11[%swap3A_156, %swap3A_157], %swap3A_160 {strides = array<i32>} : memref<80x128xf32, #tpu.memory_space<vmem>>, vector<1x16xf32>,
      }
      %scan3A_27 = arith.constant 80 : i32
      "tpu.region"() ({
        %run_scoped3A = tpu.sem_alloc : memref<!tpu.dma_semaphore, #tpu.memory_space<semaphore_mem>>
        %dma_start3A_28 = arith.constant 0 : i32
        %dma_start3A_29 = tpu.memref_slice %arg6[%add3A_11, %dma_start3A_28] : memref<320000x128xf32, #tpu.memory_space<hbm>> -> memref<80x128xf32, #tpu.memory_space<hbm>>
        %dma_start3A_30 = arith.constant 0 : i32
        %dma_start3A_31 = tpu.memref_slice %arg6[%add3A_11, %dma_start3A_30] : memref<320000x128xf32, #tpu.memory_space<hbm>> -> memref<80x128xf32, #tpu.memory_space<hbm>>
        tpu.enqueue_dma source(%arg11 : memref<80x128xf32, #tpu.memory_space<vmem>>) target(%dma_start3A_31 : memref<80x128xf32, #tpu.memory_space<hbm>>) target_semaphore(%run_scoped3A : memref<!tpu.dma_semaphore, #tpu.memory_space<semaphore_mem>>)
        %dma_wait3A_32 = arith.constant 0 : i32
        %dma_wait3A_33 = tpu.memref_slice %arg6[%add3A_11, %dma_wait3A_32] : memref<320000x128xf32, #tpu.memory_space<hbm>> -> memref<80x128xf32, #tpu.memory_space<hbm>>
        %dma_wait3A_34 = arith.constant 0 : i32
        %dma_wait3A_35 = tpu.memref_slice %arg6[%add3A_11, %dma_wait3A_34] : memref<320000x128xf32, #tpu.memory_space<hbm>> -> memref<80x128xf32, #tpu.memory_space<hbm>>
        tpu.wait_dma2 semaphore(%run_scoped3A : memref<!tpu.dma_semaphore, #tpu.memory_space<semaphore_mem>>) src(%arg11 : memref<80x128xf32, #tpu.memory_space<vmem>>) dst(%dma_wait3A_35 : memref<80x128xf32, #tpu.memory_space<hbm>>)
        tpu.yield
      }) : () -> ()
    }
    %scan3A_5 = arith.constant 125 : i32
    return
  }
}

#map = affine_map<(d0, d1) -> (0, 0)>
#map1 = affine_map<(d0, d1) -> (0)>
module attributes {stable_mosaic.version = 14 : i64} {
  func.func @_sc_gather_sum_body(%arg0: i32, %arg1: i32, %arg2: memref<320000x128xf32, #tpu.memory_space<hbm>>, %arg3: memref<327680xi32, #tpu.memory_space<hbm>>, %arg4: memref<10240x128xf32, #tpu.memory_space<hbm>>, %arg5: memref<128xi32, #tpu.memory_space<vmem>>, %arg6: memref<128x128xf32, #tpu.memory_space<vmem>>, %arg7: memref<4x128xf32, #tpu.memory_space<vmem>>, %arg8: memref<!tpu.dma_semaphore, #tpu.memory_space<semaphore_mem>>) attributes {dimension_semantics = [#tpu.dimension_semantics<core_parallel>, #tpu.dimension_semantics<subcore_parallel>], iteration_bounds = array<i64: 2, 16>, scalar_prefetch = 0 : i64, scratch_operands = 4 : i64, tpu.core_type = #tpu.core_type<sc_vector_subcore>, window_params = [{transform_indices = #map}, {transform_indices = #map1}, {transform_indices = #map}]} {
    %mul3A = arith.constant 2 : i32
    %mul3A_0 = arith.muli %arg1, %mul3A : i32
    %add3A = arith.addi %mul3A_0, %arg0 : i32
    %scan3A = arith.constant 0 : i32
    %scan3A_1 = arith.constant 0 : i32
    %scan3A_2 = arith.constant 80 : i32
    %scan3A_3 = arith.addi %scan3A_1, %scan3A_2 : i32
    %scan3A_4 = arith.constant 1 : i32
    scf.for %scan3A_6 = %scan3A_1 to %scan3A_3 step %scan3A_4  : i32 {
      %mul3A_7 = arith.constant 10240 : i32
      %mul3A_8 = arith.muli %add3A, %mul3A_7 : i32
      %mul3A_9 = arith.constant 128 : i32
      %mul3A_10 = arith.muli %scan3A_6, %mul3A_9 : i32
      %add3A_11 = arith.addi %mul3A_8, %mul3A_10 : i32
      "tpu.region"() ({
        %run_scoped3A = tpu.sem_alloc : memref<!tpu.dma_semaphore, #tpu.memory_space<semaphore_mem>>
        %dma_start3A_299 = tpu.memref_slice %arg3[%add3A_11] : memref<327680xi32, #tpu.memory_space<hbm>> -> memref<128xi32, #tpu.memory_space<hbm>>
        %dma_start3A_300 = tpu.memref_slice %arg3[%add3A_11] : memref<327680xi32, #tpu.memory_space<hbm>> -> memref<128xi32, #tpu.memory_space<hbm>>
        tpu.enqueue_dma source(%dma_start3A_300 : memref<128xi32, #tpu.memory_space<hbm>>) target(%arg5 : memref<128xi32, #tpu.memory_space<vmem>>) target_semaphore(%run_scoped3A : memref<!tpu.dma_semaphore, #tpu.memory_space<semaphore_mem>>)
        %dma_wait3A_301 = tpu.memref_slice %arg3[%add3A_11] : memref<327680xi32, #tpu.memory_space<hbm>> -> memref<128xi32, #tpu.memory_space<hbm>>
        %dma_wait3A_302 = tpu.memref_slice %arg3[%add3A_11] : memref<327680xi32, #tpu.memory_space<hbm>> -> memref<128xi32, #tpu.memory_space<hbm>>
        tpu.wait_dma2 semaphore(%run_scoped3A : memref<!tpu.dma_semaphore, #tpu.memory_space<semaphore_mem>>) src(%dma_wait3A_302 : memref<128xi32, #tpu.memory_space<hbm>>) dst(%arg5 : memref<128xi32, #tpu.memory_space<vmem>>)
        tpu.yield
      }) : () -> ()
      %dma_start3A = arith.constant 0 : i32
      %dma_start3A_12 = arith.constant 0 : i32
      %dma_start3A_13 = tpu.memref_slice %arg2[%dma_start3A, %dma_start3A_12] : memref<320000x128xf32, #tpu.memory_space<hbm>> -> memref<320000x128xf32, #tpu.memory_space<hbm>>
      tpu.enqueue_indirect_dma source(%dma_start3A_13 : memref<320000x128xf32, #tpu.memory_space<hbm>>) target(%arg6 : memref<128x128xf32, #tpu.memory_space<vmem>>) offsets(%arg5 : memref<128xi32, #tpu.memory_space<vmem>>) semaphore(%arg8 : memref<!tpu.dma_semaphore, #tpu.memory_space<semaphore_mem>>)
      %dma_wait3A = arith.constant 0 : i32
      %dma_wait3A_14 = arith.constant 0 : i32
      %dma_wait3A_15 = tpu.memref_slice %arg2[%dma_wait3A, %dma_wait3A_14] : memref<320000x128xf32, #tpu.memory_space<hbm>> -> memref<320000x128xf32, #tpu.memory_space<hbm>>
      tpu.wait_indirect_dma semaphore(%arg8 : memref<!tpu.dma_semaphore, #tpu.memory_space<semaphore_mem>>) src(%dma_wait3A_15 : memref<320000x128xf32, #tpu.memory_space<hbm>>) dst(%arg6 : memref<128x128xf32, #tpu.memory_space<vmem>>)
      %broadcast_in_dim3A = arith.constant 0.000000e+00 : f32
      %broadcast_in_dim3A_16 = vector.broadcast %broadcast_in_dim3A : f32 to vector<16xf32>
      %broadcast_in_dim3A_17 = arith.constant 0.000000e+00 : f32
      %broadcast_in_dim3A_18 = vector.broadcast %broadcast_in_dim3A_17 : f32 to vector<16xf32>
      %broadcast_in_dim3A_19 = arith.constant 0.000000e+00 : f32
      %broadcast_in_dim3A_20 = vector.broadcast %broadcast_in_dim3A_19 : f32 to vector<16xf32>
      %broadcast_in_dim3A_21 = arith.constant 0.000000e+00 : f32
      %broadcast_in_dim3A_22 = vector.broadcast %broadcast_in_dim3A_21 : f32 to vector<16xf32>
      %broadcast_in_dim3A_23 = arith.constant 0.000000e+00 : f32
      %broadcast_in_dim3A_24 = vector.broadcast %broadcast_in_dim3A_23 : f32 to vector<16xf32>
      %broadcast_in_dim3A_25 = arith.constant 0.000000e+00 : f32
      %broadcast_in_dim3A_26 = vector.broadcast %broadcast_in_dim3A_25 : f32 to vector<16xf32>
      %broadcast_in_dim3A_27 = arith.constant 0.000000e+00 : f32
      %broadcast_in_dim3A_28 = vector.broadcast %broadcast_in_dim3A_27 : f32 to vector<16xf32>
      %broadcast_in_dim3A_29 = arith.constant 0.000000e+00 : f32
      %broadcast_in_dim3A_30 = vector.broadcast %broadcast_in_dim3A_29 : f32 to vector<16xf32>
      %scan3A_31 = arith.constant 0 : i32
      %scan3A_32 = arith.constant 32 : i32
      %scan3A_33 = arith.addi %scan3A_31, %scan3A_32 : i32
      %scan3A_34 = arith.constant 1 : i32
      %scan3A_35:8 = scf.for %scan3A_299 = %scan3A_31 to %scan3A_33 step %scan3A_34 iter_args(%scan3A_300 = %broadcast_in_dim3A_16, %scan3A_301 = %broadcast_in_dim3A_18, %scan3A_302 = %broadcast_in_dim3A_20, %scan3A_303 = %broadcast_in_dim3A_22, %scan3A_304 = %broadcast_in_dim3A_24, %scan3A_305 = %broadcast_in_dim3A_26, %scan3A_306 = %broadcast_in_dim3A_28, %scan3A_307 = %broadcast_in_dim3A_30) -> (vector<16xf32>, vector<16xf32>, vector<16xf32>, vector<16xf32>, vector<16xf32>, vector<16xf32>, vector<16xf32>, vector<16xf32>)  : i32 {
        %add3A_308 = arith.constant 0 : i32
        %add3A_309 = arith.addi %add3A_308, %scan3A_299 : i32
        %get3A = arith.index_cast %add3A_309 : i32 to index
        %get3A_310 = arith.constant 0 : index
        %get3A_311 = tpu.vector_load %arg6[%get3A, %get3A_310] {strides = array<i32>} : memref<128x128xf32, #tpu.memory_space<vmem>>, vector<1x16xf32>,
        %get3A_312 = vector.shape_cast %get3A_311 : vector<1x16xf32> to vector<16xf32>
        %max3A = arith.constant 0.000000e+00 : f32
        %max3A_313 = vector.broadcast %max3A : f32 to vector<16xf32>
        %max3A_314 = arith.maximumf %get3A_312, %max3A_313 : vector<16xf32>
        %add3A_315 = arith.addf %scan3A_300, %max3A_314 : vector<16xf32>
        %get3A_316 = arith.index_cast %add3A_309 : i32 to index
        %get3A_317 = arith.constant 16 : index
        %get3A_318 = tpu.vector_load %arg6[%get3A_316, %get3A_317] {strides = array<i32>} : memref<128x128xf32, #tpu.memory_space<vmem>>, vector<1x16xf32>,
        %get3A_319 = vector.shape_cast %get3A_318 : vector<1x16xf32> to vector<16xf32>
        %max3A_320 = arith.constant 0.000000e+00 : f32
        %max3A_321 = vector.broadcast %max3A_320 : f32 to vector<16xf32>
        %max3A_322 = arith.maximumf %get3A_319, %max3A_321 : vector<16xf32>
        %add3A_323 = arith.addf %scan3A_301, %max3A_322 : vector<16xf32>
        %get3A_324 = arith.index_cast %add3A_309 : i32 to index
        %get3A_325 = arith.constant 32 : index
        %get3A_326 = tpu.vector_load %arg6[%get3A_324, %get3A_325] {strides = array<i32>} : memref<128x128xf32, #tpu.memory_space<vmem>>, vector<1x16xf32>,
        %get3A_327 = vector.shape_cast %get3A_326 : vector<1x16xf32> to vector<16xf32>
        %max3A_328 = arith.constant 0.000000e+00 : f32
        %max3A_329 = vector.broadcast %max3A_328 : f32 to vector<16xf32>
        %max3A_330 = arith.maximumf %get3A_327, %max3A_329 : vector<16xf32>
        %add3A_331 = arith.addf %scan3A_302, %max3A_330 : vector<16xf32>
        %get3A_332 = arith.index_cast %add3A_309 : i32 to index
        %get3A_333 = arith.constant 48 : index
        %get3A_334 = tpu.vector_load %arg6[%get3A_332, %get3A_333] {strides = array<i32>} : memref<128x128xf32, #tpu.memory_space<vmem>>, vector<1x16xf32>,
        %get3A_335 = vector.shape_cast %get3A_334 : vector<1x16xf32> to vector<16xf32>
        %max3A_336 = arith.constant 0.000000e+00 : f32
        %max3A_337 = vector.broadcast %max3A_336 : f32 to vector<16xf32>
        %max3A_338 = arith.maximumf %get3A_335, %max3A_337 : vector<16xf32>
        %add3A_339 = arith.addf %scan3A_303, %max3A_338 : vector<16xf32>
        %get3A_340 = arith.index_cast %add3A_309 : i32 to index
        %get3A_341 = arith.constant 64 : index
        %get3A_342 = tpu.vector_load %arg6[%get3A_340, %get3A_341] {strides = array<i32>} : memref<128x128xf32, #tpu.memory_space<vmem>>, vector<1x16xf32>,
        %get3A_343 = vector.shape_cast %get3A_342 : vector<1x16xf32> to vector<16xf32>
        %max3A_344 = arith.constant 0.000000e+00 : f32
        %max3A_345 = vector.broadcast %max3A_344 : f32 to vector<16xf32>
        %max3A_346 = arith.maximumf %get3A_343, %max3A_345 : vector<16xf32>
        %add3A_347 = arith.addf %scan3A_304, %max3A_346 : vector<16xf32>
        %get3A_348 = arith.index_cast %add3A_309 : i32 to index
        %get3A_349 = arith.constant 80 : index
        %get3A_350 = tpu.vector_load %arg6[%get3A_348, %get3A_349] {strides = array<i32>} : memref<128x128xf32, #tpu.memory_space<vmem>>, vector<1x16xf32>,
        %get3A_351 = vector.shape_cast %get3A_350 : vector<1x16xf32> to vector<16xf32>
        %max3A_352 = arith.constant 0.000000e+00 : f32
        %max3A_353 = vector.broadcast %max3A_352 : f32 to vector<16xf32>
        %max3A_354 = arith.maximumf %get3A_351, %max3A_353 : vector<16xf32>
        %add3A_355 = arith.addf %scan3A_305, %max3A_354 : vector<16xf32>
        %get3A_356 = arith.index_cast %add3A_309 : i32 to index
        %get3A_357 = arith.constant 96 : index
        %get3A_358 = tpu.vector_load %arg6[%get3A_356, %get3A_357] {strides = array<i32>} : memref<128x128xf32, #tpu.memory_space<vmem>>, vector<1x16xf32>,
        %get3A_359 = vector.shape_cast %get3A_358 : vector<1x16xf32> to vector<16xf32>
        %max3A_360 = arith.constant 0.000000e+00 : f32
        %max3A_361 = vector.broadcast %max3A_360 : f32 to vector<16xf32>
        %max3A_362 = arith.maximumf %get3A_359, %max3A_361 : vector<16xf32>
        %add3A_363 = arith.addf %scan3A_306, %max3A_362 : vector<16xf32>
        %get3A_364 = arith.index_cast %add3A_309 : i32 to index
        %get3A_365 = arith.constant 112 : index
        %get3A_366 = tpu.vector_load %arg6[%get3A_364, %get3A_365] {strides = array<i32>} : memref<128x128xf32, #tpu.memory_space<vmem>>, vector<1x16xf32>,
        %get3A_367 = vector.shape_cast %get3A_366 : vector<1x16xf32> to vector<16xf32>
        %max3A_368 = arith.constant 0.000000e+00 : f32
        %max3A_369 = vector.broadcast %max3A_368 : f32 to vector<16xf32>
        %max3A_370 = arith.maximumf %get3A_367, %max3A_369 : vector<16xf32>
        %add3A_371 = arith.addf %scan3A_307, %max3A_370 : vector<16xf32>
        scf.yield %add3A_315, %add3A_323, %add3A_331, %add3A_339, %add3A_347, %add3A_355, %add3A_363, %add3A_371 : vector<16xf32>, vector<16xf32>, vector<16xf32>, vector<16xf32>, vector<16xf32>, vector<16xf32>, vector<16xf32>, vector<16xf32>
      }
      %scan3A_36 = arith.constant 32 : i32
      %swap3A = arith.constant 0 : i32
      %swap3A_37 = arith.index_cast %swap3A : i32 to index
      %swap3A_38 = arith.constant 0 : index
      %swap3A_39 = tpu.vector_load %arg7[%swap3A_37, %swap3A_38] {strides = array<i32>} : memref<4x128xf32, #tpu.memory_space<vmem>>, vector<1x16xf32>,
      %swap3A_40 = vector.shape_cast %swap3A_39 : vector<1x16xf32> to vector<16xf32>
      %swap3A_41 = vector.shape_cast %scan3A_35#0 : vector<16xf32> to vector<1x16xf32>
      tpu.vector_store %arg7[%swap3A_37, %swap3A_38], %swap3A_41 {strides = array<i32>} : memref<4x128xf32, #tpu.memory_space<vmem>>, vector<1x16xf32>,
      %swap3A_42 = arith.constant 0 : i32
      %swap3A_43 = arith.index_cast %swap3A_42 : i32 to index
      %swap3A_44 = arith.constant 16 : index
      %swap3A_45 = tpu.vector_load %arg7[%swap3A_43, %swap3A_44] {strides = array<i32>} : memref<4x128xf32, #tpu.memory_space<vmem>>, vector<1x16xf32>,
      %swap3A_46 = vector.shape_cast %swap3A_45 : vector<1x16xf32> to vector<16xf32>
      %swap3A_47 = vector.shape_cast %scan3A_35#1 : vector<16xf32> to vector<1x16xf32>
      tpu.vector_store %arg7[%swap3A_43, %swap3A_44], %swap3A_47 {strides = array<i32>} : memref<4x128xf32, #tpu.memory_space<vmem>>, vector<1x16xf32>,
      %swap3A_48 = arith.constant 0 : i32
      %swap3A_49 = arith.index_cast %swap3A_48 : i32 to index
      %swap3A_50 = arith.constant 32 : index
      %swap3A_51 = tpu.vector_load %arg7[%swap3A_49, %swap3A_50] {strides = array<i32>} : memref<4x128xf32, #tpu.memory_space<vmem>>, vector<1x16xf32>,
      %swap3A_52 = vector.shape_cast %swap3A_51 : vector<1x16xf32> to vector<16xf32>
      %swap3A_53 = vector.shape_cast %scan3A_35#2 : vector<16xf32> to vector<1x16xf32>
      tpu.vector_store %arg7[%swap3A_49, %swap3A_50], %swap3A_53 {strides = array<i32>} : memref<4x128xf32, #tpu.memory_space<vmem>>, vector<1x16xf32>,
      %swap3A_54 = arith.constant 0 : i32
      %swap3A_55 = arith.index_cast %swap3A_54 : i32 to index
      %swap3A_56 = arith.constant 48 : index
      %swap3A_57 = tpu.vector_load %arg7[%swap3A_55, %swap3A_56] {strides = array<i32>} : memref<4x128xf32, #tpu.memory_space<vmem>>, vector<1x16xf32>,
      %swap3A_58 = vector.shape_cast %swap3A_57 : vector<1x16xf32> to vector<16xf32>
      %swap3A_59 = vector.shape_cast %scan3A_35#3 : vector<16xf32> to vector<1x16xf32>
      tpu.vector_store %arg7[%swap3A_55, %swap3A_56], %swap3A_59 {strides = array<i32>} : memref<4x128xf32, #tpu.memory_space<vmem>>, vector<1x16xf32>,
      %swap3A_60 = arith.constant 0 : i32
      %swap3A_61 = arith.index_cast %swap3A_60 : i32 to index
      %swap3A_62 = arith.constant 64 : index
      %swap3A_63 = tpu.vector_load %arg7[%swap3A_61, %swap3A_62] {strides = array<i32>} : memref<4x128xf32, #tpu.memory_space<vmem>>, vector<1x16xf32>,
      %swap3A_64 = vector.shape_cast %swap3A_63 : vector<1x16xf32> to vector<16xf32>
      %swap3A_65 = vector.shape_cast %scan3A_35#4 : vector<16xf32> to vector<1x16xf32>
      tpu.vector_store %arg7[%swap3A_61, %swap3A_62], %swap3A_65 {strides = array<i32>} : memref<4x128xf32, #tpu.memory_space<vmem>>, vector<1x16xf32>,
      %swap3A_66 = arith.constant 0 : i32
      %swap3A_67 = arith.index_cast %swap3A_66 : i32 to index
      %swap3A_68 = arith.constant 80 : index
      %swap3A_69 = tpu.vector_load %arg7[%swap3A_67, %swap3A_68] {strides = array<i32>} : memref<4x128xf32, #tpu.memory_space<vmem>>, vector<1x16xf32>,
      %swap3A_70 = vector.shape_cast %swap3A_69 : vector<1x16xf32> to vector<16xf32>
      %swap3A_71 = vector.shape_cast %scan3A_35#5 : vector<16xf32> to vector<1x16xf32>
      tpu.vector_store %arg7[%swap3A_67, %swap3A_68], %swap3A_71 {strides = array<i32>} : memref<4x128xf32, #tpu.memory_space<vmem>>, vector<1x16xf32>,
      %swap3A_72 = arith.constant 0 : i32
      %swap3A_73 = arith.index_cast %swap3A_72 : i32 to index
      %swap3A_74 = arith.constant 96 : index
      %swap3A_75 = tpu.vector_load %arg7[%swap3A_73, %swap3A_74] {strides = array<i32>} : memref<4x128xf32, #tpu.memory_space<vmem>>, vector<1x16xf32>,
      %swap3A_76 = vector.shape_cast %swap3A_75 : vector<1x16xf32> to vector<16xf32>
      %swap3A_77 = vector.shape_cast %scan3A_35#6 : vector<16xf32> to vector<1x16xf32>
      tpu.vector_store %arg7[%swap3A_73, %swap3A_74], %swap3A_77 {strides = array<i32>} : memref<4x128xf32, #tpu.memory_space<vmem>>, vector<1x16xf32>,
      %swap3A_78 = arith.constant 0 : i32
      %swap3A_79 = arith.index_cast %swap3A_78 : i32 to index
      %swap3A_80 = arith.constant 112 : index
      %swap3A_81 = tpu.vector_load %arg7[%swap3A_79, %swap3A_80] {strides = array<i32>} : memref<4x128xf32, #tpu.memory_space<vmem>>, vector<1x16xf32>,
      %swap3A_82 = vector.shape_cast %swap3A_81 : vector<1x16xf32> to vector<16xf32>
      %swap3A_83 = vector.shape_cast %scan3A_35#7 : vector<16xf32> to vector<1x16xf32>
      tpu.vector_store %arg7[%swap3A_79, %swap3A_80], %swap3A_83 {strides = array<i32>} : memref<4x128xf32, #tpu.memory_space<vmem>>, vector<1x16xf32>,
      %broadcast_in_dim3A_84 = arith.constant 0.000000e+00 : f32
      %broadcast_in_dim3A_85 = vector.broadcast %broadcast_in_dim3A_84 : f32 to vector<16xf32>
      %broadcast_in_dim3A_86 = arith.constant 0.000000e+00 : f32
      %broadcast_in_dim3A_87 = vector.broadcast %broadcast_in_dim3A_86 : f32 to vector<16xf32>
      %broadcast_in_dim3A_88 = arith.constant 0.000000e+00 : f32
      %broadcast_in_dim3A_89 = vector.broadcast %broadcast_in_dim3A_88 : f32 to vector<16xf32>
      %broadcast_in_dim3A_90 = arith.constant 0.000000e+00 : f32
      %broadcast_in_dim3A_91 = vector.broadcast %broadcast_in_dim3A_90 : f32 to vector<16xf32>
      %broadcast_in_dim3A_92 = arith.constant 0.000000e+00 : f32
      %broadcast_in_dim3A_93 = vector.broadcast %broadcast_in_dim3A_92 : f32 to vector<16xf32>
      %broadcast_in_dim3A_94 = arith.constant 0.000000e+00 : f32
      %broadcast_in_dim3A_95 = vector.broadcast %broadcast_in_dim3A_94 : f32 to vector<16xf32>
      %broadcast_in_dim3A_96 = arith.constant 0.000000e+00 : f32
      %broadcast_in_dim3A_97 = vector.broadcast %broadcast_in_dim3A_96 : f32 to vector<16xf32>
      %broadcast_in_dim3A_98 = arith.constant 0.000000e+00 : f32
      %broadcast_in_dim3A_99 = vector.broadcast %broadcast_in_dim3A_98 : f32 to vector<16xf32>
      %scan3A_100 = arith.constant 0 : i32
      %scan3A_101 = arith.constant 32 : i32
      %scan3A_102 = arith.addi %scan3A_100, %scan3A_101 : i32
      %scan3A_103 = arith.constant 1 : i32
      %scan3A_104:8 = scf.for %scan3A_299 = %scan3A_100 to %scan3A_102 step %scan3A_103 iter_args(%scan3A_300 = %broadcast_in_dim3A_85, %scan3A_301 = %broadcast_in_dim3A_87, %scan3A_302 = %broadcast_in_dim3A_89, %scan3A_303 = %broadcast_in_dim3A_91, %scan3A_304 = %broadcast_in_dim3A_93, %scan3A_305 = %broadcast_in_dim3A_95, %scan3A_306 = %broadcast_in_dim3A_97, %scan3A_307 = %broadcast_in_dim3A_99) -> (vector<16xf32>, vector<16xf32>, vector<16xf32>, vector<16xf32>, vector<16xf32>, vector<16xf32>, vector<16xf32>, vector<16xf32>)  : i32 {
        %add3A_308 = arith.constant 32 : i32
        %add3A_309 = arith.addi %add3A_308, %scan3A_299 : i32
        %get3A = arith.index_cast %add3A_309 : i32 to index
        %get3A_310 = arith.constant 0 : index
        %get3A_311 = tpu.vector_load %arg6[%get3A, %get3A_310] {strides = array<i32>} : memref<128x128xf32, #tpu.memory_space<vmem>>, vector<1x16xf32>,
        %get3A_312 = vector.shape_cast %get3A_311 : vector<1x16xf32> to vector<16xf32>
        %max3A = arith.constant 0.000000e+00 : f32
        %max3A_313 = vector.broadcast %max3A : f32 to vector<16xf32>
        %max3A_314 = arith.maximumf %get3A_312, %max3A_313 : vector<16xf32>
        %add3A_315 = arith.addf %scan3A_300, %max3A_314 : vector<16xf32>
        %get3A_316 = arith.index_cast %add3A_309 : i32 to index
        %get3A_317 = arith.constant 16 : index
        %get3A_318 = tpu.vector_load %arg6[%get3A_316, %get3A_317] {strides = array<i32>} : memref<128x128xf32, #tpu.memory_space<vmem>>, vector<1x16xf32>,
        %get3A_319 = vector.shape_cast %get3A_318 : vector<1x16xf32> to vector<16xf32>
        %max3A_320 = arith.constant 0.000000e+00 : f32
        %max3A_321 = vector.broadcast %max3A_320 : f32 to vector<16xf32>
        %max3A_322 = arith.maximumf %get3A_319, %max3A_321 : vector<16xf32>
        %add3A_323 = arith.addf %scan3A_301, %max3A_322 : vector<16xf32>
        %get3A_324 = arith.index_cast %add3A_309 : i32 to index
        %get3A_325 = arith.constant 32 : index
        %get3A_326 = tpu.vector_load %arg6[%get3A_324, %get3A_325] {strides = array<i32>} : memref<128x128xf32, #tpu.memory_space<vmem>>, vector<1x16xf32>,
        %get3A_327 = vector.shape_cast %get3A_326 : vector<1x16xf32> to vector<16xf32>
        %max3A_328 = arith.constant 0.000000e+00 : f32
        %max3A_329 = vector.broadcast %max3A_328 : f32 to vector<16xf32>
        %max3A_330 = arith.maximumf %get3A_327, %max3A_329 : vector<16xf32>
        %add3A_331 = arith.addf %scan3A_302, %max3A_330 : vector<16xf32>
        %get3A_332 = arith.index_cast %add3A_309 : i32 to index
        %get3A_333 = arith.constant 48 : index
        %get3A_334 = tpu.vector_load %arg6[%get3A_332, %get3A_333] {strides = array<i32>} : memref<128x128xf32, #tpu.memory_space<vmem>>, vector<1x16xf32>,
        %get3A_335 = vector.shape_cast %get3A_334 : vector<1x16xf32> to vector<16xf32>
        %max3A_336 = arith.constant 0.000000e+00 : f32
        %max3A_337 = vector.broadcast %max3A_336 : f32 to vector<16xf32>
        %max3A_338 = arith.maximumf %get3A_335, %max3A_337 : vector<16xf32>
        %add3A_339 = arith.addf %scan3A_303, %max3A_338 : vector<16xf32>
        %get3A_340 = arith.index_cast %add3A_309 : i32 to index
        %get3A_341 = arith.constant 64 : index
        %get3A_342 = tpu.vector_load %arg6[%get3A_340, %get3A_341] {strides = array<i32>} : memref<128x128xf32, #tpu.memory_space<vmem>>, vector<1x16xf32>,
        %get3A_343 = vector.shape_cast %get3A_342 : vector<1x16xf32> to vector<16xf32>
        %max3A_344 = arith.constant 0.000000e+00 : f32
        %max3A_345 = vector.broadcast %max3A_344 : f32 to vector<16xf32>
        %max3A_346 = arith.maximumf %get3A_343, %max3A_345 : vector<16xf32>
        %add3A_347 = arith.addf %scan3A_304, %max3A_346 : vector<16xf32>
        %get3A_348 = arith.index_cast %add3A_309 : i32 to index
        %get3A_349 = arith.constant 80 : index
        %get3A_350 = tpu.vector_load %arg6[%get3A_348, %get3A_349] {strides = array<i32>} : memref<128x128xf32, #tpu.memory_space<vmem>>, vector<1x16xf32>,
        %get3A_351 = vector.shape_cast %get3A_350 : vector<1x16xf32> to vector<16xf32>
        %max3A_352 = arith.constant 0.000000e+00 : f32
        %max3A_353 = vector.broadcast %max3A_352 : f32 to vector<16xf32>
        %max3A_354 = arith.maximumf %get3A_351, %max3A_353 : vector<16xf32>
        %add3A_355 = arith.addf %scan3A_305, %max3A_354 : vector<16xf32>
        %get3A_356 = arith.index_cast %add3A_309 : i32 to index
        %get3A_357 = arith.constant 96 : index
        %get3A_358 = tpu.vector_load %arg6[%get3A_356, %get3A_357] {strides = array<i32>} : memref<128x128xf32, #tpu.memory_space<vmem>>, vector<1x16xf32>,
        %get3A_359 = vector.shape_cast %get3A_358 : vector<1x16xf32> to vector<16xf32>
        %max3A_360 = arith.constant 0.000000e+00 : f32
        %max3A_361 = vector.broadcast %max3A_360 : f32 to vector<16xf32>
        %max3A_362 = arith.maximumf %get3A_359, %max3A_361 : vector<16xf32>
        %add3A_363 = arith.addf %scan3A_306, %max3A_362 : vector<16xf32>
        %get3A_364 = arith.index_cast %add3A_309 : i32 to index
        %get3A_365 = arith.constant 112 : index
        %get3A_366 = tpu.vector_load %arg6[%get3A_364, %get3A_365] {strides = array<i32>} : memref<128x128xf32, #tpu.memory_space<vmem>>, vector<1x16xf32>,
        %get3A_367 = vector.shape_cast %get3A_366 : vector<1x16xf32> to vector<16xf32>
        %max3A_368 = arith.constant 0.000000e+00 : f32
        %max3A_369 = vector.broadcast %max3A_368 : f32 to vector<16xf32>
        %max3A_370 = arith.maximumf %get3A_367, %max3A_369 : vector<16xf32>
        %add3A_371 = arith.addf %scan3A_307, %max3A_370 : vector<16xf32>
        scf.yield %add3A_315, %add3A_323, %add3A_331, %add3A_339, %add3A_347, %add3A_355, %add3A_363, %add3A_371 : vector<16xf32>, vector<16xf32>, vector<16xf32>, vector<16xf32>, vector<16xf32>, vector<16xf32>, vector<16xf32>, vector<16xf32>
      }
      %scan3A_105 = arith.constant 32 : i32
      %swap3A_106 = arith.constant 1 : i32
      %swap3A_107 = arith.index_cast %swap3A_106 : i32 to index
      %swap3A_108 = arith.constant 0 : index
      %swap3A_109 = tpu.vector_load %arg7[%swap3A_107, %swap3A_108] {strides = array<i32>} : memref<4x128xf32, #tpu.memory_space<vmem>>, vector<1x16xf32>,
      %swap3A_110 = vector.shape_cast %swap3A_109 : vector<1x16xf32> to vector<16xf32>
      %swap3A_111 = vector.shape_cast %scan3A_104#0 : vector<16xf32> to vector<1x16xf32>
      tpu.vector_store %arg7[%swap3A_107, %swap3A_108], %swap3A_111 {strides = array<i32>} : memref<4x128xf32, #tpu.memory_space<vmem>>, vector<1x16xf32>,
      %swap3A_112 = arith.constant 1 : i32
      %swap3A_113 = arith.index_cast %swap3A_112 : i32 to index
      %swap3A_114 = arith.constant 16 : index
      %swap3A_115 = tpu.vector_load %arg7[%swap3A_113, %swap3A_114] {strides = array<i32>} : memref<4x128xf32, #tpu.memory_space<vmem>>, vector<1x16xf32>,
      %swap3A_116 = vector.shape_cast %swap3A_115 : vector<1x16xf32> to vector<16xf32>
      %swap3A_117 = vector.shape_cast %scan3A_104#1 : vector<16xf32> to vector<1x16xf32>
      tpu.vector_store %arg7[%swap3A_113, %swap3A_114], %swap3A_117 {strides = array<i32>} : memref<4x128xf32, #tpu.memory_space<vmem>>, vector<1x16xf32>,
      %swap3A_118 = arith.constant 1 : i32
      %swap3A_119 = arith.index_cast %swap3A_118 : i32 to index
      %swap3A_120 = arith.constant 32 : index
      %swap3A_121 = tpu.vector_load %arg7[%swap3A_119, %swap3A_120] {strides = array<i32>} : memref<4x128xf32, #tpu.memory_space<vmem>>, vector<1x16xf32>,
      %swap3A_122 = vector.shape_cast %swap3A_121 : vector<1x16xf32> to vector<16xf32>
      %swap3A_123 = vector.shape_cast %scan3A_104#2 : vector<16xf32> to vector<1x16xf32>
      tpu.vector_store %arg7[%swap3A_119, %swap3A_120], %swap3A_123 {strides = array<i32>} : memref<4x128xf32, #tpu.memory_space<vmem>>, vector<1x16xf32>,
      %swap3A_124 = arith.constant 1 : i32
      %swap3A_125 = arith.index_cast %swap3A_124 : i32 to index
      %swap3A_126 = arith.constant 48 : index
      %swap3A_127 = tpu.vector_load %arg7[%swap3A_125, %swap3A_126] {strides = array<i32>} : memref<4x128xf32, #tpu.memory_space<vmem>>, vector<1x16xf32>,
      %swap3A_128 = vector.shape_cast %swap3A_127 : vector<1x16xf32> to vector<16xf32>
      %swap3A_129 = vector.shape_cast %scan3A_104#3 : vector<16xf32> to vector<1x16xf32>
      tpu.vector_store %arg7[%swap3A_125, %swap3A_126], %swap3A_129 {strides = array<i32>} : memref<4x128xf32, #tpu.memory_space<vmem>>, vector<1x16xf32>,
      %swap3A_130 = arith.constant 1 : i32
      %swap3A_131 = arith.index_cast %swap3A_130 : i32 to index
      %swap3A_132 = arith.constant 64 : index
      %swap3A_133 = tpu.vector_load %arg7[%swap3A_131, %swap3A_132] {strides = array<i32>} : memref<4x128xf32, #tpu.memory_space<vmem>>, vector<1x16xf32>,
      %swap3A_134 = vector.shape_cast %swap3A_133 : vector<1x16xf32> to vector<16xf32>
      %swap3A_135 = vector.shape_cast %scan3A_104#4 : vector<16xf32> to vector<1x16xf32>
      tpu.vector_store %arg7[%swap3A_131, %swap3A_132], %swap3A_135 {strides = array<i32>} : memref<4x128xf32, #tpu.memory_space<vmem>>, vector<1x16xf32>,
      %swap3A_136 = arith.constant 1 : i32
      %swap3A_137 = arith.index_cast %swap3A_136 : i32 to index
      %swap3A_138 = arith.constant 80 : index
      %swap3A_139 = tpu.vector_load %arg7[%swap3A_137, %swap3A_138] {strides = array<i32>} : memref<4x128xf32, #tpu.memory_space<vmem>>, vector<1x16xf32>,
      %swap3A_140 = vector.shape_cast %swap3A_139 : vector<1x16xf32> to vector<16xf32>
      %swap3A_141 = vector.shape_cast %scan3A_104#5 : vector<16xf32> to vector<1x16xf32>
      tpu.vector_store %arg7[%swap3A_137, %swap3A_138], %swap3A_141 {strides = array<i32>} : memref<4x128xf32, #tpu.memory_space<vmem>>, vector<1x16xf32>,
      %swap3A_142 = arith.constant 1 : i32
      %swap3A_143 = arith.index_cast %swap3A_142 : i32 to index
      %swap3A_144 = arith.constant 96 : index
      %swap3A_145 = tpu.vector_load %arg7[%swap3A_143, %swap3A_144] {strides = array<i32>} : memref<4x128xf32, #tpu.memory_space<vmem>>, vector<1x16xf32>,
      %swap3A_146 = vector.shape_cast %swap3A_145 : vector<1x16xf32> to vector<16xf32>
      %swap3A_147 = vector.shape_cast %scan3A_104#6 : vector<16xf32> to vector<1x16xf32>
      tpu.vector_store %arg7[%swap3A_143, %swap3A_144], %swap3A_147 {strides = array<i32>} : memref<4x128xf32, #tpu.memory_space<vmem>>, vector<1x16xf32>,
      %swap3A_148 = arith.constant 1 : i32
      %swap3A_149 = arith.index_cast %swap3A_148 : i32 to index
      %swap3A_150 = arith.constant 112 : index
      %swap3A_151 = tpu.vector_load %arg7[%swap3A_149, %swap3A_150] {strides = array<i32>} : memref<4x128xf32, #tpu.memory_space<vmem>>, vector<1x16xf32>,
      %swap3A_152 = vector.shape_cast %swap3A_151 : vector<1x16xf32> to vector<16xf32>
      %swap3A_153 = vector.shape_cast %scan3A_104#7 : vector<16xf32> to vector<1x16xf32>
      tpu.vector_store %arg7[%swap3A_149, %swap3A_150], %swap3A_153 {strides = array<i32>} : memref<4x128xf32, #tpu.memory_space<vmem>>, vector<1x16xf32>,
      %broadcast_in_dim3A_154 = arith.constant 0.000000e+00 : f32
      %broadcast_in_dim3A_155 = vector.broadcast %broadcast_in_dim3A_154 : f32 to vector<16xf32>
      %broadcast_in_dim3A_156 = arith.constant 0.000000e+00 : f32
      %broadcast_in_dim3A_157 = vector.broadcast %broadcast_in_dim3A_156 : f32 to vector<16xf32>
      %broadcast_in_dim3A_158 = arith.constant 0.000000e+00 : f32
      %broadcast_in_dim3A_159 = vector.broadcast %broadcast_in_dim3A_158 : f32 to vector<16xf32>
      %broadcast_in_dim3A_160 = arith.constant 0.000000e+00 : f32
      %broadcast_in_dim3A_161 = vector.broadcast %broadcast_in_dim3A_160 : f32 to vector<16xf32>
      %broadcast_in_dim3A_162 = arith.constant 0.000000e+00 : f32
      %broadcast_in_dim3A_163 = vector.broadcast %broadcast_in_dim3A_162 : f32 to vector<16xf32>
      %broadcast_in_dim3A_164 = arith.constant 0.000000e+00 : f32
      %broadcast_in_dim3A_165 = vector.broadcast %broadcast_in_dim3A_164 : f32 to vector<16xf32>
      %broadcast_in_dim3A_166 = arith.constant 0.000000e+00 : f32
      %broadcast_in_dim3A_167 = vector.broadcast %broadcast_in_dim3A_166 : f32 to vector<16xf32>
      %broadcast_in_dim3A_168 = arith.constant 0.000000e+00 : f32
      %broadcast_in_dim3A_169 = vector.broadcast %broadcast_in_dim3A_168 : f32 to vector<16xf32>
      %scan3A_170 = arith.constant 0 : i32
      %scan3A_171 = arith.constant 32 : i32
      %scan3A_172 = arith.addi %scan3A_170, %scan3A_171 : i32
      %scan3A_173 = arith.constant 1 : i32
      %scan3A_174:8 = scf.for %scan3A_299 = %scan3A_170 to %scan3A_172 step %scan3A_173 iter_args(%scan3A_300 = %broadcast_in_dim3A_155, %scan3A_301 = %broadcast_in_dim3A_157, %scan3A_302 = %broadcast_in_dim3A_159, %scan3A_303 = %broadcast_in_dim3A_161, %scan3A_304 = %broadcast_in_dim3A_163, %scan3A_305 = %broadcast_in_dim3A_165, %scan3A_306 = %broadcast_in_dim3A_167, %scan3A_307 = %broadcast_in_dim3A_169) -> (vector<16xf32>, vector<16xf32>, vector<16xf32>, vector<16xf32>, vector<16xf32>, vector<16xf32>, vector<16xf32>, vector<16xf32>)  : i32 {
        %add3A_308 = arith.constant 64 : i32
        %add3A_309 = arith.addi %add3A_308, %scan3A_299 : i32
        %get3A = arith.index_cast %add3A_309 : i32 to index
        %get3A_310 = arith.constant 0 : index
        %get3A_311 = tpu.vector_load %arg6[%get3A, %get3A_310] {strides = array<i32>} : memref<128x128xf32, #tpu.memory_space<vmem>>, vector<1x16xf32>,
        %get3A_312 = vector.shape_cast %get3A_311 : vector<1x16xf32> to vector<16xf32>
        %max3A = arith.constant 0.000000e+00 : f32
        %max3A_313 = vector.broadcast %max3A : f32 to vector<16xf32>
        %max3A_314 = arith.maximumf %get3A_312, %max3A_313 : vector<16xf32>
        %add3A_315 = arith.addf %scan3A_300, %max3A_314 : vector<16xf32>
        %get3A_316 = arith.index_cast %add3A_309 : i32 to index
        %get3A_317 = arith.constant 16 : index
        %get3A_318 = tpu.vector_load %arg6[%get3A_316, %get3A_317] {strides = array<i32>} : memref<128x128xf32, #tpu.memory_space<vmem>>, vector<1x16xf32>,
        %get3A_319 = vector.shape_cast %get3A_318 : vector<1x16xf32> to vector<16xf32>
        %max3A_320 = arith.constant 0.000000e+00 : f32
        %max3A_321 = vector.broadcast %max3A_320 : f32 to vector<16xf32>
        %max3A_322 = arith.maximumf %get3A_319, %max3A_321 : vector<16xf32>
        %add3A_323 = arith.addf %scan3A_301, %max3A_322 : vector<16xf32>
        %get3A_324 = arith.index_cast %add3A_309 : i32 to index
        %get3A_325 = arith.constant 32 : index
        %get3A_326 = tpu.vector_load %arg6[%get3A_324, %get3A_325] {strides = array<i32>} : memref<128x128xf32, #tpu.memory_space<vmem>>, vector<1x16xf32>,
        %get3A_327 = vector.shape_cast %get3A_326 : vector<1x16xf32> to vector<16xf32>
        %max3A_328 = arith.constant 0.000000e+00 : f32
        %max3A_329 = vector.broadcast %max3A_328 : f32 to vector<16xf32>
        %max3A_330 = arith.maximumf %get3A_327, %max3A_329 : vector<16xf32>
        %add3A_331 = arith.addf %scan3A_302, %max3A_330 : vector<16xf32>
        %get3A_332 = arith.index_cast %add3A_309 : i32 to index
        %get3A_333 = arith.constant 48 : index
        %get3A_334 = tpu.vector_load %arg6[%get3A_332, %get3A_333] {strides = array<i32>} : memref<128x128xf32, #tpu.memory_space<vmem>>, vector<1x16xf32>,
        %get3A_335 = vector.shape_cast %get3A_334 : vector<1x16xf32> to vector<16xf32>
        %max3A_336 = arith.constant 0.000000e+00 : f32
        %max3A_337 = vector.broadcast %max3A_336 : f32 to vector<16xf32>
        %max3A_338 = arith.maximumf %get3A_335, %max3A_337 : vector<16xf32>
        %add3A_339 = arith.addf %scan3A_303, %max3A_338 : vector<16xf32>
        %get3A_340 = arith.index_cast %add3A_309 : i32 to index
        %get3A_341 = arith.constant 64 : index
        %get3A_342 = tpu.vector_load %arg6[%get3A_340, %get3A_341] {strides = array<i32>} : memref<128x128xf32, #tpu.memory_space<vmem>>, vector<1x16xf32>,
        %get3A_343 = vector.shape_cast %get3A_342 : vector<1x16xf32> to vector<16xf32>
        %max3A_344 = arith.constant 0.000000e+00 : f32
        %max3A_345 = vector.broadcast %max3A_344 : f32 to vector<16xf32>
        %max3A_346 = arith.maximumf %get3A_343, %max3A_345 : vector<16xf32>
        %add3A_347 = arith.addf %scan3A_304, %max3A_346 : vector<16xf32>
        %get3A_348 = arith.index_cast %add3A_309 : i32 to index
        %get3A_349 = arith.constant 80 : index
        %get3A_350 = tpu.vector_load %arg6[%get3A_348, %get3A_349] {strides = array<i32>} : memref<128x128xf32, #tpu.memory_space<vmem>>, vector<1x16xf32>,
        %get3A_351 = vector.shape_cast %get3A_350 : vector<1x16xf32> to vector<16xf32>
        %max3A_352 = arith.constant 0.000000e+00 : f32
        %max3A_353 = vector.broadcast %max3A_352 : f32 to vector<16xf32>
        %max3A_354 = arith.maximumf %get3A_351, %max3A_353 : vector<16xf32>
        %add3A_355 = arith.addf %scan3A_305, %max3A_354 : vector<16xf32>
        %get3A_356 = arith.index_cast %add3A_309 : i32 to index
        %get3A_357 = arith.constant 96 : index
        %get3A_358 = tpu.vector_load %arg6[%get3A_356, %get3A_357] {strides = array<i32>} : memref<128x128xf32, #tpu.memory_space<vmem>>, vector<1x16xf32>,
        %get3A_359 = vector.shape_cast %get3A_358 : vector<1x16xf32> to vector<16xf32>
        %max3A_360 = arith.constant 0.000000e+00 : f32
        %max3A_361 = vector.broadcast %max3A_360 : f32 to vector<16xf32>
        %max3A_362 = arith.maximumf %get3A_359, %max3A_361 : vector<16xf32>
        %add3A_363 = arith.addf %scan3A_306, %max3A_362 : vector<16xf32>
        %get3A_364 = arith.index_cast %add3A_309 : i32 to index
        %get3A_365 = arith.constant 112 : index
        %get3A_366 = tpu.vector_load %arg6[%get3A_364, %get3A_365] {strides = array<i32>} : memref<128x128xf32, #tpu.memory_space<vmem>>, vector<1x16xf32>,
        %get3A_367 = vector.shape_cast %get3A_366 : vector<1x16xf32> to vector<16xf32>
        %max3A_368 = arith.constant 0.000000e+00 : f32
        %max3A_369 = vector.broadcast %max3A_368 : f32 to vector<16xf32>
        %max3A_370 = arith.maximumf %get3A_367, %max3A_369 : vector<16xf32>
        %add3A_371 = arith.addf %scan3A_307, %max3A_370 : vector<16xf32>
        scf.yield %add3A_315, %add3A_323, %add3A_331, %add3A_339, %add3A_347, %add3A_355, %add3A_363, %add3A_371 : vector<16xf32>, vector<16xf32>, vector<16xf32>, vector<16xf32>, vector<16xf32>, vector<16xf32>, vector<16xf32>, vector<16xf32>
      }
      %scan3A_175 = arith.constant 32 : i32
      %swap3A_176 = arith.constant 2 : i32
      %swap3A_177 = arith.index_cast %swap3A_176 : i32 to index
      %swap3A_178 = arith.constant 0 : index
      %swap3A_179 = tpu.vector_load %arg7[%swap3A_177, %swap3A_178] {strides = array<i32>} : memref<4x128xf32, #tpu.memory_space<vmem>>, vector<1x16xf32>,
      %swap3A_180 = vector.shape_cast %swap3A_179 : vector<1x16xf32> to vector<16xf32>
      %swap3A_181 = vector.shape_cast %scan3A_174#0 : vector<16xf32> to vector<1x16xf32>
      tpu.vector_store %arg7[%swap3A_177, %swap3A_178], %swap3A_181 {strides = array<i32>} : memref<4x128xf32, #tpu.memory_space<vmem>>, vector<1x16xf32>,
      %swap3A_182 = arith.constant 2 : i32
      %swap3A_183 = arith.index_cast %swap3A_182 : i32 to index
      %swap3A_184 = arith.constant 16 : index
      %swap3A_185 = tpu.vector_load %arg7[%swap3A_183, %swap3A_184] {strides = array<i32>} : memref<4x128xf32, #tpu.memory_space<vmem>>, vector<1x16xf32>,
      %swap3A_186 = vector.shape_cast %swap3A_185 : vector<1x16xf32> to vector<16xf32>
      %swap3A_187 = vector.shape_cast %scan3A_174#1 : vector<16xf32> to vector<1x16xf32>
      tpu.vector_store %arg7[%swap3A_183, %swap3A_184], %swap3A_187 {strides = array<i32>} : memref<4x128xf32, #tpu.memory_space<vmem>>, vector<1x16xf32>,
      %swap3A_188 = arith.constant 2 : i32
      %swap3A_189 = arith.index_cast %swap3A_188 : i32 to index
      %swap3A_190 = arith.constant 32 : index
      %swap3A_191 = tpu.vector_load %arg7[%swap3A_189, %swap3A_190] {strides = array<i32>} : memref<4x128xf32, #tpu.memory_space<vmem>>, vector<1x16xf32>,
      %swap3A_192 = vector.shape_cast %swap3A_191 : vector<1x16xf32> to vector<16xf32>
      %swap3A_193 = vector.shape_cast %scan3A_174#2 : vector<16xf32> to vector<1x16xf32>
      tpu.vector_store %arg7[%swap3A_189, %swap3A_190], %swap3A_193 {strides = array<i32>} : memref<4x128xf32, #tpu.memory_space<vmem>>, vector<1x16xf32>,
      %swap3A_194 = arith.constant 2 : i32
      %swap3A_195 = arith.index_cast %swap3A_194 : i32 to index
      %swap3A_196 = arith.constant 48 : index
      %swap3A_197 = tpu.vector_load %arg7[%swap3A_195, %swap3A_196] {strides = array<i32>} : memref<4x128xf32, #tpu.memory_space<vmem>>, vector<1x16xf32>,
      %swap3A_198 = vector.shape_cast %swap3A_197 : vector<1x16xf32> to vector<16xf32>
      %swap3A_199 = vector.shape_cast %scan3A_174#3 : vector<16xf32> to vector<1x16xf32>
      tpu.vector_store %arg7[%swap3A_195, %swap3A_196], %swap3A_199 {strides = array<i32>} : memref<4x128xf32, #tpu.memory_space<vmem>>, vector<1x16xf32>,
      %swap3A_200 = arith.constant 2 : i32
      %swap3A_201 = arith.index_cast %swap3A_200 : i32 to index
      %swap3A_202 = arith.constant 64 : index
      %swap3A_203 = tpu.vector_load %arg7[%swap3A_201, %swap3A_202] {strides = array<i32>} : memref<4x128xf32, #tpu.memory_space<vmem>>, vector<1x16xf32>,
      %swap3A_204 = vector.shape_cast %swap3A_203 : vector<1x16xf32> to vector<16xf32>
      %swap3A_205 = vector.shape_cast %scan3A_174#4 : vector<16xf32> to vector<1x16xf32>
      tpu.vector_store %arg7[%swap3A_201, %swap3A_202], %swap3A_205 {strides = array<i32>} : memref<4x128xf32, #tpu.memory_space<vmem>>, vector<1x16xf32>,
      %swap3A_206 = arith.constant 2 : i32
      %swap3A_207 = arith.index_cast %swap3A_206 : i32 to index
      %swap3A_208 = arith.constant 80 : index
      %swap3A_209 = tpu.vector_load %arg7[%swap3A_207, %swap3A_208] {strides = array<i32>} : memref<4x128xf32, #tpu.memory_space<vmem>>, vector<1x16xf32>,
      %swap3A_210 = vector.shape_cast %swap3A_209 : vector<1x16xf32> to vector<16xf32>
      %swap3A_211 = vector.shape_cast %scan3A_174#5 : vector<16xf32> to vector<1x16xf32>
      tpu.vector_store %arg7[%swap3A_207, %swap3A_208], %swap3A_211 {strides = array<i32>} : memref<4x128xf32, #tpu.memory_space<vmem>>, vector<1x16xf32>,
      %swap3A_212 = arith.constant 2 : i32
      %swap3A_213 = arith.index_cast %swap3A_212 : i32 to index
      %swap3A_214 = arith.constant 96 : index
      %swap3A_215 = tpu.vector_load %arg7[%swap3A_213, %swap3A_214] {strides = array<i32>} : memref<4x128xf32, #tpu.memory_space<vmem>>, vector<1x16xf32>,
      %swap3A_216 = vector.shape_cast %swap3A_215 : vector<1x16xf32> to vector<16xf32>
      %swap3A_217 = vector.shape_cast %scan3A_174#6 : vector<16xf32> to vector<1x16xf32>
      tpu.vector_store %arg7[%swap3A_213, %swap3A_214], %swap3A_217 {strides = array<i32>} : memref<4x128xf32, #tpu.memory_space<vmem>>, vector<1x16xf32>,
      %swap3A_218 = arith.constant 2 : i32
      %swap3A_219 = arith.index_cast %swap3A_218 : i32 to index
      %swap3A_220 = arith.constant 112 : index
      %swap3A_221 = tpu.vector_load %arg7[%swap3A_219, %swap3A_220] {strides = array<i32>} : memref<4x128xf32, #tpu.memory_space<vmem>>, vector<1x16xf32>,
      %swap3A_222 = vector.shape_cast %swap3A_221 : vector<1x16xf32> to vector<16xf32>
      %swap3A_223 = vector.shape_cast %scan3A_174#7 : vector<16xf32> to vector<1x16xf32>
      tpu.vector_store %arg7[%swap3A_219, %swap3A_220], %swap3A_223 {strides = array<i32>} : memref<4x128xf32, #tpu.memory_space<vmem>>, vector<1x16xf32>,
      %broadcast_in_dim3A_224 = arith.constant 0.000000e+00 : f32
      %broadcast_in_dim3A_225 = vector.broadcast %broadcast_in_dim3A_224 : f32 to vector<16xf32>
      %broadcast_in_dim3A_226 = arith.constant 0.000000e+00 : f32
      %broadcast_in_dim3A_227 = vector.broadcast %broadcast_in_dim3A_226 : f32 to vector<16xf32>
      %broadcast_in_dim3A_228 = arith.constant 0.000000e+00 : f32
      %broadcast_in_dim3A_229 = vector.broadcast %broadcast_in_dim3A_228 : f32 to vector<16xf32>
      %broadcast_in_dim3A_230 = arith.constant 0.000000e+00 : f32
      %broadcast_in_dim3A_231 = vector.broadcast %broadcast_in_dim3A_230 : f32 to vector<16xf32>
      %broadcast_in_dim3A_232 = arith.constant 0.000000e+00 : f32
      %broadcast_in_dim3A_233 = vector.broadcast %broadcast_in_dim3A_232 : f32 to vector<16xf32>
      %broadcast_in_dim3A_234 = arith.constant 0.000000e+00 : f32
      %broadcast_in_dim3A_235 = vector.broadcast %broadcast_in_dim3A_234 : f32 to vector<16xf32>
      %broadcast_in_dim3A_236 = arith.constant 0.000000e+00 : f32
      %broadcast_in_dim3A_237 = vector.broadcast %broadcast_in_dim3A_236 : f32 to vector<16xf32>
      %broadcast_in_dim3A_238 = arith.constant 0.000000e+00 : f32
      %broadcast_in_dim3A_239 = vector.broadcast %broadcast_in_dim3A_238 : f32 to vector<16xf32>
      %scan3A_240 = arith.constant 0 : i32
      %scan3A_241 = arith.constant 32 : i32
      %scan3A_242 = arith.addi %scan3A_240, %scan3A_241 : i32
      %scan3A_243 = arith.constant 1 : i32
      %scan3A_244:8 = scf.for %scan3A_299 = %scan3A_240 to %scan3A_242 step %scan3A_243 iter_args(%scan3A_300 = %broadcast_in_dim3A_225, %scan3A_301 = %broadcast_in_dim3A_227, %scan3A_302 = %broadcast_in_dim3A_229, %scan3A_303 = %broadcast_in_dim3A_231, %scan3A_304 = %broadcast_in_dim3A_233, %scan3A_305 = %broadcast_in_dim3A_235, %scan3A_306 = %broadcast_in_dim3A_237, %scan3A_307 = %broadcast_in_dim3A_239) -> (vector<16xf32>, vector<16xf32>, vector<16xf32>, vector<16xf32>, vector<16xf32>, vector<16xf32>, vector<16xf32>, vector<16xf32>)  : i32 {
        %add3A_308 = arith.constant 96 : i32
        %add3A_309 = arith.addi %add3A_308, %scan3A_299 : i32
        %get3A = arith.index_cast %add3A_309 : i32 to index
        %get3A_310 = arith.constant 0 : index
        %get3A_311 = tpu.vector_load %arg6[%get3A, %get3A_310] {strides = array<i32>} : memref<128x128xf32, #tpu.memory_space<vmem>>, vector<1x16xf32>,
        %get3A_312 = vector.shape_cast %get3A_311 : vector<1x16xf32> to vector<16xf32>
        %max3A = arith.constant 0.000000e+00 : f32
        %max3A_313 = vector.broadcast %max3A : f32 to vector<16xf32>
        %max3A_314 = arith.maximumf %get3A_312, %max3A_313 : vector<16xf32>
        %add3A_315 = arith.addf %scan3A_300, %max3A_314 : vector<16xf32>
        %get3A_316 = arith.index_cast %add3A_309 : i32 to index
        %get3A_317 = arith.constant 16 : index
        %get3A_318 = tpu.vector_load %arg6[%get3A_316, %get3A_317] {strides = array<i32>} : memref<128x128xf32, #tpu.memory_space<vmem>>, vector<1x16xf32>,
        %get3A_319 = vector.shape_cast %get3A_318 : vector<1x16xf32> to vector<16xf32>
        %max3A_320 = arith.constant 0.000000e+00 : f32
        %max3A_321 = vector.broadcast %max3A_320 : f32 to vector<16xf32>
        %max3A_322 = arith.maximumf %get3A_319, %max3A_321 : vector<16xf32>
        %add3A_323 = arith.addf %scan3A_301, %max3A_322 : vector<16xf32>
        %get3A_324 = arith.index_cast %add3A_309 : i32 to index
        %get3A_325 = arith.constant 32 : index
        %get3A_326 = tpu.vector_load %arg6[%get3A_324, %get3A_325] {strides = array<i32>} : memref<128x128xf32, #tpu.memory_space<vmem>>, vector<1x16xf32>,
        %get3A_327 = vector.shape_cast %get3A_326 : vector<1x16xf32> to vector<16xf32>
        %max3A_328 = arith.constant 0.000000e+00 : f32
        %max3A_329 = vector.broadcast %max3A_328 : f32 to vector<16xf32>
        %max3A_330 = arith.maximumf %get3A_327, %max3A_329 : vector<16xf32>
        %add3A_331 = arith.addf %scan3A_302, %max3A_330 : vector<16xf32>
        %get3A_332 = arith.index_cast %add3A_309 : i32 to index
        %get3A_333 = arith.constant 48 : index
        %get3A_334 = tpu.vector_load %arg6[%get3A_332, %get3A_333] {strides = array<i32>} : memref<128x128xf32, #tpu.memory_space<vmem>>, vector<1x16xf32>,
        %get3A_335 = vector.shape_cast %get3A_334 : vector<1x16xf32> to vector<16xf32>
        %max3A_336 = arith.constant 0.000000e+00 : f32
        %max3A_337 = vector.broadcast %max3A_336 : f32 to vector<16xf32>
        %max3A_338 = arith.maximumf %get3A_335, %max3A_337 : vector<16xf32>
        %add3A_339 = arith.addf %scan3A_303, %max3A_338 : vector<16xf32>
        %get3A_340 = arith.index_cast %add3A_309 : i32 to index
        %get3A_341 = arith.constant 64 : index
        %get3A_342 = tpu.vector_load %arg6[%get3A_340, %get3A_341] {strides = array<i32>} : memref<128x128xf32, #tpu.memory_space<vmem>>, vector<1x16xf32>,
        %get3A_343 = vector.shape_cast %get3A_342 : vector<1x16xf32> to vector<16xf32>
        %max3A_344 = arith.constant 0.000000e+00 : f32
        %max3A_345 = vector.broadcast %max3A_344 : f32 to vector<16xf32>
        %max3A_346 = arith.maximumf %get3A_343, %max3A_345 : vector<16xf32>
        %add3A_347 = arith.addf %scan3A_304, %max3A_346 : vector<16xf32>
        %get3A_348 = arith.index_cast %add3A_309 : i32 to index
        %get3A_349 = arith.constant 80 : index
        %get3A_350 = tpu.vector_load %arg6[%get3A_348, %get3A_349] {strides = array<i32>} : memref<128x128xf32, #tpu.memory_space<vmem>>, vector<1x16xf32>,
        %get3A_351 = vector.shape_cast %get3A_350 : vector<1x16xf32> to vector<16xf32>
        %max3A_352 = arith.constant 0.000000e+00 : f32
        %max3A_353 = vector.broadcast %max3A_352 : f32 to vector<16xf32>
        %max3A_354 = arith.maximumf %get3A_351, %max3A_353 : vector<16xf32>
        %add3A_355 = arith.addf %scan3A_305, %max3A_354 : vector<16xf32>
        %get3A_356 = arith.index_cast %add3A_309 : i32 to index
        %get3A_357 = arith.constant 96 : index
        %get3A_358 = tpu.vector_load %arg6[%get3A_356, %get3A_357] {strides = array<i32>} : memref<128x128xf32, #tpu.memory_space<vmem>>, vector<1x16xf32>,
        %get3A_359 = vector.shape_cast %get3A_358 : vector<1x16xf32> to vector<16xf32>
        %max3A_360 = arith.constant 0.000000e+00 : f32
        %max3A_361 = vector.broadcast %max3A_360 : f32 to vector<16xf32>
        %max3A_362 = arith.maximumf %get3A_359, %max3A_361 : vector<16xf32>
        %add3A_363 = arith.addf %scan3A_306, %max3A_362 : vector<16xf32>
        %get3A_364 = arith.index_cast %add3A_309 : i32 to index
        %get3A_365 = arith.constant 112 : index
        %get3A_366 = tpu.vector_load %arg6[%get3A_364, %get3A_365] {strides = array<i32>} : memref<128x128xf32, #tpu.memory_space<vmem>>, vector<1x16xf32>,
        %get3A_367 = vector.shape_cast %get3A_366 : vector<1x16xf32> to vector<16xf32>
        %max3A_368 = arith.constant 0.000000e+00 : f32
        %max3A_369 = vector.broadcast %max3A_368 : f32 to vector<16xf32>
        %max3A_370 = arith.maximumf %get3A_367, %max3A_369 : vector<16xf32>
        %add3A_371 = arith.addf %scan3A_307, %max3A_370 : vector<16xf32>
        scf.yield %add3A_315, %add3A_323, %add3A_331, %add3A_339, %add3A_347, %add3A_355, %add3A_363, %add3A_371 : vector<16xf32>, vector<16xf32>, vector<16xf32>, vector<16xf32>, vector<16xf32>, vector<16xf32>, vector<16xf32>, vector<16xf32>
      }
      %scan3A_245 = arith.constant 32 : i32
      %swap3A_246 = arith.constant 3 : i32
      %swap3A_247 = arith.index_cast %swap3A_246 : i32 to index
      %swap3A_248 = arith.constant 0 : index
      %swap3A_249 = tpu.vector_load %arg7[%swap3A_247, %swap3A_248] {strides = array<i32>} : memref<4x128xf32, #tpu.memory_space<vmem>>, vector<1x16xf32>,
      %swap3A_250 = vector.shape_cast %swap3A_249 : vector<1x16xf32> to vector<16xf32>
      %swap3A_251 = vector.shape_cast %scan3A_244#0 : vector<16xf32> to vector<1x16xf32>
      tpu.vector_store %arg7[%swap3A_247, %swap3A_248], %swap3A_251 {strides = array<i32>} : memref<4x128xf32, #tpu.memory_space<vmem>>, vector<1x16xf32>,
      %swap3A_252 = arith.constant 3 : i32
      %swap3A_253 = arith.index_cast %swap3A_252 : i32 to index
      %swap3A_254 = arith.constant 16 : index
      %swap3A_255 = tpu.vector_load %arg7[%swap3A_253, %swap3A_254] {strides = array<i32>} : memref<4x128xf32, #tpu.memory_space<vmem>>, vector<1x16xf32>,
      %swap3A_256 = vector.shape_cast %swap3A_255 : vector<1x16xf32> to vector<16xf32>
      %swap3A_257 = vector.shape_cast %scan3A_244#1 : vector<16xf32> to vector<1x16xf32>
      tpu.vector_store %arg7[%swap3A_253, %swap3A_254], %swap3A_257 {strides = array<i32>} : memref<4x128xf32, #tpu.memory_space<vmem>>, vector<1x16xf32>,
      %swap3A_258 = arith.constant 3 : i32
      %swap3A_259 = arith.index_cast %swap3A_258 : i32 to index
      %swap3A_260 = arith.constant 32 : index
      %swap3A_261 = tpu.vector_load %arg7[%swap3A_259, %swap3A_260] {strides = array<i32>} : memref<4x128xf32, #tpu.memory_space<vmem>>, vector<1x16xf32>,
      %swap3A_262 = vector.shape_cast %swap3A_261 : vector<1x16xf32> to vector<16xf32>
      %swap3A_263 = vector.shape_cast %scan3A_244#2 : vector<16xf32> to vector<1x16xf32>
      tpu.vector_store %arg7[%swap3A_259, %swap3A_260], %swap3A_263 {strides = array<i32>} : memref<4x128xf32, #tpu.memory_space<vmem>>, vector<1x16xf32>,
      %swap3A_264 = arith.constant 3 : i32
      %swap3A_265 = arith.index_cast %swap3A_264 : i32 to index
      %swap3A_266 = arith.constant 48 : index
      %swap3A_267 = tpu.vector_load %arg7[%swap3A_265, %swap3A_266] {strides = array<i32>} : memref<4x128xf32, #tpu.memory_space<vmem>>, vector<1x16xf32>,
      %swap3A_268 = vector.shape_cast %swap3A_267 : vector<1x16xf32> to vector<16xf32>
      %swap3A_269 = vector.shape_cast %scan3A_244#3 : vector<16xf32> to vector<1x16xf32>
      tpu.vector_store %arg7[%swap3A_265, %swap3A_266], %swap3A_269 {strides = array<i32>} : memref<4x128xf32, #tpu.memory_space<vmem>>, vector<1x16xf32>,
      %swap3A_270 = arith.constant 3 : i32
      %swap3A_271 = arith.index_cast %swap3A_270 : i32 to index
      %swap3A_272 = arith.constant 64 : index
      %swap3A_273 = tpu.vector_load %arg7[%swap3A_271, %swap3A_272] {strides = array<i32>} : memref<4x128xf32, #tpu.memory_space<vmem>>, vector<1x16xf32>,
      %swap3A_274 = vector.shape_cast %swap3A_273 : vector<1x16xf32> to vector<16xf32>
      %swap3A_275 = vector.shape_cast %scan3A_244#4 : vector<16xf32> to vector<1x16xf32>
      tpu.vector_store %arg7[%swap3A_271, %swap3A_272], %swap3A_275 {strides = array<i32>} : memref<4x128xf32, #tpu.memory_space<vmem>>, vector<1x16xf32>,
      %swap3A_276 = arith.constant 3 : i32
      %swap3A_277 = arith.index_cast %swap3A_276 : i32 to index
      %swap3A_278 = arith.constant 80 : index
      %swap3A_279 = tpu.vector_load %arg7[%swap3A_277, %swap3A_278] {strides = array<i32>} : memref<4x128xf32, #tpu.memory_space<vmem>>, vector<1x16xf32>,
      %swap3A_280 = vector.shape_cast %swap3A_279 : vector<1x16xf32> to vector<16xf32>
      %swap3A_281 = vector.shape_cast %scan3A_244#5 : vector<16xf32> to vector<1x16xf32>
      tpu.vector_store %arg7[%swap3A_277, %swap3A_278], %swap3A_281 {strides = array<i32>} : memref<4x128xf32, #tpu.memory_space<vmem>>, vector<1x16xf32>,
      %swap3A_282 = arith.constant 3 : i32
      %swap3A_283 = arith.index_cast %swap3A_282 : i32 to index
      %swap3A_284 = arith.constant 96 : index
      %swap3A_285 = tpu.vector_load %arg7[%swap3A_283, %swap3A_284] {strides = array<i32>} : memref<4x128xf32, #tpu.memory_space<vmem>>, vector<1x16xf32>,
      %swap3A_286 = vector.shape_cast %swap3A_285 : vector<1x16xf32> to vector<16xf32>
      %swap3A_287 = vector.shape_cast %scan3A_244#6 : vector<16xf32> to vector<1x16xf32>
      tpu.vector_store %arg7[%swap3A_283, %swap3A_284], %swap3A_287 {strides = array<i32>} : memref<4x128xf32, #tpu.memory_space<vmem>>, vector<1x16xf32>,
      %swap3A_288 = arith.constant 3 : i32
      %swap3A_289 = arith.index_cast %swap3A_288 : i32 to index
      %swap3A_290 = arith.constant 112 : index
      %swap3A_291 = tpu.vector_load %arg7[%swap3A_289, %swap3A_290] {strides = array<i32>} : memref<4x128xf32, #tpu.memory_space<vmem>>, vector<1x16xf32>,
      %swap3A_292 = vector.shape_cast %swap3A_291 : vector<1x16xf32> to vector<16xf32>
      %swap3A_293 = vector.shape_cast %scan3A_244#7 : vector<16xf32> to vector<1x16xf32>
      tpu.vector_store %arg7[%swap3A_289, %swap3A_290], %swap3A_293 {strides = array<i32>} : memref<4x128xf32, #tpu.memory_space<vmem>>, vector<1x16xf32>,
      %mul3A_294 = arith.constant 320 : i32
      %mul3A_295 = arith.muli %add3A, %mul3A_294 : i32
      %mul3A_296 = arith.constant 4 : i32
      %mul3A_297 = arith.muli %scan3A_6, %mul3A_296 : i32
      %add3A_298 = arith.addi %mul3A_295, %mul3A_297 : i32
      "tpu.region"() ({
        %run_scoped3A = tpu.sem_alloc : memref<!tpu.dma_semaphore, #tpu.memory_space<semaphore_mem>>
        %dma_start3A_299 = arith.constant 0 : i32
        %dma_start3A_300 = tpu.memref_slice %arg4[%add3A_298, %dma_start3A_299] : memref<10240x128xf32, #tpu.memory_space<hbm>> -> memref<4x128xf32, #tpu.memory_space<hbm>>
        %dma_start3A_301 = arith.constant 0 : i32
        %dma_start3A_302 = tpu.memref_slice %arg4[%add3A_298, %dma_start3A_301] : memref<10240x128xf32, #tpu.memory_space<hbm>> -> memref<4x128xf32, #tpu.memory_space<hbm>>
        tpu.enqueue_dma source(%arg7 : memref<4x128xf32, #tpu.memory_space<vmem>>) target(%dma_start3A_302 : memref<4x128xf32, #tpu.memory_space<hbm>>) target_semaphore(%run_scoped3A : memref<!tpu.dma_semaphore, #tpu.memory_space<semaphore_mem>>)
        %dma_wait3A_303 = arith.constant 0 : i32
        %dma_wait3A_304 = tpu.memref_slice %arg4[%add3A_298, %dma_wait3A_303] : memref<10240x128xf32, #tpu.memory_space<hbm>> -> memref<4x128xf32, #tpu.memory_space<hbm>>
        %dma_wait3A_305 = arith.constant 0 : i32
        %dma_wait3A_306 = tpu.memref_slice %arg4[%add3A_298, %dma_wait3A_305] : memref<10240x128xf32, #tpu.memory_space<hbm>> -> memref<4x128xf32, #tpu.memory_space<hbm>>
        tpu.wait_dma2 semaphore(%run_scoped3A : memref<!tpu.dma_semaphore, #tpu.memory_space<semaphore_mem>>) src(%arg7 : memref<4x128xf32, #tpu.memory_space<vmem>>) dst(%dma_wait3A_306 : memref<4x128xf32, #tpu.memory_space<hbm>>)
        tpu.yield
      }) : () -> ()
    }
    %scan3A_5 = arith.constant 80 : i32
    return
  }
}

module attributes {stable_mosaic.version = 14 : i64} {
  func.func @_tc_mm_body(%arg0: i32, %arg1: memref<2000x144xf32, #tpu.memory_space<vmem>>, %arg2: memref<144x128xf32, #tpu.memory_space<vmem>>, %arg3: memref<2000x128xf32, #tpu.memory_space<vmem>>) attributes {dimension_semantics = [#tpu.dimension_semantics<arbitrary>], iteration_bounds = array<i64: 160>, scalar_prefetch = 0 : i64, scratch_operands = 0 : i64, tpu.core_type = #tpu.core_type<tc>, window_params = [{transform_indices = @transform_0, window_bounds = array<i64: 2000, 144>}, {pipeline_mode = #tpu.pipeline_mode<synchronous>, transform_indices = @transform_1, window_bounds = array<i64: 144, 128>}, {transform_indices = @transform_2, window_bounds = array<i64: 2000, 128>}]} {
    %get3A = arith.constant 0 : index
    %get3A_0 = arith.constant 0 : index
    %get3A_1 = vector.load %arg1[%get3A, %get3A_0] : memref<2000x144xf32, #tpu.memory_space<vmem>>, vector<2000x144xf32>
    %get3A_2 = arith.constant 0 : index
    %get3A_3 = arith.constant 0 : index
    %get3A_4 = vector.load %arg2[%get3A_2, %get3A_3] : memref<144x128xf32, #tpu.memory_space<vmem>>, vector<144x128xf32>
    %dot_general3A = arith.constant dense<0.000000e+00> : vector<2000x128xf32>
    %dot_general3A_5 = tpu.matmul %get3A_1, %get3A_4, %dot_general3A {dimension_numbers = #tpu.dot_dimension_numbers<[1], [0], [0], [1], [0, 0, 1, 1], [], []>, transpose_lhs_hint = false} : vector<2000x144xf32>, vector<144x128xf32>, vector<2000x128xf32> -> vector<2000x128xf32>
    %swap3A = arith.constant 0 : index
    %swap3A_6 = arith.constant 0 : index
    %swap3A_7 = vector.load %arg3[%swap3A, %swap3A_6] : memref<2000x128xf32, #tpu.memory_space<vmem>>, vector<2000x128xf32>
    tpu.vector_store %arg3[%swap3A, %swap3A_6], %dot_general3A_5 {strides = array<i32>} : memref<2000x128xf32, #tpu.memory_space<vmem>>, vector<2000x128xf32>,
    return
  }
  func.func @transform_0(%arg0: i32) -> (i32, i32) {
    %c0_i32 = arith.constant 0 : i32
    %c0_i32_0 = arith.constant 0 : i32
    return %arg0, %c0_i32 : i32, i32
  }
  func.func @transform_1(%arg0: i32) -> (i32, i32) {
    %c0_i32 = arith.constant 0 : i32
    %c0_i32_0 = arith.constant 0 : i32
    %c0_i32_1 = arith.constant 0 : i32
    return %c0_i32, %c0_i32_0 : i32, i32
  }
  func.func @transform_2(%arg0: i32) -> (i32, i32) {
    %c0_i32 = arith.constant 0 : i32
    %c0_i32_0 = arith.constant 0 : i32
    return %arg0, %c0_i32 : i32, i32
  }
}

module attributes {stable_mosaic.version = 14 : i64} {
  func.func @_tc_update_body(%arg0: i32, %arg1: memref<2000x128xf32, #tpu.memory_space<vmem>>, %arg2: memref<2000x128xf32, #tpu.memory_space<vmem>>, %arg3: memref<128x128xf32, #tpu.memory_space<vmem>>, %arg4: memref<2000x128xf32, #tpu.memory_space<vmem>>) attributes {dimension_semantics = [#tpu.dimension_semantics<arbitrary>], iteration_bounds = array<i64: 160>, scalar_prefetch = 0 : i64, scratch_operands = 0 : i64, tpu.core_type = #tpu.core_type<tc>, window_params = [{transform_indices = @transform_0, window_bounds = array<i64: 2000, 128>}, {transform_indices = @transform_1, window_bounds = array<i64: 2000, 128>}, {pipeline_mode = #tpu.pipeline_mode<synchronous>, transform_indices = @transform_2, window_bounds = array<i64: 128, 128>}, {transform_indices = @transform_3, window_bounds = array<i64: 2000, 128>}]} {
    %get3A = arith.constant 0 : index
    %get3A_0 = arith.constant 0 : index
    %get3A_1 = vector.load %arg2[%get3A, %get3A_0] : memref<2000x128xf32, #tpu.memory_space<vmem>>, vector<2000x128xf32>
    %get3A_2 = arith.constant 0 : index
    %get3A_3 = arith.constant 0 : index
    %get3A_4 = vector.load %arg1[%get3A_2, %get3A_3] : memref<2000x128xf32, #tpu.memory_space<vmem>>, vector<2000x128xf32>
    %get3A_5 = arith.constant 0 : index
    %get3A_6 = arith.constant 0 : index
    %get3A_7 = vector.load %arg3[%get3A_5, %get3A_6] : memref<128x128xf32, #tpu.memory_space<vmem>>, vector<128x128xf32>
    %dot_general3A = arith.constant dense<0.000000e+00> : vector<2000x128xf32>
    %dot_general3A_8 = tpu.matmul %get3A_4, %get3A_7, %dot_general3A {dimension_numbers = #tpu.dot_dimension_numbers<[1], [0], [0], [1], [0, 0, 1, 1], [], []>, transpose_lhs_hint = false} : vector<2000x128xf32>, vector<128x128xf32>, vector<2000x128xf32> -> vector<2000x128xf32>
    %add3A = arith.addf %get3A_1, %dot_general3A_8 : vector<2000x128xf32>
    %max3A = arith.constant 0.000000e+00 : f32
    %max3A_9 = vector.broadcast %max3A : f32 to vector<2000x128xf32>
    %max3A_10 = arith.maximumf %add3A, %max3A_9 : vector<2000x128xf32>
    %swap3A = arith.constant 0 : index
    %swap3A_11 = arith.constant 0 : index
    %swap3A_12 = vector.load %arg4[%swap3A, %swap3A_11] : memref<2000x128xf32, #tpu.memory_space<vmem>>, vector<2000x128xf32>
    tpu.vector_store %arg4[%swap3A, %swap3A_11], %max3A_10 {strides = array<i32>} : memref<2000x128xf32, #tpu.memory_space<vmem>>, vector<2000x128xf32>,
    return
  }
  func.func @transform_0(%arg0: i32) -> (i32, i32) {
    %c0_i32 = arith.constant 0 : i32
    %c0_i32_0 = arith.constant 0 : i32
    return %arg0, %c0_i32 : i32, i32
  }
  func.func @transform_1(%arg0: i32) -> (i32, i32) {
    %c0_i32 = arith.constant 0 : i32
    %c0_i32_0 = arith.constant 0 : i32
    return %arg0, %c0_i32 : i32, i32
  }
  func.func @transform_2(%arg0: i32) -> (i32, i32) {
    %c0_i32 = arith.constant 0 : i32
    %c0_i32_0 = arith.constant 0 : i32
    %c0_i32_1 = arith.constant 0 : i32
    return %c0_i32, %c0_i32_0 : i32, i32
  }
  func.func @transform_3(%arg0: i32) -> (i32, i32) {
    %c0_i32 = arith.constant 0 : i32
    %c0_i32_0 = arith.constant 0 : i32
    return %arg0, %c0_i32 : i32, i32
  }
}

module attributes {stable_mosaic.version = 14 : i64} {
  func.func @_tc_out_body(%arg0: i32, %arg1: memref<2000x128xf32, #tpu.memory_space<vmem>>, %arg2: memref<2000x128xf32, #tpu.memory_space<vmem>>, %arg3: memref<128x128xf32, #tpu.memory_space<vmem>>, %arg4: memref<128x128xf32, #tpu.memory_space<vmem>>, %arg5: memref<1x128xf32, #tpu.memory_space<vmem>>, %arg6: memref<2000x128xf32, #tpu.memory_space<vmem>>) attributes {dimension_semantics = [#tpu.dimension_semantics<arbitrary>], iteration_bounds = array<i64: 5>, scalar_prefetch = 0 : i64, scratch_operands = 0 : i64, tpu.core_type = #tpu.core_type<tc>, window_params = [{transform_indices = @transform_0, window_bounds = array<i64: 2000, 128>}, {transform_indices = @transform_1, window_bounds = array<i64: 2000, 128>}, {pipeline_mode = #tpu.pipeline_mode<synchronous>, transform_indices = @transform_2, window_bounds = array<i64: 128, 128>}, {pipeline_mode = #tpu.pipeline_mode<synchronous>, transform_indices = @transform_3, window_bounds = array<i64: 128, 128>}, {pipeline_mode = #tpu.pipeline_mode<synchronous>, transform_indices = @transform_4, window_bounds = array<i64: 1, 128>}, {transform_indices = @transform_5, window_bounds = array<i64: 2000, 128>}]} {
    %get3A = arith.constant 0 : index
    %get3A_0 = arith.constant 0 : index
    %get3A_1 = vector.load %arg1[%get3A, %get3A_0] : memref<2000x128xf32, #tpu.memory_space<vmem>>, vector<2000x128xf32>
    %get3A_2 = arith.constant 0 : index
    %get3A_3 = arith.constant 0 : index
    %get3A_4 = vector.load %arg3[%get3A_2, %get3A_3] : memref<128x128xf32, #tpu.memory_space<vmem>>, vector<128x128xf32>
    %dot_general3A = arith.constant dense<0.000000e+00> : vector<2000x128xf32>
    %dot_general3A_5 = tpu.matmul %get3A_1, %get3A_4, %dot_general3A {dimension_numbers = #tpu.dot_dimension_numbers<[1], [0], [0], [1], [0, 0, 1, 1], [], []>, transpose_lhs_hint = false} : vector<2000x128xf32>, vector<128x128xf32>, vector<2000x128xf32> -> vector<2000x128xf32>
    %get3A_6 = arith.constant 0 : index
    %get3A_7 = arith.constant 0 : index
    %get3A_8 = vector.load %arg2[%get3A_6, %get3A_7] : memref<2000x128xf32, #tpu.memory_space<vmem>>, vector<2000x128xf32>
    %get3A_9 = arith.constant 0 : index
    %get3A_10 = arith.constant 0 : index
    %get3A_11 = vector.load %arg4[%get3A_9, %get3A_10] : memref<128x128xf32, #tpu.memory_space<vmem>>, vector<128x128xf32>
    %dot_general3A_12 = arith.constant dense<0.000000e+00> : vector<2000x128xf32>
    %dot_general3A_13 = tpu.matmul %get3A_8, %get3A_11, %dot_general3A_12 {dimension_numbers = #tpu.dot_dimension_numbers<[1], [0], [0], [1], [0, 0, 1, 1], [], []>, transpose_lhs_hint = false} : vector<2000x128xf32>, vector<128x128xf32>, vector<2000x128xf32> -> vector<2000x128xf32>
    %add3A = arith.addf %dot_general3A_5, %dot_general3A_13 : vector<2000x128xf32>
    %get3A_14 = arith.constant 0 : index
    %get3A_15 = arith.constant 0 : index
    %get3A_16 = vector.load %arg5[%get3A_14, %get3A_15] : memref<1x128xf32, #tpu.memory_space<vmem>>, vector<1x128xf32>
    %add3A_17 = vector.broadcast %get3A_16 : vector<1x128xf32> to vector<2000x128xf32>
    %add3A_18 = arith.addf %add3A, %add3A_17 : vector<2000x128xf32>
    %max3A = arith.constant 0.000000e+00 : f32
    %max3A_19 = vector.broadcast %max3A : f32 to vector<2000x128xf32>
    %max3A_20 = arith.maximumf %add3A_18, %max3A_19 : vector<2000x128xf32>
    %swap3A = arith.constant 0 : index
    %swap3A_21 = arith.constant 0 : index
    %swap3A_22 = vector.load %arg6[%swap3A, %swap3A_21] : memref<2000x128xf32, #tpu.memory_space<vmem>>, vector<2000x128xf32>
    tpu.vector_store %arg6[%swap3A, %swap3A_21], %max3A_20 {strides = array<i32>} : memref<2000x128xf32, #tpu.memory_space<vmem>>, vector<2000x128xf32>,
    return
  }
  func.func @transform_0(%arg0: i32) -> (i32, i32) {
    %c0_i32 = arith.constant 0 : i32
    %c0_i32_0 = arith.constant 0 : i32
    return %arg0, %c0_i32 : i32, i32
  }
  func.func @transform_1(%arg0: i32) -> (i32, i32) {
    %c0_i32 = arith.constant 0 : i32
    %c0_i32_0 = arith.constant 0 : i32
    return %arg0, %c0_i32 : i32, i32
  }
  func.func @transform_2(%arg0: i32) -> (i32, i32) {
    %c0_i32 = arith.constant 0 : i32
    %c0_i32_0 = arith.constant 0 : i32
    %c0_i32_1 = arith.constant 0 : i32
    return %c0_i32, %c0_i32_0 : i32, i32
  }
  func.func @transform_3(%arg0: i32) -> (i32, i32) {
    %c0_i32 = arith.constant 0 : i32
    %c0_i32_0 = arith.constant 0 : i32
    %c0_i32_1 = arith.constant 0 : i32
    return %c0_i32, %c0_i32_0 : i32, i32
  }
  func.func @transform_4(%arg0: i32) -> (i32, i32) {
    %c0_i32 = arith.constant 0 : i32
    %c0_i32_0 = arith.constant 0 : i32
    %c0_i32_1 = arith.constant 0 : i32
    return %c0_i32, %c0_i32_0 : i32, i32
  }
  func.func @transform_5(%arg0: i32) -> (i32, i32) {
    %c0_i32 = arith.constant 0 : i32
    %c0_i32_0 = arith.constant 0 : i32
    return %arg0, %c0_i32 : i32, i32
  }
}

</mosaic_0001>

<sc_bundles>
// kernel: kernel.14.cloned.1.call-start
scs
__scs_entry_jumppad:
0x0: {  	(pc) =	sbr.rel $0x88, $3  }
0x1: {  	(tag) =	ssettag $0x0;
	lr =	simm.s32 $0x1  }
0x2: {  	[smem:$0x3F98] =	sst lr;
	_ =	strace $0xD0000000  }
0x3: {  	_ = 	snop  }
0x4: {  	_ = 	snop  }
0x5: {  	_ = 	snop  }
0x6: {  	_ = 	snop  }
0x7: {  	_ = 	snop  }
__scs_overlays_trampoline_lowered:
0x8: {  	[smem:$0x3FA7] =	sst s0  }
0x9: {  	[smem:$0x3FA8] =	sst s1  }
0xa: {  	[smem:$0x3FA9] =	sst s2  }
0xb: {  	[smem:$0x3FAA] =	sst s3  }
0xc: {  	[smem:$0x3FAB] =	sst s4  }
0xd: {  	[smem:$0x3FAC] =	sst s5  }
0xe: {  	[smem:$0x3FAD] =	sst s6  }
0xf: {  	[smem:$0x3FAE] =	sst s7  }
0x10: {  	[smem:$0x3FAF] =	sst s8  }
0x11: {  	[smem:$0x3FB0] =	sst s9;
	s0 =	simm.s32 @!p0 $0x0  }
0x12: {  	s1 =	sld [smem:$0x3F96];
	s0 =	simm.s32 @p0 $0x1  }
0x13: {  	[smem:$0x3FB1] =	sst s0;
	s0 =	simm.s32 @!p1 $0x0  }
0x14: {  	s2 =	sld [smem:$0x3F95];
	s0 =	simm.s32 @p1 $0x1  }
0x15: {  	[smem:$0x3FB2] =	sst s0;
	s0 =	simm.s32 @!p2 $0x0  }
0x16: {  	s3 =	sld [smem:$0x3FDB];
	s0 =	simm.s32 @p2 $0x1  }
0x17: {  	s4 =	simm.s32 $0x1BF5;
	[smem:$0x3FB4] =	sst s0  }
0x18: {  	s0 =	sld [smem:$0x3F97];
	_ =	swait.ge [sflag:s4], $0x0  }
0x19: {  	s7 =	sld [smem:$0x3F98]  }
0x1a: {  	s8 =	sadd.s32 $0xFFFFE003, lr  }
0x1b: {  	s9 =	sadd.s32 $0xFFFFFEF7, lr;
	s5 =	simm.s32 $0xFFFFFFFF;
	p2 =	slt.u32 s8, $0xFFFFF086  }
0x1c: {  	p1 =	slt.u32 s9, $0xF7A;
	s5 =	simm.s32 @!p2 $0x0  }
0x1d: {  	s5 =	simm.s32 @p1 $0x1;
	p0 =	seq.s32 s7, s2  }
0x1e: {  	s7 =	smul.u32 @!p0 $0xF7A, s2;
	p2 =	seq.s32 @!p0 s5, $0x0  }
0x1f: {  	s9 =	smul.u32 $0xF7A, s1;
	s8 =	simm.s32 @!p0 $0x1BF5;
	p2 =	por !p2, p0  }
0x20: {  	[sflag:s8] =	ssyncset.s32 @!p0 $0xFFFFF086;
	s6 =	sadd.s32 @!p0 s3, s7;
	s7 =	simm.s32 @!p0 $0x108  }
0x21: {  	s3 =	sadd.s32 s3, s9;
	s6 =	sadd.s32 @!p0 $0x88, s6;
	s7 =	simm.s32 @p2 $0x1082  }
0x22: {  	[simem:s7], [sflag:s8] =	dma.local @!p0 [hbm:s6], $0xF7A  }
0x23: {  	s9 =	sor.u32 $0xD0000000, s2;
	s6 =	simm.s32 $0x108;
	_ =	swait.ge @!p0 [sflag:s8], $0x0  }
0x24: {  	s3 =	sadd.s32 $0x88, s3;
	s6 =	simm.s32 @!p1 $0x1082;
	[sflag:s4] =	ssyncset.s32 $0xFFFFF086  }
0x25: {  	[simem:s6], [sflag:s4] =	dma.local [hbm:s3], $0xF7A  }
0x26: {  	[smem:$0x3F98] =	sst s1;
	(tag) =	ssettag s2;
	_ =	strace s9  }
0x27: {  	s1 =	sld [smem:$0x3FA8]  }
0x28: {  	s2 =	sld [smem:$0x3FA9]  }
0x29: {  	s4 =	sld [smem:$0x3FAB]  }
0x2a: {  	p0 =	seq.s32 s5, $0x0;
	s5 =	sld [smem:$0x3FAC]  }
0x2b: {  	s6 =	sld [smem:$0x3FAD]  }
0x2c: {  	s7 =	sld [smem:$0x3FAE]  }
0x2d: {  	s3 =	simm.s32 $0x108;
	s8 =	sld [smem:$0x3FAF]  }
0x2e: {  	s3 =	simm.s32 @!p0 $0x1082;
	s9 =	sld [smem:$0x3FB0]  }
0x2f: {  	lr =	sadd.s32 s0, s3;
	s0 =	sld [smem:$0x3FA7]  }
0x30: {  	s3 =	sld [smem:$0x3FAA]  }
0x31: {  	[smem:$0x3FB3] =	sst s10  }
0x32: {  	s10 =	sld [smem:$0x3FB1];
	_ =	sdelay $0x3  }
0x33: {  	p0 =	seq.s32 s10, $0x1;
	s10 =	sld [smem:$0x3FB3];
	_ =	sdelay $0x3  }
0x34: {  	[smem:$0x3FB3] =	sst s10  }
0x35: {  	s10 =	sld [smem:$0x3FB2];
	_ =	sdelay $0x3  }
0x36: {  	p1 =	seq.s32 s10, $0x1;
	s10 =	sld [smem:$0x3FB3];
	_ =	sdelay $0x3  }
0x37: {  	[smem:$0x3FB3] =	sst s10  }
0x38: {  	s10 =	sld [smem:$0x3FB4]  }
0x39: {  	_ = 	snop;
	(pc) =	sbr.ind lr, $3  }
0x3a: {  	_ = 	snop  }
0x3b: {  	_ = 	snop  }
0x3c: {  	p2 =	seq.s32 s10, $0x1;
	s10 =	sld [smem:$0x3FB3]  }
0x3d: {  	_ =	shalt  }
0x3e: {  	_ =	shalt  }
0x3f: {  	_ =	shalt  }
0x40: {  	_ =	shalt  }
0x41: {  	_ =	shalt  }
0x42: {  	_ =	shalt  }
0x43: {  	_ =	shalt  }
0x44: {  	_ =	shalt  }
0x45: {  	_ =	shalt  }
0x46: {  	_ =	shalt  }
0x47: {  	_ =	shalt  }
0x48: {  	_ =	shalt  }
0x49: {  	_ =	shalt  }
0x4a: {  	_ =	shalt  }
0x4b: {  	_ =	shalt  }
0x4c: {  	_ =	shalt  }
0x4d: {  	_ =	shalt  }
0x4e: {  	_ =	shalt  }
0x4f: {  	_ =	shalt  }
0x50: {  	_ =	shalt  }
0x51: {  	_ =	shalt  }
0x52: {  	_ =	shalt  }
0x53: {  	_ =	shalt  }
0x54: {  	_ =	shalt  }
0x55: {  	_ =	shalt  }
0x56: {  	_ =	shalt  }
0x57: {  	_ =	shalt  }
0x58: {  	_ =	shalt  }
0x59: {  	_ =	shalt  }
0x5a: {  	_ =	shalt  }
0x5b: {  	_ =	shalt  }
0x5c: {  	_ =	shalt  }
0x5d: {  	_ =	shalt  }
0x5e: {  	_ =	shalt  }
0x5f: {  	_ =	shalt  }
0x60: {  	_ =	shalt  }
0x61: {  	_ =	shalt  }
0x62: {  	_ =	shalt  }
0x63: {  	_ =	shalt  }
0x64: {  	_ =	shalt  }
0x65: {  	_ =	shalt  }
0x66: {  	_ =	shalt  }
0x67: {  	_ =	shalt  }
0x68: {  	_ =	shalt  }
0x69: {  	_ =	shalt  }
0x6a: {  	_ =	shalt  }
0x6b: {  	_ =	shalt  }
0x6c: {  	_ =	shalt  }
0x6d: {  	_ =	shalt  }
0x6e: {  	_ =	shalt  }
0x6f: {  	_ =	shalt  }
0x70: {  	_ =	shalt  }
0x71: {  	_ =	shalt  }
0x72: {  	_ =	shalt  }
0x73: {  	_ =	shalt  }
0x74: {  	_ =	shalt  }
0x75: {  	_ =	shalt  }
0x76: {  	_ =	shalt  }
0x77: {  	_ =	shalt  }
0x78: {  	_ =	shalt  }
0x79: {  	_ =	shalt  }
0x7a: {  	_ =	shalt  }
0x7b: {  	_ =	shalt  }
0x7c: {  	_ =	shalt  }
0x7d: {  	_ =	shalt  }
0x7e: {  	_ =	shalt  }
0x7f: {  	_ =	shalt  }
0x80: {  	_ =	shalt  }
0x81: {  	_ =	shalt  }
0x82: {  	_ =	shalt  }
0x83: {  	_ =	shalt  }
0x84: {  	_ =	shalt  }
0x85: {  	_ =	shalt  }
0x86: {  	_ =	shalt  }
0x87: {  	_ =	shalt  }
.Lfunc_end0:
.L_simem_size_0:
called_computation_lowered:
.L_overlay_start_0:
0x88: {  	s2 =	sld [smem:$0x3FD9]  }
0x89: {  	s3 =	sld [smem:$0x3FFE];
	_ =	sdelay $0x1  }
0x8a: {  	s1 =	srdreg.scid  }
0x8b: {  	s0 =	sand.u32 $0x1, s1  }
0x8c: {  	s17 =	sshll.u32 s0, $0xA;
	s2 =	sadd.s32 s3, s2  }
0x8d: {  	s2 =	sadd.s32 s2, s17  }
0x8e: {  	[smem:$0x3FBF] =	sst s2  }
0x8f: {  	_ = 	snop  }
0x90: {  	s2 =	sld [smem:$0x3FD0];
	(tm) =	ssettm $0x1  }
0x91: {  	s18 =	sld [smem:$0x3FFB];
	_ =	sdelay $0x3  }
0x92: {  	_ =	strace s18  }
0x93: {  	s3 =	sld [smem:$0x3FFC];
	_ =	sdelay $0x3  }
0x94: {  	_ =	strace s3  }
0x95: {  	s3 =	sld [smem:$0x3FFD];
	_ =	sdelay $0x3  }
0x96: {  	_ =	strace s3  }
0x97: {  	_ =	strace $0x8FFFFFFF  }
0x98: {  	s19 =	sld [smem:$0x3FDB];
	_ =	sdelay $0x1  }
0x99: {  	s4 =	simm.s32 $_scs_section_size  }
0x9a: {  	s5 =	simm.s32 $_size__tile_overlayer_lowered;
	s6 =	simm.s32 $_tile_overlayer_lowered  }
0x9b: {  	s22 =	simm.s32 $0x1BFF;
	s21 =	sshll.u32 s6, $0x1;
	s3 =	sadd.s32 s4, s19  }
0x9c: {  	s7 =	simm.s32 $0x0;
	s20 =	sshll.u32 s5, $0x1;
	s5 =	sadd.s32 s21, s3  }
0x9d: {  	[timem:s7], [sflag:s22] =	dma.local [hbm:s5], s20  }
0x9e: {  	_ =	swait.ge [sflag:s22], s20  }
0x9f: {  	s4 =	ssub.s32 $0x0, s20;
	[sflag:s22] =	ssyncset.done $0x0  }
0xa0: {  	[sflag:s22] =	ssyncadd.s32 s4;
	_ =	sdelay $0x1  }
0xa1: {  	s23 =	simm.s32 $0x1B8B  }
0xa2: {  	_ =	swait.ge [sflag:s23], $0x1  }
0xa3: {  	[sflag:s23] =	ssyncset.done $0x0  }
0xa4: {  	s25 =	simm.s32 $0x1B8E;
	s24 =	sld [smem:$0x3FFE];
	[sflag:s23] =	ssyncadd.s32 $0xFFFFFFFF  }
0xa5: {  	s26 =	simm.s32 $execute0_lowered;
	[smem:$0x3FD2] =	sst s25  }
0xa6: {  	s5 =	sshll.u32 s26, $0x1;
	_ =	strace $0x80000046;
	[dreg:$0x1] =	wrdreg $0xFFFFFFFF  }
0xa7: {  	s28 =	simm.s32 $_size_execute0_lowered;
	s3 =	sadd.s32 s3, s5;
	[dreg:$0x0] =	wrdreg $0x0  }
0xa8: {  	s5 =	sshll.u32 s28, $0x1;
	[dreg:$0x2] =	wrdreg s3  }
0xa9: {  	[dreg:$0x3] =	wrdreg s5  }
0xaa: {  	[dreg:$0x4] =	wrdreg $0xC0  }
0xab: {  	_ =	task [dreg:s7], $0x5FFFF  }
0xac: {  	[dreg:$0x1] =	wrdreg $0xFFFFFFFF  }
0xad: {  	[dreg:$0x0] =	wrdreg $0x60  }
0xae: {  	[dreg:$0x2] =	wrdreg s24  }
0xaf: {  	[dreg:$0x3] =	wrdreg s2  }
0xb0: {  	[dreg:$0x4] =	wrdreg $0x9  }
0xb1: {  	_ =	task.clear_ibuf [dreg:s7], $0x5FFFF;
	_ =	strace $0x90000046  }
0xb2: {  	s29 =	simm.s32 $0x9;
	_ =	strace $0x80000048  }
0xb3: {  	_ =	swait.ge [sflag:s29], $0x1  }
0xb4: {  	[sflag:s29] =	ssyncadd.s32 $0xFFFFFFFF  }
0xb5: {  	_ =	strace $0x90000048  }
0xb6: {  	_ =	sfence  }
0xb7: {  	s30 =	sld [smem:$0x0];
	_ =	sdelay $0x2  }
0xb8: {  	s31 =	sshll.u32 s1, $0xD;
	s1 =	sshrl.u32 s1, $0x2  }
0xb9: {  	s3 =	sand.u32 $0x4000, s31;
	s1 =	sadd.s32 s1, s30  }
0xba: {  	s0 =	sor.u32 s3, s0;
	s1 =	sshll.u32 s1, $0x11  }
0xbb: {  	s0 =	sor.u32 s1, s0  }
0xbc: {  	s0 =	sadd.s32 $0x8F2B, s0  }
0xbd: {  	[sflag:s0] =	ssyncadd.remote.s32 $0x1  }
0xbe: {  	_ =	sfence.sel $0xFFFF  }
0xbf: {  	[dreg:$0x0] =	wrdreg $0xFFFFFFFF;
	(pc) =	sbr.abs _section_cstart, $3  }
0xc0: {  	[dreg:$0x1] =	wrdreg $0xFFFFFFFF  }
0xc1: {  	_ =	task.clear_ibuf [dreg:s7], $0x2FFFF;
	_ =	strace $0x9FFFFFFF  }
0xc2: {  	(tm) =	ssettm $0x7FFFFFFF  }
0xc3: {  	_ =	shalt  }
tec
execute0_lowered:
.L_overlay_start_1:
0x0: {  	(tag) =	ssettag $0x1  }
0x1: {  	s6 =	rddreg [dreg:$0x0]  }
0x2: {  	s2 =	rddreg [dreg:$0x1]  }
0x3: {  	s0 =	rddreg [dreg:$0x2]  }
0x4: {  	s3 =	simm.s32 $0x0;
	s4 =	srdreg.scid;
	s1 =	stileid.u32  }
0x5: {  	s10 =	simm.s32 $0x80;
	s11 =	simm.s32 $0x1;
	s12 =	simm.s32 $0x4080  }
0x6: {  	s13 =	simm.s32 $0x0;
	[smem:$0x7FF] =	sst s3;
	s4 =	sand.u32 $0x1, s4  }
0x7: {  	s5 =	sshll.u32 s1, $0x1;
	_ =	strace $0x80000047;
	s7 =	ssub.s32 $0x2, s4  }
0x8: {  	s8 =	sor.u32 s4, s5;
	s4 =	sadd.s32 $0x9C7400, s6;
	s9 =	sshrl.u32 s7, $0x1  }
0x9: {  	s6 =	sadd.s32 $0x3400, s6;
	s5 =	smul.u32 $0x50, s8;
	s9 =	ssub.s32 s7, s9  }
0xa: {  	s7 =	smul.u32 $0xA000, s8;
	s8 =	smax.u32 s9, $0x1;
	s9 =	simm.s32 $0x2  }
.LBB2_1:
0xb: {  	s14 =	simm.s32 $0x0  }
.LBB2_2:
0xc: {  	s15 =	sadd.s32 s5, s14  }
0xd: {  	s15 =	sshll.u32 s15, $0x4  }
0xe: {  	s16 =	simm.s32 $0x0;
	s15 =	sadd.s32 s2, s15  }
0xf: {  	[tilespmem:s16], [sflag:$0x2] =	stream.linear.gather [hbm4b:s15+s16], $0x80, $0x38;
	[tilespmem:$0x4280] =	vst v63  }
0x10: {  	_ =	swait.ge [sflag:s9], $0x80  }
0x11: {  	[sflag:s9] =	ssyncset.done $0x0  }
0x12: {  	[sflag:s9] =	ssyncadd.s32 $0xFFFFFF80  }
0x13: {  	[tilespmem:s10], [sflag:$0x1] =	stream.indirect.gather [hbm4b:s4+s10], $0x80, s16, s10, $0xb8;
	[tilespmem:$0x4280] =	vst v63  }
0x14: {  	_ =	swait.ge [sflag:s11], $0x4000  }
0x15: {  	[sflag:s11] =	ssyncset.done $0x0  }
0x16: {  	s17 =	simm.s32 $0x0;
	[sflag:s11] =	ssyncadd.s32 $0xFFFFC000  }
0x17: {  	v0 =	vld [tilespmem:s17+$0xF0]  }
0x18: {  	v1 =	vld [tilespmem:s17+$0x80]  }
0x19: {  	v3 =	vld [tilespmem:s17+$0x90];
	_ =	sdelay $0x1  }
0x1a: {  	v12 =	vld [tilespmem:s17+$0xA0]  }
0x1b: {  	v4 =	vimm.f32 $0.0e+00;
	v9 =	vimm.f32 $0.0e+00;
	v10 =	vld [tilespmem:s17+$0xB0]  }
0x1c: {  	v7 =	vimm.f32 $0.0e+00;
	v8 =	vimm.f32 $0.0e+00;
	v11 =	vld [tilespmem:s17+$0xC0];
	v0 =	vmax.f32 v0, $0.0e+00  }
0x1d: {  	v5 =	vld [tilespmem:s17+$0xD0];
	v1 =	vmax.f32 v1, $0.0e+00;
	v13 =	vmax.f32 v3, $0.0e+00;
	v3 =	vimm.f32 $0.0e+00  }
0x1e: {  	s15 =	simm.s32 $0x80;
	s16 =	simm.s32 $0x400;
	v6 =	vld [tilespmem:s17+$0xE0];
	v0 =	vadd.f32 v0, v4;
	v2 =	vadd.f32 v1, v4;
	v1 =	vimm.f32 $0.0e+00  }
.LBB2_3:
0x1f: {  	p0 =	sne.s32 s16, $0x3E00;
	v14 =	vld [tilespmem:s15+$0xF0];
	v4 =	vadd.f32 v13, v4;
	v12 =	vmax.f32 v12, $0.0e+00  }
0x20: {  	v13 =	vld [tilespmem:s15+$0x80];
	v9 =	vadd.f32 v12, v9;
	v10 =	vmax.f32 v10, $0.0e+00  }
0x21: {  	v15 =	vld [tilespmem:s15+$0x90];
	v7 =	vadd.f32 v10, v7;
	v10 =	vmax.f32 v11, $0.0e+00  }
.Ltmp0:
0x22: {  	v12 =	vld [tilespmem:s15+$0xA0];
	v8 =	vadd.f32 v10, v8;
	v5 =	vmax.f32 v5, $0.0e+00;
	(pc) =	sbr.rel @p0 .LBB2_3-.Ltmp0, $4  }
0x23: {  	v10 =	vld [tilespmem:s15+$0xB0];
	v3 =	vadd.f32 v5, v3;
	v5 =	vmax.f32 v6, $0.0e+00  }
0x24: {  	v11 =	vld [tilespmem:s15+$0xC0];
	v6 =	vmax.f32 v14, $0.0e+00;
	v1 =	vadd.f32 v5, v1  }
0x25: {  	v13 =	vmax.f32 v13, $0.0e+00;
	v5 =	vld [tilespmem:s15+$0xD0];
	v0 =	vadd.f32 v6, v0  }
0x26: {  	v2 =	vadd.f32 v13, v2;
	v13 =	vmax.f32 v15, $0.0e+00;
	v6 =	vld [tilespmem:s15+$0xE0];
	s15 =	sshra.s32 s16, $0x2;
	s16 =	sadd.s32 $0x200, s16  }
0x27: {  	v14 =	vld [tilespmem:s15+$0x80]  }
0x28: {  	v15 =	vld [tilespmem:s15+$0x90]  }
0x29: {  	v16 =	vld [tilespmem:s15+$0xA0]  }
0x2a: {  	v12 =	vmax.f32 v12, $0.0e+00;
	v17 =	vld [tilespmem:s15+$0xB0]  }
0x2b: {  	v4 =	vadd.f32 v13, v4;
	v9 =	vadd.f32 v12, v9;
	v10 =	vmax.f32 v10, $0.0e+00;
	v12 =	vld [tilespmem:s15+$0xC0]  }
0x2c: {  	v13 =	vld [tilespmem:s15+$0xD0];
	v7 =	vadd.f32 v10, v7;
	v10 =	vmax.f32 v11, $0.0e+00;
	v11 =	vmax.f32 v14, $0.0e+00  }
0x2d: {  	v8 =	vadd.f32 v10, v8;
	v10 =	vmax.f32 v15, $0.0e+00;
	v2 =	vadd.f32 v11, v2;
	v11 =	vld [tilespmem:s15+$0xE0]  }
0x2e: {  	v5 =	vmax.f32 v5, $0.0e+00;
	v14 =	vmax.f32 v16, $0.0e+00;
	v4 =	vadd.f32 v10, v4;
	v10 =	vld [tilespmem:s15+$0xF0]  }
0x2f: {  	v3 =	vadd.f32 v5, v3;
	v5 =	vadd.f32 v14, v9;
	v9 =	vmax.f32 v17, $0.0e+00;
	[tilespmem:$0x4080] =	vst v2  }
0x30: {  	v2 =	vmax.f32 v6, $0.0e+00;
	v6 =	vadd.f32 v9, v7;
	v7 =	vmax.f32 v12, $0.0e+00;
	[tilespmem:$0x4090] =	vst v4  }
0x31: {  	v4 =	vmax.f32 v13, $0.0e+00;
	[tilespmem:$0x40A0] =	vst v5;
	v1 =	vadd.f32 v2, v1;
	v2 =	vadd.f32 v7, v8  }
0x32: {  	v3 =	vadd.f32 v4, v3;
	[tilespmem:$0x40B0] =	vst v6;
	v4 =	vmax.f32 v11, $0.0e+00  }
0x33: {  	v5 =	vmax.f32 v10, $0.0e+00;
	[tilespmem:$0x40C0] =	vst v2;
	v1 =	vadd.f32 v4, v1  }
0x34: {  	[tilespmem:$0x40D0] =	vst v3;
	v0 =	vadd.f32 v5, v0  }
0x35: {  	[tilespmem:$0x40E0] =	vst v1  }
0x36: {  	s17 =	simm.s32 $0x0;
	[tilespmem:$0x40F0] =	vst v0  }
0x37: {  	v0 =	vld [tilespmem:s17+$0x10F0]  }
0x38: {  	v1 =	vld [tilespmem:s17+$0x1080]  }
0x39: {  	v3 =	vld [tilespmem:s17+$0x1090];
	_ =	sdelay $0x1  }
0x3a: {  	v12 =	vld [tilespmem:s17+$0x10A0]  }
0x3b: {  	v9 =	vimm.f32 $0.0e+00;
	v7 =	vimm.f32 $0.0e+00;
	v10 =	vld [tilespmem:s17+$0x10B0]  }
0x3c: {  	v8 =	vimm.f32 $0.0e+00;
	v4 =	vimm.f32 $0.0e+00;
	v11 =	vld [tilespmem:s17+$0x10C0];
	v0 =	vmax.f32 v0, $0.0e+00  }
0x3d: {  	v5 =	vld [tilespmem:s17+$0x10D0];
	v1 =	vmax.f32 v1, $0.0e+00;
	v13 =	vmax.f32 v3, $0.0e+00;
	v3 =	vimm.f32 $0.0e+00  }
0x3e: {  	s16 =	simm.s32 $0x400;
	s15 =	simm.s32 $0x80;
	v6 =	vld [tilespmem:s17+$0x10E0];
	v0 =	vadd.f32 v0, v4;
	v2 =	vadd.f32 v1, v4;
	v1 =	vimm.f32 $0.0e+00  }
.LBB2_5:
0x3f: {  	p0 =	sne.s32 s16, $0x3E00;
	v14 =	vld [tilespmem:s15+$0x10F0];
	v4 =	vadd.f32 v13, v4;
	v12 =	vmax.f32 v12, $0.0e+00  }
0x40: {  	v13 =	vld [tilespmem:s15+$0x1080];
	v9 =	vadd.f32 v12, v9;
	v10 =	vmax.f32 v10, $0.0e+00  }
0x41: {  	v15 =	vld [tilespmem:s15+$0x1090];
	v7 =	vadd.f32 v10, v7;
	v10 =	vmax.f32 v11, $0.0e+00  }
.Ltmp1:
0x42: {  	v12 =	vld [tilespmem:s15+$0x10A0];
	v8 =	vadd.f32 v10, v8;
	v5 =	vmax.f32 v5, $0.0e+00;
	(pc) =	sbr.rel @p0 .LBB2_5-.Ltmp1, $4  }
0x43: {  	v10 =	vld [tilespmem:s15+$0x10B0];
	v3 =	vadd.f32 v5, v3;
	v5 =	vmax.f32 v6, $0.0e+00  }
0x44: {  	v11 =	vld [tilespmem:s15+$0x10C0];
	v6 =	vmax.f32 v14, $0.0e+00;
	v1 =	vadd.f32 v5, v1  }
0x45: {  	v13 =	vmax.f32 v13, $0.0e+00;
	v5 =	vld [tilespmem:s15+$0x10D0];
	v0 =	vadd.f32 v6, v0  }
0x46: {  	v2 =	vadd.f32 v13, v2;
	v13 =	vmax.f32 v15, $0.0e+00;
	v6 =	vld [tilespmem:s15+$0x10E0];
	s15 =	sshra.s32 s16, $0x2;
	s16 =	sadd.s32 $0x200, s16  }
0x47: {  	v14 =	vld [tilespmem:s15+$0x1080]  }
0x48: {  	v15 =	vld [tilespmem:s15+$0x1090]  }
0x49: {  	v16 =	vld [tilespmem:s15+$0x10A0]  }
0x4a: {  	v12 =	vmax.f32 v12, $0.0e+00;
	v17 =	vld [tilespmem:s15+$0x10B0]  }
0x4b: {  	v4 =	vadd.f32 v13, v4;
	v9 =	vadd.f32 v12, v9;
	v10 =	vmax.f32 v10, $0.0e+00;
	v12 =	vld [tilespmem:s15+$0x10C0]  }
0x4c: {  	v13 =	vld [tilespmem:s15+$0x10D0];
	v7 =	vadd.f32 v10, v7;
	v10 =	vmax.f32 v11, $0.0e+00;
	v11 =	vmax.f32 v14, $0.0e+00  }
0x4d: {  	v8 =	vadd.f32 v10, v8;
	v10 =	vmax.f32 v15, $0.0e+00;
	v2 =	vadd.f32 v11, v2;
	v11 =	vld [tilespmem:s15+$0x10E0]  }
0x4e: {  	v5 =	vmax.f32 v5, $0.0e+00;
	v14 =	vmax.f32 v16, $0.0e+00;
	v4 =	vadd.f32 v10, v4;
	v10 =	vld [tilespmem:s15+$0x10F0]  }
0x4f: {  	v3 =	vadd.f32 v5, v3;
	v5 =	vadd.f32 v14, v9;
	v9 =	vmax.f32 v17, $0.0e+00;
	[tilespmem:$0x4100] =	vst v2  }
0x50: {  	v2 =	vmax.f32 v6, $0.0e+00;
	v6 =	vadd.f32 v9, v7;
	v7 =	vmax.f32 v12, $0.0e+00;
	[tilespmem:$0x4110] =	vst v4  }
0x51: {  	v4 =	vmax.f32 v13, $0.0e+00;
	[tilespmem:$0x4120] =	vst v5;
	v1 =	vadd.f32 v2, v1;
	v2 =	vadd.f32 v7, v8  }
0x52: {  	v3 =	vadd.f32 v4, v3;
	[tilespmem:$0x4130] =	vst v6;
	v4 =	vmax.f32 v11, $0.0e+00  }
0x53: {  	v5 =	vmax.f32 v10, $0.0e+00;
	[tilespmem:$0x4140] =	vst v2;
	v1 =	vadd.f32 v4, v1  }
0x54: {  	[tilespmem:$0x4150] =	vst v3;
	v0 =	vadd.f32 v5, v0  }
0x55: {  	[tilespmem:$0x4160] =	vst v1  }
0x56: {  	s17 =	simm.s32 $0x0;
	[tilespmem:$0x4170] =	vst v0  }
0x57: {  	v0 =	vld [tilespmem:s17+$0x20F0]  }
0x58: {  	v1 =	vld [tilespmem:s17+$0x2080]  }
0x59: {  	v3 =	vld [tilespmem:s17+$0x2090];
	_ =	sdelay $0x1  }
0x5a: {  	v12 =	vld [tilespmem:s17+$0x20A0]  }
0x5b: {  	v9 =	vimm.f32 $0.0e+00;
	v7 =	vimm.f32 $0.0e+00;
	v10 =	vld [tilespmem:s17+$0x20B0]  }
0x5c: {  	v8 =	vimm.f32 $0.0e+00;
	v4 =	vimm.f32 $0.0e+00;
	v11 =	vld [tilespmem:s17+$0x20C0];
	v0 =	vmax.f32 v0, $0.0e+00  }
0x5d: {  	v5 =	vld [tilespmem:s17+$0x20D0];
	v1 =	vmax.f32 v1, $0.0e+00;
	v13 =	vmax.f32 v3, $0.0e+00;
	v3 =	vimm.f32 $0.0e+00  }
0x5e: {  	s16 =	simm.s32 $0x400;
	s15 =	simm.s32 $0x80;
	v6 =	vld [tilespmem:s17+$0x20E0];
	v0 =	vadd.f32 v0, v4;
	v2 =	vadd.f32 v1, v4;
	v1 =	vimm.f32 $0.0e+00  }
.LBB2_7:
0x5f: {  	p0 =	sne.s32 s16, $0x3E00;
	v14 =	vld [tilespmem:s15+$0x20F0];
	v4 =	vadd.f32 v13, v4;
	v12 =	vmax.f32 v12, $0.0e+00  }
0x60: {  	v13 =	vld [tilespmem:s15+$0x2080];
	v9 =	vadd.f32 v12, v9;
	v10 =	vmax.f32 v10, $0.0e+00  }
0x61: {  	v15 =	vld [tilespmem:s15+$0x2090];
	v7 =	vadd.f32 v10, v7;
	v10 =	vmax.f32 v11, $0.0e+00  }
.Ltmp2:
0x62: {  	v12 =	vld [tilespmem:s15+$0x20A0];
	v8 =	vadd.f32 v10, v8;
	v5 =	vmax.f32 v5, $0.0e+00;
	(pc) =	sbr.rel @p0 .LBB2_7-.Ltmp2, $4  }
0x63: {  	v10 =	vld [tilespmem:s15+$0x20B0];
	v3 =	vadd.f32 v5, v3;
	v5 =	vmax.f32 v6, $0.0e+00  }
0x64: {  	v11 =	vld [tilespmem:s15+$0x20C0];
	v6 =	vmax.f32 v14, $0.0e+00;
	v1 =	vadd.f32 v5, v1  }
0x65: {  	v13 =	vmax.f32 v13, $0.0e+00;
	v5 =	vld [tilespmem:s15+$0x20D0];
	v0 =	vadd.f32 v6, v0  }
0x66: {  	v2 =	vadd.f32 v13, v2;
	v13 =	vmax.f32 v15, $0.0e+00;
	v6 =	vld [tilespmem:s15+$0x20E0];
	s15 =	sshra.s32 s16, $0x2;
	s16 =	sadd.s32 $0x200, s16  }
0x67: {  	v14 =	vld [tilespmem:s15+$0x2080]  }
0x68: {  	v15 =	vld [tilespmem:s15+$0x2090]  }
0x69: {  	v16 =	vld [tilespmem:s15+$0x20A0]  }
0x6a: {  	v12 =	vmax.f32 v12, $0.0e+00;
	v17 =	vld [tilespmem:s15+$0x20B0]  }
0x6b: {  	v4 =	vadd.f32 v13, v4;
	v9 =	vadd.f32 v12, v9;
	v10 =	vmax.f32 v10, $0.0e+00;
	v12 =	vld [tilespmem:s15+$0x20C0]  }
0x6c: {  	v13 =	vld [tilespmem:s15+$0x20D0];
	v7 =	vadd.f32 v10, v7;
	v10 =	vmax.f32 v11, $0.0e+00;
	v11 =	vmax.f32 v14, $0.0e+00  }
0x6d: {  	v8 =	vadd.f32 v10, v8;
	v10 =	vmax.f32 v15, $0.0e+00;
	v2 =	vadd.f32 v11, v2;
	v11 =	vld [tilespmem:s15+$0x20E0]  }
0x6e: {  	v5 =	vmax.f32 v5, $0.0e+00;
	v14 =	vmax.f32 v16, $0.0e+00;
	v4 =	vadd.f32 v10, v4;
	v10 =	vld [tilespmem:s15+$0x20F0]  }
0x6f: {  	v3 =	vadd.f32 v5, v3;
	v5 =	vadd.f32 v14, v9;
	v9 =	vmax.f32 v17, $0.0e+00;
	[tilespmem:$0x4180] =	vst v2  }
0x70: {  	v2 =	vmax.f32 v6, $0.0e+00;
	v6 =	vadd.f32 v9, v7;
	v7 =	vmax.f32 v12, $0.0e+00;
	[tilespmem:$0x4190] =	vst v4  }
0x71: {  	v4 =	vmax.f32 v13, $0.0e+00;
	[tilespmem:$0x41A0] =	vst v5;
	v1 =	vadd.f32 v2, v1;
	v2 =	vadd.f32 v7, v8  }
0x72: {  	v3 =	vadd.f32 v4, v3;
	[tilespmem:$0x41B0] =	vst v6;
	v4 =	vmax.f32 v11, $0.0e+00  }
0x73: {  	v5 =	vmax.f32 v10, $0.0e+00;
	[tilespmem:$0x41C0] =	vst v2;
	v1 =	vadd.f32 v4, v1  }
0x74: {  	[tilespmem:$0x41D0] =	vst v3;
	v0 =	vadd.f32 v5, v0  }
0x75: {  	[tilespmem:$0x41E0] =	vst v1  }
0x76: {  	s17 =	simm.s32 $0x0;
	[tilespmem:$0x41F0] =	vst v0  }
0x77: {  	v0 =	vld [tilespmem:s17+$0x30F0]  }
0x78: {  	v1 =	vld [tilespmem:s17+$0x3080]  }
0x79: {  	v3 =	vld [tilespmem:s17+$0x3090];
	_ =	sdelay $0x1  }
0x7a: {  	v12 =	vld [tilespmem:s17+$0x30A0]  }
0x7b: {  	v9 =	vimm.f32 $0.0e+00;
	v7 =	vimm.f32 $0.0e+00;
	v10 =	vld [tilespmem:s17+$0x30B0]  }
0x7c: {  	v8 =	vimm.f32 $0.0e+00;
	v4 =	vimm.f32 $0.0e+00;
	v11 =	vld [tilespmem:s17+$0x30C0];
	v0 =	vmax.f32 v0, $0.0e+00  }
0x7d: {  	v5 =	vld [tilespmem:s17+$0x30D0];
	v1 =	vmax.f32 v1, $0.0e+00;
	v13 =	vmax.f32 v3, $0.0e+00;
	v3 =	vimm.f32 $0.0e+00  }
0x7e: {  	s16 =	simm.s32 $0x400;
	s15 =	simm.s32 $0x80;
	v6 =	vld [tilespmem:s17+$0x30E0];
	v0 =	vadd.f32 v0, v4;
	v2 =	vadd.f32 v1, v4;
	v1 =	vimm.f32 $0.0e+00  }
.LBB2_9:
0x7f: {  	p0 =	sne.s32 s16, $0x3E00;
	v14 =	vld [tilespmem:s15+$0x30F0];
	v4 =	vadd.f32 v13, v4;
	v12 =	vmax.f32 v12, $0.0e+00  }
0x80: {  	v13 =	vld [tilespmem:s15+$0x3080];
	v9 =	vadd.f32 v12, v9;
	v10 =	vmax.f32 v10, $0.0e+00  }
0x81: {  	v15 =	vld [tilespmem:s15+$0x3090];
	v7 =	vadd.f32 v10, v7;
	v10 =	vmax.f32 v11, $0.0e+00  }
.Ltmp3:
0x82: {  	v12 =	vld [tilespmem:s15+$0x30A0];
	v8 =	vadd.f32 v10, v8;
	v5 =	vmax.f32 v5, $0.0e+00;
	(pc) =	sbr.rel @p0 .LBB2_9-.Ltmp3, $4  }
0x83: {  	v10 =	vld [tilespmem:s15+$0x30B0];
	v3 =	vadd.f32 v5, v3;
	v5 =	vmax.f32 v6, $0.0e+00  }
0x84: {  	v11 =	vld [tilespmem:s15+$0x30C0];
	v6 =	vmax.f32 v14, $0.0e+00;
	v1 =	vadd.f32 v5, v1  }
0x85: {  	v13 =	vmax.f32 v13, $0.0e+00;
	v5 =	vld [tilespmem:s15+$0x30D0];
	v0 =	vadd.f32 v6, v0  }
0x86: {  	v2 =	vadd.f32 v13, v2;
	v13 =	vmax.f32 v15, $0.0e+00;
	v6 =	vld [tilespmem:s15+$0x30E0];
	s15 =	sshra.s32 s16, $0x2;
	s16 =	sadd.s32 $0x200, s16  }
0x87: {  	v14 =	vld [tilespmem:s15+$0x3080]  }
0x88: {  	v15 =	vld [tilespmem:s15+$0x3090]  }
0x89: {  	v16 =	vld [tilespmem:s15+$0x30A0]  }
0x8a: {  	v17 =	vld [tilespmem:s15+$0x30B0]  }
0x8b: {  	v12 =	vmax.f32 v12, $0.0e+00;
	v4 =	vadd.f32 v13, v4;
	v47 =	vld [tilespmem:s15+$0x30C0];
	v10 =	vmax.f32 v10, $0.0e+00  }
0x8c: {  	v50 =	vld [tilespmem:s15+$0x30D0];
	v9 =	vadd.f32 v12, v9;
	v7 =	vadd.f32 v10, v7;
	v49 =	vmax.f32 v14, $0.0e+00  }
0x8d: {  	v53 =	vld [tilespmem:s15+$0x30F0];
	v48 =	vmax.f32 v11, $0.0e+00;
	v51 =	vmax.f32 v15, $0.0e+00;
	v2 =	vadd.f32 v49, v2  }
0x8e: {  	v52 =	vld [tilespmem:s15+$0x30E0];
	v8 =	vadd.f32 v48, v8;
	v54 =	vmax.f32 v16, $0.0e+00;
	v4 =	vadd.f32 v51, v4  }
0x8f: {  	v5 =	vmax.f32 v5, $0.0e+00;
	v56 =	vmax.f32 v17, $0.0e+00;
	v55 =	vadd.f32 v54, v9;
	[tilespmem:$0x4200] =	vst v2  }
0x90: {  	v3 =	vadd.f32 v5, v3;
	v59 =	vmax.f32 v47, $0.0e+00;
	v58 =	vadd.f32 v56, v7;
	[tilespmem:$0x4210] =	vst v4  }
0x91: {  	s31 =	sshll.u32 s14, $0x9;
	v57 =	vmax.f32 v6, $0.0e+00;
	v61 =	vmax.f32 v50, $0.0e+00;
	v60 =	vadd.f32 v59, v8;
	[tilespmem:$0x4220] =	vst v55  }
0x92: {  	s16 =	sadd.s32 s7, s31;
	v1 =	vadd.f32 v57, v1;
	v63 =	vmax.f32 v53, $0.0e+00;
	v3 =	vadd.f32 v61, v3;
	[tilespmem:$0x4230] =	vst v58  }
0x93: {  	s15 =	sand.u32 $0x200, s31;
	s16 =	sand.u32 $0x3FFC00, s16;
	v62 =	vmax.f32 v52, $0.0e+00;
	v0 =	vadd.f32 v63, v0;
	[tilespmem:$0x4240] =	vst v60  }
0x94: {  	s14 =	sadd.s32 $0x1, s14;
	s15 =	sor.u32 s15, s16;
	v1 =	vadd.f32 v62, v1;
	[tilespmem:$0x4250] =	vst v3  }
0x95: {  	p0 =	sne.s32 s14, $0x50;
	s15 =	sshrl.u32 s15, $0x3;
	[tilespmem:$0x4270] =	vst v0  }
.Ltmp4:
0x96: {  	s15 =	sadd.s32 s6, s15;
	[tilespmem:$0x4260] =	vst v1;
	(pc) =	sbr.rel @p0 .LBB2_2-.Ltmp4, $4  }
0x97: {  	[hbm4b:s15+s3] =	stream.linear.scatter [tilespmem:s12], [sflag:$0x2], $0x200, $0x38;
	[tilespmem:$0x4280] =	vst v63  }
0x98: {  	_ =	swait.ge [sflag:s9], $0x200  }
0x99: {  	[sflag:s9] =	ssyncset.done $0x0  }
0x9a: {  	[sflag:s9] =	ssyncadd.s32 $0xFFFFFE00  }
0x9b: {  	s13 =	sadd.s32 $0x1, s13  }
0x9c: {  	p0 =	sne.s32 s13, s8  }
.Ltmp5:
0x9d: {  	_ = 	snop;
	(pc) =	sbr.rel @p0 .LBB2_1-.Ltmp5, $1  }
0x9e: {  	_ =	sdelay $0x3  }
0x9f: {  	_ =	sfence.sel $0x180000  }
0xa0: {  	[bflag:$0x0] =	sbarrier.arrive $0xFFFF  }
0xa1: {  	p0 =	sne.s32 s1, $0x0;
	_ =	strace $0x90000047  }
0xa2: {  	s0 =	sadd.s32 @!p0 $0x100000, s0;
	[bflag:$0x2] =	sbarrier.arrive $0xFFFF  }
0xa3: {  	[sflag:s0] =	ssyncadd.tile.s32 @!p0 $0x1;
	_ =	shalt  }
.Lfunc_end2:
_tile_overlayer_lowered:
.L_overlay_start_2:
0xa4: {  	(tag) =	ssettag $0x2  }
0xa5: {  	s0 =	rddreg [dreg:$0x0];
	s2 =	stileid.u32  }
0xa6: {  	s1 =	rddreg [dreg:$0x1];
	p0 =	sne.s32 s2, $0x0  }
0xa7: {  	s3 =	rddreg [dreg:$0x2];
	[bflag:$0x3] =	sbarrier.arrive $0xFFFF;
	s2 =	simm.s32 @!p0 $0x1C02  }
0xa8: {  	[timem:s3], [sflag:s2] =	dma.local @!p0 [hbm:s0], s1  }
0xa9: {  	s0 =	simm.s32 @!p0 $0x2  }
0xaa: {  	_ =	swait.ge @!p0 [sflag:s0], s1  }
0xab: {  	s1 =	ssub.s32 @!p0 $0x0, s1;
	[sflag:s0] =	ssyncset.done @!p0 $0x0  }
0xac: {  	[sflag:s0] =	ssyncadd.s32 @!p0 s1  }
0xad: {  	[bflag:$0x3] =	sbarrier.arrive $0xFFFF  }
0xae: {  	_ =	shalt  }

// kernel: kernel.17.cloned.1.call-start
scs
__scs_entry_jumppad:
0x0: {  	(pc) =	sbr.rel $0x88, $3  }
0x1: {  	(tag) =	ssettag $0x0;
	lr =	simm.s32 $0x1  }
0x2: {  	[smem:$0x3F98] =	sst lr;
	_ =	strace $0xD0000000  }
0x3: {  	_ = 	snop  }
0x4: {  	_ = 	snop  }
0x5: {  	_ = 	snop  }
0x6: {  	_ = 	snop  }
0x7: {  	_ = 	snop  }
__scs_overlays_trampoline_lowered:
0x8: {  	[smem:$0x3FA7] =	sst s0  }
0x9: {  	[smem:$0x3FA8] =	sst s1  }
0xa: {  	[smem:$0x3FA9] =	sst s2  }
0xb: {  	[smem:$0x3FAA] =	sst s3  }
0xc: {  	[smem:$0x3FAB] =	sst s4  }
0xd: {  	[smem:$0x3FAC] =	sst s5  }
0xe: {  	[smem:$0x3FAD] =	sst s6  }
0xf: {  	[smem:$0x3FAE] =	sst s7  }
0x10: {  	[smem:$0x3FAF] =	sst s8  }
0x11: {  	[smem:$0x3FB0] =	sst s9;
	s0 =	simm.s32 @!p0 $0x0  }
0x12: {  	s1 =	sld [smem:$0x3F96];
	s0 =	simm.s32 @p0 $0x1  }
0x13: {  	[smem:$0x3FB1] =	sst s0;
	s0 =	simm.s32 @!p1 $0x0  }
0x14: {  	s2 =	sld [smem:$0x3F95];
	s0 =	simm.s32 @p1 $0x1  }
0x15: {  	[smem:$0x3FB2] =	sst s0;
	s0 =	simm.s32 @!p2 $0x0  }
0x16: {  	s3 =	sld [smem:$0x3FDB];
	s0 =	simm.s32 @p2 $0x1  }
0x17: {  	s4 =	simm.s32 $0x1BF5;
	[smem:$0x3FB4] =	sst s0  }
0x18: {  	s0 =	sld [smem:$0x3F97];
	_ =	swait.ge [sflag:s4], $0x0  }
0x19: {  	s7 =	sld [smem:$0x3F98]  }
0x1a: {  	s8 =	sadd.s32 $0xFFFFE003, lr  }
0x1b: {  	s9 =	sadd.s32 $0xFFFFFEF7, lr;
	s5 =	simm.s32 $0xFFFFFFFF;
	p2 =	slt.u32 s8, $0xFFFFF086  }
0x1c: {  	p1 =	slt.u32 s9, $0xF7A;
	s5 =	simm.s32 @!p2 $0x0  }
0x1d: {  	s5 =	simm.s32 @p1 $0x1;
	p0 =	seq.s32 s7, s2  }
0x1e: {  	s7 =	smul.u32 @!p0 $0xF7A, s2;
	p2 =	seq.s32 @!p0 s5, $0x0  }
0x1f: {  	s9 =	smul.u32 $0xF7A, s1;
	s8 =	simm.s32 @!p0 $0x1BF5;
	p2 =	por !p2, p0  }
0x20: {  	[sflag:s8] =	ssyncset.s32 @!p0 $0xFFFFF086;
	s6 =	sadd.s32 @!p0 s3, s7;
	s7 =	simm.s32 @!p0 $0x108  }
0x21: {  	s3 =	sadd.s32 s3, s9;
	s6 =	sadd.s32 @!p0 $0x88, s6;
	s7 =	simm.s32 @p2 $0x1082  }
0x22: {  	[simem:s7], [sflag:s8] =	dma.local @!p0 [hbm:s6], $0xF7A  }
0x23: {  	s9 =	sor.u32 $0xD0000000, s2;
	s6 =	simm.s32 $0x108;
	_ =	swait.ge @!p0 [sflag:s8], $0x0  }
0x24: {  	s3 =	sadd.s32 $0x88, s3;
	s6 =	simm.s32 @!p1 $0x1082;
	[sflag:s4] =	ssyncset.s32 $0xFFFFF086  }
0x25: {  	[simem:s6], [sflag:s4] =	dma.local [hbm:s3], $0xF7A  }
0x26: {  	[smem:$0x3F98] =	sst s1;
	(tag) =	ssettag s2;
	_ =	strace s9  }
0x27: {  	s1 =	sld [smem:$0x3FA8]  }
0x28: {  	s2 =	sld [smem:$0x3FA9]  }
0x29: {  	s4 =	sld [smem:$0x3FAB]  }
0x2a: {  	p0 =	seq.s32 s5, $0x0;
	s5 =	sld [smem:$0x3FAC]  }
0x2b: {  	s6 =	sld [smem:$0x3FAD]  }
0x2c: {  	s7 =	sld [smem:$0x3FAE]  }
0x2d: {  	s3 =	simm.s32 $0x108;
	s8 =	sld [smem:$0x3FAF]  }
0x2e: {  	s3 =	simm.s32 @!p0 $0x1082;
	s9 =	sld [smem:$0x3FB0]  }
0x2f: {  	lr =	sadd.s32 s0, s3;
	s0 =	sld [smem:$0x3FA7]  }
0x30: {  	s3 =	sld [smem:$0x3FAA]  }
0x31: {  	[smem:$0x3FB3] =	sst s10  }
0x32: {  	s10 =	sld [smem:$0x3FB1];
	_ =	sdelay $0x3  }
0x33: {  	p0 =	seq.s32 s10, $0x1;
	s10 =	sld [smem:$0x3FB3];
	_ =	sdelay $0x3  }
0x34: {  	[smem:$0x3FB3] =	sst s10  }
0x35: {  	s10 =	sld [smem:$0x3FB2];
	_ =	sdelay $0x3  }
0x36: {  	p1 =	seq.s32 s10, $0x1;
	s10 =	sld [smem:$0x3FB3];
	_ =	sdelay $0x3  }
0x37: {  	[smem:$0x3FB3] =	sst s10  }
0x38: {  	s10 =	sld [smem:$0x3FB4]  }
0x39: {  	_ = 	snop;
	(pc) =	sbr.ind lr, $3  }
0x3a: {  	_ = 	snop  }
0x3b: {  	_ = 	snop  }
0x3c: {  	p2 =	seq.s32 s10, $0x1;
	s10 =	sld [smem:$0x3FB3]  }
0x3d: {  	_ =	shalt  }
0x3e: {  	_ =	shalt  }
0x3f: {  	_ =	shalt  }
0x40: {  	_ =	shalt  }
0x41: {  	_ =	shalt  }
0x42: {  	_ =	shalt  }
0x43: {  	_ =	shalt  }
0x44: {  	_ =	shalt  }
0x45: {  	_ =	shalt  }
0x46: {  	_ =	shalt  }
0x47: {  	_ =	shalt  }
0x48: {  	_ =	shalt  }
0x49: {  	_ =	shalt  }
0x4a: {  	_ =	shalt  }
0x4b: {  	_ =	shalt  }
0x4c: {  	_ =	shalt  }
0x4d: {  	_ =	shalt  }
0x4e: {  	_ =	shalt  }
0x4f: {  	_ =	shalt  }
0x50: {  	_ =	shalt  }
0x51: {  	_ =	shalt  }
0x52: {  	_ =	shalt  }
0x53: {  	_ =	shalt  }
0x54: {  	_ =	shalt  }
0x55: {  	_ =	shalt  }
0x56: {  	_ =	shalt  }
0x57: {  	_ =	shalt  }
0x58: {  	_ =	shalt  }
0x59: {  	_ =	shalt  }
0x5a: {  	_ =	shalt  }
0x5b: {  	_ =	shalt  }
0x5c: {  	_ =	shalt  }
0x5d: {  	_ =	shalt  }
0x5e: {  	_ =	shalt  }
0x5f: {  	_ =	shalt  }
0x60: {  	_ =	shalt  }
0x61: {  	_ =	shalt  }
0x62: {  	_ =	shalt  }
0x63: {  	_ =	shalt  }
0x64: {  	_ =	shalt  }
0x65: {  	_ =	shalt  }
0x66: {  	_ =	shalt  }
0x67: {  	_ =	shalt  }
0x68: {  	_ =	shalt  }
0x69: {  	_ =	shalt  }
0x6a: {  	_ =	shalt  }
0x6b: {  	_ =	shalt  }
0x6c: {  	_ =	shalt  }
0x6d: {  	_ =	shalt  }
0x6e: {  	_ =	shalt  }
0x6f: {  	_ =	shalt  }
0x70: {  	_ =	shalt  }
0x71: {  	_ =	shalt  }
0x72: {  	_ =	shalt  }
0x73: {  	_ =	shalt  }
0x74: {  	_ =	shalt  }
0x75: {  	_ =	shalt  }
0x76: {  	_ =	shalt  }
0x77: {  	_ =	shalt  }
0x78: {  	_ =	shalt  }
0x79: {  	_ =	shalt  }
0x7a: {  	_ =	shalt  }
0x7b: {  	_ =	shalt  }
0x7c: {  	_ =	shalt  }
0x7d: {  	_ =	shalt  }
0x7e: {  	_ =	shalt  }
0x7f: {  	_ =	shalt  }
0x80: {  	_ =	shalt  }
0x81: {  	_ =	shalt  }
0x82: {  	_ =	shalt  }
0x83: {  	_ =	shalt  }
0x84: {  	_ =	shalt  }
0x85: {  	_ =	shalt  }
0x86: {  	_ =	shalt  }
0x87: {  	_ =	shalt  }
.Lfunc_end0:
.L_simem_size_0:
called_computation.1_lowered:
.L_overlay_start_0:
0x88: {  	s2 =	sld [smem:$0x3FD9]  }
0x89: {  	s3 =	sld [smem:$0x3FFE];
	_ =	sdelay $0x1  }
0x8a: {  	s1 =	srdreg.scid  }
0x8b: {  	s0 =	sand.u32 $0x1, s1  }
0x8c: {  	s17 =	sshll.u32 s0, $0xA;
	s2 =	sadd.s32 s3, s2  }
0x8d: {  	s2 =	sadd.s32 s2, s17  }
0x8e: {  	[smem:$0x3FBF] =	sst s2  }
0x8f: {  	_ = 	snop  }
0x90: {  	s2 =	sld [smem:$0x3FC6]  }
0x91: {  	s18 =	sld [smem:$0x3FC5];
	(tm) =	ssettm $0x1  }
0x92: {  	s4 =	sld [smem:$0x3FFB];
	_ =	sdelay $0x3  }
0x93: {  	_ =	strace s4  }
0x94: {  	s4 =	sld [smem:$0x3FFC];
	_ =	sdelay $0x3  }
0x95: {  	_ =	strace s4  }
0x96: {  	s4 =	sld [smem:$0x3FFD];
	_ =	sdelay $0x3  }
0x97: {  	_ =	strace s4  }
0x98: {  	_ =	strace $0x8FFFFFFF  }
0x99: {  	s19 =	sld [smem:$0x3FDB];
	_ =	sdelay $0x1  }
0x9a: {  	s5 =	simm.s32 $_scs_section_size  }
0x9b: {  	s6 =	simm.s32 $_size__tile_overlayer_lowered;
	s7 =	simm.s32 $_tile_overlayer_lowered  }
0x9c: {  	s22 =	simm.s32 $0x1BFF;
	s21 =	sshll.u32 s7, $0x1;
	s4 =	sadd.s32 s5, s19  }
0x9d: {  	s8 =	simm.s32 $0x0;
	s20 =	sshll.u32 s6, $0x1;
	s6 =	sadd.s32 s21, s4  }
0x9e: {  	[timem:s8], [sflag:s22] =	dma.local [hbm:s6], s20  }
0x9f: {  	_ =	swait.ge [sflag:s22], s20  }
0xa0: {  	s5 =	ssub.s32 $0x0, s20;
	[sflag:s22] =	ssyncset.done $0x0  }
0xa1: {  	[sflag:s22] =	ssyncadd.s32 s5;
	_ =	sdelay $0x1  }
0xa2: {  	s23 =	simm.s32 $0x1B8B  }
0xa3: {  	_ =	swait.ge [sflag:s23], $0x1  }
0xa4: {  	[sflag:s23] =	ssyncset.done $0x0  }
0xa5: {  	s25 =	simm.s32 $0x1B8E;
	s24 =	sld [smem:$0x3FFE];
	[sflag:s23] =	ssyncadd.s32 $0xFFFFFFFF  }
0xa6: {  	s26 =	simm.s32 $execute0_lowered;
	[smem:$0x3FD2] =	sst s25  }
0xa7: {  	s6 =	sshll.u32 s26, $0x1;
	_ =	strace $0x80000049;
	[dreg:$0x1] =	wrdreg $0xFFFFFFFF  }
0xa8: {  	s28 =	simm.s32 $_size_execute0_lowered;
	s4 =	sadd.s32 s4, s6;
	[dreg:$0x0] =	wrdreg $0x0  }
0xa9: {  	s6 =	sshll.u32 s28, $0x1;
	[dreg:$0x2] =	wrdreg s4  }
0xaa: {  	[dreg:$0x3] =	wrdreg s6  }
0xab: {  	[dreg:$0x4] =	wrdreg $0xC0  }
0xac: {  	_ =	task [dreg:s8], $0x5FFFF  }
0xad: {  	[dreg:$0x1] =	wrdreg $0xFFFFFFFF  }
0xae: {  	[dreg:$0x0] =	wrdreg $0x60  }
0xaf: {  	[dreg:$0x2] =	wrdreg s24  }
0xb0: {  	[dreg:$0x3] =	wrdreg s2  }
0xb1: {  	[dreg:$0x4] =	wrdreg s18  }
0xb2: {  	[dreg:$0x5] =	wrdreg $0x9  }
0xb3: {  	_ =	task.clear_ibuf [dreg:s8], $0x6FFFF;
	_ =	strace $0x90000049  }
0xb4: {  	s29 =	simm.s32 $0x9;
	_ =	strace $0x8000004B  }
0xb5: {  	_ =	swait.ge [sflag:s29], $0x1  }
0xb6: {  	[sflag:s29] =	ssyncadd.s32 $0xFFFFFFFF  }
0xb7: {  	_ =	strace $0x9000004B  }
0xb8: {  	_ =	sfence  }
0xb9: {  	s30 =	sld [smem:$0x0];
	_ =	sdelay $0x2  }
0xba: {  	s31 =	sshll.u32 s1, $0xD;
	s1 =	sshrl.u32 s1, $0x2  }
0xbb: {  	s3 =	sand.u32 $0x4000, s31;
	s1 =	sadd.s32 s1, s30  }
0xbc: {  	s0 =	sor.u32 s3, s0;
	s1 =	sshll.u32 s1, $0x11  }
0xbd: {  	s0 =	sor.u32 s1, s0  }
0xbe: {  	s0 =	sadd.s32 $0x8F2B, s0  }
0xbf: {  	[sflag:s0] =	ssyncadd.remote.s32 $0x1  }
0xc0: {  	_ =	sfence.sel $0xFFFF  }
0xc1: {  	[dreg:$0x0] =	wrdreg $0xFFFFFFFF;
	(pc) =	sbr.abs _section_cstart, $3  }
0xc2: {  	[dreg:$0x1] =	wrdreg $0xFFFFFFFF  }
0xc3: {  	_ =	task.clear_ibuf [dreg:s8], $0x2FFFF;
	_ =	strace $0x9FFFFFFF  }
0xc4: {  	(tm) =	ssettm $0x7FFFFFFF  }
0xc5: {  	_ =	shalt  }
tec
execute0_lowered:
.L_overlay_start_1:
0x0: {  	(tag) =	ssettag $0x1  }
0x1: {  	s7 =	rddreg [dreg:$0x0]  }
0x2: {  	s1 =	rddreg [dreg:$0x1]  }
0x3: {  	s2 =	rddreg [dreg:$0x2]  }
0x4: {  	s0 =	rddreg [dreg:$0x3]  }
0x5: {  	s4 =	simm.s32 $0x0;
	s5 =	srdreg.scid;
	s3 =	stileid.u32  }
0x6: {  	s12 =	simm.s32 $0x50;
	s13 =	simm.s32 $0x100;
	s14 =	simm.s32 $0x2900  }
0x7: {  	s15 =	simm.s32 $0x1;
	s16 =	simm.s32 $0x5100;
	s17 =	simm.s32 $0x0  }
0x8: {  	[smem:$0x7FF] =	sst s4;
	s8 =	sand.u32 $0x1, s5;
	s5 =	sadd.s32 $0x9C7400, s7  }
0x9: {  	s10 =	sshll.u32 s3, $0x1;
	s6 =	sadd.s32 $0x3400, s7;
	s9 =	ssub.s32 $0x2, s8  }
0xa: {  	s7 =	sadd.s32 $0x2B400, s7;
	_ =	strace $0x8000004A;
	s11 =	sshrl.u32 s9, $0x1  }
0xb: {  	s8 =	sor.u32 s8, s10;
	s10 =	simm.s32 $0x2;
	s9 =	ssub.s32 s9, s11  }
0xc: {  	s8 =	smul.u32 $0x2710, s8;
	s11 =	simm.s32 $0x80;
	s9 =	smax.u32 s9, $0x1  }
.LBB2_1:
0xd: {  	s18 =	simm.s32 $0x0  }
.LBB2_2:
0xe: {  	s19 =	smul.u32 $0x50, s18;
	_ =	sdelay $0x1  }
0xf: {  	s19 =	sadd.s32 s8, s19  }
0x10: {  	s20 =	sshrl.u32 s19, $0x3  }
0x11: {  	s22 =	simm.s32 $0x0;
	s21 =	sadd.s32 s1, s20  }
0x12: {  	[tilespmem:s22], [sflag:$0x2] =	stream.linear.gather [hbm4b:s21+s22], $0x50, $0x38;
	[tilespmem:$0x7900] =	vst v63  }
0x13: {  	_ =	swait.ge [sflag:s10], $0x50  }
0x14: {  	[sflag:s10] =	ssyncset.done $0x0  }
0x15: {  	s20 =	sadd.s32 s2, s20;
	[sflag:s10] =	ssyncadd.s32 $0xFFFFFFB0  }
0x16: {  	[tilespmem:s11], [sflag:$0x2] =	stream.linear.gather [hbm4b:s20+s22], $0x50, $0x38;
	[tilespmem:$0x7900] =	vst v63  }
0x17: {  	_ =	swait.ge [sflag:s10], $0x50  }
0x18: {  	[sflag:s10] =	ssyncset.done $0x0  }
0x19: {  	[sflag:s10] =	ssyncadd.s32 $0xFFFFFFB0  }
0x1a: {  	[tilespmem:s13], [sflag:$0x1] =	stream.indirect.gather [hbm4b:s6+s12], $0x80, s22, s12, $0xb8;
	[tilespmem:$0x7900] =	vst v63  }
0x1b: {  	_ = 	snop  }
0x1c: {  	[tilespmem:s14], [sflag:$0x1] =	stream.indirect.gather [hbm4b:s5+s12], $0x80, s11, s12, $0xb8;
	[tilespmem:$0x7900] =	vst v63  }
0x1d: {  	_ =	swait.ge [sflag:s15], $0x2800  }
0x1e: {  	[sflag:s15] =	ssyncset.done $0x0  }
0x1f: {  	[sflag:s15] =	ssyncadd.s32 $0xFFFFD800  }
0x20: {  	_ =	swait.ge [sflag:s15], $0x2800  }
0x21: {  	[sflag:s15] =	ssyncset.done $0x0  }
0x22: {  	s20 =	simm.s32 $0x0;
	[sflag:s15] =	ssyncadd.s32 $0xFFFFD800  }
0x23: {  	v0 =	vld [tilespmem:s20+$0x2970]  }
0x24: {  	v1 =	vld [tilespmem:s20+$0x170]  }
0x25: {  	v2 =	vld [tilespmem:s20+$0x2900]  }
0x26: {  	v4 =	vld [tilespmem:s20+$0x2910]  }
0x27: {  	v5 =	vld [tilespmem:s20+$0x2920]  }
0x28: {  	v6 =	vld [tilespmem:s20+$0x2930]  }
0x29: {  	v9 =	vld [tilespmem:s20+$0x2940];
	v0 =	vmax.f32 v0, $0.0e+00  }
0x2a: {  	v11 =	vld [tilespmem:s20+$0x2960];
	v0 =	vsub.f32 v1, v0  }
0x2b: {  	v12 =	vld [tilespmem:s20+$0x110]  }
0x2c: {  	[tilespmem:s20+$0x5170] =	vst v0;
	v0 =	vld [tilespmem:s20+$0x100]  }
0x2d: {  	v1 =	vld [tilespmem:s20+$0x2950]  }
0x2e: {  	v8 =	vld [tilespmem:s20+$0x120]  }
0x2f: {  	v3 =	vld [tilespmem:s20+$0x130]  }
0x30: {  	v10 =	vmax.f32 v2, $0.0e+00;
	v13 =	vmax.f32 v4, $0.0e+00;
	v7 =	vmax.f32 v5, $0.0e+00;
	v5 =	vld [tilespmem:s20+$0x140]  }
0x31: {  	v4 =	vmax.f32 v6, $0.0e+00;
	v2 =	vmax.f32 v9, $0.0e+00;
	v6 =	vld [tilespmem:s20+$0x150];
	v10 =	vsub.f32 v0, v10  }
0x32: {  	s21 =	simm.s32 $0x80;
	s22 =	simm.s32 $0x400;
	v9 =	vld [tilespmem:s20+$0x160];
	v1 =	vmax.f32 v1, $0.0e+00;
	v0 =	vmax.f32 v11, $0.0e+00;
	v11 =	vsub.f32 v12, v13  }
.LBB2_3:
0x33: {  	p0 =	sne.s32 s22, $0x9E00;
	v12 =	vld [tilespmem:s21+$0x2970];
	[tilespmem:s20+$0x5100] =	vst v10;
	v7 =	vsub.f32 v8, v7  }
0x34: {  	v8 =	vld [tilespmem:s21+$0x170];
	[tilespmem:s20+$0x5110] =	vst v11;
	v3 =	vsub.f32 v3, v4  }
0x35: {  	v4 =	vld [tilespmem:s21+$0x2900];
	[tilespmem:s20+$0x5120] =	vst v7;
	v2 =	vsub.f32 v5, v2  }
0x36: {  	v5 =	vld [tilespmem:s21+$0x2910];
	[tilespmem:s20+$0x5130] =	vst v3;
	v1 =	vsub.f32 v6, v1  }
0x37: {  	v3 =	vld [tilespmem:s21+$0x2920];
	[tilespmem:s20+$0x5140] =	vst v2;
	v0 =	vsub.f32 v9, v0  }
0x38: {  	v2 =	vld [tilespmem:s21+$0x2930];
	v6 =	vmax.f32 v12, $0.0e+00;
	[tilespmem:s20+$0x5150] =	vst v1  }
0x39: {  	v1 =	vld [tilespmem:s21+$0x2940];
	v6 =	vsub.f32 v8, v6;
	[tilespmem:s20+$0x5160] =	vst v0;
	s20 =	smov.u32 s21  }
0x3a: {  	v9 =	vmax.f32 v4, $0.0e+00;
	v0 =	vld [tilespmem:s20+$0x2950]  }
0x3b: {  	v11 =	vmax.f32 v5, $0.0e+00;
	v10 =	vld [tilespmem:s20+$0x2960];
	[tilespmem:s20+$0x5170] =	vst v6  }
0x3c: {  	v6 =	vld [tilespmem:s20+$0x100];
	v7 =	vmax.f32 v3, $0.0e+00  }
0x3d: {  	v12 =	vld [tilespmem:s20+$0x110];
	v4 =	vmax.f32 v2, $0.0e+00  }
.Ltmp0:
0x3e: {  	v8 =	vld [tilespmem:s20+$0x120];
	v2 =	vmax.f32 v1, $0.0e+00;
	(pc) =	sbr.rel @p0 .LBB2_3-.Ltmp0, $4  }
0x3f: {  	v3 =	vld [tilespmem:s20+$0x130];
	v1 =	vmax.f32 v0, $0.0e+00  }
0x40: {  	v5 =	vld [tilespmem:s20+$0x140];
	v0 =	vmax.f32 v10, $0.0e+00  }
0x41: {  	v10 =	vsub.f32 v6, v9;
	v6 =	vld [tilespmem:s20+$0x150]  }
0x42: {  	s21 =	sshra.s32 s22, $0x2;
	s22 =	sadd.s32 $0x200, s22;
	v11 =	vsub.f32 v12, v11;
	v9 =	vld [tilespmem:s20+$0x160]  }
0x43: {  	v12 =	vld [tilespmem:s21+$0x2970];
	[tilespmem:s20+$0x5100] =	vst v10;
	v7 =	vsub.f32 v8, v7  }
0x44: {  	v10 =	vld [tilespmem:s21+$0x170];
	[tilespmem:s20+$0x5110] =	vst v11;
	v3 =	vsub.f32 v3, v4  }
0x45: {  	v47 =	vld [tilespmem:s21+$0x2900];
	[tilespmem:s20+$0x5120] =	vst v7;
	v2 =	vsub.f32 v5, v2  }
0x46: {  	v48 =	vld [tilespmem:s21+$0x2910];
	[tilespmem:s20+$0x5130] =	vst v3;
	v1 =	vsub.f32 v6, v1  }
0x47: {  	v3 =	vld [tilespmem:s21+$0x2920];
	[tilespmem:s20+$0x5140] =	vst v2;
	v0 =	vsub.f32 v9, v0  }
0x48: {  	v2 =	vld [tilespmem:s21+$0x2930];
	[tilespmem:s20+$0x5150] =	vst v1  }
0x49: {  	v1 =	vld [tilespmem:s21+$0x2940];
	[tilespmem:s20+$0x5160] =	vst v0  }
0x4a: {  	v51 =	vld [tilespmem:s21+$0x2950]  }
0x4b: {  	v52 =	vld [tilespmem:s21+$0x2960]  }
0x4c: {  	v53 =	vld [tilespmem:s21+$0x100]  }
0x4d: {  	v7 =	vld [tilespmem:s21+$0x110]  }
0x4e: {  	v54 =	vld [tilespmem:s21+$0x120]  }
0x4f: {  	v49 =	vmax.f32 v12, $0.0e+00;
	v55 =	vld [tilespmem:s21+$0x130]  }
0x50: {  	v50 =	vsub.f32 v10, v49;
	v8 =	vmax.f32 v47, $0.0e+00;
	v11 =	vld [tilespmem:s21+$0x140]  }
0x51: {  	v56 =	vld [tilespmem:s21+$0x150];
	v4 =	vmax.f32 v48, $0.0e+00;
	v0 =	vsub.f32 v53, v8  }
0x52: {  	v57 =	vld [tilespmem:s21+$0x160];
	[tilespmem:s21+$0x5170] =	vst v50;
	v3 =	vmax.f32 v3, $0.0e+00;
	v4 =	vsub.f32 v7, v4  }
0x53: {  	v2 =	vmax.f32 v2, $0.0e+00;
	v58 =	vsub.f32 v54, v3;
	[tilespmem:s21+$0x5100] =	vst v0  }
0x54: {  	v1 =	vmax.f32 v1, $0.0e+00;
	v2 =	vsub.f32 v55, v2;
	[tilespmem:s21+$0x5110] =	vst v4  }
0x55: {  	v59 =	vmax.f32 v51, $0.0e+00;
	v60 =	vsub.f32 v11, v1;
	[tilespmem:s21+$0x5120] =	vst v58  }
0x56: {  	v61 =	vmax.f32 v52, $0.0e+00;
	v62 =	vsub.f32 v56, v59;
	[tilespmem:s21+$0x5130] =	vst v2  }
0x57: {  	s18 =	sadd.s32 $0x1, s18;
	v63 =	vsub.f32 v57, v61;
	[tilespmem:s21+$0x5140] =	vst v60  }
0x58: {  	s19 =	sshll.u32 s19, $0x4;
	p0 =	sne.s32 s18, $0x7D;
	[tilespmem:s21+$0x5150] =	vst v62  }
.Ltmp1:
0x59: {  	s19 =	sadd.s32 s7, s19;
	[tilespmem:s21+$0x5160] =	vst v63;
	(pc) =	sbr.rel @p0 .LBB2_2-.Ltmp1, $4  }
0x5a: {  	[hbm4b:s19+s4] =	stream.linear.scatter [tilespmem:s16], [sflag:$0x2], $0x2800, $0x38;
	[tilespmem:$0x7900] =	vst v63  }
0x5b: {  	_ =	swait.ge [sflag:s10], $0x2800  }
0x5c: {  	[sflag:s10] =	ssyncset.done $0x0  }
0x5d: {  	[sflag:s10] =	ssyncadd.s32 $0xFFFFD800  }
0x5e: {  	s17 =	sadd.s32 $0x1, s17  }
0x5f: {  	p0 =	sne.s32 s17, s9  }
.Ltmp2:
0x60: {  	_ = 	snop;
	(pc) =	sbr.rel @p0 .LBB2_1-.Ltmp2, $1  }
0x61: {  	_ =	sdelay $0x3  }
0x62: {  	_ =	sfence.sel $0x180000  }
0x63: {  	[bflag:$0x0] =	sbarrier.arrive $0xFFFF  }
0x64: {  	p0 =	sne.s32 s3, $0x0;
	_ =	strace $0x9000004A  }
0x65: {  	s0 =	sadd.s32 @!p0 $0x100000, s0;
	[bflag:$0x2] =	sbarrier.arrive $0xFFFF  }
0x66: {  	[sflag:s0] =	ssyncadd.tile.s32 @!p0 $0x1;
	_ =	shalt  }
.Lfunc_end2:
_tile_overlayer_lowered:
.L_overlay_start_2:
0x67: {  	(tag) =	ssettag $0x2  }
0x68: {  	s0 =	rddreg [dreg:$0x0];
	s2 =	stileid.u32  }
0x69: {  	s1 =	rddreg [dreg:$0x1];
	p0 =	sne.s32 s2, $0x0  }
0x6a: {  	s3 =	rddreg [dreg:$0x2];
	[bflag:$0x3] =	sbarrier.arrive $0xFFFF;
	s2 =	simm.s32 @!p0 $0x1C02  }
0x6b: {  	[timem:s3], [sflag:s2] =	dma.local @!p0 [hbm:s0], s1  }
0x6c: {  	s0 =	simm.s32 @!p0 $0x2  }
0x6d: {  	_ =	swait.ge @!p0 [sflag:s0], s1  }
0x6e: {  	s1 =	ssub.s32 @!p0 $0x0, s1;
	[sflag:s0] =	ssyncset.done @!p0 $0x0  }
0x6f: {  	[sflag:s0] =	ssyncadd.s32 @!p0 s1  }
0x70: {  	[bflag:$0x3] =	sbarrier.arrive $0xFFFF  }
0x71: {  	_ =	shalt  }

// kernel: kernel.20.cloned.1.call-start
scs
__scs_entry_jumppad:
0x0: {  	(pc) =	sbr.rel $0x88, $3  }
0x1: {  	(tag) =	ssettag $0x0;
	lr =	simm.s32 $0x1  }
0x2: {  	[smem:$0x3F98] =	sst lr;
	_ =	strace $0xD0000000  }
0x3: {  	_ = 	snop  }
0x4: {  	_ = 	snop  }
0x5: {  	_ = 	snop  }
0x6: {  	_ = 	snop  }
0x7: {  	_ = 	snop  }
__scs_overlays_trampoline_lowered:
0x8: {  	[smem:$0x3FA7] =	sst s0  }
0x9: {  	[smem:$0x3FA8] =	sst s1  }
0xa: {  	[smem:$0x3FA9] =	sst s2  }
0xb: {  	[smem:$0x3FAA] =	sst s3  }
0xc: {  	[smem:$0x3FAB] =	sst s4  }
0xd: {  	[smem:$0x3FAC] =	sst s5  }
0xe: {  	[smem:$0x3FAD] =	sst s6  }
0xf: {  	[smem:$0x3FAE] =	sst s7  }
0x10: {  	[smem:$0x3FAF] =	sst s8  }
0x11: {  	[smem:$0x3FB0] =	sst s9;
	s0 =	simm.s32 @!p0 $0x0  }
0x12: {  	s1 =	sld [smem:$0x3F96];
	s0 =	simm.s32 @p0 $0x1  }
0x13: {  	[smem:$0x3FB1] =	sst s0;
	s0 =	simm.s32 @!p1 $0x0  }
0x14: {  	s2 =	sld [smem:$0x3F95];
	s0 =	simm.s32 @p1 $0x1  }
0x15: {  	[smem:$0x3FB2] =	sst s0;
	s0 =	simm.s32 @!p2 $0x0  }
0x16: {  	s3 =	sld [smem:$0x3FDB];
	s0 =	simm.s32 @p2 $0x1  }
0x17: {  	s4 =	simm.s32 $0x1BF5;
	[smem:$0x3FB4] =	sst s0  }
0x18: {  	s0 =	sld [smem:$0x3F97];
	_ =	swait.ge [sflag:s4], $0x0  }
0x19: {  	s7 =	sld [smem:$0x3F98]  }
0x1a: {  	s8 =	sadd.s32 $0xFFFFE003, lr  }
0x1b: {  	s9 =	sadd.s32 $0xFFFFFEF7, lr;
	s5 =	simm.s32 $0xFFFFFFFF;
	p2 =	slt.u32 s8, $0xFFFFF086  }
0x1c: {  	p1 =	slt.u32 s9, $0xF7A;
	s5 =	simm.s32 @!p2 $0x0  }
0x1d: {  	s5 =	simm.s32 @p1 $0x1;
	p0 =	seq.s32 s7, s2  }
0x1e: {  	s7 =	smul.u32 @!p0 $0xF7A, s2;
	p2 =	seq.s32 @!p0 s5, $0x0  }
0x1f: {  	s9 =	smul.u32 $0xF7A, s1;
	s8 =	simm.s32 @!p0 $0x1BF5;
	p2 =	por !p2, p0  }
0x20: {  	[sflag:s8] =	ssyncset.s32 @!p0 $0xFFFFF086;
	s6 =	sadd.s32 @!p0 s3, s7;
	s7 =	simm.s32 @!p0 $0x108  }
0x21: {  	s3 =	sadd.s32 s3, s9;
	s6 =	sadd.s32 @!p0 $0x88, s6;
	s7 =	simm.s32 @p2 $0x1082  }
0x22: {  	[simem:s7], [sflag:s8] =	dma.local @!p0 [hbm:s6], $0xF7A  }
0x23: {  	s9 =	sor.u32 $0xD0000000, s2;
	s6 =	simm.s32 $0x108;
	_ =	swait.ge @!p0 [sflag:s8], $0x0  }
0x24: {  	s3 =	sadd.s32 $0x88, s3;
	s6 =	simm.s32 @!p1 $0x1082;
	[sflag:s4] =	ssyncset.s32 $0xFFFFF086  }
0x25: {  	[simem:s6], [sflag:s4] =	dma.local [hbm:s3], $0xF7A  }
0x26: {  	[smem:$0x3F98] =	sst s1;
	(tag) =	ssettag s2;
	_ =	strace s9  }
0x27: {  	s1 =	sld [smem:$0x3FA8]  }
0x28: {  	s2 =	sld [smem:$0x3FA9]  }
0x29: {  	s4 =	sld [smem:$0x3FAB]  }
0x2a: {  	p0 =	seq.s32 s5, $0x0;
	s5 =	sld [smem:$0x3FAC]  }
0x2b: {  	s6 =	sld [smem:$0x3FAD]  }
0x2c: {  	s7 =	sld [smem:$0x3FAE]  }
0x2d: {  	s3 =	simm.s32 $0x108;
	s8 =	sld [smem:$0x3FAF]  }
0x2e: {  	s3 =	simm.s32 @!p0 $0x1082;
	s9 =	sld [smem:$0x3FB0]  }
0x2f: {  	lr =	sadd.s32 s0, s3;
	s0 =	sld [smem:$0x3FA7]  }
0x30: {  	s3 =	sld [smem:$0x3FAA]  }
0x31: {  	[smem:$0x3FB3] =	sst s10  }
0x32: {  	s10 =	sld [smem:$0x3FB1];
	_ =	sdelay $0x3  }
0x33: {  	p0 =	seq.s32 s10, $0x1;
	s10 =	sld [smem:$0x3FB3];
	_ =	sdelay $0x3  }
0x34: {  	[smem:$0x3FB3] =	sst s10  }
0x35: {  	s10 =	sld [smem:$0x3FB2];
	_ =	sdelay $0x3  }
0x36: {  	p1 =	seq.s32 s10, $0x1;
	s10 =	sld [smem:$0x3FB3];
	_ =	sdelay $0x3  }
0x37: {  	[smem:$0x3FB3] =	sst s10  }
0x38: {  	s10 =	sld [smem:$0x3FB4]  }
0x39: {  	_ = 	snop;
	(pc) =	sbr.ind lr, $3  }
0x3a: {  	_ = 	snop  }
0x3b: {  	_ = 	snop  }
0x3c: {  	p2 =	seq.s32 s10, $0x1;
	s10 =	sld [smem:$0x3FB3]  }
0x3d: {  	_ =	shalt  }
0x3e: {  	_ =	shalt  }
0x3f: {  	_ =	shalt  }
0x40: {  	_ =	shalt  }
0x41: {  	_ =	shalt  }
0x42: {  	_ =	shalt  }
0x43: {  	_ =	shalt  }
0x44: {  	_ =	shalt  }
0x45: {  	_ =	shalt  }
0x46: {  	_ =	shalt  }
0x47: {  	_ =	shalt  }
0x48: {  	_ =	shalt  }
0x49: {  	_ =	shalt  }
0x4a: {  	_ =	shalt  }
0x4b: {  	_ =	shalt  }
0x4c: {  	_ =	shalt  }
0x4d: {  	_ =	shalt  }
0x4e: {  	_ =	shalt  }
0x4f: {  	_ =	shalt  }
0x50: {  	_ =	shalt  }
0x51: {  	_ =	shalt  }
0x52: {  	_ =	shalt  }
0x53: {  	_ =	shalt  }
0x54: {  	_ =	shalt  }
0x55: {  	_ =	shalt  }
0x56: {  	_ =	shalt  }
0x57: {  	_ =	shalt  }
0x58: {  	_ =	shalt  }
0x59: {  	_ =	shalt  }
0x5a: {  	_ =	shalt  }
0x5b: {  	_ =	shalt  }
0x5c: {  	_ =	shalt  }
0x5d: {  	_ =	shalt  }
0x5e: {  	_ =	shalt  }
0x5f: {  	_ =	shalt  }
0x60: {  	_ =	shalt  }
0x61: {  	_ =	shalt  }
0x62: {  	_ =	shalt  }
0x63: {  	_ =	shalt  }
0x64: {  	_ =	shalt  }
0x65: {  	_ =	shalt  }
0x66: {  	_ =	shalt  }
0x67: {  	_ =	shalt  }
0x68: {  	_ =	shalt  }
0x69: {  	_ =	shalt  }
0x6a: {  	_ =	shalt  }
0x6b: {  	_ =	shalt  }
0x6c: {  	_ =	shalt  }
0x6d: {  	_ =	shalt  }
0x6e: {  	_ =	shalt  }
0x6f: {  	_ =	shalt  }
0x70: {  	_ =	shalt  }
0x71: {  	_ =	shalt  }
0x72: {  	_ =	shalt  }
0x73: {  	_ =	shalt  }
0x74: {  	_ =	shalt  }
0x75: {  	_ =	shalt  }
0x76: {  	_ =	shalt  }
0x77: {  	_ =	shalt  }
0x78: {  	_ =	shalt  }
0x79: {  	_ =	shalt  }
0x7a: {  	_ =	shalt  }
0x7b: {  	_ =	shalt  }
0x7c: {  	_ =	shalt  }
0x7d: {  	_ =	shalt  }
0x7e: {  	_ =	shalt  }
0x7f: {  	_ =	shalt  }
0x80: {  	_ =	shalt  }
0x81: {  	_ =	shalt  }
0x82: {  	_ =	shalt  }
0x83: {  	_ =	shalt  }
0x84: {  	_ =	shalt  }
0x85: {  	_ =	shalt  }
0x86: {  	_ =	shalt  }
0x87: {  	_ =	shalt  }
.Lfunc_end0:
.L_simem_size_0:
called_computation.2_lowered:
.L_overlay_start_0:
0x88: {  	s2 =	sld [smem:$0x3FD9]  }
0x89: {  	s3 =	sld [smem:$0x3FFE];
	_ =	sdelay $0x1  }
0x8a: {  	s1 =	srdreg.scid  }
0x8b: {  	s0 =	sand.u32 $0x1, s1  }
0x8c: {  	s17 =	sshll.u32 s0, $0xA;
	s2 =	sadd.s32 s3, s2  }
0x8d: {  	s2 =	sadd.s32 s2, s17  }
0x8e: {  	[smem:$0x3FBF] =	sst s2  }
0x8f: {  	_ = 	snop  }
0x90: {  	s2 =	sld [smem:$0x3FD0];
	(tm) =	ssettm $0x1  }
0x91: {  	s18 =	sld [smem:$0x3FFB];
	_ =	sdelay $0x3  }
0x92: {  	_ =	strace s18  }
0x93: {  	s3 =	sld [smem:$0x3FFC];
	_ =	sdelay $0x3  }
0x94: {  	_ =	strace s3  }
0x95: {  	s3 =	sld [smem:$0x3FFD];
	_ =	sdelay $0x3  }
0x96: {  	_ =	strace s3  }
0x97: {  	_ =	strace $0x8FFFFFFF  }
0x98: {  	s19 =	sld [smem:$0x3FDB];
	_ =	sdelay $0x1  }
0x99: {  	s4 =	simm.s32 $_scs_section_size  }
0x9a: {  	s5 =	simm.s32 $_size__tile_overlayer_lowered;
	s6 =	simm.s32 $_tile_overlayer_lowered  }
0x9b: {  	s22 =	simm.s32 $0x1BFF;
	s21 =	sshll.u32 s6, $0x1;
	s3 =	sadd.s32 s4, s19  }
0x9c: {  	s7 =	simm.s32 $0x0;
	s20 =	sshll.u32 s5, $0x1;
	s5 =	sadd.s32 s21, s3  }
0x9d: {  	[timem:s7], [sflag:s22] =	dma.local [hbm:s5], s20  }
0x9e: {  	_ =	swait.ge [sflag:s22], s20  }
0x9f: {  	s4 =	ssub.s32 $0x0, s20;
	[sflag:s22] =	ssyncset.done $0x0  }
0xa0: {  	[sflag:s22] =	ssyncadd.s32 s4;
	_ =	sdelay $0x1  }
0xa1: {  	s23 =	simm.s32 $0x1B8B  }
0xa2: {  	_ =	swait.ge [sflag:s23], $0x1  }
0xa3: {  	[sflag:s23] =	ssyncset.done $0x0  }
0xa4: {  	s25 =	simm.s32 $0x1B8E;
	s24 =	sld [smem:$0x3FFE];
	[sflag:s23] =	ssyncadd.s32 $0xFFFFFFFF  }
0xa5: {  	s26 =	simm.s32 $execute0_lowered;
	[smem:$0x3FD2] =	sst s25  }
0xa6: {  	s5 =	sshll.u32 s26, $0x1;
	_ =	strace $0x8000004C;
	[dreg:$0x1] =	wrdreg $0xFFFFFFFF  }
0xa7: {  	s28 =	simm.s32 $_size_execute0_lowered;
	s3 =	sadd.s32 s3, s5;
	[dreg:$0x0] =	wrdreg $0x0  }
0xa8: {  	s5 =	sshll.u32 s28, $0x1;
	[dreg:$0x2] =	wrdreg s3  }
0xa9: {  	[dreg:$0x3] =	wrdreg s5  }
0xaa: {  	[dreg:$0x4] =	wrdreg $0xC0  }
0xab: {  	_ =	task [dreg:s7], $0x5FFFF  }
0xac: {  	[dreg:$0x1] =	wrdreg $0xFFFFFFFF  }
0xad: {  	[dreg:$0x0] =	wrdreg $0x60  }
0xae: {  	[dreg:$0x2] =	wrdreg s24  }
0xaf: {  	[dreg:$0x3] =	wrdreg s2  }
0xb0: {  	[dreg:$0x4] =	wrdreg $0x9  }
0xb1: {  	_ =	task.clear_ibuf [dreg:s7], $0x5FFFF;
	_ =	strace $0x9000004C  }
0xb2: {  	s29 =	simm.s32 $0x9;
	_ =	strace $0x8000004E  }
0xb3: {  	_ =	swait.ge [sflag:s29], $0x1  }
0xb4: {  	[sflag:s29] =	ssyncadd.s32 $0xFFFFFFFF  }
0xb5: {  	_ =	strace $0x9000004E  }
0xb6: {  	_ =	sfence  }
0xb7: {  	s30 =	sld [smem:$0x0];
	_ =	sdelay $0x2  }
0xb8: {  	s31 =	sshll.u32 s1, $0xD;
	s1 =	sshrl.u32 s1, $0x2  }
0xb9: {  	s3 =	sand.u32 $0x4000, s31;
	s1 =	sadd.s32 s1, s30  }
0xba: {  	s0 =	sor.u32 s3, s0;
	s1 =	sshll.u32 s1, $0x11  }
0xbb: {  	s0 =	sor.u32 s1, s0  }
0xbc: {  	s0 =	sadd.s32 $0x8F2B, s0  }
0xbd: {  	[sflag:s0] =	ssyncadd.remote.s32 $0x1  }
0xbe: {  	_ =	sfence.sel $0xFFFF  }
0xbf: {  	[dreg:$0x0] =	wrdreg $0xFFFFFFFF;
	(pc) =	sbr.abs _section_cstart, $3  }
0xc0: {  	[dreg:$0x1] =	wrdreg $0xFFFFFFFF  }
0xc1: {  	_ =	task.clear_ibuf [dreg:s7], $0x2FFFF;
	_ =	strace $0x9FFFFFFF  }
0xc2: {  	(tm) =	ssettm $0x7FFFFFFF  }
0xc3: {  	_ =	shalt  }
tec
execute0_lowered:
.L_overlay_start_1:
0x0: {  	(tag) =	ssettag $0x1  }
0x1: {  	s6 =	rddreg [dreg:$0x0]  }
0x2: {  	s2 =	rddreg [dreg:$0x1]  }
0x3: {  	s0 =	rddreg [dreg:$0x2]  }
0x4: {  	s3 =	simm.s32 $0x0;
	s4 =	srdreg.scid;
	s1 =	stileid.u32  }
0x5: {  	s10 =	simm.s32 $0x80;
	s11 =	simm.s32 $0x1;
	s12 =	simm.s32 $0x4080  }
0x6: {  	s13 =	simm.s32 $0x0;
	[smem:$0x7FF] =	sst s3;
	s4 =	sand.u32 $0x1, s4  }
0x7: {  	s5 =	sshll.u32 s1, $0x1;
	_ =	strace $0x8000004D;
	s7 =	ssub.s32 $0x2, s4  }
0x8: {  	s8 =	sor.u32 s4, s5;
	s4 =	sadd.s32 $0xEA9400, s6;
	s9 =	sshrl.u32 s7, $0x1  }
0x9: {  	s6 =	sadd.s32 $0x3400, s6;
	s5 =	smul.u32 $0x50, s8;
	s9 =	ssub.s32 s7, s9  }
0xa: {  	s7 =	smul.u32 $0xA000, s8;
	s8 =	smax.u32 s9, $0x1;
	s9 =	simm.s32 $0x2  }
.LBB2_1:
0xb: {  	s14 =	simm.s32 $0x0  }
.LBB2_2:
0xc: {  	s15 =	sadd.s32 s5, s14  }
0xd: {  	s15 =	sshll.u32 s15, $0x4  }
0xe: {  	s16 =	simm.s32 $0x0;
	s15 =	sadd.s32 s2, s15  }
0xf: {  	[tilespmem:s16], [sflag:$0x2] =	stream.linear.gather [hbm4b:s15+s16], $0x80, $0x38;
	[tilespmem:$0x4280] =	vst v63  }
0x10: {  	_ =	swait.ge [sflag:s9], $0x80  }
0x11: {  	[sflag:s9] =	ssyncset.done $0x0  }
0x12: {  	[sflag:s9] =	ssyncadd.s32 $0xFFFFFF80  }
0x13: {  	[tilespmem:s10], [sflag:$0x1] =	stream.indirect.gather [hbm4b:s4+s10], $0x80, s16, s10, $0xb8;
	[tilespmem:$0x4280] =	vst v63  }
0x14: {  	_ =	swait.ge [sflag:s11], $0x4000  }
0x15: {  	[sflag:s11] =	ssyncset.done $0x0  }
0x16: {  	s17 =	simm.s32 $0x0;
	[sflag:s11] =	ssyncadd.s32 $0xFFFFC000  }
0x17: {  	v0 =	vld [tilespmem:s17+$0xF0]  }
0x18: {  	v1 =	vld [tilespmem:s17+$0x80]  }
0x19: {  	v3 =	vld [tilespmem:s17+$0x90];
	_ =	sdelay $0x1  }
0x1a: {  	v12 =	vld [tilespmem:s17+$0xA0]  }
0x1b: {  	v4 =	vimm.f32 $0.0e+00;
	v9 =	vimm.f32 $0.0e+00;
	v10 =	vld [tilespmem:s17+$0xB0]  }
0x1c: {  	v7 =	vimm.f32 $0.0e+00;
	v8 =	vimm.f32 $0.0e+00;
	v11 =	vld [tilespmem:s17+$0xC0];
	v0 =	vmax.f32 v0, $0.0e+00  }
0x1d: {  	v5 =	vld [tilespmem:s17+$0xD0];
	v1 =	vmax.f32 v1, $0.0e+00;
	v13 =	vmax.f32 v3, $0.0e+00;
	v3 =	vimm.f32 $0.0e+00  }
0x1e: {  	s15 =	simm.s32 $0x80;
	s16 =	simm.s32 $0x400;
	v6 =	vld [tilespmem:s17+$0xE0];
	v0 =	vadd.f32 v0, v4;
	v2 =	vadd.f32 v1, v4;
	v1 =	vimm.f32 $0.0e+00  }
.LBB2_3:
0x1f: {  	p0 =	sne.s32 s16, $0x3E00;
	v14 =	vld [tilespmem:s15+$0xF0];
	v4 =	vadd.f32 v13, v4;
	v12 =	vmax.f32 v12, $0.0e+00  }
0x20: {  	v13 =	vld [tilespmem:s15+$0x80];
	v9 =	vadd.f32 v12, v9;
	v10 =	vmax.f32 v10, $0.0e+00  }
0x21: {  	v15 =	vld [tilespmem:s15+$0x90];
	v7 =	vadd.f32 v10, v7;
	v10 =	vmax.f32 v11, $0.0e+00  }
.Ltmp0:
0x22: {  	v12 =	vld [tilespmem:s15+$0xA0];
	v8 =	vadd.f32 v10, v8;
	v5 =	vmax.f32 v5, $0.0e+00;
	(pc) =	sbr.rel @p0 .LBB2_3-.Ltmp0, $4  }
0x23: {  	v10 =	vld [tilespmem:s15+$0xB0];
	v3 =	vadd.f32 v5, v3;
	v5 =	vmax.f32 v6, $0.0e+00  }
0x24: {  	v11 =	vld [tilespmem:s15+$0xC0];
	v6 =	vmax.f32 v14, $0.0e+00;
	v1 =	vadd.f32 v5, v1  }
0x25: {  	v13 =	vmax.f32 v13, $0.0e+00;
	v5 =	vld [tilespmem:s15+$0xD0];
	v0 =	vadd.f32 v6, v0  }
0x26: {  	v2 =	vadd.f32 v13, v2;
	v13 =	vmax.f32 v15, $0.0e+00;
	v6 =	vld [tilespmem:s15+$0xE0];
	s15 =	sshra.s32 s16, $0x2;
	s16 =	sadd.s32 $0x200, s16  }
0x27: {  	v14 =	vld [tilespmem:s15+$0x80]  }
0x28: {  	v15 =	vld [tilespmem:s15+$0x90]  }
0x29: {  	v16 =	vld [tilespmem:s15+$0xA0]  }
0x2a: {  	v12 =	vmax.f32 v12, $0.0e+00;
	v17 =	vld [tilespmem:s15+$0xB0]  }
0x2b: {  	v4 =	vadd.f32 v13, v4;
	v9 =	vadd.f32 v12, v9;
	v10 =	vmax.f32 v10, $0.0e+00;
	v12 =	vld [tilespmem:s15+$0xC0]  }
0x2c: {  	v13 =	vld [tilespmem:s15+$0xD0];
	v7 =	vadd.f32 v10, v7;
	v10 =	vmax.f32 v11, $0.0e+00;
	v11 =	vmax.f32 v14, $0.0e+00  }
0x2d: {  	v8 =	vadd.f32 v10, v8;
	v10 =	vmax.f32 v15, $0.0e+00;
	v2 =	vadd.f32 v11, v2;
	v11 =	vld [tilespmem:s15+$0xE0]  }
0x2e: {  	v5 =	vmax.f32 v5, $0.0e+00;
	v14 =	vmax.f32 v16, $0.0e+00;
	v4 =	vadd.f32 v10, v4;
	v10 =	vld [tilespmem:s15+$0xF0]  }
0x2f: {  	v3 =	vadd.f32 v5, v3;
	v5 =	vadd.f32 v14, v9;
	v9 =	vmax.f32 v17, $0.0e+00;
	[tilespmem:$0x4080] =	vst v2  }
0x30: {  	v2 =	vmax.f32 v6, $0.0e+00;
	v6 =	vadd.f32 v9, v7;
	v7 =	vmax.f32 v12, $0.0e+00;
	[tilespmem:$0x4090] =	vst v4  }
0x31: {  	v4 =	vmax.f32 v13, $0.0e+00;
	[tilespmem:$0x40A0] =	vst v5;
	v1 =	vadd.f32 v2, v1;
	v2 =	vadd.f32 v7, v8  }
0x32: {  	v3 =	vadd.f32 v4, v3;
	[tilespmem:$0x40B0] =	vst v6;
	v4 =	vmax.f32 v11, $0.0e+00  }
0x33: {  	v5 =	vmax.f32 v10, $0.0e+00;
	[tilespmem:$0x40C0] =	vst v2;
	v1 =	vadd.f32 v4, v1  }
0x34: {  	[tilespmem:$0x40D0] =	vst v3;
	v0 =	vadd.f32 v5, v0  }
0x35: {  	[tilespmem:$0x40E0] =	vst v1  }
0x36: {  	s17 =	simm.s32 $0x0;
	[tilespmem:$0x40F0] =	vst v0  }
0x37: {  	v0 =	vld [tilespmem:s17+$0x10F0]  }
0x38: {  	v1 =	vld [tilespmem:s17+$0x1080]  }
0x39: {  	v3 =	vld [tilespmem:s17+$0x1090];
	_ =	sdelay $0x1  }
0x3a: {  	v12 =	vld [tilespmem:s17+$0x10A0]  }
0x3b: {  	v9 =	vimm.f32 $0.0e+00;
	v7 =	vimm.f32 $0.0e+00;
	v10 =	vld [tilespmem:s17+$0x10B0]  }
0x3c: {  	v8 =	vimm.f32 $0.0e+00;
	v4 =	vimm.f32 $0.0e+00;
	v11 =	vld [tilespmem:s17+$0x10C0];
	v0 =	vmax.f32 v0, $0.0e+00  }
0x3d: {  	v5 =	vld [tilespmem:s17+$0x10D0];
	v1 =	vmax.f32 v1, $0.0e+00;
	v13 =	vmax.f32 v3, $0.0e+00;
	v3 =	vimm.f32 $0.0e+00  }
0x3e: {  	s16 =	simm.s32 $0x400;
	s15 =	simm.s32 $0x80;
	v6 =	vld [tilespmem:s17+$0x10E0];
	v0 =	vadd.f32 v0, v4;
	v2 =	vadd.f32 v1, v4;
	v1 =	vimm.f32 $0.0e+00  }
.LBB2_5:
0x3f: {  	p0 =	sne.s32 s16, $0x3E00;
	v14 =	vld [tilespmem:s15+$0x10F0];
	v4 =	vadd.f32 v13, v4;
	v12 =	vmax.f32 v12, $0.0e+00  }
0x40: {  	v13 =	vld [tilespmem:s15+$0x1080];
	v9 =	vadd.f32 v12, v9;
	v10 =	vmax.f32 v10, $0.0e+00  }
0x41: {  	v15 =	vld [tilespmem:s15+$0x1090];
	v7 =	vadd.f32 v10, v7;
	v10 =	vmax.f32 v11, $0.0e+00  }
.Ltmp1:
0x42: {  	v12 =	vld [tilespmem:s15+$0x10A0];
	v8 =	vadd.f32 v10, v8;
	v5 =	vmax.f32 v5, $0.0e+00;
	(pc) =	sbr.rel @p0 .LBB2_5-.Ltmp1, $4  }
0x43: {  	v10 =	vld [tilespmem:s15+$0x10B0];
	v3 =	vadd.f32 v5, v3;
	v5 =	vmax.f32 v6, $0.0e+00  }
0x44: {  	v11 =	vld [tilespmem:s15+$0x10C0];
	v6 =	vmax.f32 v14, $0.0e+00;
	v1 =	vadd.f32 v5, v1  }
0x45: {  	v13 =	vmax.f32 v13, $0.0e+00;
	v5 =	vld [tilespmem:s15+$0x10D0];
	v0 =	vadd.f32 v6, v0  }
0x46: {  	v2 =	vadd.f32 v13, v2;
	v13 =	vmax.f32 v15, $0.0e+00;
	v6 =	vld [tilespmem:s15+$0x10E0];
	s15 =	sshra.s32 s16, $0x2;
	s16 =	sadd.s32 $0x200, s16  }
0x47: {  	v14 =	vld [tilespmem:s15+$0x1080]  }
0x48: {  	v15 =	vld [tilespmem:s15+$0x1090]  }
0x49: {  	v16 =	vld [tilespmem:s15+$0x10A0]  }
0x4a: {  	v12 =	vmax.f32 v12, $0.0e+00;
	v17 =	vld [tilespmem:s15+$0x10B0]  }
0x4b: {  	v4 =	vadd.f32 v13, v4;
	v9 =	vadd.f32 v12, v9;
	v10 =	vmax.f32 v10, $0.0e+00;
	v12 =	vld [tilespmem:s15+$0x10C0]  }
0x4c: {  	v13 =	vld [tilespmem:s15+$0x10D0];
	v7 =	vadd.f32 v10, v7;
	v10 =	vmax.f32 v11, $0.0e+00;
	v11 =	vmax.f32 v14, $0.0e+00  }
0x4d: {  	v8 =	vadd.f32 v10, v8;
	v10 =	vmax.f32 v15, $0.0e+00;
	v2 =	vadd.f32 v11, v2;
	v11 =	vld [tilespmem:s15+$0x10E0]  }
0x4e: {  	v5 =	vmax.f32 v5, $0.0e+00;
	v14 =	vmax.f32 v16, $0.0e+00;
	v4 =	vadd.f32 v10, v4;
	v10 =	vld [tilespmem:s15+$0x10F0]  }
0x4f: {  	v3 =	vadd.f32 v5, v3;
	v5 =	vadd.f32 v14, v9;
	v9 =	vmax.f32 v17, $0.0e+00;
	[tilespmem:$0x4100] =	vst v2  }
0x50: {  	v2 =	vmax.f32 v6, $0.0e+00;
	v6 =	vadd.f32 v9, v7;
	v7 =	vmax.f32 v12, $0.0e+00;
	[tilespmem:$0x4110] =	vst v4  }
0x51: {  	v4 =	vmax.f32 v13, $0.0e+00;
	[tilespmem:$0x4120] =	vst v5;
	v1 =	vadd.f32 v2, v1;
	v2 =	vadd.f32 v7, v8  }
0x52: {  	v3 =	vadd.f32 v4, v3;
	[tilespmem:$0x4130] =	vst v6;
	v4 =	vmax.f32 v11, $0.0e+00  }
0x53: {  	v5 =	vmax.f32 v10, $0.0e+00;
	[tilespmem:$0x4140] =	vst v2;
	v1 =	vadd.f32 v4, v1  }
0x54: {  	[tilespmem:$0x4150] =	vst v3;
	v0 =	vadd.f32 v5, v0  }
0x55: {  	[tilespmem:$0x4160] =	vst v1  }
0x56: {  	s17 =	simm.s32 $0x0;
	[tilespmem:$0x4170] =	vst v0  }
0x57: {  	v0 =	vld [tilespmem:s17+$0x20F0]  }
0x58: {  	v1 =	vld [tilespmem:s17+$0x2080]  }
0x59: {  	v3 =	vld [tilespmem:s17+$0x2090];
	_ =	sdelay $0x1  }
0x5a: {  	v12 =	vld [tilespmem:s17+$0x20A0]  }
0x5b: {  	v9 =	vimm.f32 $0.0e+00;
	v7 =	vimm.f32 $0.0e+00;
	v10 =	vld [tilespmem:s17+$0x20B0]  }
0x5c: {  	v8 =	vimm.f32 $0.0e+00;
	v4 =	vimm.f32 $0.0e+00;
	v11 =	vld [tilespmem:s17+$0x20C0];
	v0 =	vmax.f32 v0, $0.0e+00  }
0x5d: {  	v5 =	vld [tilespmem:s17+$0x20D0];
	v1 =	vmax.f32 v1, $0.0e+00;
	v13 =	vmax.f32 v3, $0.0e+00;
	v3 =	vimm.f32 $0.0e+00  }
0x5e: {  	s16 =	simm.s32 $0x400;
	s15 =	simm.s32 $0x80;
	v6 =	vld [tilespmem:s17+$0x20E0];
	v0 =	vadd.f32 v0, v4;
	v2 =	vadd.f32 v1, v4;
	v1 =	vimm.f32 $0.0e+00  }
.LBB2_7:
0x5f: {  	p0 =	sne.s32 s16, $0x3E00;
	v14 =	vld [tilespmem:s15+$0x20F0];
	v4 =	vadd.f32 v13, v4;
	v12 =	vmax.f32 v12, $0.0e+00  }
0x60: {  	v13 =	vld [tilespmem:s15+$0x2080];
	v9 =	vadd.f32 v12, v9;
	v10 =	vmax.f32 v10, $0.0e+00  }
0x61: {  	v15 =	vld [tilespmem:s15+$0x2090];
	v7 =	vadd.f32 v10, v7;
	v10 =	vmax.f32 v11, $0.0e+00  }
.Ltmp2:
0x62: {  	v12 =	vld [tilespmem:s15+$0x20A0];
	v8 =	vadd.f32 v10, v8;
	v5 =	vmax.f32 v5, $0.0e+00;
	(pc) =	sbr.rel @p0 .LBB2_7-.Ltmp2, $4  }
0x63: {  	v10 =	vld [tilespmem:s15+$0x20B0];
	v3 =	vadd.f32 v5, v3;
	v5 =	vmax.f32 v6, $0.0e+00  }
0x64: {  	v11 =	vld [tilespmem:s15+$0x20C0];
	v6 =	vmax.f32 v14, $0.0e+00;
	v1 =	vadd.f32 v5, v1  }
0x65: {  	v13 =	vmax.f32 v13, $0.0e+00;
	v5 =	vld [tilespmem:s15+$0x20D0];
	v0 =	vadd.f32 v6, v0  }
0x66: {  	v2 =	vadd.f32 v13, v2;
	v13 =	vmax.f32 v15, $0.0e+00;
	v6 =	vld [tilespmem:s15+$0x20E0];
	s15 =	sshra.s32 s16, $0x2;
	s16 =	sadd.s32 $0x200, s16  }
0x67: {  	v14 =	vld [tilespmem:s15+$0x2080]  }
0x68: {  	v15 =	vld [tilespmem:s15+$0x2090]  }
0x69: {  	v16 =	vld [tilespmem:s15+$0x20A0]  }
0x6a: {  	v12 =	vmax.f32 v12, $0.0e+00;
	v17 =	vld [tilespmem:s15+$0x20B0]  }
0x6b: {  	v4 =	vadd.f32 v13, v4;
	v9 =	vadd.f32 v12, v9;
	v10 =	vmax.f32 v10, $0.0e+00;
	v12 =	vld [tilespmem:s15+$0x20C0]  }
0x6c: {  	v13 =	vld [tilespmem:s15+$0x20D0];
	v7 =	vadd.f32 v10, v7;
	v10 =	vmax.f32 v11, $0.0e+00;
	v11 =	vmax.f32 v14, $0.0e+00  }
0x6d: {  	v8 =	vadd.f32 v10, v8;
	v10 =	vmax.f32 v15, $0.0e+00;
	v2 =	vadd.f32 v11, v2;
	v11 =	vld [tilespmem:s15+$0x20E0]  }
0x6e: {  	v5 =	vmax.f32 v5, $0.0e+00;
	v14 =	vmax.f32 v16, $0.0e+00;
	v4 =	vadd.f32 v10, v4;
	v10 =	vld [tilespmem:s15+$0x20F0]  }
0x6f: {  	v3 =	vadd.f32 v5, v3;
	v5 =	vadd.f32 v14, v9;
	v9 =	vmax.f32 v17, $0.0e+00;
	[tilespmem:$0x4180] =	vst v2  }
0x70: {  	v2 =	vmax.f32 v6, $0.0e+00;
	v6 =	vadd.f32 v9, v7;
	v7 =	vmax.f32 v12, $0.0e+00;
	[tilespmem:$0x4190] =	vst v4  }
0x71: {  	v4 =	vmax.f32 v13, $0.0e+00;
	[tilespmem:$0x41A0] =	vst v5;
	v1 =	vadd.f32 v2, v1;
	v2 =	vadd.f32 v7, v8  }
0x72: {  	v3 =	vadd.f32 v4, v3;
	[tilespmem:$0x41B0] =	vst v6;
	v4 =	vmax.f32 v11, $0.0e+00  }
0x73: {  	v5 =	vmax.f32 v10, $0.0e+00;
	[tilespmem:$0x41C0] =	vst v2;
	v1 =	vadd.f32 v4, v1  }
0x74: {  	[tilespmem:$0x41D0] =	vst v3;
	v0 =	vadd.f32 v5, v0  }
0x75: {  	[tilespmem:$0x41E0] =	vst v1  }
0x76: {  	s17 =	simm.s32 $0x0;
	[tilespmem:$0x41F0] =	vst v0  }
0x77: {  	v0 =	vld [tilespmem:s17+$0x30F0]  }
0x78: {  	v1 =	vld [tilespmem:s17+$0x3080]  }
0x79: {  	v3 =	vld [tilespmem:s17+$0x3090];
	_ =	sdelay $0x1  }
0x7a: {  	v12 =	vld [tilespmem:s17+$0x30A0]  }
0x7b: {  	v9 =	vimm.f32 $0.0e+00;
	v7 =	vimm.f32 $0.0e+00;
	v10 =	vld [tilespmem:s17+$0x30B0]  }
0x7c: {  	v8 =	vimm.f32 $0.0e+00;
	v4 =	vimm.f32 $0.0e+00;
	v11 =	vld [tilespmem:s17+$0x30C0];
	v0 =	vmax.f32 v0, $0.0e+00  }
0x7d: {  	v5 =	vld [tilespmem:s17+$0x30D0];
	v1 =	vmax.f32 v1, $0.0e+00;
	v13 =	vmax.f32 v3, $0.0e+00;
	v3 =	vimm.f32 $0.0e+00  }
0x7e: {  	s16 =	simm.s32 $0x400;
	s15 =	simm.s32 $0x80;
	v6 =	vld [tilespmem:s17+$0x30E0];
	v0 =	vadd.f32 v0, v4;
	v2 =	vadd.f32 v1, v4;
	v1 =	vimm.f32 $0.0e+00  }
.LBB2_9:
0x7f: {  	p0 =	sne.s32 s16, $0x3E00;
	v14 =	vld [tilespmem:s15+$0x30F0];
	v4 =	vadd.f32 v13, v4;
	v12 =	vmax.f32 v12, $0.0e+00  }
0x80: {  	v13 =	vld [tilespmem:s15+$0x3080];
	v9 =	vadd.f32 v12, v9;
	v10 =	vmax.f32 v10, $0.0e+00  }
0x81: {  	v15 =	vld [tilespmem:s15+$0x3090];
	v7 =	vadd.f32 v10, v7;
	v10 =	vmax.f32 v11, $0.0e+00  }
.Ltmp3:
0x82: {  	v12 =	vld [tilespmem:s15+$0x30A0];
	v8 =	vadd.f32 v10, v8;
	v5 =	vmax.f32 v5, $0.0e+00;
	(pc) =	sbr.rel @p0 .LBB2_9-.Ltmp3, $4  }
0x83: {  	v10 =	vld [tilespmem:s15+$0x30B0];
	v3 =	vadd.f32 v5, v3;
	v5 =	vmax.f32 v6, $0.0e+00  }
0x84: {  	v11 =	vld [tilespmem:s15+$0x30C0];
	v6 =	vmax.f32 v14, $0.0e+00;
	v1 =	vadd.f32 v5, v1  }
0x85: {  	v13 =	vmax.f32 v13, $0.0e+00;
	v5 =	vld [tilespmem:s15+$0x30D0];
	v0 =	vadd.f32 v6, v0  }
0x86: {  	v2 =	vadd.f32 v13, v2;
	v13 =	vmax.f32 v15, $0.0e+00;
	v6 =	vld [tilespmem:s15+$0x30E0];
	s15 =	sshra.s32 s16, $0x2;
	s16 =	sadd.s32 $0x200, s16  }
0x87: {  	v14 =	vld [tilespmem:s15+$0x3080]  }
0x88: {  	v15 =	vld [tilespmem:s15+$0x3090]  }
0x89: {  	v16 =	vld [tilespmem:s15+$0x30A0]  }
0x8a: {  	v17 =	vld [tilespmem:s15+$0x30B0]  }
0x8b: {  	v12 =	vmax.f32 v12, $0.0e+00;
	v4 =	vadd.f32 v13, v4;
	v47 =	vld [tilespmem:s15+$0x30C0];
	v10 =	vmax.f32 v10, $0.0e+00  }
0x8c: {  	v50 =	vld [tilespmem:s15+$0x30D0];
	v9 =	vadd.f32 v12, v9;
	v7 =	vadd.f32 v10, v7;
	v49 =	vmax.f32 v14, $0.0e+00  }
0x8d: {  	v53 =	vld [tilespmem:s15+$0x30F0];
	v48 =	vmax.f32 v11, $0.0e+00;
	v51 =	vmax.f32 v15, $0.0e+00;
	v2 =	vadd.f32 v49, v2  }
0x8e: {  	v52 =	vld [tilespmem:s15+$0x30E0];
	v8 =	vadd.f32 v48, v8;
	v54 =	vmax.f32 v16, $0.0e+00;
	v4 =	vadd.f32 v51, v4  }
0x8f: {  	v5 =	vmax.f32 v5, $0.0e+00;
	v56 =	vmax.f32 v17, $0.0e+00;
	v55 =	vadd.f32 v54, v9;
	[tilespmem:$0x4200] =	vst v2  }
0x90: {  	v3 =	vadd.f32 v5, v3;
	v59 =	vmax.f32 v47, $0.0e+00;
	v58 =	vadd.f32 v56, v7;
	[tilespmem:$0x4210] =	vst v4  }
0x91: {  	s31 =	sshll.u32 s14, $0x9;
	v57 =	vmax.f32 v6, $0.0e+00;
	v61 =	vmax.f32 v50, $0.0e+00;
	v60 =	vadd.f32 v59, v8;
	[tilespmem:$0x4220] =	vst v55  }
0x92: {  	s16 =	sadd.s32 s7, s31;
	v1 =	vadd.f32 v57, v1;
	v63 =	vmax.f32 v53, $0.0e+00;
	v3 =	vadd.f32 v61, v3;
	[tilespmem:$0x4230] =	vst v58  }
0x93: {  	s15 =	sand.u32 $0x200, s31;
	s16 =	sand.u32 $0x3FFC00, s16;
	v62 =	vmax.f32 v52, $0.0e+00;
	v0 =	vadd.f32 v63, v0;
	[tilespmem:$0x4240] =	vst v60  }
0x94: {  	s14 =	sadd.s32 $0x1, s14;
	s15 =	sor.u32 s15, s16;
	v1 =	vadd.f32 v62, v1;
	[tilespmem:$0x4250] =	vst v3  }
0x95: {  	p0 =	sne.s32 s14, $0x50;
	s15 =	sshrl.u32 s15, $0x3;
	[tilespmem:$0x4270] =	vst v0  }
.Ltmp4:
0x96: {  	s15 =	sadd.s32 s6, s15;
	[tilespmem:$0x4260] =	vst v1;
	(pc) =	sbr.rel @p0 .LBB2_2-.Ltmp4, $4  }
0x97: {  	[hbm4b:s15+s3] =	stream.linear.scatter [tilespmem:s12], [sflag:$0x2], $0x200, $0x38;
	[tilespmem:$0x4280] =	vst v63  }
0x98: {  	_ =	swait.ge [sflag:s9], $0x200  }
0x99: {  	[sflag:s9] =	ssyncset.done $0x0  }
0x9a: {  	[sflag:s9] =	ssyncadd.s32 $0xFFFFFE00  }
0x9b: {  	s13 =	sadd.s32 $0x1, s13  }
0x9c: {  	p0 =	sne.s32 s13, s8  }
.Ltmp5:
0x9d: {  	_ = 	snop;
	(pc) =	sbr.rel @p0 .LBB2_1-.Ltmp5, $1  }
0x9e: {  	_ =	sdelay $0x3  }
0x9f: {  	_ =	sfence.sel $0x180000  }
0xa0: {  	[bflag:$0x0] =	sbarrier.arrive $0xFFFF  }
0xa1: {  	p0 =	sne.s32 s1, $0x0;
	_ =	strace $0x9000004D  }
0xa2: {  	s0 =	sadd.s32 @!p0 $0x100000, s0;
	[bflag:$0x2] =	sbarrier.arrive $0xFFFF  }
0xa3: {  	[sflag:s0] =	ssyncadd.tile.s32 @!p0 $0x1;
	_ =	shalt  }
.Lfunc_end2:
_tile_overlayer_lowered:
.L_overlay_start_2:
0xa4: {  	(tag) =	ssettag $0x2  }
0xa5: {  	s0 =	rddreg [dreg:$0x0];
	s2 =	stileid.u32  }
0xa6: {  	s1 =	rddreg [dreg:$0x1];
	p0 =	sne.s32 s2, $0x0  }
0xa7: {  	s3 =	rddreg [dreg:$0x2];
	[bflag:$0x3] =	sbarrier.arrive $0xFFFF;
	s2 =	simm.s32 @!p0 $0x1C02  }
0xa8: {  	[timem:s3], [sflag:s2] =	dma.local @!p0 [hbm:s0], s1  }
0xa9: {  	s0 =	simm.s32 @!p0 $0x2  }
0xaa: {  	_ =	swait.ge @!p0 [sflag:s0], s1  }
0xab: {  	s1 =	ssub.s32 @!p0 $0x0, s1;
	[sflag:s0] =	ssyncset.done @!p0 $0x0  }
0xac: {  	[sflag:s0] =	ssyncadd.s32 @!p0 s1  }
0xad: {  	[bflag:$0x3] =	sbarrier.arrive $0xFFFF  }
0xae: {  	_ =	shalt  }

// kernel: kernel.23.cloned.1.call-start
scs
__scs_entry_jumppad:
0x0: {  	(pc) =	sbr.rel $0x88, $3  }
0x1: {  	(tag) =	ssettag $0x0;
	lr =	simm.s32 $0x1  }
0x2: {  	[smem:$0x3F98] =	sst lr;
	_ =	strace $0xD0000000  }
0x3: {  	_ = 	snop  }
0x4: {  	_ = 	snop  }
0x5: {  	_ = 	snop  }
0x6: {  	_ = 	snop  }
0x7: {  	_ = 	snop  }
__scs_overlays_trampoline_lowered:
0x8: {  	[smem:$0x3FA7] =	sst s0  }
0x9: {  	[smem:$0x3FA8] =	sst s1  }
0xa: {  	[smem:$0x3FA9] =	sst s2  }
0xb: {  	[smem:$0x3FAA] =	sst s3  }
0xc: {  	[smem:$0x3FAB] =	sst s4  }
0xd: {  	[smem:$0x3FAC] =	sst s5  }
0xe: {  	[smem:$0x3FAD] =	sst s6  }
0xf: {  	[smem:$0x3FAE] =	sst s7  }
0x10: {  	[smem:$0x3FAF] =	sst s8  }
0x11: {  	[smem:$0x3FB0] =	sst s9;
	s0 =	simm.s32 @!p0 $0x0  }
0x12: {  	s1 =	sld [smem:$0x3F96];
	s0 =	simm.s32 @p0 $0x1  }
0x13: {  	[smem:$0x3FB1] =	sst s0;
	s0 =	simm.s32 @!p1 $0x0  }
0x14: {  	s2 =	sld [smem:$0x3F95];
	s0 =	simm.s32 @p1 $0x1  }
0x15: {  	[smem:$0x3FB2] =	sst s0;
	s0 =	simm.s32 @!p2 $0x0  }
0x16: {  	s3 =	sld [smem:$0x3FDB];
	s0 =	simm.s32 @p2 $0x1  }
0x17: {  	s4 =	simm.s32 $0x1BF5;
	[smem:$0x3FB4] =	sst s0  }
0x18: {  	s0 =	sld [smem:$0x3F97];
	_ =	swait.ge [sflag:s4], $0x0  }
0x19: {  	s7 =	sld [smem:$0x3F98]  }
0x1a: {  	s8 =	sadd.s32 $0xFFFFE003, lr  }
0x1b: {  	s9 =	sadd.s32 $0xFFFFFEF7, lr;
	s5 =	simm.s32 $0xFFFFFFFF;
	p2 =	slt.u32 s8, $0xFFFFF086  }
0x1c: {  	p1 =	slt.u32 s9, $0xF7A;
	s5 =	simm.s32 @!p2 $0x0  }
0x1d: {  	s5 =	simm.s32 @p1 $0x1;
	p0 =	seq.s32 s7, s2  }
0x1e: {  	s7 =	smul.u32 @!p0 $0xF7A, s2;
	p2 =	seq.s32 @!p0 s5, $0x0  }
0x1f: {  	s9 =	smul.u32 $0xF7A, s1;
	s8 =	simm.s32 @!p0 $0x1BF5;
	p2 =	por !p2, p0  }
0x20: {  	[sflag:s8] =	ssyncset.s32 @!p0 $0xFFFFF086;
	s6 =	sadd.s32 @!p0 s3, s7;
	s7 =	simm.s32 @!p0 $0x108  }
0x21: {  	s3 =	sadd.s32 s3, s9;
	s6 =	sadd.s32 @!p0 $0x88, s6;
	s7 =	simm.s32 @p2 $0x1082  }
0x22: {  	[simem:s7], [sflag:s8] =	dma.local @!p0 [hbm:s6], $0xF7A  }
0x23: {  	s9 =	sor.u32 $0xD0000000, s2;
	s6 =	simm.s32 $0x108;
	_ =	swait.ge @!p0 [sflag:s8], $0x0  }
0x24: {  	s3 =	sadd.s32 $0x88, s3;
	s6 =	simm.s32 @!p1 $0x1082;
	[sflag:s4] =	ssyncset.s32 $0xFFFFF086  }
0x25: {  	[simem:s6], [sflag:s4] =	dma.local [hbm:s3], $0xF7A  }
0x26: {  	[smem:$0x3F98] =	sst s1;
	(tag) =	ssettag s2;
	_ =	strace s9  }
0x27: {  	s1 =	sld [smem:$0x3FA8]  }
0x28: {  	s2 =	sld [smem:$0x3FA9]  }
0x29: {  	s4 =	sld [smem:$0x3FAB]  }
0x2a: {  	p0 =	seq.s32 s5, $0x0;
	s5 =	sld [smem:$0x3FAC]  }
0x2b: {  	s6 =	sld [smem:$0x3FAD]  }
0x2c: {  	s7 =	sld [smem:$0x3FAE]  }
0x2d: {  	s3 =	simm.s32 $0x108;
	s8 =	sld [smem:$0x3FAF]  }
0x2e: {  	s3 =	simm.s32 @!p0 $0x1082;
	s9 =	sld [smem:$0x3FB0]  }
0x2f: {  	lr =	sadd.s32 s0, s3;
	s0 =	sld [smem:$0x3FA7]  }
0x30: {  	s3 =	sld [smem:$0x3FAA]  }
0x31: {  	[smem:$0x3FB3] =	sst s10  }
0x32: {  	s10 =	sld [smem:$0x3FB1];
	_ =	sdelay $0x3  }
0x33: {  	p0 =	seq.s32 s10, $0x1;
	s10 =	sld [smem:$0x3FB3];
	_ =	sdelay $0x3  }
0x34: {  	[smem:$0x3FB3] =	sst s10  }
0x35: {  	s10 =	sld [smem:$0x3FB2];
	_ =	sdelay $0x3  }
0x36: {  	p1 =	seq.s32 s10, $0x1;
	s10 =	sld [smem:$0x3FB3];
	_ =	sdelay $0x3  }
0x37: {  	[smem:$0x3FB3] =	sst s10  }
0x38: {  	s10 =	sld [smem:$0x3FB4]  }
0x39: {  	_ = 	snop;
	(pc) =	sbr.ind lr, $3  }
0x3a: {  	_ = 	snop  }
0x3b: {  	_ = 	snop  }
0x3c: {  	p2 =	seq.s32 s10, $0x1;
	s10 =	sld [smem:$0x3FB3]  }
0x3d: {  	_ =	shalt  }
0x3e: {  	_ =	shalt  }
0x3f: {  	_ =	shalt  }
0x40: {  	_ =	shalt  }
0x41: {  	_ =	shalt  }
0x42: {  	_ =	shalt  }
0x43: {  	_ =	shalt  }
0x44: {  	_ =	shalt  }
0x45: {  	_ =	shalt  }
0x46: {  	_ =	shalt  }
0x47: {  	_ =	shalt  }
0x48: {  	_ =	shalt  }
0x49: {  	_ =	shalt  }
0x4a: {  	_ =	shalt  }
0x4b: {  	_ =	shalt  }
0x4c: {  	_ =	shalt  }
0x4d: {  	_ =	shalt  }
0x4e: {  	_ =	shalt  }
0x4f: {  	_ =	shalt  }
0x50: {  	_ =	shalt  }
0x51: {  	_ =	shalt  }
0x52: {  	_ =	shalt  }
0x53: {  	_ =	shalt  }
0x54: {  	_ =	shalt  }
0x55: {  	_ =	shalt  }
0x56: {  	_ =	shalt  }
0x57: {  	_ =	shalt  }
0x58: {  	_ =	shalt  }
0x59: {  	_ =	shalt  }
0x5a: {  	_ =	shalt  }
0x5b: {  	_ =	shalt  }
0x5c: {  	_ =	shalt  }
0x5d: {  	_ =	shalt  }
0x5e: {  	_ =	shalt  }
0x5f: {  	_ =	shalt  }
0x60: {  	_ =	shalt  }
0x61: {  	_ =	shalt  }
0x62: {  	_ =	shalt  }
0x63: {  	_ =	shalt  }
0x64: {  	_ =	shalt  }
0x65: {  	_ =	shalt  }
0x66: {  	_ =	shalt  }
0x67: {  	_ =	shalt  }
0x68: {  	_ =	shalt  }
0x69: {  	_ =	shalt  }
0x6a: {  	_ =	shalt  }
0x6b: {  	_ =	shalt  }
0x6c: {  	_ =	shalt  }
0x6d: {  	_ =	shalt  }
0x6e: {  	_ =	shalt  }
0x6f: {  	_ =	shalt  }
0x70: {  	_ =	shalt  }
0x71: {  	_ =	shalt  }
0x72: {  	_ =	shalt  }
0x73: {  	_ =	shalt  }
0x74: {  	_ =	shalt  }
0x75: {  	_ =	shalt  }
0x76: {  	_ =	shalt  }
0x77: {  	_ =	shalt  }
0x78: {  	_ =	shalt  }
0x79: {  	_ =	shalt  }
0x7a: {  	_ =	shalt  }
0x7b: {  	_ =	shalt  }
0x7c: {  	_ =	shalt  }
0x7d: {  	_ =	shalt  }
0x7e: {  	_ =	shalt  }
0x7f: {  	_ =	shalt  }
0x80: {  	_ =	shalt  }
0x81: {  	_ =	shalt  }
0x82: {  	_ =	shalt  }
0x83: {  	_ =	shalt  }
0x84: {  	_ =	shalt  }
0x85: {  	_ =	shalt  }
0x86: {  	_ =	shalt  }
0x87: {  	_ =	shalt  }
.Lfunc_end0:
.L_simem_size_0:
called_computation.3_lowered:
.L_overlay_start_0:
0x88: {  	s2 =	sld [smem:$0x3FD9]  }
0x89: {  	s3 =	sld [smem:$0x3FFE];
	_ =	sdelay $0x1  }
0x8a: {  	s1 =	srdreg.scid  }
0x8b: {  	s0 =	sand.u32 $0x1, s1  }
0x8c: {  	s17 =	sshll.u32 s0, $0xA;
	s2 =	sadd.s32 s3, s2  }
0x8d: {  	s2 =	sadd.s32 s2, s17  }
0x8e: {  	[smem:$0x3FBF] =	sst s2  }
0x8f: {  	_ = 	snop  }
0x90: {  	s2 =	sld [smem:$0x3FC6]  }
0x91: {  	s18 =	sld [smem:$0x3FC5];
	(tm) =	ssettm $0x1  }
0x92: {  	s4 =	sld [smem:$0x3FFB];
	_ =	sdelay $0x3  }
0x93: {  	_ =	strace s4  }
0x94: {  	s4 =	sld [smem:$0x3FFC];
	_ =	sdelay $0x3  }
0x95: {  	_ =	strace s4  }
0x96: {  	s4 =	sld [smem:$0x3FFD];
	_ =	sdelay $0x3  }
0x97: {  	_ =	strace s4  }
0x98: {  	_ =	strace $0x8FFFFFFF  }
0x99: {  	s19 =	sld [smem:$0x3FDB];
	_ =	sdelay $0x1  }
0x9a: {  	s5 =	simm.s32 $_scs_section_size  }
0x9b: {  	s6 =	simm.s32 $_size__tile_overlayer_lowered;
	s7 =	simm.s32 $_tile_overlayer_lowered  }
0x9c: {  	s22 =	simm.s32 $0x1BFF;
	s21 =	sshll.u32 s7, $0x1;
	s4 =	sadd.s32 s5, s19  }
0x9d: {  	s8 =	simm.s32 $0x0;
	s20 =	sshll.u32 s6, $0x1;
	s6 =	sadd.s32 s21, s4  }
0x9e: {  	[timem:s8], [sflag:s22] =	dma.local [hbm:s6], s20  }
0x9f: {  	_ =	swait.ge [sflag:s22], s20  }
0xa0: {  	s5 =	ssub.s32 $0x0, s20;
	[sflag:s22] =	ssyncset.done $0x0  }
0xa1: {  	[sflag:s22] =	ssyncadd.s32 s5;
	_ =	sdelay $0x1  }
0xa2: {  	s23 =	simm.s32 $0x1B8B  }
0xa3: {  	_ =	swait.ge [sflag:s23], $0x1  }
0xa4: {  	[sflag:s23] =	ssyncset.done $0x0  }
0xa5: {  	s25 =	simm.s32 $0x1B8E;
	s24 =	sld [smem:$0x3FFE];
	[sflag:s23] =	ssyncadd.s32 $0xFFFFFFFF  }
0xa6: {  	s26 =	simm.s32 $execute0_lowered;
	[smem:$0x3FD2] =	sst s25  }
0xa7: {  	s6 =	sshll.u32 s26, $0x1;
	_ =	strace $0x8000004F;
	[dreg:$0x1] =	wrdreg $0xFFFFFFFF  }
0xa8: {  	s28 =	simm.s32 $_size_execute0_lowered;
	s4 =	sadd.s32 s4, s6;
	[dreg:$0x0] =	wrdreg $0x0  }
0xa9: {  	s6 =	sshll.u32 s28, $0x1;
	[dreg:$0x2] =	wrdreg s4  }
0xaa: {  	[dreg:$0x3] =	wrdreg s6  }
0xab: {  	[dreg:$0x4] =	wrdreg $0xC0  }
0xac: {  	_ =	task [dreg:s8], $0x5FFFF  }
0xad: {  	[dreg:$0x1] =	wrdreg $0xFFFFFFFF  }
0xae: {  	[dreg:$0x0] =	wrdreg $0x60  }
0xaf: {  	[dreg:$0x2] =	wrdreg s24  }
0xb0: {  	[dreg:$0x3] =	wrdreg s2  }
0xb1: {  	[dreg:$0x4] =	wrdreg s18  }
0xb2: {  	[dreg:$0x5] =	wrdreg $0x9  }
0xb3: {  	_ =	task.clear_ibuf [dreg:s8], $0x6FFFF;
	_ =	strace $0x9000004F  }
0xb4: {  	s29 =	simm.s32 $0x9;
	_ =	strace $0x80000051  }
0xb5: {  	_ =	swait.ge [sflag:s29], $0x1  }
0xb6: {  	[sflag:s29] =	ssyncadd.s32 $0xFFFFFFFF  }
0xb7: {  	_ =	strace $0x90000051  }
0xb8: {  	_ =	sfence  }
0xb9: {  	s30 =	sld [smem:$0x0];
	_ =	sdelay $0x2  }
0xba: {  	s31 =	sshll.u32 s1, $0xD;
	s1 =	sshrl.u32 s1, $0x2  }
0xbb: {  	s3 =	sand.u32 $0x4000, s31;
	s1 =	sadd.s32 s1, s30  }
0xbc: {  	s0 =	sor.u32 s3, s0;
	s1 =	sshll.u32 s1, $0x11  }
0xbd: {  	s0 =	sor.u32 s1, s0  }
0xbe: {  	s0 =	sadd.s32 $0x8F2B, s0  }
0xbf: {  	[sflag:s0] =	ssyncadd.remote.s32 $0x1  }
0xc0: {  	_ =	sfence.sel $0xFFFF  }
0xc1: {  	[dreg:$0x0] =	wrdreg $0xFFFFFFFF;
	(pc) =	sbr.abs _section_cstart, $3  }
0xc2: {  	[dreg:$0x1] =	wrdreg $0xFFFFFFFF  }
0xc3: {  	_ =	task.clear_ibuf [dreg:s8], $0x2FFFF;
	_ =	strace $0x9FFFFFFF  }
0xc4: {  	(tm) =	ssettm $0x7FFFFFFF  }
0xc5: {  	_ =	shalt  }
tec
execute0_lowered:
.L_overlay_start_1:
0x0: {  	(tag) =	ssettag $0x1  }
0x1: {  	s7 =	rddreg [dreg:$0x0]  }
0x2: {  	s1 =	rddreg [dreg:$0x1]  }
0x3: {  	s2 =	rddreg [dreg:$0x2]  }
0x4: {  	s0 =	rddreg [dreg:$0x3]  }
0x5: {  	s4 =	simm.s32 $0x0;
	s5 =	srdreg.scid;
	s3 =	stileid.u32  }
0x6: {  	s12 =	simm.s32 $0x50;
	s13 =	simm.s32 $0x100;
	s14 =	simm.s32 $0x2900  }
0x7: {  	s15 =	simm.s32 $0x1;
	s16 =	simm.s32 $0x5100;
	s17 =	simm.s32 $0x0  }
0x8: {  	[smem:$0x7FF] =	sst s4;
	s8 =	sand.u32 $0x1, s5;
	s5 =	sadd.s32 $0xEA9400, s7  }
0x9: {  	s10 =	sshll.u32 s3, $0x1;
	s6 =	sadd.s32 $0x3400, s7;
	s9 =	ssub.s32 $0x2, s8  }
0xa: {  	s7 =	sadd.s32 $0x2B400, s7;
	_ =	strace $0x80000050;
	s11 =	sshrl.u32 s9, $0x1  }
0xb: {  	s8 =	sor.u32 s8, s10;
	s10 =	simm.s32 $0x2;
	s9 =	ssub.s32 s9, s11  }
0xc: {  	s8 =	smul.u32 $0x2710, s8;
	s11 =	simm.s32 $0x80;
	s9 =	smax.u32 s9, $0x1  }
.LBB2_1:
0xd: {  	s18 =	simm.s32 $0x0  }
.LBB2_2:
0xe: {  	s19 =	smul.u32 $0x50, s18;
	_ =	sdelay $0x1  }
0xf: {  	s19 =	sadd.s32 s8, s19  }
0x10: {  	s20 =	sshrl.u32 s19, $0x3  }
0x11: {  	s22 =	simm.s32 $0x0;
	s21 =	sadd.s32 s1, s20  }
0x12: {  	[tilespmem:s22], [sflag:$0x2] =	stream.linear.gather [hbm4b:s21+s22], $0x50, $0x38;
	[tilespmem:$0x7900] =	vst v63  }
0x13: {  	_ =	swait.ge [sflag:s10], $0x50  }
0x14: {  	[sflag:s10] =	ssyncset.done $0x0  }
0x15: {  	s20 =	sadd.s32 s2, s20;
	[sflag:s10] =	ssyncadd.s32 $0xFFFFFFB0  }
0x16: {  	[tilespmem:s11], [sflag:$0x2] =	stream.linear.gather [hbm4b:s20+s22], $0x50, $0x38;
	[tilespmem:$0x7900] =	vst v63  }
0x17: {  	_ =	swait.ge [sflag:s10], $0x50  }
0x18: {  	[sflag:s10] =	ssyncset.done $0x0  }
0x19: {  	[sflag:s10] =	ssyncadd.s32 $0xFFFFFFB0  }
0x1a: {  	[tilespmem:s13], [sflag:$0x1] =	stream.indirect.gather [hbm4b:s6+s12], $0x80, s22, s12, $0xb8;
	[tilespmem:$0x7900] =	vst v63  }
0x1b: {  	_ = 	snop  }
0x1c: {  	[tilespmem:s14], [sflag:$0x1] =	stream.indirect.gather [hbm4b:s5+s12], $0x80, s11, s12, $0xb8;
	[tilespmem:$0x7900] =	vst v63  }
0x1d: {  	_ =	swait.ge [sflag:s15], $0x2800  }
0x1e: {  	[sflag:s15] =	ssyncset.done $0x0  }
0x1f: {  	[sflag:s15] =	ssyncadd.s32 $0xFFFFD800  }
0x20: {  	_ =	swait.ge [sflag:s15], $0x2800  }
0x21: {  	[sflag:s15] =	ssyncset.done $0x0  }
0x22: {  	s20 =	simm.s32 $0x0;
	[sflag:s15] =	ssyncadd.s32 $0xFFFFD800  }
0x23: {  	v0 =	vld [tilespmem:s20+$0x2970]  }
0x24: {  	v1 =	vld [tilespmem:s20+$0x170]  }
0x25: {  	v2 =	vld [tilespmem:s20+$0x2900]  }
0x26: {  	v4 =	vld [tilespmem:s20+$0x2910]  }
0x27: {  	v5 =	vld [tilespmem:s20+$0x2920]  }
0x28: {  	v6 =	vld [tilespmem:s20+$0x2930]  }
0x29: {  	v9 =	vld [tilespmem:s20+$0x2940];
	v0 =	vmax.f32 v0, $0.0e+00  }
0x2a: {  	v11 =	vld [tilespmem:s20+$0x2960];
	v0 =	vsub.f32 v1, v0  }
0x2b: {  	v12 =	vld [tilespmem:s20+$0x110]  }
0x2c: {  	[tilespmem:s20+$0x5170] =	vst v0;
	v0 =	vld [tilespmem:s20+$0x100]  }
0x2d: {  	v1 =	vld [tilespmem:s20+$0x2950]  }
0x2e: {  	v8 =	vld [tilespmem:s20+$0x120]  }
0x2f: {  	v3 =	vld [tilespmem:s20+$0x130]  }
0x30: {  	v10 =	vmax.f32 v2, $0.0e+00;
	v13 =	vmax.f32 v4, $0.0e+00;
	v7 =	vmax.f32 v5, $0.0e+00;
	v5 =	vld [tilespmem:s20+$0x140]  }
0x31: {  	v4 =	vmax.f32 v6, $0.0e+00;
	v2 =	vmax.f32 v9, $0.0e+00;
	v6 =	vld [tilespmem:s20+$0x150];
	v10 =	vsub.f32 v0, v10  }
0x32: {  	s21 =	simm.s32 $0x80;
	s22 =	simm.s32 $0x400;
	v9 =	vld [tilespmem:s20+$0x160];
	v1 =	vmax.f32 v1, $0.0e+00;
	v0 =	vmax.f32 v11, $0.0e+00;
	v11 =	vsub.f32 v12, v13  }
.LBB2_3:
0x33: {  	p0 =	sne.s32 s22, $0x9E00;
	v12 =	vld [tilespmem:s21+$0x2970];
	[tilespmem:s20+$0x5100] =	vst v10;
	v7 =	vsub.f32 v8, v7  }
0x34: {  	v8 =	vld [tilespmem:s21+$0x170];
	[tilespmem:s20+$0x5110] =	vst v11;
	v3 =	vsub.f32 v3, v4  }
0x35: {  	v4 =	vld [tilespmem:s21+$0x2900];
	[tilespmem:s20+$0x5120] =	vst v7;
	v2 =	vsub.f32 v5, v2  }
0x36: {  	v5 =	vld [tilespmem:s21+$0x2910];
	[tilespmem:s20+$0x5130] =	vst v3;
	v1 =	vsub.f32 v6, v1  }
0x37: {  	v3 =	vld [tilespmem:s21+$0x2920];
	[tilespmem:s20+$0x5140] =	vst v2;
	v0 =	vsub.f32 v9, v0  }
0x38: {  	v2 =	vld [tilespmem:s21+$0x2930];
	v6 =	vmax.f32 v12, $0.0e+00;
	[tilespmem:s20+$0x5150] =	vst v1  }
0x39: {  	v1 =	vld [tilespmem:s21+$0x2940];
	v6 =	vsub.f32 v8, v6;
	[tilespmem:s20+$0x5160] =	vst v0;
	s20 =	smov.u32 s21  }
0x3a: {  	v9 =	vmax.f32 v4, $0.0e+00;
	v0 =	vld [tilespmem:s20+$0x2950]  }
0x3b: {  	v11 =	vmax.f32 v5, $0.0e+00;
	v10 =	vld [tilespmem:s20+$0x2960];
	[tilespmem:s20+$0x5170] =	vst v6  }
0x3c: {  	v6 =	vld [tilespmem:s20+$0x100];
	v7 =	vmax.f32 v3, $0.0e+00  }
0x3d: {  	v12 =	vld [tilespmem:s20+$0x110];
	v4 =	vmax.f32 v2, $0.0e+00  }
.Ltmp0:
0x3e: {  	v8 =	vld [tilespmem:s20+$0x120];
	v2 =	vmax.f32 v1, $0.0e+00;
	(pc) =	sbr.rel @p0 .LBB2_3-.Ltmp0, $4  }
0x3f: {  	v3 =	vld [tilespmem:s20+$0x130];
	v1 =	vmax.f32 v0, $0.0e+00  }
0x40: {  	v5 =	vld [tilespmem:s20+$0x140];
	v0 =	vmax.f32 v10, $0.0e+00  }
0x41: {  	v10 =	vsub.f32 v6, v9;
	v6 =	vld [tilespmem:s20+$0x150]  }
0x42: {  	s21 =	sshra.s32 s22, $0x2;
	s22 =	sadd.s32 $0x200, s22;
	v11 =	vsub.f32 v12, v11;
	v9 =	vld [tilespmem:s20+$0x160]  }
0x43: {  	v12 =	vld [tilespmem:s21+$0x2970];
	[tilespmem:s20+$0x5100] =	vst v10;
	v7 =	vsub.f32 v8, v7  }
0x44: {  	v10 =	vld [tilespmem:s21+$0x170];
	[tilespmem:s20+$0x5110] =	vst v11;
	v3 =	vsub.f32 v3, v4  }
0x45: {  	v47 =	vld [tilespmem:s21+$0x2900];
	[tilespmem:s20+$0x5120] =	vst v7;
	v2 =	vsub.f32 v5, v2  }
0x46: {  	v48 =	vld [tilespmem:s21+$0x2910];
	[tilespmem:s20+$0x5130] =	vst v3;
	v1 =	vsub.f32 v6, v1  }
0x47: {  	v3 =	vld [tilespmem:s21+$0x2920];
	[tilespmem:s20+$0x5140] =	vst v2;
	v0 =	vsub.f32 v9, v0  }
0x48: {  	v2 =	vld [tilespmem:s21+$0x2930];
	[tilespmem:s20+$0x5150] =	vst v1  }
0x49: {  	v1 =	vld [tilespmem:s21+$0x2940];
	[tilespmem:s20+$0x5160] =	vst v0  }
0x4a: {  	v51 =	vld [tilespmem:s21+$0x2950]  }
0x4b: {  	v52 =	vld [tilespmem:s21+$0x2960]  }
0x4c: {  	v53 =	vld [tilespmem:s21+$0x100]  }
0x4d: {  	v7 =	vld [tilespmem:s21+$0x110]  }
0x4e: {  	v54 =	vld [tilespmem:s21+$0x120]  }
0x4f: {  	v49 =	vmax.f32 v12, $0.0e+00;
	v55 =	vld [tilespmem:s21+$0x130]  }
0x50: {  	v50 =	vsub.f32 v10, v49;
	v8 =	vmax.f32 v47, $0.0e+00;
	v11 =	vld [tilespmem:s21+$0x140]  }
0x51: {  	v56 =	vld [tilespmem:s21+$0x150];
	v4 =	vmax.f32 v48, $0.0e+00;
	v0 =	vsub.f32 v53, v8  }
0x52: {  	v57 =	vld [tilespmem:s21+$0x160];
	[tilespmem:s21+$0x5170] =	vst v50;
	v3 =	vmax.f32 v3, $0.0e+00;
	v4 =	vsub.f32 v7, v4  }
0x53: {  	v2 =	vmax.f32 v2, $0.0e+00;
	v58 =	vsub.f32 v54, v3;
	[tilespmem:s21+$0x5100] =	vst v0  }
0x54: {  	v1 =	vmax.f32 v1, $0.0e+00;
	v2 =	vsub.f32 v55, v2;
	[tilespmem:s21+$0x5110] =	vst v4  }
0x55: {  	v59 =	vmax.f32 v51, $0.0e+00;
	v60 =	vsub.f32 v11, v1;
	[tilespmem:s21+$0x5120] =	vst v58  }
0x56: {  	v61 =	vmax.f32 v52, $0.0e+00;
	v62 =	vsub.f32 v56, v59;
	[tilespmem:s21+$0x5130] =	vst v2  }
0x57: {  	s18 =	sadd.s32 $0x1, s18;
	v63 =	vsub.f32 v57, v61;
	[tilespmem:s21+$0x5140] =	vst v60  }
0x58: {  	s19 =	sshll.u32 s19, $0x4;
	p0 =	sne.s32 s18, $0x7D;
	[tilespmem:s21+$0x5150] =	vst v62  }
.Ltmp1:
0x59: {  	s19 =	sadd.s32 s7, s19;
	[tilespmem:s21+$0x5160] =	vst v63;
	(pc) =	sbr.rel @p0 .LBB2_2-.Ltmp1, $4  }
0x5a: {  	[hbm4b:s19+s4] =	stream.linear.scatter [tilespmem:s16], [sflag:$0x2], $0x2800, $0x38;
	[tilespmem:$0x7900] =	vst v63  }
0x5b: {  	_ =	swait.ge [sflag:s10], $0x2800  }
0x5c: {  	[sflag:s10] =	ssyncset.done $0x0  }
0x5d: {  	[sflag:s10] =	ssyncadd.s32 $0xFFFFD800  }
0x5e: {  	s17 =	sadd.s32 $0x1, s17  }
0x5f: {  	p0 =	sne.s32 s17, s9  }
.Ltmp2:
0x60: {  	_ = 	snop;
	(pc) =	sbr.rel @p0 .LBB2_1-.Ltmp2, $1  }
0x61: {  	_ =	sdelay $0x3  }
0x62: {  	_ =	sfence.sel $0x180000  }
0x63: {  	[bflag:$0x0] =	sbarrier.arrive $0xFFFF  }
0x64: {  	p0 =	sne.s32 s3, $0x0;
	_ =	strace $0x90000050  }
0x65: {  	s0 =	sadd.s32 @!p0 $0x100000, s0;
	[bflag:$0x2] =	sbarrier.arrive $0xFFFF  }
0x66: {  	[sflag:s0] =	ssyncadd.tile.s32 @!p0 $0x1;
	_ =	shalt  }
.Lfunc_end2:
_tile_overlayer_lowered:
.L_overlay_start_2:
0x67: {  	(tag) =	ssettag $0x2  }
0x68: {  	s0 =	rddreg [dreg:$0x0];
	s2 =	stileid.u32  }
0x69: {  	s1 =	rddreg [dreg:$0x1];
	p0 =	sne.s32 s2, $0x0  }
0x6a: {  	s3 =	rddreg [dreg:$0x2];
	[bflag:$0x3] =	sbarrier.arrive $0xFFFF;
	s2 =	simm.s32 @!p0 $0x1C02  }
0x6b: {  	[timem:s3], [sflag:s2] =	dma.local @!p0 [hbm:s0], s1  }
0x6c: {  	s0 =	simm.s32 @!p0 $0x2  }
0x6d: {  	_ =	swait.ge @!p0 [sflag:s0], s1  }
0x6e: {  	s1 =	ssub.s32 @!p0 $0x0, s1;
	[sflag:s0] =	ssyncset.done @!p0 $0x0  }
0x6f: {  	[sflag:s0] =	ssyncadd.s32 @!p0 s1  }
0x70: {  	[bflag:$0x3] =	sbarrier.arrive $0xFFFF  }
0x71: {  	_ =	shalt  }

// kernel: kernel.26.cloned.1.call-start
scs
__scs_entry_jumppad:
0x0: {  	(pc) =	sbr.rel $0x88, $3  }
0x1: {  	(tag) =	ssettag $0x0;
	lr =	simm.s32 $0x1  }
0x2: {  	[smem:$0x3F98] =	sst lr;
	_ =	strace $0xD0000000  }
0x3: {  	_ = 	snop  }
0x4: {  	_ = 	snop  }
0x5: {  	_ = 	snop  }
0x6: {  	_ = 	snop  }
0x7: {  	_ = 	snop  }
__scs_overlays_trampoline_lowered:
0x8: {  	[smem:$0x3FA7] =	sst s0  }
0x9: {  	[smem:$0x3FA8] =	sst s1  }
0xa: {  	[smem:$0x3FA9] =	sst s2  }
0xb: {  	[smem:$0x3FAA] =	sst s3  }
0xc: {  	[smem:$0x3FAB] =	sst s4  }
0xd: {  	[smem:$0x3FAC] =	sst s5  }
0xe: {  	[smem:$0x3FAD] =	sst s6  }
0xf: {  	[smem:$0x3FAE] =	sst s7  }
0x10: {  	[smem:$0x3FAF] =	sst s8  }
0x11: {  	[smem:$0x3FB0] =	sst s9;
	s0 =	simm.s32 @!p0 $0x0  }
0x12: {  	s1 =	sld [smem:$0x3F96];
	s0 =	simm.s32 @p0 $0x1  }
0x13: {  	[smem:$0x3FB1] =	sst s0;
	s0 =	simm.s32 @!p1 $0x0  }
0x14: {  	s2 =	sld [smem:$0x3F95];
	s0 =	simm.s32 @p1 $0x1  }
0x15: {  	[smem:$0x3FB2] =	sst s0;
	s0 =	simm.s32 @!p2 $0x0  }
0x16: {  	s3 =	sld [smem:$0x3FDB];
	s0 =	simm.s32 @p2 $0x1  }
0x17: {  	s4 =	simm.s32 $0x1BF5;
	[smem:$0x3FB4] =	sst s0  }
0x18: {  	s0 =	sld [smem:$0x3F97];
	_ =	swait.ge [sflag:s4], $0x0  }
0x19: {  	s7 =	sld [smem:$0x3F98]  }
0x1a: {  	s8 =	sadd.s32 $0xFFFFE003, lr  }
0x1b: {  	s9 =	sadd.s32 $0xFFFFFEF7, lr;
	s5 =	simm.s32 $0xFFFFFFFF;
	p2 =	slt.u32 s8, $0xFFFFF086  }
0x1c: {  	p1 =	slt.u32 s9, $0xF7A;
	s5 =	simm.s32 @!p2 $0x0  }
0x1d: {  	s5 =	simm.s32 @p1 $0x1;
	p0 =	seq.s32 s7, s2  }
0x1e: {  	s7 =	smul.u32 @!p0 $0xF7A, s2;
	p2 =	seq.s32 @!p0 s5, $0x0  }
0x1f: {  	s9 =	smul.u32 $0xF7A, s1;
	s8 =	simm.s32 @!p0 $0x1BF5;
	p2 =	por !p2, p0  }
0x20: {  	[sflag:s8] =	ssyncset.s32 @!p0 $0xFFFFF086;
	s6 =	sadd.s32 @!p0 s3, s7;
	s7 =	simm.s32 @!p0 $0x108  }
0x21: {  	s3 =	sadd.s32 s3, s9;
	s6 =	sadd.s32 @!p0 $0x88, s6;
	s7 =	simm.s32 @p2 $0x1082  }
0x22: {  	[simem:s7], [sflag:s8] =	dma.local @!p0 [hbm:s6], $0xF7A  }
0x23: {  	s9 =	sor.u32 $0xD0000000, s2;
	s6 =	simm.s32 $0x108;
	_ =	swait.ge @!p0 [sflag:s8], $0x0  }
0x24: {  	s3 =	sadd.s32 $0x88, s3;
	s6 =	simm.s32 @!p1 $0x1082;
	[sflag:s4] =	ssyncset.s32 $0xFFFFF086  }
0x25: {  	[simem:s6], [sflag:s4] =	dma.local [hbm:s3], $0xF7A  }
0x26: {  	[smem:$0x3F98] =	sst s1;
	(tag) =	ssettag s2;
	_ =	strace s9  }
0x27: {  	s1 =	sld [smem:$0x3FA8]  }
0x28: {  	s2 =	sld [smem:$0x3FA9]  }
0x29: {  	s4 =	sld [smem:$0x3FAB]  }
0x2a: {  	p0 =	seq.s32 s5, $0x0;
	s5 =	sld [smem:$0x3FAC]  }
0x2b: {  	s6 =	sld [smem:$0x3FAD]  }
0x2c: {  	s7 =	sld [smem:$0x3FAE]  }
0x2d: {  	s3 =	simm.s32 $0x108;
	s8 =	sld [smem:$0x3FAF]  }
0x2e: {  	s3 =	simm.s32 @!p0 $0x1082;
	s9 =	sld [smem:$0x3FB0]  }
0x2f: {  	lr =	sadd.s32 s0, s3;
	s0 =	sld [smem:$0x3FA7]  }
0x30: {  	s3 =	sld [smem:$0x3FAA]  }
0x31: {  	[smem:$0x3FB3] =	sst s10  }
0x32: {  	s10 =	sld [smem:$0x3FB1];
	_ =	sdelay $0x3  }
0x33: {  	p0 =	seq.s32 s10, $0x1;
	s10 =	sld [smem:$0x3FB3];
	_ =	sdelay $0x3  }
0x34: {  	[smem:$0x3FB3] =	sst s10  }
0x35: {  	s10 =	sld [smem:$0x3FB2];
	_ =	sdelay $0x3  }
0x36: {  	p1 =	seq.s32 s10, $0x1;
	s10 =	sld [smem:$0x3FB3];
	_ =	sdelay $0x3  }
0x37: {  	[smem:$0x3FB3] =	sst s10  }
0x38: {  	s10 =	sld [smem:$0x3FB4]  }
0x39: {  	_ = 	snop;
	(pc) =	sbr.ind lr, $3  }
0x3a: {  	_ = 	snop  }
0x3b: {  	_ = 	snop  }
0x3c: {  	p2 =	seq.s32 s10, $0x1;
	s10 =	sld [smem:$0x3FB3]  }
0x3d: {  	_ =	shalt  }
0x3e: {  	_ =	shalt  }
0x3f: {  	_ =	shalt  }
0x40: {  	_ =	shalt  }
0x41: {  	_ =	shalt  }
0x42: {  	_ =	shalt  }
0x43: {  	_ =	shalt  }
0x44: {  	_ =	shalt  }
0x45: {  	_ =	shalt  }
0x46: {  	_ =	shalt  }
0x47: {  	_ =	shalt  }
0x48: {  	_ =	shalt  }
0x49: {  	_ =	shalt  }
0x4a: {  	_ =	shalt  }
0x4b: {  	_ =	shalt  }
0x4c: {  	_ =	shalt  }
0x4d: {  	_ =	shalt  }
0x4e: {  	_ =	shalt  }
0x4f: {  	_ =	shalt  }
0x50: {  	_ =	shalt  }
0x51: {  	_ =	shalt  }
0x52: {  	_ =	shalt  }
0x53: {  	_ =	shalt  }
0x54: {  	_ =	shalt  }
0x55: {  	_ =	shalt  }
0x56: {  	_ =	shalt  }
0x57: {  	_ =	shalt  }
0x58: {  	_ =	shalt  }
0x59: {  	_ =	shalt  }
0x5a: {  	_ =	shalt  }
0x5b: {  	_ =	shalt  }
0x5c: {  	_ =	shalt  }
0x5d: {  	_ =	shalt  }
0x5e: {  	_ =	shalt  }
0x5f: {  	_ =	shalt  }
0x60: {  	_ =	shalt  }
0x61: {  	_ =	shalt  }
0x62: {  	_ =	shalt  }
0x63: {  	_ =	shalt  }
0x64: {  	_ =	shalt  }
0x65: {  	_ =	shalt  }
0x66: {  	_ =	shalt  }
0x67: {  	_ =	shalt  }
0x68: {  	_ =	shalt  }
0x69: {  	_ =	shalt  }
0x6a: {  	_ =	shalt  }
0x6b: {  	_ =	shalt  }
0x6c: {  	_ =	shalt  }
0x6d: {  	_ =	shalt  }
0x6e: {  	_ =	shalt  }
0x6f: {  	_ =	shalt  }
0x70: {  	_ =	shalt  }
0x71: {  	_ =	shalt  }
0x72: {  	_ =	shalt  }
0x73: {  	_ =	shalt  }
0x74: {  	_ =	shalt  }
0x75: {  	_ =	shalt  }
0x76: {  	_ =	shalt  }
0x77: {  	_ =	shalt  }
0x78: {  	_ =	shalt  }
0x79: {  	_ =	shalt  }
0x7a: {  	_ =	shalt  }
0x7b: {  	_ =	shalt  }
0x7c: {  	_ =	shalt  }
0x7d: {  	_ =	shalt  }
0x7e: {  	_ =	shalt  }
0x7f: {  	_ =	shalt  }
0x80: {  	_ =	shalt  }
0x81: {  	_ =	shalt  }
0x82: {  	_ =	shalt  }
0x83: {  	_ =	shalt  }
0x84: {  	_ =	shalt  }
0x85: {  	_ =	shalt  }
0x86: {  	_ =	shalt  }
0x87: {  	_ =	shalt  }
.Lfunc_end0:
.L_simem_size_0:
called_computation.4_lowered:
.L_overlay_start_0:
0x88: {  	s2 =	sld [smem:$0x3FD9]  }
0x89: {  	s3 =	sld [smem:$0x3FFE];
	_ =	sdelay $0x1  }
0x8a: {  	s1 =	srdreg.scid  }
0x8b: {  	s0 =	sand.u32 $0x1, s1  }
0x8c: {  	s17 =	sshll.u32 s0, $0xA;
	s2 =	sadd.s32 s3, s2  }
0x8d: {  	s2 =	sadd.s32 s2, s17  }
0x8e: {  	[smem:$0x3FBF] =	sst s2  }
0x8f: {  	_ = 	snop  }
0x90: {  	s2 =	sld [smem:$0x3FD0];
	(tm) =	ssettm $0x1  }
0x91: {  	s18 =	sld [smem:$0x3FFB];
	_ =	sdelay $0x3  }
0x92: {  	_ =	strace s18  }
0x93: {  	s3 =	sld [smem:$0x3FFC];
	_ =	sdelay $0x3  }
0x94: {  	_ =	strace s3  }
0x95: {  	s3 =	sld [smem:$0x3FFD];
	_ =	sdelay $0x3  }
0x96: {  	_ =	strace s3  }
0x97: {  	_ =	strace $0x8FFFFFFF  }
0x98: {  	s19 =	sld [smem:$0x3FDB];
	_ =	sdelay $0x1  }
0x99: {  	s4 =	simm.s32 $_scs_section_size  }
0x9a: {  	s5 =	simm.s32 $_size__tile_overlayer_lowered;
	s6 =	simm.s32 $_tile_overlayer_lowered  }
0x9b: {  	s22 =	simm.s32 $0x1BFF;
	s21 =	sshll.u32 s6, $0x1;
	s3 =	sadd.s32 s4, s19  }
0x9c: {  	s7 =	simm.s32 $0x0;
	s20 =	sshll.u32 s5, $0x1;
	s5 =	sadd.s32 s21, s3  }
0x9d: {  	[timem:s7], [sflag:s22] =	dma.local [hbm:s5], s20  }
0x9e: {  	_ =	swait.ge [sflag:s22], s20  }
0x9f: {  	s4 =	ssub.s32 $0x0, s20;
	[sflag:s22] =	ssyncset.done $0x0  }
0xa0: {  	[sflag:s22] =	ssyncadd.s32 s4;
	_ =	sdelay $0x1  }
0xa1: {  	s23 =	simm.s32 $0x1B8B  }
0xa2: {  	_ =	swait.ge [sflag:s23], $0x1  }
0xa3: {  	[sflag:s23] =	ssyncset.done $0x0  }
0xa4: {  	s25 =	simm.s32 $0x1B8E;
	s24 =	sld [smem:$0x3FFE];
	[sflag:s23] =	ssyncadd.s32 $0xFFFFFFFF  }
0xa5: {  	s26 =	simm.s32 $execute0_lowered;
	[smem:$0x3FD2] =	sst s25  }
0xa6: {  	s5 =	sshll.u32 s26, $0x1;
	_ =	strace $0x80000052;
	[dreg:$0x1] =	wrdreg $0xFFFFFFFF  }
0xa7: {  	s28 =	simm.s32 $_size_execute0_lowered;
	s3 =	sadd.s32 s3, s5;
	[dreg:$0x0] =	wrdreg $0x0  }
0xa8: {  	s5 =	sshll.u32 s28, $0x1;
	[dreg:$0x2] =	wrdreg s3  }
0xa9: {  	[dreg:$0x3] =	wrdreg s5  }
0xaa: {  	[dreg:$0x4] =	wrdreg $0xC0  }
0xab: {  	_ =	task [dreg:s7], $0x5FFFF  }
0xac: {  	[dreg:$0x1] =	wrdreg $0xFFFFFFFF  }
0xad: {  	[dreg:$0x0] =	wrdreg $0x60  }
0xae: {  	[dreg:$0x2] =	wrdreg s24  }
0xaf: {  	[dreg:$0x3] =	wrdreg s2  }
0xb0: {  	[dreg:$0x4] =	wrdreg $0x9  }
0xb1: {  	_ =	task.clear_ibuf [dreg:s7], $0x5FFFF;
	_ =	strace $0x90000052  }
0xb2: {  	s29 =	simm.s32 $0x9;
	_ =	strace $0x80000054  }
0xb3: {  	_ =	swait.ge [sflag:s29], $0x1  }
0xb4: {  	[sflag:s29] =	ssyncadd.s32 $0xFFFFFFFF  }
0xb5: {  	_ =	strace $0x90000054  }
0xb6: {  	_ =	sfence  }
0xb7: {  	s30 =	sld [smem:$0x0];
	_ =	sdelay $0x2  }
0xb8: {  	s31 =	sshll.u32 s1, $0xD;
	s1 =	sshrl.u32 s1, $0x2  }
0xb9: {  	s3 =	sand.u32 $0x4000, s31;
	s1 =	sadd.s32 s1, s30  }
0xba: {  	s0 =	sor.u32 s3, s0;
	s1 =	sshll.u32 s1, $0x11  }
0xbb: {  	s0 =	sor.u32 s1, s0  }
0xbc: {  	s0 =	sadd.s32 $0x8F2B, s0  }
0xbd: {  	[sflag:s0] =	ssyncadd.remote.s32 $0x1  }
0xbe: {  	_ =	sfence.sel $0xFFFF  }
0xbf: {  	[dreg:$0x0] =	wrdreg $0xFFFFFFFF;
	(pc) =	sbr.abs _section_cstart, $3  }
0xc0: {  	[dreg:$0x1] =	wrdreg $0xFFFFFFFF  }
0xc1: {  	_ =	task.clear_ibuf [dreg:s7], $0x2FFFF;
	_ =	strace $0x9FFFFFFF  }
0xc2: {  	(tm) =	ssettm $0x7FFFFFFF  }
0xc3: {  	_ =	shalt  }
tec
execute0_lowered:
.L_overlay_start_1:
0x0: {  	(tag) =	ssettag $0x1  }
0x1: {  	s6 =	rddreg [dreg:$0x0]  }
0x2: {  	s2 =	rddreg [dreg:$0x1]  }
0x3: {  	s0 =	rddreg [dreg:$0x2]  }
0x4: {  	s3 =	simm.s32 $0x0;
	s4 =	srdreg.scid;
	s1 =	stileid.u32  }
0x5: {  	s10 =	simm.s32 $0x80;
	s11 =	simm.s32 $0x1;
	s12 =	simm.s32 $0x4080  }
0x6: {  	s13 =	simm.s32 $0x0;
	[smem:$0x7FF] =	sst s3;
	s4 =	sand.u32 $0x1, s4  }
0x7: {  	s5 =	sshll.u32 s1, $0x1;
	_ =	strace $0x80000053;
	s7 =	ssub.s32 $0x2, s4  }
0x8: {  	s8 =	sor.u32 s4, s5;
	s4 =	sadd.s32 $0xEA9400, s6;
	s9 =	sshrl.u32 s7, $0x1  }
0x9: {  	s6 =	sadd.s32 $0x3400, s6;
	s5 =	smul.u32 $0x50, s8;
	s9 =	ssub.s32 s7, s9  }
0xa: {  	s7 =	smul.u32 $0xA000, s8;
	s8 =	smax.u32 s9, $0x1;
	s9 =	simm.s32 $0x2  }
.LBB2_1:
0xb: {  	s14 =	simm.s32 $0x0  }
.LBB2_2:
0xc: {  	s15 =	sadd.s32 s5, s14  }
0xd: {  	s15 =	sshll.u32 s15, $0x4  }
0xe: {  	s16 =	simm.s32 $0x0;
	s15 =	sadd.s32 s2, s15  }
0xf: {  	[tilespmem:s16], [sflag:$0x2] =	stream.linear.gather [hbm4b:s15+s16], $0x80, $0x38;
	[tilespmem:$0x4280] =	vst v63  }
0x10: {  	_ =	swait.ge [sflag:s9], $0x80  }
0x11: {  	[sflag:s9] =	ssyncset.done $0x0  }
0x12: {  	[sflag:s9] =	ssyncadd.s32 $0xFFFFFF80  }
0x13: {  	[tilespmem:s10], [sflag:$0x1] =	stream.indirect.gather [hbm4b:s4+s10], $0x80, s16, s10, $0xb8;
	[tilespmem:$0x4280] =	vst v63  }
0x14: {  	_ =	swait.ge [sflag:s11], $0x4000  }
0x15: {  	[sflag:s11] =	ssyncset.done $0x0  }
0x16: {  	s17 =	simm.s32 $0x0;
	[sflag:s11] =	ssyncadd.s32 $0xFFFFC000  }
0x17: {  	v0 =	vld [tilespmem:s17+$0xF0]  }
0x18: {  	v1 =	vld [tilespmem:s17+$0x80]  }
0x19: {  	v3 =	vld [tilespmem:s17+$0x90];
	_ =	sdelay $0x1  }
0x1a: {  	v12 =	vld [tilespmem:s17+$0xA0]  }
0x1b: {  	v4 =	vimm.f32 $0.0e+00;
	v9 =	vimm.f32 $0.0e+00;
	v10 =	vld [tilespmem:s17+$0xB0]  }
0x1c: {  	v7 =	vimm.f32 $0.0e+00;
	v8 =	vimm.f32 $0.0e+00;
	v11 =	vld [tilespmem:s17+$0xC0];
	v0 =	vmax.f32 v0, $0.0e+00  }
0x1d: {  	v5 =	vld [tilespmem:s17+$0xD0];
	v1 =	vmax.f32 v1, $0.0e+00;
	v13 =	vmax.f32 v3, $0.0e+00;
	v3 =	vimm.f32 $0.0e+00  }
0x1e: {  	s15 =	simm.s32 $0x80;
	s16 =	simm.s32 $0x400;
	v6 =	vld [tilespmem:s17+$0xE0];
	v0 =	vadd.f32 v0, v4;
	v2 =	vadd.f32 v1, v4;
	v1 =	vimm.f32 $0.0e+00  }
.LBB2_3:
0x1f: {  	p0 =	sne.s32 s16, $0x3E00;
	v14 =	vld [tilespmem:s15+$0xF0];
	v4 =	vadd.f32 v13, v4;
	v12 =	vmax.f32 v12, $0.0e+00  }
0x20: {  	v13 =	vld [tilespmem:s15+$0x80];
	v9 =	vadd.f32 v12, v9;
	v10 =	vmax.f32 v10, $0.0e+00  }
0x21: {  	v15 =	vld [tilespmem:s15+$0x90];
	v7 =	vadd.f32 v10, v7;
	v10 =	vmax.f32 v11, $0.0e+00  }
.Ltmp0:
0x22: {  	v12 =	vld [tilespmem:s15+$0xA0];
	v8 =	vadd.f32 v10, v8;
	v5 =	vmax.f32 v5, $0.0e+00;
	(pc) =	sbr.rel @p0 .LBB2_3-.Ltmp0, $4  }
0x23: {  	v10 =	vld [tilespmem:s15+$0xB0];
	v3 =	vadd.f32 v5, v3;
	v5 =	vmax.f32 v6, $0.0e+00  }
0x24: {  	v11 =	vld [tilespmem:s15+$0xC0];
	v6 =	vmax.f32 v14, $0.0e+00;
	v1 =	vadd.f32 v5, v1  }
0x25: {  	v13 =	vmax.f32 v13, $0.0e+00;
	v5 =	vld [tilespmem:s15+$0xD0];
	v0 =	vadd.f32 v6, v0  }
0x26: {  	v2 =	vadd.f32 v13, v2;
	v13 =	vmax.f32 v15, $0.0e+00;
	v6 =	vld [tilespmem:s15+$0xE0];
	s15 =	sshra.s32 s16, $0x2;
	s16 =	sadd.s32 $0x200, s16  }
0x27: {  	v14 =	vld [tilespmem:s15+$0x80]  }
0x28: {  	v15 =	vld [tilespmem:s15+$0x90]  }
0x29: {  	v16 =	vld [tilespmem:s15+$0xA0]  }
0x2a: {  	v12 =	vmax.f32 v12, $0.0e+00;
	v17 =	vld [tilespmem:s15+$0xB0]  }
0x2b: {  	v4 =	vadd.f32 v13, v4;
	v9 =	vadd.f32 v12, v9;
	v10 =	vmax.f32 v10, $0.0e+00;
	v12 =	vld [tilespmem:s15+$0xC0]  }
0x2c: {  	v13 =	vld [tilespmem:s15+$0xD0];
	v7 =	vadd.f32 v10, v7;
	v10 =	vmax.f32 v11, $0.0e+00;
	v11 =	vmax.f32 v14, $0.0e+00  }
0x2d: {  	v8 =	vadd.f32 v10, v8;
	v10 =	vmax.f32 v15, $0.0e+00;
	v2 =	vadd.f32 v11, v2;
	v11 =	vld [tilespmem:s15+$0xE0]  }
0x2e: {  	v5 =	vmax.f32 v5, $0.0e+00;
	v14 =	vmax.f32 v16, $0.0e+00;
	v4 =	vadd.f32 v10, v4;
	v10 =	vld [tilespmem:s15+$0xF0]  }
0x2f: {  	v3 =	vadd.f32 v5, v3;
	v5 =	vadd.f32 v14, v9;
	v9 =	vmax.f32 v17, $0.0e+00;
	[tilespmem:$0x4080] =	vst v2  }
0x30: {  	v2 =	vmax.f32 v6, $0.0e+00;
	v6 =	vadd.f32 v9, v7;
	v7 =	vmax.f32 v12, $0.0e+00;
	[tilespmem:$0x4090] =	vst v4  }
0x31: {  	v4 =	vmax.f32 v13, $0.0e+00;
	[tilespmem:$0x40A0] =	vst v5;
	v1 =	vadd.f32 v2, v1;
	v2 =	vadd.f32 v7, v8  }
0x32: {  	v3 =	vadd.f32 v4, v3;
	[tilespmem:$0x40B0] =	vst v6;
	v4 =	vmax.f32 v11, $0.0e+00  }
0x33: {  	v5 =	vmax.f32 v10, $0.0e+00;
	[tilespmem:$0x40C0] =	vst v2;
	v1 =	vadd.f32 v4, v1  }
0x34: {  	[tilespmem:$0x40D0] =	vst v3;
	v0 =	vadd.f32 v5, v0  }
0x35: {  	[tilespmem:$0x40E0] =	vst v1  }
0x36: {  	s17 =	simm.s32 $0x0;
	[tilespmem:$0x40F0] =	vst v0  }
0x37: {  	v0 =	vld [tilespmem:s17+$0x10F0]  }
0x38: {  	v1 =	vld [tilespmem:s17+$0x1080]  }
0x39: {  	v3 =	vld [tilespmem:s17+$0x1090];
	_ =	sdelay $0x1  }
0x3a: {  	v12 =	vld [tilespmem:s17+$0x10A0]  }
0x3b: {  	v9 =	vimm.f32 $0.0e+00;
	v7 =	vimm.f32 $0.0e+00;
	v10 =	vld [tilespmem:s17+$0x10B0]  }
0x3c: {  	v8 =	vimm.f32 $0.0e+00;
	v4 =	vimm.f32 $0.0e+00;
	v11 =	vld [tilespmem:s17+$0x10C0];
	v0 =	vmax.f32 v0, $0.0e+00  }
0x3d: {  	v5 =	vld [tilespmem:s17+$0x10D0];
	v1 =	vmax.f32 v1, $0.0e+00;
	v13 =	vmax.f32 v3, $0.0e+00;
	v3 =	vimm.f32 $0.0e+00  }
0x3e: {  	s16 =	simm.s32 $0x400;
	s15 =	simm.s32 $0x80;
	v6 =	vld [tilespmem:s17+$0x10E0];
	v0 =	vadd.f32 v0, v4;
	v2 =	vadd.f32 v1, v4;
	v1 =	vimm.f32 $0.0e+00  }
.LBB2_5:
0x3f: {  	p0 =	sne.s32 s16, $0x3E00;
	v14 =	vld [tilespmem:s15+$0x10F0];
	v4 =	vadd.f32 v13, v4;
	v12 =	vmax.f32 v12, $0.0e+00  }
0x40: {  	v13 =	vld [tilespmem:s15+$0x1080];
	v9 =	vadd.f32 v12, v9;
	v10 =	vmax.f32 v10, $0.0e+00  }
0x41: {  	v15 =	vld [tilespmem:s15+$0x1090];
	v7 =	vadd.f32 v10, v7;
	v10 =	vmax.f32 v11, $0.0e+00  }
.Ltmp1:
0x42: {  	v12 =	vld [tilespmem:s15+$0x10A0];
	v8 =	vadd.f32 v10, v8;
	v5 =	vmax.f32 v5, $0.0e+00;
	(pc) =	sbr.rel @p0 .LBB2_5-.Ltmp1, $4  }
0x43: {  	v10 =	vld [tilespmem:s15+$0x10B0];
	v3 =	vadd.f32 v5, v3;
	v5 =	vmax.f32 v6, $0.0e+00  }
0x44: {  	v11 =	vld [tilespmem:s15+$0x10C0];
	v6 =	vmax.f32 v14, $0.0e+00;
	v1 =	vadd.f32 v5, v1  }
0x45: {  	v13 =	vmax.f32 v13, $0.0e+00;
	v5 =	vld [tilespmem:s15+$0x10D0];
	v0 =	vadd.f32 v6, v0  }
0x46: {  	v2 =	vadd.f32 v13, v2;
	v13 =	vmax.f32 v15, $0.0e+00;
	v6 =	vld [tilespmem:s15+$0x10E0];
	s15 =	sshra.s32 s16, $0x2;
	s16 =	sadd.s32 $0x200, s16  }
0x47: {  	v14 =	vld [tilespmem:s15+$0x1080]  }
0x48: {  	v15 =	vld [tilespmem:s15+$0x1090]  }
0x49: {  	v16 =	vld [tilespmem:s15+$0x10A0]  }
0x4a: {  	v12 =	vmax.f32 v12, $0.0e+00;
	v17 =	vld [tilespmem:s15+$0x10B0]  }
0x4b: {  	v4 =	vadd.f32 v13, v4;
	v9 =	vadd.f32 v12, v9;
	v10 =	vmax.f32 v10, $0.0e+00;
	v12 =	vld [tilespmem:s15+$0x10C0]  }
0x4c: {  	v13 =	vld [tilespmem:s15+$0x10D0];
	v7 =	vadd.f32 v10, v7;
	v10 =	vmax.f32 v11, $0.0e+00;
	v11 =	vmax.f32 v14, $0.0e+00  }
0x4d: {  	v8 =	vadd.f32 v10, v8;
	v10 =	vmax.f32 v15, $0.0e+00;
	v2 =	vadd.f32 v11, v2;
	v11 =	vld [tilespmem:s15+$0x10E0]  }
0x4e: {  	v5 =	vmax.f32 v5, $0.0e+00;
	v14 =	vmax.f32 v16, $0.0e+00;
	v4 =	vadd.f32 v10, v4;
	v10 =	vld [tilespmem:s15+$0x10F0]  }
0x4f: {  	v3 =	vadd.f32 v5, v3;
	v5 =	vadd.f32 v14, v9;
	v9 =	vmax.f32 v17, $0.0e+00;
	[tilespmem:$0x4100] =	vst v2  }
0x50: {  	v2 =	vmax.f32 v6, $0.0e+00;
	v6 =	vadd.f32 v9, v7;
	v7 =	vmax.f32 v12, $0.0e+00;
	[tilespmem:$0x4110] =	vst v4  }
0x51: {  	v4 =	vmax.f32 v13, $0.0e+00;
	[tilespmem:$0x4120] =	vst v5;
	v1 =	vadd.f32 v2, v1;
	v2 =	vadd.f32 v7, v8  }
0x52: {  	v3 =	vadd.f32 v4, v3;
	[tilespmem:$0x4130] =	vst v6;
	v4 =	vmax.f32 v11, $0.0e+00  }
0x53: {  	v5 =	vmax.f32 v10, $0.0e+00;
	[tilespmem:$0x4140] =	vst v2;
	v1 =	vadd.f32 v4, v1  }
0x54: {  	[tilespmem:$0x4150] =	vst v3;
	v0 =	vadd.f32 v5, v0  }
0x55: {  	[tilespmem:$0x4160] =	vst v1  }
0x56: {  	s17 =	simm.s32 $0x0;
	[tilespmem:$0x4170] =	vst v0  }
0x57: {  	v0 =	vld [tilespmem:s17+$0x20F0]  }
0x58: {  	v1 =	vld [tilespmem:s17+$0x2080]  }
0x59: {  	v3 =	vld [tilespmem:s17+$0x2090];
	_ =	sdelay $0x1  }
0x5a: {  	v12 =	vld [tilespmem:s17+$0x20A0]  }
0x5b: {  	v9 =	vimm.f32 $0.0e+00;
	v7 =	vimm.f32 $0.0e+00;
	v10 =	vld [tilespmem:s17+$0x20B0]  }
0x5c: {  	v8 =	vimm.f32 $0.0e+00;
	v4 =	vimm.f32 $0.0e+00;
	v11 =	vld [tilespmem:s17+$0x20C0];
	v0 =	vmax.f32 v0, $0.0e+00  }
0x5d: {  	v5 =	vld [tilespmem:s17+$0x20D0];
	v1 =	vmax.f32 v1, $0.0e+00;
	v13 =	vmax.f32 v3, $0.0e+00;
	v3 =	vimm.f32 $0.0e+00  }
0x5e: {  	s16 =	simm.s32 $0x400;
	s15 =	simm.s32 $0x80;
	v6 =	vld [tilespmem:s17+$0x20E0];
	v0 =	vadd.f32 v0, v4;
	v2 =	vadd.f32 v1, v4;
	v1 =	vimm.f32 $0.0e+00  }
.LBB2_7:
0x5f: {  	p0 =	sne.s32 s16, $0x3E00;
	v14 =	vld [tilespmem:s15+$0x20F0];
	v4 =	vadd.f32 v13, v4;
	v12 =	vmax.f32 v12, $0.0e+00  }
0x60: {  	v13 =	vld [tilespmem:s15+$0x2080];
	v9 =	vadd.f32 v12, v9;
	v10 =	vmax.f32 v10, $0.0e+00  }
0x61: {  	v15 =	vld [tilespmem:s15+$0x2090];
	v7 =	vadd.f32 v10, v7;
	v10 =	vmax.f32 v11, $0.0e+00  }
.Ltmp2:
0x62: {  	v12 =	vld [tilespmem:s15+$0x20A0];
	v8 =	vadd.f32 v10, v8;
	v5 =	vmax.f32 v5, $0.0e+00;
	(pc) =	sbr.rel @p0 .LBB2_7-.Ltmp2, $4  }
0x63: {  	v10 =	vld [tilespmem:s15+$0x20B0];
	v3 =	vadd.f32 v5, v3;
	v5 =	vmax.f32 v6, $0.0e+00  }
0x64: {  	v11 =	vld [tilespmem:s15+$0x20C0];
	v6 =	vmax.f32 v14, $0.0e+00;
	v1 =	vadd.f32 v5, v1  }
0x65: {  	v13 =	vmax.f32 v13, $0.0e+00;
	v5 =	vld [tilespmem:s15+$0x20D0];
	v0 =	vadd.f32 v6, v0  }
0x66: {  	v2 =	vadd.f32 v13, v2;
	v13 =	vmax.f32 v15, $0.0e+00;
	v6 =	vld [tilespmem:s15+$0x20E0];
	s15 =	sshra.s32 s16, $0x2;
	s16 =	sadd.s32 $0x200, s16  }
0x67: {  	v14 =	vld [tilespmem:s15+$0x2080]  }
0x68: {  	v15 =	vld [tilespmem:s15+$0x2090]  }
0x69: {  	v16 =	vld [tilespmem:s15+$0x20A0]  }
0x6a: {  	v12 =	vmax.f32 v12, $0.0e+00;
	v17 =	vld [tilespmem:s15+$0x20B0]  }
0x6b: {  	v4 =	vadd.f32 v13, v4;
	v9 =	vadd.f32 v12, v9;
	v10 =	vmax.f32 v10, $0.0e+00;
	v12 =	vld [tilespmem:s15+$0x20C0]  }
0x6c: {  	v13 =	vld [tilespmem:s15+$0x20D0];
	v7 =	vadd.f32 v10, v7;
	v10 =	vmax.f32 v11, $0.0e+00;
	v11 =	vmax.f32 v14, $0.0e+00  }
0x6d: {  	v8 =	vadd.f32 v10, v8;
	v10 =	vmax.f32 v15, $0.0e+00;
	v2 =	vadd.f32 v11, v2;
	v11 =	vld [tilespmem:s15+$0x20E0]  }
0x6e: {  	v5 =	vmax.f32 v5, $0.0e+00;
	v14 =	vmax.f32 v16, $0.0e+00;
	v4 =	vadd.f32 v10, v4;
	v10 =	vld [tilespmem:s15+$0x20F0]  }
0x6f: {  	v3 =	vadd.f32 v5, v3;
	v5 =	vadd.f32 v14, v9;
	v9 =	vmax.f32 v17, $0.0e+00;
	[tilespmem:$0x4180] =	vst v2  }
0x70: {  	v2 =	vmax.f32 v6, $0.0e+00;
	v6 =	vadd.f32 v9, v7;
	v7 =	vmax.f32 v12, $0.0e+00;
	[tilespmem:$0x4190] =	vst v4  }
0x71: {  	v4 =	vmax.f32 v13, $0.0e+00;
	[tilespmem:$0x41A0] =	vst v5;
	v1 =	vadd.f32 v2, v1;
	v2 =	vadd.f32 v7, v8  }
0x72: {  	v3 =	vadd.f32 v4, v3;
	[tilespmem:$0x41B0] =	vst v6;
	v4 =	vmax.f32 v11, $0.0e+00  }
0x73: {  	v5 =	vmax.f32 v10, $0.0e+00;
	[tilespmem:$0x41C0] =	vst v2;
	v1 =	vadd.f32 v4, v1  }
0x74: {  	[tilespmem:$0x41D0] =	vst v3;
	v0 =	vadd.f32 v5, v0  }
0x75: {  	[tilespmem:$0x41E0] =	vst v1  }
0x76: {  	s17 =	simm.s32 $0x0;
	[tilespmem:$0x41F0] =	vst v0  }
0x77: {  	v0 =	vld [tilespmem:s17+$0x30F0]  }
0x78: {  	v1 =	vld [tilespmem:s17+$0x3080]  }
0x79: {  	v3 =	vld [tilespmem:s17+$0x3090];
	_ =	sdelay $0x1  }
0x7a: {  	v12 =	vld [tilespmem:s17+$0x30A0]  }
0x7b: {  	v9 =	vimm.f32 $0.0e+00;
	v7 =	vimm.f32 $0.0e+00;
	v10 =	vld [tilespmem:s17+$0x30B0]  }
0x7c: {  	v8 =	vimm.f32 $0.0e+00;
	v4 =	vimm.f32 $0.0e+00;
	v11 =	vld [tilespmem:s17+$0x30C0];
	v0 =	vmax.f32 v0, $0.0e+00  }
0x7d: {  	v5 =	vld [tilespmem:s17+$0x30D0];
	v1 =	vmax.f32 v1, $0.0e+00;
	v13 =	vmax.f32 v3, $0.0e+00;
	v3 =	vimm.f32 $0.0e+00  }
0x7e: {  	s16 =	simm.s32 $0x400;
	s15 =	simm.s32 $0x80;
	v6 =	vld [tilespmem:s17+$0x30E0];
	v0 =	vadd.f32 v0, v4;
	v2 =	vadd.f32 v1, v4;
	v1 =	vimm.f32 $0.0e+00  }
.LBB2_9:
0x7f: {  	p0 =	sne.s32 s16, $0x3E00;
	v14 =	vld [tilespmem:s15+$0x30F0];
	v4 =	vadd.f32 v13, v4;
	v12 =	vmax.f32 v12, $0.0e+00  }
0x80: {  	v13 =	vld [tilespmem:s15+$0x3080];
	v9 =	vadd.f32 v12, v9;
	v10 =	vmax.f32 v10, $0.0e+00  }
0x81: {  	v15 =	vld [tilespmem:s15+$0x3090];
	v7 =	vadd.f32 v10, v7;
	v10 =	vmax.f32 v11, $0.0e+00  }
.Ltmp3:
0x82: {  	v12 =	vld [tilespmem:s15+$0x30A0];
	v8 =	vadd.f32 v10, v8;
	v5 =	vmax.f32 v5, $0.0e+00;
	(pc) =	sbr.rel @p0 .LBB2_9-.Ltmp3, $4  }
0x83: {  	v10 =	vld [tilespmem:s15+$0x30B0];
	v3 =	vadd.f32 v5, v3;
	v5 =	vmax.f32 v6, $0.0e+00  }
0x84: {  	v11 =	vld [tilespmem:s15+$0x30C0];
	v6 =	vmax.f32 v14, $0.0e+00;
	v1 =	vadd.f32 v5, v1  }
0x85: {  	v13 =	vmax.f32 v13, $0.0e+00;
	v5 =	vld [tilespmem:s15+$0x30D0];
	v0 =	vadd.f32 v6, v0  }
0x86: {  	v2 =	vadd.f32 v13, v2;
	v13 =	vmax.f32 v15, $0.0e+00;
	v6 =	vld [tilespmem:s15+$0x30E0];
	s15 =	sshra.s32 s16, $0x2;
	s16 =	sadd.s32 $0x200, s16  }
0x87: {  	v14 =	vld [tilespmem:s15+$0x3080]  }
0x88: {  	v15 =	vld [tilespmem:s15+$0x3090]  }
0x89: {  	v16 =	vld [tilespmem:s15+$0x30A0]  }
0x8a: {  	v17 =	vld [tilespmem:s15+$0x30B0]  }
0x8b: {  	v12 =	vmax.f32 v12, $0.0e+00;
	v4 =	vadd.f32 v13, v4;
	v47 =	vld [tilespmem:s15+$0x30C0];
	v10 =	vmax.f32 v10, $0.0e+00  }
0x8c: {  	v50 =	vld [tilespmem:s15+$0x30D0];
	v9 =	vadd.f32 v12, v9;
	v7 =	vadd.f32 v10, v7;
	v49 =	vmax.f32 v14, $0.0e+00  }
0x8d: {  	v53 =	vld [tilespmem:s15+$0x30F0];
	v48 =	vmax.f32 v11, $0.0e+00;
	v51 =	vmax.f32 v15, $0.0e+00;
	v2 =	vadd.f32 v49, v2  }
0x8e: {  	v52 =	vld [tilespmem:s15+$0x30E0];
	v8 =	vadd.f32 v48, v8;
	v54 =	vmax.f32 v16, $0.0e+00;
	v4 =	vadd.f32 v51, v4  }
0x8f: {  	v5 =	vmax.f32 v5, $0.0e+00;
	v56 =	vmax.f32 v17, $0.0e+00;
	v55 =	vadd.f32 v54, v9;
	[tilespmem:$0x4200] =	vst v2  }
0x90: {  	v3 =	vadd.f32 v5, v3;
	v59 =	vmax.f32 v47, $0.0e+00;
	v58 =	vadd.f32 v56, v7;
	[tilespmem:$0x4210] =	vst v4  }
0x91: {  	s31 =	sshll.u32 s14, $0x9;
	v57 =	vmax.f32 v6, $0.0e+00;
	v61 =	vmax.f32 v50, $0.0e+00;
	v60 =	vadd.f32 v59, v8;
	[tilespmem:$0x4220] =	vst v55  }
0x92: {  	s16 =	sadd.s32 s7, s31;
	v1 =	vadd.f32 v57, v1;
	v63 =	vmax.f32 v53, $0.0e+00;
	v3 =	vadd.f32 v61, v3;
	[tilespmem:$0x4230] =	vst v58  }
0x93: {  	s15 =	sand.u32 $0x200, s31;
	s16 =	sand.u32 $0x3FFC00, s16;
	v62 =	vmax.f32 v52, $0.0e+00;
	v0 =	vadd.f32 v63, v0;
	[tilespmem:$0x4240] =	vst v60  }
0x94: {  	s14 =	sadd.s32 $0x1, s14;
	s15 =	sor.u32 s15, s16;
	v1 =	vadd.f32 v62, v1;
	[tilespmem:$0x4250] =	vst v3  }
0x95: {  	p0 =	sne.s32 s14, $0x50;
	s15 =	sshrl.u32 s15, $0x3;
	[tilespmem:$0x4270] =	vst v0  }
.Ltmp4:
0x96: {  	s15 =	sadd.s32 s6, s15;
	[tilespmem:$0x4260] =	vst v1;
	(pc) =	sbr.rel @p0 .LBB2_2-.Ltmp4, $4  }
0x97: {  	[hbm4b:s15+s3] =	stream.linear.scatter [tilespmem:s12], [sflag:$0x2], $0x200, $0x38;
	[tilespmem:$0x4280] =	vst v63  }
0x98: {  	_ =	swait.ge [sflag:s9], $0x200  }
0x99: {  	[sflag:s9] =	ssyncset.done $0x0  }
0x9a: {  	[sflag:s9] =	ssyncadd.s32 $0xFFFFFE00  }
0x9b: {  	s13 =	sadd.s32 $0x1, s13  }
0x9c: {  	p0 =	sne.s32 s13, s8  }
.Ltmp5:
0x9d: {  	_ = 	snop;
	(pc) =	sbr.rel @p0 .LBB2_1-.Ltmp5, $1  }
0x9e: {  	_ =	sdelay $0x3  }
0x9f: {  	_ =	sfence.sel $0x180000  }
0xa0: {  	[bflag:$0x0] =	sbarrier.arrive $0xFFFF  }
0xa1: {  	p0 =	sne.s32 s1, $0x0;
	_ =	strace $0x90000053  }
0xa2: {  	s0 =	sadd.s32 @!p0 $0x100000, s0;
	[bflag:$0x2] =	sbarrier.arrive $0xFFFF  }
0xa3: {  	[sflag:s0] =	ssyncadd.tile.s32 @!p0 $0x1;
	_ =	shalt  }
.Lfunc_end2:
_tile_overlayer_lowered:
.L_overlay_start_2:
0xa4: {  	(tag) =	ssettag $0x2  }
0xa5: {  	s0 =	rddreg [dreg:$0x0];
	s2 =	stileid.u32  }
0xa6: {  	s1 =	rddreg [dreg:$0x1];
	p0 =	sne.s32 s2, $0x0  }
0xa7: {  	s3 =	rddreg [dreg:$0x2];
	[bflag:$0x3] =	sbarrier.arrive $0xFFFF;
	s2 =	simm.s32 @!p0 $0x1C02  }
0xa8: {  	[timem:s3], [sflag:s2] =	dma.local @!p0 [hbm:s0], s1  }
0xa9: {  	s0 =	simm.s32 @!p0 $0x2  }
0xaa: {  	_ =	swait.ge @!p0 [sflag:s0], s1  }
0xab: {  	s1 =	ssub.s32 @!p0 $0x0, s1;
	[sflag:s0] =	ssyncset.done @!p0 $0x0  }
0xac: {  	[sflag:s0] =	ssyncadd.s32 @!p0 s1  }
0xad: {  	[bflag:$0x3] =	sbarrier.arrive $0xFFFF  }
0xae: {  	_ =	shalt  }

// kernel: kernel.29.cloned.1.call-start
scs
__scs_entry_jumppad:
0x0: {  	(pc) =	sbr.rel $0x88, $3  }
0x1: {  	(tag) =	ssettag $0x0;
	lr =	simm.s32 $0x1  }
0x2: {  	[smem:$0x3F98] =	sst lr;
	_ =	strace $0xD0000000  }
0x3: {  	_ = 	snop  }
0x4: {  	_ = 	snop  }
0x5: {  	_ = 	snop  }
0x6: {  	_ = 	snop  }
0x7: {  	_ = 	snop  }
__scs_overlays_trampoline_lowered:
0x8: {  	[smem:$0x3FA7] =	sst s0  }
0x9: {  	[smem:$0x3FA8] =	sst s1  }
0xa: {  	[smem:$0x3FA9] =	sst s2  }
0xb: {  	[smem:$0x3FAA] =	sst s3  }
0xc: {  	[smem:$0x3FAB] =	sst s4  }
0xd: {  	[smem:$0x3FAC] =	sst s5  }
0xe: {  	[smem:$0x3FAD] =	sst s6  }
0xf: {  	[smem:$0x3FAE] =	sst s7  }
0x10: {  	[smem:$0x3FAF] =	sst s8  }
0x11: {  	[smem:$0x3FB0] =	sst s9;
	s0 =	simm.s32 @!p0 $0x0  }
0x12: {  	s1 =	sld [smem:$0x3F96];
	s0 =	simm.s32 @p0 $0x1  }
0x13: {  	[smem:$0x3FB1] =	sst s0;
	s0 =	simm.s32 @!p1 $0x0  }
0x14: {  	s2 =	sld [smem:$0x3F95];
	s0 =	simm.s32 @p1 $0x1  }
0x15: {  	[smem:$0x3FB2] =	sst s0;
	s0 =	simm.s32 @!p2 $0x0  }
0x16: {  	s3 =	sld [smem:$0x3FDB];
	s0 =	simm.s32 @p2 $0x1  }
0x17: {  	s4 =	simm.s32 $0x1BF5;
	[smem:$0x3FB4] =	sst s0  }
0x18: {  	s0 =	sld [smem:$0x3F97];
	_ =	swait.ge [sflag:s4], $0x0  }
0x19: {  	s7 =	sld [smem:$0x3F98]  }
0x1a: {  	s8 =	sadd.s32 $0xFFFFE003, lr  }
0x1b: {  	s9 =	sadd.s32 $0xFFFFFEF7, lr;
	s5 =	simm.s32 $0xFFFFFFFF;
	p2 =	slt.u32 s8, $0xFFFFF086  }
0x1c: {  	p1 =	slt.u32 s9, $0xF7A;
	s5 =	simm.s32 @!p2 $0x0  }
0x1d: {  	s5 =	simm.s32 @p1 $0x1;
	p0 =	seq.s32 s7, s2  }
0x1e: {  	s7 =	smul.u32 @!p0 $0xF7A, s2;
	p2 =	seq.s32 @!p0 s5, $0x0  }
0x1f: {  	s9 =	smul.u32 $0xF7A, s1;
	s8 =	simm.s32 @!p0 $0x1BF5;
	p2 =	por !p2, p0  }
0x20: {  	[sflag:s8] =	ssyncset.s32 @!p0 $0xFFFFF086;
	s6 =	sadd.s32 @!p0 s3, s7;
	s7 =	simm.s32 @!p0 $0x108  }
0x21: {  	s3 =	sadd.s32 s3, s9;
	s6 =	sadd.s32 @!p0 $0x88, s6;
	s7 =	simm.s32 @p2 $0x1082  }
0x22: {  	[simem:s7], [sflag:s8] =	dma.local @!p0 [hbm:s6], $0xF7A  }
0x23: {  	s9 =	sor.u32 $0xD0000000, s2;
	s6 =	simm.s32 $0x108;
	_ =	swait.ge @!p0 [sflag:s8], $0x0  }
0x24: {  	s3 =	sadd.s32 $0x88, s3;
	s6 =	simm.s32 @!p1 $0x1082;
	[sflag:s4] =	ssyncset.s32 $0xFFFFF086  }
0x25: {  	[simem:s6], [sflag:s4] =	dma.local [hbm:s3], $0xF7A  }
0x26: {  	[smem:$0x3F98] =	sst s1;
	(tag) =	ssettag s2;
	_ =	strace s9  }
0x27: {  	s1 =	sld [smem:$0x3FA8]  }
0x28: {  	s2 =	sld [smem:$0x3FA9]  }
0x29: {  	s4 =	sld [smem:$0x3FAB]  }
0x2a: {  	p0 =	seq.s32 s5, $0x0;
	s5 =	sld [smem:$0x3FAC]  }
0x2b: {  	s6 =	sld [smem:$0x3FAD]  }
0x2c: {  	s7 =	sld [smem:$0x3FAE]  }
0x2d: {  	s3 =	simm.s32 $0x108;
	s8 =	sld [smem:$0x3FAF]  }
0x2e: {  	s3 =	simm.s32 @!p0 $0x1082;
	s9 =	sld [smem:$0x3FB0]  }
0x2f: {  	lr =	sadd.s32 s0, s3;
	s0 =	sld [smem:$0x3FA7]  }
0x30: {  	s3 =	sld [smem:$0x3FAA]  }
0x31: {  	[smem:$0x3FB3] =	sst s10  }
0x32: {  	s10 =	sld [smem:$0x3FB1];
	_ =	sdelay $0x3  }
0x33: {  	p0 =	seq.s32 s10, $0x1;
	s10 =	sld [smem:$0x3FB3];
	_ =	sdelay $0x3  }
0x34: {  	[smem:$0x3FB3] =	sst s10  }
0x35: {  	s10 =	sld [smem:$0x3FB2];
	_ =	sdelay $0x3  }
0x36: {  	p1 =	seq.s32 s10, $0x1;
	s10 =	sld [smem:$0x3FB3];
	_ =	sdelay $0x3  }
0x37: {  	[smem:$0x3FB3] =	sst s10  }
0x38: {  	s10 =	sld [smem:$0x3FB4]  }
0x39: {  	_ = 	snop;
	(pc) =	sbr.ind lr, $3  }
0x3a: {  	_ = 	snop  }
0x3b: {  	_ = 	snop  }
0x3c: {  	p2 =	seq.s32 s10, $0x1;
	s10 =	sld [smem:$0x3FB3]  }
0x3d: {  	_ =	shalt  }
0x3e: {  	_ =	shalt  }
0x3f: {  	_ =	shalt  }
0x40: {  	_ =	shalt  }
0x41: {  	_ =	shalt  }
0x42: {  	_ =	shalt  }
0x43: {  	_ =	shalt  }
0x44: {  	_ =	shalt  }
0x45: {  	_ =	shalt  }
0x46: {  	_ =	shalt  }
0x47: {  	_ =	shalt  }
0x48: {  	_ =	shalt  }
0x49: {  	_ =	shalt  }
0x4a: {  	_ =	shalt  }
0x4b: {  	_ =	shalt  }
0x4c: {  	_ =	shalt  }
0x4d: {  	_ =	shalt  }
0x4e: {  	_ =	shalt  }
0x4f: {  	_ =	shalt  }
0x50: {  	_ =	shalt  }
0x51: {  	_ =	shalt  }
0x52: {  	_ =	shalt  }
0x53: {  	_ =	shalt  }
0x54: {  	_ =	shalt  }
0x55: {  	_ =	shalt  }
0x56: {  	_ =	shalt  }
0x57: {  	_ =	shalt  }
0x58: {  	_ =	shalt  }
0x59: {  	_ =	shalt  }
0x5a: {  	_ =	shalt  }
0x5b: {  	_ =	shalt  }
0x5c: {  	_ =	shalt  }
0x5d: {  	_ =	shalt  }
0x5e: {  	_ =	shalt  }
0x5f: {  	_ =	shalt  }
0x60: {  	_ =	shalt  }
0x61: {  	_ =	shalt  }
0x62: {  	_ =	shalt  }
0x63: {  	_ =	shalt  }
0x64: {  	_ =	shalt  }
0x65: {  	_ =	shalt  }
0x66: {  	_ =	shalt  }
0x67: {  	_ =	shalt  }
0x68: {  	_ =	shalt  }
0x69: {  	_ =	shalt  }
0x6a: {  	_ =	shalt  }
0x6b: {  	_ =	shalt  }
0x6c: {  	_ =	shalt  }
0x6d: {  	_ =	shalt  }
0x6e: {  	_ =	shalt  }
0x6f: {  	_ =	shalt  }
0x70: {  	_ =	shalt  }
0x71: {  	_ =	shalt  }
0x72: {  	_ =	shalt  }
0x73: {  	_ =	shalt  }
0x74: {  	_ =	shalt  }
0x75: {  	_ =	shalt  }
0x76: {  	_ =	shalt  }
0x77: {  	_ =	shalt  }
0x78: {  	_ =	shalt  }
0x79: {  	_ =	shalt  }
0x7a: {  	_ =	shalt  }
0x7b: {  	_ =	shalt  }
0x7c: {  	_ =	shalt  }
0x7d: {  	_ =	shalt  }
0x7e: {  	_ =	shalt  }
0x7f: {  	_ =	shalt  }
0x80: {  	_ =	shalt  }
0x81: {  	_ =	shalt  }
0x82: {  	_ =	shalt  }
0x83: {  	_ =	shalt  }
0x84: {  	_ =	shalt  }
0x85: {  	_ =	shalt  }
0x86: {  	_ =	shalt  }
0x87: {  	_ =	shalt  }
.Lfunc_end0:
.L_simem_size_0:
called_computation.5_lowered:
.L_overlay_start_0:
0x88: {  	s2 =	sld [smem:$0x3FD9]  }
0x89: {  	s3 =	sld [smem:$0x3FFE];
	_ =	sdelay $0x1  }
0x8a: {  	s1 =	srdreg.scid  }
0x8b: {  	s0 =	sand.u32 $0x1, s1  }
0x8c: {  	s17 =	sshll.u32 s0, $0xA;
	s2 =	sadd.s32 s3, s2  }
0x8d: {  	s2 =	sadd.s32 s2, s17  }
0x8e: {  	[smem:$0x3FBF] =	sst s2  }
0x8f: {  	_ = 	snop  }
0x90: {  	s2 =	sld [smem:$0x3FC6]  }
0x91: {  	s18 =	sld [smem:$0x3FC5];
	(tm) =	ssettm $0x1  }
0x92: {  	s4 =	sld [smem:$0x3FFB];
	_ =	sdelay $0x3  }
0x93: {  	_ =	strace s4  }
0x94: {  	s4 =	sld [smem:$0x3FFC];
	_ =	sdelay $0x3  }
0x95: {  	_ =	strace s4  }
0x96: {  	s4 =	sld [smem:$0x3FFD];
	_ =	sdelay $0x3  }
0x97: {  	_ =	strace s4  }
0x98: {  	_ =	strace $0x8FFFFFFF  }
0x99: {  	s19 =	sld [smem:$0x3FDB];
	_ =	sdelay $0x1  }
0x9a: {  	s5 =	simm.s32 $_scs_section_size  }
0x9b: {  	s6 =	simm.s32 $_size__tile_overlayer_lowered;
	s7 =	simm.s32 $_tile_overlayer_lowered  }
0x9c: {  	s22 =	simm.s32 $0x1BFF;
	s21 =	sshll.u32 s7, $0x1;
	s4 =	sadd.s32 s5, s19  }
0x9d: {  	s8 =	simm.s32 $0x0;
	s20 =	sshll.u32 s6, $0x1;
	s6 =	sadd.s32 s21, s4  }
0x9e: {  	[timem:s8], [sflag:s22] =	dma.local [hbm:s6], s20  }
0x9f: {  	_ =	swait.ge [sflag:s22], s20  }
0xa0: {  	s5 =	ssub.s32 $0x0, s20;
	[sflag:s22] =	ssyncset.done $0x0  }
0xa1: {  	[sflag:s22] =	ssyncadd.s32 s5;
	_ =	sdelay $0x1  }
0xa2: {  	s23 =	simm.s32 $0x1B8B  }
0xa3: {  	_ =	swait.ge [sflag:s23], $0x1  }
0xa4: {  	[sflag:s23] =	ssyncset.done $0x0  }
0xa5: {  	s25 =	simm.s32 $0x1B8E;
	s24 =	sld [smem:$0x3FFE];
	[sflag:s23] =	ssyncadd.s32 $0xFFFFFFFF  }
0xa6: {  	s26 =	simm.s32 $execute0_lowered;
	[smem:$0x3FD2] =	sst s25  }
0xa7: {  	s6 =	sshll.u32 s26, $0x1;
	_ =	strace $0x80000055;
	[dreg:$0x1] =	wrdreg $0xFFFFFFFF  }
0xa8: {  	s28 =	simm.s32 $_size_execute0_lowered;
	s4 =	sadd.s32 s4, s6;
	[dreg:$0x0] =	wrdreg $0x0  }
0xa9: {  	s6 =	sshll.u32 s28, $0x1;
	[dreg:$0x2] =	wrdreg s4  }
0xaa: {  	[dreg:$0x3] =	wrdreg s6  }
0xab: {  	[dreg:$0x4] =	wrdreg $0xC0  }
0xac: {  	_ =	task [dreg:s8], $0x5FFFF  }
0xad: {  	[dreg:$0x1] =	wrdreg $0xFFFFFFFF  }
0xae: {  	[dreg:$0x0] =	wrdreg $0x60  }
0xaf: {  	[dreg:$0x2] =	wrdreg s24  }
0xb0: {  	[dreg:$0x3] =	wrdreg s2  }
0xb1: {  	[dreg:$0x4] =	wrdreg s18  }
0xb2: {  	[dreg:$0x5] =	wrdreg $0x9  }
0xb3: {  	_ =	task.clear_ibuf [dreg:s8], $0x6FFFF;
	_ =	strace $0x90000055  }
0xb4: {  	s29 =	simm.s32 $0x9;
	_ =	strace $0x80000057  }
0xb5: {  	_ =	swait.ge [sflag:s29], $0x1  }
0xb6: {  	[sflag:s29] =	ssyncadd.s32 $0xFFFFFFFF  }
0xb7: {  	_ =	strace $0x90000057  }
0xb8: {  	_ =	sfence  }
0xb9: {  	s30 =	sld [smem:$0x0];
	_ =	sdelay $0x2  }
0xba: {  	s31 =	sshll.u32 s1, $0xD;
	s1 =	sshrl.u32 s1, $0x2  }
0xbb: {  	s3 =	sand.u32 $0x4000, s31;
	s1 =	sadd.s32 s1, s30  }
0xbc: {  	s0 =	sor.u32 s3, s0;
	s1 =	sshll.u32 s1, $0x11  }
0xbd: {  	s0 =	sor.u32 s1, s0  }
0xbe: {  	s0 =	sadd.s32 $0x8F2B, s0  }
0xbf: {  	[sflag:s0] =	ssyncadd.remote.s32 $0x1  }
0xc0: {  	_ =	sfence.sel $0xFFFF  }
0xc1: {  	[dreg:$0x0] =	wrdreg $0xFFFFFFFF;
	(pc) =	sbr.abs _section_cstart, $3  }
0xc2: {  	[dreg:$0x1] =	wrdreg $0xFFFFFFFF  }
0xc3: {  	_ =	task.clear_ibuf [dreg:s8], $0x2FFFF;
	_ =	strace $0x9FFFFFFF  }
0xc4: {  	(tm) =	ssettm $0x7FFFFFFF  }
0xc5: {  	_ =	shalt  }
tec
execute0_lowered:
.L_overlay_start_1:
0x0: {  	(tag) =	ssettag $0x1  }
0x1: {  	s7 =	rddreg [dreg:$0x0]  }
0x2: {  	s1 =	rddreg [dreg:$0x1]  }
0x3: {  	s2 =	rddreg [dreg:$0x2]  }
0x4: {  	s0 =	rddreg [dreg:$0x3]  }
0x5: {  	s4 =	simm.s32 $0x0;
	s5 =	srdreg.scid;
	s3 =	stileid.u32  }
0x6: {  	s12 =	simm.s32 $0x50;
	s13 =	simm.s32 $0x100;
	s14 =	simm.s32 $0x2900  }
0x7: {  	s15 =	simm.s32 $0x1;
	s16 =	simm.s32 $0x5100;
	s17 =	simm.s32 $0x0  }
0x8: {  	[smem:$0x7FF] =	sst s4;
	s8 =	sand.u32 $0x1, s5;
	s5 =	sadd.s32 $0xEA9400, s7  }
0x9: {  	s10 =	sshll.u32 s3, $0x1;
	s6 =	sadd.s32 $0x3400, s7;
	s9 =	ssub.s32 $0x2, s8  }
0xa: {  	s7 =	sadd.s32 $0x2B400, s7;
	_ =	strace $0x80000056;
	s11 =	sshrl.u32 s9, $0x1  }
0xb: {  	s8 =	sor.u32 s8, s10;
	s10 =	simm.s32 $0x2;
	s9 =	ssub.s32 s9, s11  }
0xc: {  	s8 =	smul.u32 $0x2710, s8;
	s11 =	simm.s32 $0x80;
	s9 =	smax.u32 s9, $0x1  }
.LBB2_1:
0xd: {  	s18 =	simm.s32 $0x0  }
.LBB2_2:
0xe: {  	s19 =	smul.u32 $0x50, s18;
	_ =	sdelay $0x1  }
0xf: {  	s19 =	sadd.s32 s8, s19  }
0x10: {  	s20 =	sshrl.u32 s19, $0x3  }
0x11: {  	s22 =	simm.s32 $0x0;
	s21 =	sadd.s32 s1, s20  }
0x12: {  	[tilespmem:s22], [sflag:$0x2] =	stream.linear.gather [hbm4b:s21+s22], $0x50, $0x38;
	[tilespmem:$0x7900] =	vst v63  }
0x13: {  	_ =	swait.ge [sflag:s10], $0x50  }
0x14: {  	[sflag:s10] =	ssyncset.done $0x0  }
0x15: {  	s20 =	sadd.s32 s2, s20;
	[sflag:s10] =	ssyncadd.s32 $0xFFFFFFB0  }
0x16: {  	[tilespmem:s11], [sflag:$0x2] =	stream.linear.gather [hbm4b:s20+s22], $0x50, $0x38;
	[tilespmem:$0x7900] =	vst v63  }
0x17: {  	_ =	swait.ge [sflag:s10], $0x50  }
0x18: {  	[sflag:s10] =	ssyncset.done $0x0  }
0x19: {  	[sflag:s10] =	ssyncadd.s32 $0xFFFFFFB0  }
0x1a: {  	[tilespmem:s13], [sflag:$0x1] =	stream.indirect.gather [hbm4b:s6+s12], $0x80, s22, s12, $0xb8;
	[tilespmem:$0x7900] =	vst v63  }
0x1b: {  	_ = 	snop  }
0x1c: {  	[tilespmem:s14], [sflag:$0x1] =	stream.indirect.gather [hbm4b:s5+s12], $0x80, s11, s12, $0xb8;
	[tilespmem:$0x7900] =	vst v63  }
0x1d: {  	_ =	swait.ge [sflag:s15], $0x2800  }
0x1e: {  	[sflag:s15] =	ssyncset.done $0x0  }
0x1f: {  	[sflag:s15] =	ssyncadd.s32 $0xFFFFD800  }
0x20: {  	_ =	swait.ge [sflag:s15], $0x2800  }
0x21: {  	[sflag:s15] =	ssyncset.done $0x0  }
0x22: {  	s20 =	simm.s32 $0x0;
	[sflag:s15] =	ssyncadd.s32 $0xFFFFD800  }
0x23: {  	v0 =	vld [tilespmem:s20+$0x2970]  }
0x24: {  	v1 =	vld [tilespmem:s20+$0x170]  }
0x25: {  	v2 =	vld [tilespmem:s20+$0x2900]  }
0x26: {  	v4 =	vld [tilespmem:s20+$0x2910]  }
0x27: {  	v5 =	vld [tilespmem:s20+$0x2920]  }
0x28: {  	v6 =	vld [tilespmem:s20+$0x2930]  }
0x29: {  	v9 =	vld [tilespmem:s20+$0x2940];
	v0 =	vmax.f32 v0, $0.0e+00  }
0x2a: {  	v11 =	vld [tilespmem:s20+$0x2960];
	v0 =	vsub.f32 v1, v0  }
0x2b: {  	v12 =	vld [tilespmem:s20+$0x110]  }
0x2c: {  	[tilespmem:s20+$0x5170] =	vst v0;
	v0 =	vld [tilespmem:s20+$0x100]  }
0x2d: {  	v1 =	vld [tilespmem:s20+$0x2950]  }
0x2e: {  	v8 =	vld [tilespmem:s20+$0x120]  }
0x2f: {  	v3 =	vld [tilespmem:s20+$0x130]  }
0x30: {  	v10 =	vmax.f32 v2, $0.0e+00;
	v13 =	vmax.f32 v4, $0.0e+00;
	v7 =	vmax.f32 v5, $0.0e+00;
	v5 =	vld [tilespmem:s20+$0x140]  }
0x31: {  	v4 =	vmax.f32 v6, $0.0e+00;
	v2 =	vmax.f32 v9, $0.0e+00;
	v6 =	vld [tilespmem:s20+$0x150];
	v10 =	vsub.f32 v0, v10  }
0x32: {  	s21 =	simm.s32 $0x80;
	s22 =	simm.s32 $0x400;
	v9 =	vld [tilespmem:s20+$0x160];
	v1 =	vmax.f32 v1, $0.0e+00;
	v0 =	vmax.f32 v11, $0.0e+00;
	v11 =	vsub.f32 v12, v13  }
.LBB2_3:
0x33: {  	p0 =	sne.s32 s22, $0x9E00;
	v12 =	vld [tilespmem:s21+$0x2970];
	[tilespmem:s20+$0x5100] =	vst v10;
	v7 =	vsub.f32 v8, v7  }
0x34: {  	v8 =	vld [tilespmem:s21+$0x170];
	[tilespmem:s20+$0x5110] =	vst v11;
	v3 =	vsub.f32 v3, v4  }
0x35: {  	v4 =	vld [tilespmem:s21+$0x2900];
	[tilespmem:s20+$0x5120] =	vst v7;
	v2 =	vsub.f32 v5, v2  }
0x36: {  	v5 =	vld [tilespmem:s21+$0x2910];
	[tilespmem:s20+$0x5130] =	vst v3;
	v1 =	vsub.f32 v6, v1  }
0x37: {  	v3 =	vld [tilespmem:s21+$0x2920];
	[tilespmem:s20+$0x5140] =	vst v2;
	v0 =	vsub.f32 v9, v0  }
0x38: {  	v2 =	vld [tilespmem:s21+$0x2930];
	v6 =	vmax.f32 v12, $0.0e+00;
	[tilespmem:s20+$0x5150] =	vst v1  }
0x39: {  	v1 =	vld [tilespmem:s21+$0x2940];
	v6 =	vsub.f32 v8, v6;
	[tilespmem:s20+$0x5160] =	vst v0;
	s20 =	smov.u32 s21  }
0x3a: {  	v9 =	vmax.f32 v4, $0.0e+00;
	v0 =	vld [tilespmem:s20+$0x2950]  }
0x3b: {  	v11 =	vmax.f32 v5, $0.0e+00;
	v10 =	vld [tilespmem:s20+$0x2960];
	[tilespmem:s20+$0x5170] =	vst v6  }
0x3c: {  	v6 =	vld [tilespmem:s20+$0x100];
	v7 =	vmax.f32 v3, $0.0e+00  }
0x3d: {  	v12 =	vld [tilespmem:s20+$0x110];
	v4 =	vmax.f32 v2, $0.0e+00  }
.Ltmp0:
0x3e: {  	v8 =	vld [tilespmem:s20+$0x120];
	v2 =	vmax.f32 v1, $0.0e+00;
	(pc) =	sbr.rel @p0 .LBB2_3-.Ltmp0, $4  }
0x3f: {  	v3 =	vld [tilespmem:s20+$0x130];
	v1 =	vmax.f32 v0, $0.0e+00  }
0x40: {  	v5 =	vld [tilespmem:s20+$0x140];
	v0 =	vmax.f32 v10, $0.0e+00  }
0x41: {  	v10 =	vsub.f32 v6, v9;
	v6 =	vld [tilespmem:s20+$0x150]  }
0x42: {  	s21 =	sshra.s32 s22, $0x2;
	s22 =	sadd.s32 $0x200, s22;
	v11 =	vsub.f32 v12, v11;
	v9 =	vld [tilespmem:s20+$0x160]  }
0x43: {  	v12 =	vld [tilespmem:s21+$0x2970];
	[tilespmem:s20+$0x5100] =	vst v10;
	v7 =	vsub.f32 v8, v7  }
0x44: {  	v10 =	vld [tilespmem:s21+$0x170];
	[tilespmem:s20+$0x5110] =	vst v11;
	v3 =	vsub.f32 v3, v4  }
0x45: {  	v47 =	vld [tilespmem:s21+$0x2900];
	[tilespmem:s20+$0x5120] =	vst v7;
	v2 =	vsub.f32 v5, v2  }
0x46: {  	v48 =	vld [tilespmem:s21+$0x2910];
	[tilespmem:s20+$0x5130] =	vst v3;
	v1 =	vsub.f32 v6, v1  }
0x47: {  	v3 =	vld [tilespmem:s21+$0x2920];
	[tilespmem:s20+$0x5140] =	vst v2;
	v0 =	vsub.f32 v9, v0  }
0x48: {  	v2 =	vld [tilespmem:s21+$0x2930];
	[tilespmem:s20+$0x5150] =	vst v1  }
0x49: {  	v1 =	vld [tilespmem:s21+$0x2940];
	[tilespmem:s20+$0x5160] =	vst v0  }
0x4a: {  	v51 =	vld [tilespmem:s21+$0x2950]  }
0x4b: {  	v52 =	vld [tilespmem:s21+$0x2960]  }
0x4c: {  	v53 =	vld [tilespmem:s21+$0x100]  }
0x4d: {  	v7 =	vld [tilespmem:s21+$0x110]  }
0x4e: {  	v54 =	vld [tilespmem:s21+$0x120]  }
0x4f: {  	v49 =	vmax.f32 v12, $0.0e+00;
	v55 =	vld [tilespmem:s21+$0x130]  }
0x50: {  	v50 =	vsub.f32 v10, v49;
	v8 =	vmax.f32 v47, $0.0e+00;
	v11 =	vld [tilespmem:s21+$0x140]  }
0x51: {  	v56 =	vld [tilespmem:s21+$0x150];
	v4 =	vmax.f32 v48, $0.0e+00;
	v0 =	vsub.f32 v53, v8  }
0x52: {  	v57 =	vld [tilespmem:s21+$0x160];
	[tilespmem:s21+$0x5170] =	vst v50;
	v3 =	vmax.f32 v3, $0.0e+00;
	v4 =	vsub.f32 v7, v4  }
0x53: {  	v2 =	vmax.f32 v2, $0.0e+00;
	v58 =	vsub.f32 v54, v3;
	[tilespmem:s21+$0x5100] =	vst v0  }
0x54: {  	v1 =	vmax.f32 v1, $0.0e+00;
	v2 =	vsub.f32 v55, v2;
	[tilespmem:s21+$0x5110] =	vst v4  }
0x55: {  	v59 =	vmax.f32 v51, $0.0e+00;
	v60 =	vsub.f32 v11, v1;
	[tilespmem:s21+$0x5120] =	vst v58  }
0x56: {  	v61 =	vmax.f32 v52, $0.0e+00;
	v62 =	vsub.f32 v56, v59;
	[tilespmem:s21+$0x5130] =	vst v2  }
0x57: {  	s18 =	sadd.s32 $0x1, s18;
	v63 =	vsub.f32 v57, v61;
	[tilespmem:s21+$0x5140] =	vst v60  }
0x58: {  	s19 =	sshll.u32 s19, $0x4;
	p0 =	sne.s32 s18, $0x7D;
	[tilespmem:s21+$0x5150] =	vst v62  }
.Ltmp1:
0x59: {  	s19 =	sadd.s32 s7, s19;
	[tilespmem:s21+$0x5160] =	vst v63;
	(pc) =	sbr.rel @p0 .LBB2_2-.Ltmp1, $4  }
0x5a: {  	[hbm4b:s19+s4] =	stream.linear.scatter [tilespmem:s16], [sflag:$0x2], $0x2800, $0x38;
	[tilespmem:$0x7900] =	vst v63  }
0x5b: {  	_ =	swait.ge [sflag:s10], $0x2800  }
0x5c: {  	[sflag:s10] =	ssyncset.done $0x0  }
0x5d: {  	[sflag:s10] =	ssyncadd.s32 $0xFFFFD800  }
0x5e: {  	s17 =	sadd.s32 $0x1, s17  }
0x5f: {  	p0 =	sne.s32 s17, s9  }
.Ltmp2:
0x60: {  	_ = 	snop;
	(pc) =	sbr.rel @p0 .LBB2_1-.Ltmp2, $1  }
0x61: {  	_ =	sdelay $0x3  }
0x62: {  	_ =	sfence.sel $0x180000  }
0x63: {  	[bflag:$0x0] =	sbarrier.arrive $0xFFFF  }
0x64: {  	p0 =	sne.s32 s3, $0x0;
	_ =	strace $0x90000056  }
0x65: {  	s0 =	sadd.s32 @!p0 $0x100000, s0;
	[bflag:$0x2] =	sbarrier.arrive $0xFFFF  }
0x66: {  	[sflag:s0] =	ssyncadd.tile.s32 @!p0 $0x1;
	_ =	shalt  }
.Lfunc_end2:
_tile_overlayer_lowered:
.L_overlay_start_2:
0x67: {  	(tag) =	ssettag $0x2  }
0x68: {  	s0 =	rddreg [dreg:$0x0];
	s2 =	stileid.u32  }
0x69: {  	s1 =	rddreg [dreg:$0x1];
	p0 =	sne.s32 s2, $0x0  }
0x6a: {  	s3 =	rddreg [dreg:$0x2];
	[bflag:$0x3] =	sbarrier.arrive $0xFFFF;
	s2 =	simm.s32 @!p0 $0x1C02  }
0x6b: {  	[timem:s3], [sflag:s2] =	dma.local @!p0 [hbm:s0], s1  }
0x6c: {  	s0 =	simm.s32 @!p0 $0x2  }
0x6d: {  	_ =	swait.ge @!p0 [sflag:s0], s1  }
0x6e: {  	s1 =	ssub.s32 @!p0 $0x0, s1;
	[sflag:s0] =	ssyncset.done @!p0 $0x0  }
0x6f: {  	[sflag:s0] =	ssyncadd.s32 @!p0 s1  }
0x70: {  	[bflag:$0x3] =	sbarrier.arrive $0xFFFF  }
0x71: {  	_ =	shalt  }

// kernel: kernel.32.cloned.1.call-start
scs
__scs_entry_jumppad:
0x0: {  	(pc) =	sbr.rel $0x88, $3  }
0x1: {  	(tag) =	ssettag $0x0;
	lr =	simm.s32 $0x1  }
0x2: {  	[smem:$0x3F98] =	sst lr;
	_ =	strace $0xD0000000  }
0x3: {  	_ = 	snop  }
0x4: {  	_ = 	snop  }
0x5: {  	_ = 	snop  }
0x6: {  	_ = 	snop  }
0x7: {  	_ = 	snop  }
__scs_overlays_trampoline_lowered:
0x8: {  	[smem:$0x3FA7] =	sst s0  }
0x9: {  	[smem:$0x3FA8] =	sst s1  }
0xa: {  	[smem:$0x3FA9] =	sst s2  }
0xb: {  	[smem:$0x3FAA] =	sst s3  }
0xc: {  	[smem:$0x3FAB] =	sst s4  }
0xd: {  	[smem:$0x3FAC] =	sst s5  }
0xe: {  	[smem:$0x3FAD] =	sst s6  }
0xf: {  	[smem:$0x3FAE] =	sst s7  }
0x10: {  	[smem:$0x3FAF] =	sst s8  }
0x11: {  	[smem:$0x3FB0] =	sst s9;
	s0 =	simm.s32 @!p0 $0x0  }
0x12: {  	s1 =	sld [smem:$0x3F96];
	s0 =	simm.s32 @p0 $0x1  }
0x13: {  	[smem:$0x3FB1] =	sst s0;
	s0 =	simm.s32 @!p1 $0x0  }
0x14: {  	s2 =	sld [smem:$0x3F95];
	s0 =	simm.s32 @p1 $0x1  }
0x15: {  	[smem:$0x3FB2] =	sst s0;
	s0 =	simm.s32 @!p2 $0x0  }
0x16: {  	s3 =	sld [smem:$0x3FDB];
	s0 =	simm.s32 @p2 $0x1  }
0x17: {  	s4 =	simm.s32 $0x1BF5;
	[smem:$0x3FB4] =	sst s0  }
0x18: {  	s0 =	sld [smem:$0x3F97];
	_ =	swait.ge [sflag:s4], $0x0  }
0x19: {  	s7 =	sld [smem:$0x3F98]  }
0x1a: {  	s8 =	sadd.s32 $0xFFFFE003, lr  }
0x1b: {  	s9 =	sadd.s32 $0xFFFFFEF7, lr;
	s5 =	simm.s32 $0xFFFFFFFF;
	p2 =	slt.u32 s8, $0xFFFFF086  }
0x1c: {  	p1 =	slt.u32 s9, $0xF7A;
	s5 =	simm.s32 @!p2 $0x0  }
0x1d: {  	s5 =	simm.s32 @p1 $0x1;
	p0 =	seq.s32 s7, s2  }
0x1e: {  	s7 =	smul.u32 @!p0 $0xF7A, s2;
	p2 =	seq.s32 @!p0 s5, $0x0  }
0x1f: {  	s9 =	smul.u32 $0xF7A, s1;
	s8 =	simm.s32 @!p0 $0x1BF5;
	p2 =	por !p2, p0  }
0x20: {  	[sflag:s8] =	ssyncset.s32 @!p0 $0xFFFFF086;
	s6 =	sadd.s32 @!p0 s3, s7;
	s7 =	simm.s32 @!p0 $0x108  }
0x21: {  	s3 =	sadd.s32 s3, s9;
	s6 =	sadd.s32 @!p0 $0x88, s6;
	s7 =	simm.s32 @p2 $0x1082  }
0x22: {  	[simem:s7], [sflag:s8] =	dma.local @!p0 [hbm:s6], $0xF7A  }
0x23: {  	s9 =	sor.u32 $0xD0000000, s2;
	s6 =	simm.s32 $0x108;
	_ =	swait.ge @!p0 [sflag:s8], $0x0  }
0x24: {  	s3 =	sadd.s32 $0x88, s3;
	s6 =	simm.s32 @!p1 $0x1082;
	[sflag:s4] =	ssyncset.s32 $0xFFFFF086  }
0x25: {  	[simem:s6], [sflag:s4] =	dma.local [hbm:s3], $0xF7A  }
0x26: {  	[smem:$0x3F98] =	sst s1;
	(tag) =	ssettag s2;
	_ =	strace s9  }
0x27: {  	s1 =	sld [smem:$0x3FA8]  }
0x28: {  	s2 =	sld [smem:$0x3FA9]  }
0x29: {  	s4 =	sld [smem:$0x3FAB]  }
0x2a: {  	p0 =	seq.s32 s5, $0x0;
	s5 =	sld [smem:$0x3FAC]  }
0x2b: {  	s6 =	sld [smem:$0x3FAD]  }
0x2c: {  	s7 =	sld [smem:$0x3FAE]  }
0x2d: {  	s3 =	simm.s32 $0x108;
	s8 =	sld [smem:$0x3FAF]  }
0x2e: {  	s3 =	simm.s32 @!p0 $0x1082;
	s9 =	sld [smem:$0x3FB0]  }
0x2f: {  	lr =	sadd.s32 s0, s3;
	s0 =	sld [smem:$0x3FA7]  }
0x30: {  	s3 =	sld [smem:$0x3FAA]  }
0x31: {  	[smem:$0x3FB3] =	sst s10  }
0x32: {  	s10 =	sld [smem:$0x3FB1];
	_ =	sdelay $0x3  }
0x33: {  	p0 =	seq.s32 s10, $0x1;
	s10 =	sld [smem:$0x3FB3];
	_ =	sdelay $0x3  }
0x34: {  	[smem:$0x3FB3] =	sst s10  }
0x35: {  	s10 =	sld [smem:$0x3FB2];
	_ =	sdelay $0x3  }
0x36: {  	p1 =	seq.s32 s10, $0x1;
	s10 =	sld [smem:$0x3FB3];
	_ =	sdelay $0x3  }
0x37: {  	[smem:$0x3FB3] =	sst s10  }
0x38: {  	s10 =	sld [smem:$0x3FB4]  }
0x39: {  	_ = 	snop;
	(pc) =	sbr.ind lr, $3  }
0x3a: {  	_ = 	snop  }
0x3b: {  	_ = 	snop  }
0x3c: {  	p2 =	seq.s32 s10, $0x1;
	s10 =	sld [smem:$0x3FB3]  }
0x3d: {  	_ =	shalt  }
0x3e: {  	_ =	shalt  }
0x3f: {  	_ =	shalt  }
0x40: {  	_ =	shalt  }
0x41: {  	_ =	shalt  }
0x42: {  	_ =	shalt  }
0x43: {  	_ =	shalt  }
0x44: {  	_ =	shalt  }
0x45: {  	_ =	shalt  }
0x46: {  	_ =	shalt  }
0x47: {  	_ =	shalt  }
0x48: {  	_ =	shalt  }
0x49: {  	_ =	shalt  }
0x4a: {  	_ =	shalt  }
0x4b: {  	_ =	shalt  }
0x4c: {  	_ =	shalt  }
0x4d: {  	_ =	shalt  }
0x4e: {  	_ =	shalt  }
0x4f: {  	_ =	shalt  }
0x50: {  	_ =	shalt  }
0x51: {  	_ =	shalt  }
0x52: {  	_ =	shalt  }
0x53: {  	_ =	shalt  }
0x54: {  	_ =	shalt  }
0x55: {  	_ =	shalt  }
0x56: {  	_ =	shalt  }
0x57: {  	_ =	shalt  }
0x58: {  	_ =	shalt  }
0x59: {  	_ =	shalt  }
0x5a: {  	_ =	shalt  }
0x5b: {  	_ =	shalt  }
0x5c: {  	_ =	shalt  }
0x5d: {  	_ =	shalt  }
0x5e: {  	_ =	shalt  }
0x5f: {  	_ =	shalt  }
0x60: {  	_ =	shalt  }
0x61: {  	_ =	shalt  }
0x62: {  	_ =	shalt  }
0x63: {  	_ =	shalt  }
0x64: {  	_ =	shalt  }
0x65: {  	_ =	shalt  }
0x66: {  	_ =	shalt  }
0x67: {  	_ =	shalt  }
0x68: {  	_ =	shalt  }
0x69: {  	_ =	shalt  }
0x6a: {  	_ =	shalt  }
0x6b: {  	_ =	shalt  }
0x6c: {  	_ =	shalt  }
0x6d: {  	_ =	shalt  }
0x6e: {  	_ =	shalt  }
0x6f: {  	_ =	shalt  }
0x70: {  	_ =	shalt  }
0x71: {  	_ =	shalt  }
0x72: {  	_ =	shalt  }
0x73: {  	_ =	shalt  }
0x74: {  	_ =	shalt  }
0x75: {  	_ =	shalt  }
0x76: {  	_ =	shalt  }
0x77: {  	_ =	shalt  }
0x78: {  	_ =	shalt  }
0x79: {  	_ =	shalt  }
0x7a: {  	_ =	shalt  }
0x7b: {  	_ =	shalt  }
0x7c: {  	_ =	shalt  }
0x7d: {  	_ =	shalt  }
0x7e: {  	_ =	shalt  }
0x7f: {  	_ =	shalt  }
0x80: {  	_ =	shalt  }
0x81: {  	_ =	shalt  }
0x82: {  	_ =	shalt  }
0x83: {  	_ =	shalt  }
0x84: {  	_ =	shalt  }
0x85: {  	_ =	shalt  }
0x86: {  	_ =	shalt  }
0x87: {  	_ =	shalt  }
.Lfunc_end0:
.L_simem_size_0:
called_computation.6_lowered:
.L_overlay_start_0:
0x88: {  	s2 =	sld [smem:$0x3FD9]  }
0x89: {  	s3 =	sld [smem:$0x3FFE];
	_ =	sdelay $0x1  }
0x8a: {  	s1 =	srdreg.scid  }
0x8b: {  	s0 =	sand.u32 $0x1, s1  }
0x8c: {  	s17 =	sshll.u32 s0, $0xA;
	s2 =	sadd.s32 s3, s2  }
0x8d: {  	s2 =	sadd.s32 s2, s17  }
0x8e: {  	[smem:$0x3FBF] =	sst s2  }
0x8f: {  	_ = 	snop  }
0x90: {  	s2 =	sld [smem:$0x3FD0];
	(tm) =	ssettm $0x1  }
0x91: {  	s18 =	sld [smem:$0x3FFB];
	_ =	sdelay $0x3  }
0x92: {  	_ =	strace s18  }
0x93: {  	s3 =	sld [smem:$0x3FFC];
	_ =	sdelay $0x3  }
0x94: {  	_ =	strace s3  }
0x95: {  	s3 =	sld [smem:$0x3FFD];
	_ =	sdelay $0x3  }
0x96: {  	_ =	strace s3  }
0x97: {  	_ =	strace $0x8FFFFFFF  }
0x98: {  	s19 =	sld [smem:$0x3FDB];
	_ =	sdelay $0x1  }
0x99: {  	s4 =	simm.s32 $_scs_section_size  }
0x9a: {  	s5 =	simm.s32 $_size__tile_overlayer_lowered;
	s6 =	simm.s32 $_tile_overlayer_lowered  }
0x9b: {  	s22 =	simm.s32 $0x1BFF;
	s21 =	sshll.u32 s6, $0x1;
	s3 =	sadd.s32 s4, s19  }
0x9c: {  	s7 =	simm.s32 $0x0;
	s20 =	sshll.u32 s5, $0x1;
	s5 =	sadd.s32 s21, s3  }
0x9d: {  	[timem:s7], [sflag:s22] =	dma.local [hbm:s5], s20  }
0x9e: {  	_ =	swait.ge [sflag:s22], s20  }
0x9f: {  	s4 =	ssub.s32 $0x0, s20;
	[sflag:s22] =	ssyncset.done $0x0  }
0xa0: {  	[sflag:s22] =	ssyncadd.s32 s4;
	_ =	sdelay $0x1  }
0xa1: {  	s23 =	simm.s32 $0x1B8B  }
0xa2: {  	_ =	swait.ge [sflag:s23], $0x1  }
0xa3: {  	[sflag:s23] =	ssyncset.done $0x0  }
0xa4: {  	s25 =	simm.s32 $0x1B8E;
	s24 =	sld [smem:$0x3FFE];
	[sflag:s23] =	ssyncadd.s32 $0xFFFFFFFF  }
0xa5: {  	s26 =	simm.s32 $execute0_lowered;
	[smem:$0x3FD2] =	sst s25  }
0xa6: {  	s5 =	sshll.u32 s26, $0x1;
	_ =	strace $0x80000058;
	[dreg:$0x1] =	wrdreg $0xFFFFFFFF  }
0xa7: {  	s28 =	simm.s32 $_size_execute0_lowered;
	s3 =	sadd.s32 s3, s5;
	[dreg:$0x0] =	wrdreg $0x0  }
0xa8: {  	s5 =	sshll.u32 s28, $0x1;
	[dreg:$0x2] =	wrdreg s3  }
0xa9: {  	[dreg:$0x3] =	wrdreg s5  }
0xaa: {  	[dreg:$0x4] =	wrdreg $0xC0  }
0xab: {  	_ =	task [dreg:s7], $0x5FFFF  }
0xac: {  	[dreg:$0x1] =	wrdreg $0xFFFFFFFF  }
0xad: {  	[dreg:$0x0] =	wrdreg $0x60  }
0xae: {  	[dreg:$0x2] =	wrdreg s24  }
0xaf: {  	[dreg:$0x3] =	wrdreg s2  }
0xb0: {  	[dreg:$0x4] =	wrdreg $0x9  }
0xb1: {  	_ =	task.clear_ibuf [dreg:s7], $0x5FFFF;
	_ =	strace $0x90000058  }
0xb2: {  	s29 =	simm.s32 $0x9;
	_ =	strace $0x8000005A  }
0xb3: {  	_ =	swait.ge [sflag:s29], $0x1  }
0xb4: {  	[sflag:s29] =	ssyncadd.s32 $0xFFFFFFFF  }
0xb5: {  	_ =	strace $0x9000005A  }
0xb6: {  	_ =	sfence  }
0xb7: {  	s30 =	sld [smem:$0x0];
	_ =	sdelay $0x2  }
0xb8: {  	s31 =	sshll.u32 s1, $0xD;
	s1 =	sshrl.u32 s1, $0x2  }
0xb9: {  	s3 =	sand.u32 $0x4000, s31;
	s1 =	sadd.s32 s1, s30  }
0xba: {  	s0 =	sor.u32 s3, s0;
	s1 =	sshll.u32 s1, $0x11  }
0xbb: {  	s0 =	sor.u32 s1, s0  }
0xbc: {  	s0 =	sadd.s32 $0x8F2B, s0  }
0xbd: {  	[sflag:s0] =	ssyncadd.remote.s32 $0x1  }
0xbe: {  	_ =	sfence.sel $0xFFFF  }
0xbf: {  	[dreg:$0x0] =	wrdreg $0xFFFFFFFF;
	(pc) =	sbr.abs _section_cstart, $3  }
0xc0: {  	[dreg:$0x1] =	wrdreg $0xFFFFFFFF  }
0xc1: {  	_ =	task.clear_ibuf [dreg:s7], $0x2FFFF;
	_ =	strace $0x9FFFFFFF  }
0xc2: {  	(tm) =	ssettm $0x7FFFFFFF  }
0xc3: {  	_ =	shalt  }
tec
execute0_lowered:
.L_overlay_start_1:
0x0: {  	(tag) =	ssettag $0x1  }
0x1: {  	s6 =	rddreg [dreg:$0x0]  }
0x2: {  	s2 =	rddreg [dreg:$0x1]  }
0x3: {  	s0 =	rddreg [dreg:$0x2]  }
0x4: {  	s3 =	simm.s32 $0x0;
	s4 =	srdreg.scid;
	s1 =	stileid.u32  }
0x5: {  	s10 =	simm.s32 $0x80;
	s11 =	simm.s32 $0x1;
	s12 =	simm.s32 $0x4080  }
0x6: {  	s13 =	simm.s32 $0x0;
	[smem:$0x7FF] =	sst s3;
	s4 =	sand.u32 $0x1, s4  }
0x7: {  	s5 =	sshll.u32 s1, $0x1;
	_ =	strace $0x80000059;
	s7 =	ssub.s32 $0x2, s4  }
0x8: {  	s8 =	sor.u32 s4, s5;
	s4 =	sadd.s32 $0xEA9400, s6;
	s9 =	sshrl.u32 s7, $0x1  }
0x9: {  	s6 =	sadd.s32 $0x3400, s6;
	s5 =	smul.u32 $0x50, s8;
	s9 =	ssub.s32 s7, s9  }
0xa: {  	s7 =	smul.u32 $0xA000, s8;
	s8 =	smax.u32 s9, $0x1;
	s9 =	simm.s32 $0x2  }
.LBB2_1:
0xb: {  	s14 =	simm.s32 $0x0  }
.LBB2_2:
0xc: {  	s15 =	sadd.s32 s5, s14  }
0xd: {  	s15 =	sshll.u32 s15, $0x4  }
0xe: {  	s16 =	simm.s32 $0x0;
	s15 =	sadd.s32 s2, s15  }
0xf: {  	[tilespmem:s16], [sflag:$0x2] =	stream.linear.gather [hbm4b:s15+s16], $0x80, $0x38;
	[tilespmem:$0x4280] =	vst v63  }
0x10: {  	_ =	swait.ge [sflag:s9], $0x80  }
0x11: {  	[sflag:s9] =	ssyncset.done $0x0  }
0x12: {  	[sflag:s9] =	ssyncadd.s32 $0xFFFFFF80  }
0x13: {  	[tilespmem:s10], [sflag:$0x1] =	stream.indirect.gather [hbm4b:s4+s10], $0x80, s16, s10, $0xb8;
	[tilespmem:$0x4280] =	vst v63  }
0x14: {  	_ =	swait.ge [sflag:s11], $0x4000  }
0x15: {  	[sflag:s11] =	ssyncset.done $0x0  }
0x16: {  	s17 =	simm.s32 $0x0;
	[sflag:s11] =	ssyncadd.s32 $0xFFFFC000  }
0x17: {  	v0 =	vld [tilespmem:s17+$0xF0]  }
0x18: {  	v1 =	vld [tilespmem:s17+$0x80]  }
0x19: {  	v3 =	vld [tilespmem:s17+$0x90];
	_ =	sdelay $0x1  }
0x1a: {  	v12 =	vld [tilespmem:s17+$0xA0]  }
0x1b: {  	v4 =	vimm.f32 $0.0e+00;
	v9 =	vimm.f32 $0.0e+00;
	v10 =	vld [tilespmem:s17+$0xB0]  }
0x1c: {  	v7 =	vimm.f32 $0.0e+00;
	v8 =	vimm.f32 $0.0e+00;
	v11 =	vld [tilespmem:s17+$0xC0];
	v0 =	vmax.f32 v0, $0.0e+00  }
0x1d: {  	v5 =	vld [tilespmem:s17+$0xD0];
	v1 =	vmax.f32 v1, $0.0e+00;
	v13 =	vmax.f32 v3, $0.0e+00;
	v3 =	vimm.f32 $0.0e+00  }
0x1e: {  	s15 =	simm.s32 $0x80;
	s16 =	simm.s32 $0x400;
	v6 =	vld [tilespmem:s17+$0xE0];
	v0 =	vadd.f32 v0, v4;
	v2 =	vadd.f32 v1, v4;
	v1 =	vimm.f32 $0.0e+00  }
.LBB2_3:
0x1f: {  	p0 =	sne.s32 s16, $0x3E00;
	v14 =	vld [tilespmem:s15+$0xF0];
	v4 =	vadd.f32 v13, v4;
	v12 =	vmax.f32 v12, $0.0e+00  }
0x20: {  	v13 =	vld [tilespmem:s15+$0x80];
	v9 =	vadd.f32 v12, v9;
	v10 =	vmax.f32 v10, $0.0e+00  }
0x21: {  	v15 =	vld [tilespmem:s15+$0x90];
	v7 =	vadd.f32 v10, v7;
	v10 =	vmax.f32 v11, $0.0e+00  }
.Ltmp0:
0x22: {  	v12 =	vld [tilespmem:s15+$0xA0];
	v8 =	vadd.f32 v10, v8;
	v5 =	vmax.f32 v5, $0.0e+00;
	(pc) =	sbr.rel @p0 .LBB2_3-.Ltmp0, $4  }
0x23: {  	v10 =	vld [tilespmem:s15+$0xB0];
	v3 =	vadd.f32 v5, v3;
	v5 =	vmax.f32 v6, $0.0e+00  }
0x24: {  	v11 =	vld [tilespmem:s15+$0xC0];
	v6 =	vmax.f32 v14, $0.0e+00;
	v1 =	vadd.f32 v5, v1  }
0x25: {  	v13 =	vmax.f32 v13, $0.0e+00;
	v5 =	vld [tilespmem:s15+$0xD0];
	v0 =	vadd.f32 v6, v0  }
0x26: {  	v2 =	vadd.f32 v13, v2;
	v13 =	vmax.f32 v15, $0.0e+00;
	v6 =	vld [tilespmem:s15+$0xE0];
	s15 =	sshra.s32 s16, $0x2;
	s16 =	sadd.s32 $0x200, s16  }
0x27: {  	v14 =	vld [tilespmem:s15+$0x80]  }
0x28: {  	v15 =	vld [tilespmem:s15+$0x90]  }
0x29: {  	v16 =	vld [tilespmem:s15+$0xA0]  }
0x2a: {  	v12 =	vmax.f32 v12, $0.0e+00;
	v17 =	vld [tilespmem:s15+$0xB0]  }
0x2b: {  	v4 =	vadd.f32 v13, v4;
	v9 =	vadd.f32 v12, v9;
	v10 =	vmax.f32 v10, $0.0e+00;
	v12 =	vld [tilespmem:s15+$0xC0]  }
0x2c: {  	v13 =	vld [tilespmem:s15+$0xD0];
	v7 =	vadd.f32 v10, v7;
	v10 =	vmax.f32 v11, $0.0e+00;
	v11 =	vmax.f32 v14, $0.0e+00  }
0x2d: {  	v8 =	vadd.f32 v10, v8;
	v10 =	vmax.f32 v15, $0.0e+00;
	v2 =	vadd.f32 v11, v2;
	v11 =	vld [tilespmem:s15+$0xE0]  }
0x2e: {  	v5 =	vmax.f32 v5, $0.0e+00;
	v14 =	vmax.f32 v16, $0.0e+00;
	v4 =	vadd.f32 v10, v4;
	v10 =	vld [tilespmem:s15+$0xF0]  }
0x2f: {  	v3 =	vadd.f32 v5, v3;
	v5 =	vadd.f32 v14, v9;
	v9 =	vmax.f32 v17, $0.0e+00;
	[tilespmem:$0x4080] =	vst v2  }
0x30: {  	v2 =	vmax.f32 v6, $0.0e+00;
	v6 =	vadd.f32 v9, v7;
	v7 =	vmax.f32 v12, $0.0e+00;
	[tilespmem:$0x4090] =	vst v4  }
0x31: {  	v4 =	vmax.f32 v13, $0.0e+00;
	[tilespmem:$0x40A0] =	vst v5;
	v1 =	vadd.f32 v2, v1;
	v2 =	vadd.f32 v7, v8  }
0x32: {  	v3 =	vadd.f32 v4, v3;
	[tilespmem:$0x40B0] =	vst v6;
	v4 =	vmax.f32 v11, $0.0e+00  }
0x33: {  	v5 =	vmax.f32 v10, $0.0e+00;
	[tilespmem:$0x40C0] =	vst v2;
	v1 =	vadd.f32 v4, v1  }
0x34: {  	[tilespmem:$0x40D0] =	vst v3;
	v0 =	vadd.f32 v5, v0  }
0x35: {  	[tilespmem:$0x40E0] =	vst v1  }
0x36: {  	s17 =	simm.s32 $0x0;
	[tilespmem:$0x40F0] =	vst v0  }
0x37: {  	v0 =	vld [tilespmem:s17+$0x10F0]  }
0x38: {  	v1 =	vld [tilespmem:s17+$0x1080]  }
0x39: {  	v3 =	vld [tilespmem:s17+$0x1090];
	_ =	sdelay $0x1  }
0x3a: {  	v12 =	vld [tilespmem:s17+$0x10A0]  }
0x3b: {  	v9 =	vimm.f32 $0.0e+00;
	v7 =	vimm.f32 $0.0e+00;
	v10 =	vld [tilespmem:s17+$0x10B0]  }
0x3c: {  	v8 =	vimm.f32 $0.0e+00;
	v4 =	vimm.f32 $0.0e+00;
	v11 =	vld [tilespmem:s17+$0x10C0];
	v0 =	vmax.f32 v0, $0.0e+00  }
0x3d: {  	v5 =	vld [tilespmem:s17+$0x10D0];
	v1 =	vmax.f32 v1, $0.0e+00;
	v13 =	vmax.f32 v3, $0.0e+00;
	v3 =	vimm.f32 $0.0e+00  }
0x3e: {  	s16 =	simm.s32 $0x400;
	s15 =	simm.s32 $0x80;
	v6 =	vld [tilespmem:s17+$0x10E0];
	v0 =	vadd.f32 v0, v4;
	v2 =	vadd.f32 v1, v4;
	v1 =	vimm.f32 $0.0e+00  }
.LBB2_5:
0x3f: {  	p0 =	sne.s32 s16, $0x3E00;
	v14 =	vld [tilespmem:s15+$0x10F0];
	v4 =	vadd.f32 v13, v4;
	v12 =	vmax.f32 v12, $0.0e+00  }
0x40: {  	v13 =	vld [tilespmem:s15+$0x1080];
	v9 =	vadd.f32 v12, v9;
	v10 =	vmax.f32 v10, $0.0e+00  }
0x41: {  	v15 =	vld [tilespmem:s15+$0x1090];
	v7 =	vadd.f32 v10, v7;
	v10 =	vmax.f32 v11, $0.0e+00  }
.Ltmp1:
0x42: {  	v12 =	vld [tilespmem:s15+$0x10A0];
	v8 =	vadd.f32 v10, v8;
	v5 =	vmax.f32 v5, $0.0e+00;
	(pc) =	sbr.rel @p0 .LBB2_5-.Ltmp1, $4  }
0x43: {  	v10 =	vld [tilespmem:s15+$0x10B0];
	v3 =	vadd.f32 v5, v3;
	v5 =	vmax.f32 v6, $0.0e+00  }
0x44: {  	v11 =	vld [tilespmem:s15+$0x10C0];
	v6 =	vmax.f32 v14, $0.0e+00;
	v1 =	vadd.f32 v5, v1  }
0x45: {  	v13 =	vmax.f32 v13, $0.0e+00;
	v5 =	vld [tilespmem:s15+$0x10D0];
	v0 =	vadd.f32 v6, v0  }
0x46: {  	v2 =	vadd.f32 v13, v2;
	v13 =	vmax.f32 v15, $0.0e+00;
	v6 =	vld [tilespmem:s15+$0x10E0];
	s15 =	sshra.s32 s16, $0x2;
	s16 =	sadd.s32 $0x200, s16  }
0x47: {  	v14 =	vld [tilespmem:s15+$0x1080]  }
0x48: {  	v15 =	vld [tilespmem:s15+$0x1090]  }
0x49: {  	v16 =	vld [tilespmem:s15+$0x10A0]  }
0x4a: {  	v12 =	vmax.f32 v12, $0.0e+00;
	v17 =	vld [tilespmem:s15+$0x10B0]  }
0x4b: {  	v4 =	vadd.f32 v13, v4;
	v9 =	vadd.f32 v12, v9;
	v10 =	vmax.f32 v10, $0.0e+00;
	v12 =	vld [tilespmem:s15+$0x10C0]  }
0x4c: {  	v13 =	vld [tilespmem:s15+$0x10D0];
	v7 =	vadd.f32 v10, v7;
	v10 =	vmax.f32 v11, $0.0e+00;
	v11 =	vmax.f32 v14, $0.0e+00  }
0x4d: {  	v8 =	vadd.f32 v10, v8;
	v10 =	vmax.f32 v15, $0.0e+00;
	v2 =	vadd.f32 v11, v2;
	v11 =	vld [tilespmem:s15+$0x10E0]  }
0x4e: {  	v5 =	vmax.f32 v5, $0.0e+00;
	v14 =	vmax.f32 v16, $0.0e+00;
	v4 =	vadd.f32 v10, v4;
	v10 =	vld [tilespmem:s15+$0x10F0]  }
0x4f: {  	v3 =	vadd.f32 v5, v3;
	v5 =	vadd.f32 v14, v9;
	v9 =	vmax.f32 v17, $0.0e+00;
	[tilespmem:$0x4100] =	vst v2  }
0x50: {  	v2 =	vmax.f32 v6, $0.0e+00;
	v6 =	vadd.f32 v9, v7;
	v7 =	vmax.f32 v12, $0.0e+00;
	[tilespmem:$0x4110] =	vst v4  }
0x51: {  	v4 =	vmax.f32 v13, $0.0e+00;
	[tilespmem:$0x4120] =	vst v5;
	v1 =	vadd.f32 v2, v1;
	v2 =	vadd.f32 v7, v8  }
0x52: {  	v3 =	vadd.f32 v4, v3;
	[tilespmem:$0x4130] =	vst v6;
	v4 =	vmax.f32 v11, $0.0e+00  }
0x53: {  	v5 =	vmax.f32 v10, $0.0e+00;
	[tilespmem:$0x4140] =	vst v2;
	v1 =	vadd.f32 v4, v1  }
0x54: {  	[tilespmem:$0x4150] =	vst v3;
	v0 =	vadd.f32 v5, v0  }
0x55: {  	[tilespmem:$0x4160] =	vst v1  }
0x56: {  	s17 =	simm.s32 $0x0;
	[tilespmem:$0x4170] =	vst v0  }
0x57: {  	v0 =	vld [tilespmem:s17+$0x20F0]  }
0x58: {  	v1 =	vld [tilespmem:s17+$0x2080]  }
0x59: {  	v3 =	vld [tilespmem:s17+$0x2090];
	_ =	sdelay $0x1  }
0x5a: {  	v12 =	vld [tilespmem:s17+$0x20A0]  }
0x5b: {  	v9 =	vimm.f32 $0.0e+00;
	v7 =	vimm.f32 $0.0e+00;
	v10 =	vld [tilespmem:s17+$0x20B0]  }
0x5c: {  	v8 =	vimm.f32 $0.0e+00;
	v4 =	vimm.f32 $0.0e+00;
	v11 =	vld [tilespmem:s17+$0x20C0];
	v0 =	vmax.f32 v0, $0.0e+00  }
0x5d: {  	v5 =	vld [tilespmem:s17+$0x20D0];
	v1 =	vmax.f32 v1, $0.0e+00;
	v13 =	vmax.f32 v3, $0.0e+00;
	v3 =	vimm.f32 $0.0e+00  }
0x5e: {  	s16 =	simm.s32 $0x400;
	s15 =	simm.s32 $0x80;
	v6 =	vld [tilespmem:s17+$0x20E0];
	v0 =	vadd.f32 v0, v4;
	v2 =	vadd.f32 v1, v4;
	v1 =	vimm.f32 $0.0e+00  }
.LBB2_7:
0x5f: {  	p0 =	sne.s32 s16, $0x3E00;
	v14 =	vld [tilespmem:s15+$0x20F0];
	v4 =	vadd.f32 v13, v4;
	v12 =	vmax.f32 v12, $0.0e+00  }
0x60: {  	v13 =	vld [tilespmem:s15+$0x2080];
	v9 =	vadd.f32 v12, v9;
	v10 =	vmax.f32 v10, $0.0e+00  }
0x61: {  	v15 =	vld [tilespmem:s15+$0x2090];
	v7 =	vadd.f32 v10, v7;
	v10 =	vmax.f32 v11, $0.0e+00  }
.Ltmp2:
0x62: {  	v12 =	vld [tilespmem:s15+$0x20A0];
	v8 =	vadd.f32 v10, v8;
	v5 =	vmax.f32 v5, $0.0e+00;
	(pc) =	sbr.rel @p0 .LBB2_7-.Ltmp2, $4  }
0x63: {  	v10 =	vld [tilespmem:s15+$0x20B0];
	v3 =	vadd.f32 v5, v3;
	v5 =	vmax.f32 v6, $0.0e+00  }
0x64: {  	v11 =	vld [tilespmem:s15+$0x20C0];
	v6 =	vmax.f32 v14, $0.0e+00;
	v1 =	vadd.f32 v5, v1  }
0x65: {  	v13 =	vmax.f32 v13, $0.0e+00;
	v5 =	vld [tilespmem:s15+$0x20D0];
	v0 =	vadd.f32 v6, v0  }
0x66: {  	v2 =	vadd.f32 v13, v2;
	v13 =	vmax.f32 v15, $0.0e+00;
	v6 =	vld [tilespmem:s15+$0x20E0];
	s15 =	sshra.s32 s16, $0x2;
	s16 =	sadd.s32 $0x200, s16  }
0x67: {  	v14 =	vld [tilespmem:s15+$0x2080]  }
0x68: {  	v15 =	vld [tilespmem:s15+$0x2090]  }
0x69: {  	v16 =	vld [tilespmem:s15+$0x20A0]  }
0x6a: {  	v12 =	vmax.f32 v12, $0.0e+00;
	v17 =	vld [tilespmem:s15+$0x20B0]  }
0x6b: {  	v4 =	vadd.f32 v13, v4;
	v9 =	vadd.f32 v12, v9;
	v10 =	vmax.f32 v10, $0.0e+00;
	v12 =	vld [tilespmem:s15+$0x20C0]  }
0x6c: {  	v13 =	vld [tilespmem:s15+$0x20D0];
	v7 =	vadd.f32 v10, v7;
	v10 =	vmax.f32 v11, $0.0e+00;
	v11 =	vmax.f32 v14, $0.0e+00  }
0x6d: {  	v8 =	vadd.f32 v10, v8;
	v10 =	vmax.f32 v15, $0.0e+00;
	v2 =	vadd.f32 v11, v2;
	v11 =	vld [tilespmem:s15+$0x20E0]  }
0x6e: {  	v5 =	vmax.f32 v5, $0.0e+00;
	v14 =	vmax.f32 v16, $0.0e+00;
	v4 =	vadd.f32 v10, v4;
	v10 =	vld [tilespmem:s15+$0x20F0]  }
0x6f: {  	v3 =	vadd.f32 v5, v3;
	v5 =	vadd.f32 v14, v9;
	v9 =	vmax.f32 v17, $0.0e+00;
	[tilespmem:$0x4180] =	vst v2  }
0x70: {  	v2 =	vmax.f32 v6, $0.0e+00;
	v6 =	vadd.f32 v9, v7;
	v7 =	vmax.f32 v12, $0.0e+00;
	[tilespmem:$0x4190] =	vst v4  }
0x71: {  	v4 =	vmax.f32 v13, $0.0e+00;
	[tilespmem:$0x41A0] =	vst v5;
	v1 =	vadd.f32 v2, v1;
	v2 =	vadd.f32 v7, v8  }
0x72: {  	v3 =	vadd.f32 v4, v3;
	[tilespmem:$0x41B0] =	vst v6;
	v4 =	vmax.f32 v11, $0.0e+00  }
0x73: {  	v5 =	vmax.f32 v10, $0.0e+00;
	[tilespmem:$0x41C0] =	vst v2;
	v1 =	vadd.f32 v4, v1  }
0x74: {  	[tilespmem:$0x41D0] =	vst v3;
	v0 =	vadd.f32 v5, v0  }
0x75: {  	[tilespmem:$0x41E0] =	vst v1  }
0x76: {  	s17 =	simm.s32 $0x0;
	[tilespmem:$0x41F0] =	vst v0  }
0x77: {  	v0 =	vld [tilespmem:s17+$0x30F0]  }
0x78: {  	v1 =	vld [tilespmem:s17+$0x3080]  }
0x79: {  	v3 =	vld [tilespmem:s17+$0x3090];
	_ =	sdelay $0x1  }
0x7a: {  	v12 =	vld [tilespmem:s17+$0x30A0]  }
0x7b: {  	v9 =	vimm.f32 $0.0e+00;
	v7 =	vimm.f32 $0.0e+00;
	v10 =	vld [tilespmem:s17+$0x30B0]  }
0x7c: {  	v8 =	vimm.f32 $0.0e+00;
	v4 =	vimm.f32 $0.0e+00;
	v11 =	vld [tilespmem:s17+$0x30C0];
	v0 =	vmax.f32 v0, $0.0e+00  }
0x7d: {  	v5 =	vld [tilespmem:s17+$0x30D0];
	v1 =	vmax.f32 v1, $0.0e+00;
	v13 =	vmax.f32 v3, $0.0e+00;
	v3 =	vimm.f32 $0.0e+00  }
0x7e: {  	s16 =	simm.s32 $0x400;
	s15 =	simm.s32 $0x80;
	v6 =	vld [tilespmem:s17+$0x30E0];
	v0 =	vadd.f32 v0, v4;
	v2 =	vadd.f32 v1, v4;
	v1 =	vimm.f32 $0.0e+00  }
.LBB2_9:
0x7f: {  	p0 =	sne.s32 s16, $0x3E00;
	v14 =	vld [tilespmem:s15+$0x30F0];
	v4 =	vadd.f32 v13, v4;
	v12 =	vmax.f32 v12, $0.0e+00  }
0x80: {  	v13 =	vld [tilespmem:s15+$0x3080];
	v9 =	vadd.f32 v12, v9;
	v10 =	vmax.f32 v10, $0.0e+00  }
0x81: {  	v15 =	vld [tilespmem:s15+$0x3090];
	v7 =	vadd.f32 v10, v7;
	v10 =	vmax.f32 v11, $0.0e+00  }
.Ltmp3:
0x82: {  	v12 =	vld [tilespmem:s15+$0x30A0];
	v8 =	vadd.f32 v10, v8;
	v5 =	vmax.f32 v5, $0.0e+00;
	(pc) =	sbr.rel @p0 .LBB2_9-.Ltmp3, $4  }
0x83: {  	v10 =	vld [tilespmem:s15+$0x30B0];
	v3 =	vadd.f32 v5, v3;
	v5 =	vmax.f32 v6, $0.0e+00  }
0x84: {  	v11 =	vld [tilespmem:s15+$0x30C0];
	v6 =	vmax.f32 v14, $0.0e+00;
	v1 =	vadd.f32 v5, v1  }
0x85: {  	v13 =	vmax.f32 v13, $0.0e+00;
	v5 =	vld [tilespmem:s15+$0x30D0];
	v0 =	vadd.f32 v6, v0  }
0x86: {  	v2 =	vadd.f32 v13, v2;
	v13 =	vmax.f32 v15, $0.0e+00;
	v6 =	vld [tilespmem:s15+$0x30E0];
	s15 =	sshra.s32 s16, $0x2;
	s16 =	sadd.s32 $0x200, s16  }
0x87: {  	v14 =	vld [tilespmem:s15+$0x3080]  }
0x88: {  	v15 =	vld [tilespmem:s15+$0x3090]  }
0x89: {  	v16 =	vld [tilespmem:s15+$0x30A0]  }
0x8a: {  	v17 =	vld [tilespmem:s15+$0x30B0]  }
0x8b: {  	v12 =	vmax.f32 v12, $0.0e+00;
	v4 =	vadd.f32 v13, v4;
	v47 =	vld [tilespmem:s15+$0x30C0];
	v10 =	vmax.f32 v10, $0.0e+00  }
0x8c: {  	v50 =	vld [tilespmem:s15+$0x30D0];
	v9 =	vadd.f32 v12, v9;
	v7 =	vadd.f32 v10, v7;
	v49 =	vmax.f32 v14, $0.0e+00  }
0x8d: {  	v53 =	vld [tilespmem:s15+$0x30F0];
	v48 =	vmax.f32 v11, $0.0e+00;
	v51 =	vmax.f32 v15, $0.0e+00;
	v2 =	vadd.f32 v49, v2  }
0x8e: {  	v52 =	vld [tilespmem:s15+$0x30E0];
	v8 =	vadd.f32 v48, v8;
	v54 =	vmax.f32 v16, $0.0e+00;
	v4 =	vadd.f32 v51, v4  }
0x8f: {  	v5 =	vmax.f32 v5, $0.0e+00;
	v56 =	vmax.f32 v17, $0.0e+00;
	v55 =	vadd.f32 v54, v9;
	[tilespmem:$0x4200] =	vst v2  }
0x90: {  	v3 =	vadd.f32 v5, v3;
	v59 =	vmax.f32 v47, $0.0e+00;
	v58 =	vadd.f32 v56, v7;
	[tilespmem:$0x4210] =	vst v4  }
0x91: {  	s31 =	sshll.u32 s14, $0x9;
	v57 =	vmax.f32 v6, $0.0e+00;
	v61 =	vmax.f32 v50, $0.0e+00;
	v60 =	vadd.f32 v59, v8;
	[tilespmem:$0x4220] =	vst v55  }
0x92: {  	s16 =	sadd.s32 s7, s31;
	v1 =	vadd.f32 v57, v1;
	v63 =	vmax.f32 v53, $0.0e+00;
	v3 =	vadd.f32 v61, v3;
	[tilespmem:$0x4230] =	vst v58  }
0x93: {  	s15 =	sand.u32 $0x200, s31;
	s16 =	sand.u32 $0x3FFC00, s16;
	v62 =	vmax.f32 v52, $0.0e+00;
	v0 =	vadd.f32 v63, v0;
	[tilespmem:$0x4240] =	vst v60  }
0x94: {  	s14 =	sadd.s32 $0x1, s14;
	s15 =	sor.u32 s15, s16;
	v1 =	vadd.f32 v62, v1;
	[tilespmem:$0x4250] =	vst v3  }
0x95: {  	p0 =	sne.s32 s14, $0x50;
	s15 =	sshrl.u32 s15, $0x3;
	[tilespmem:$0x4270] =	vst v0  }
.Ltmp4:
0x96: {  	s15 =	sadd.s32 s6, s15;
	[tilespmem:$0x4260] =	vst v1;
	(pc) =	sbr.rel @p0 .LBB2_2-.Ltmp4, $4  }
0x97: {  	[hbm4b:s15+s3] =	stream.linear.scatter [tilespmem:s12], [sflag:$0x2], $0x200, $0x38;
	[tilespmem:$0x4280] =	vst v63  }
0x98: {  	_ =	swait.ge [sflag:s9], $0x200  }
0x99: {  	[sflag:s9] =	ssyncset.done $0x0  }
0x9a: {  	[sflag:s9] =	ssyncadd.s32 $0xFFFFFE00  }
0x9b: {  	s13 =	sadd.s32 $0x1, s13  }
0x9c: {  	p0 =	sne.s32 s13, s8  }
.Ltmp5:
0x9d: {  	_ = 	snop;
	(pc) =	sbr.rel @p0 .LBB2_1-.Ltmp5, $1  }
0x9e: {  	_ =	sdelay $0x3  }
0x9f: {  	_ =	sfence.sel $0x180000  }
0xa0: {  	[bflag:$0x0] =	sbarrier.arrive $0xFFFF  }
0xa1: {  	p0 =	sne.s32 s1, $0x0;
	_ =	strace $0x90000059  }
0xa2: {  	s0 =	sadd.s32 @!p0 $0x100000, s0;
	[bflag:$0x2] =	sbarrier.arrive $0xFFFF  }
0xa3: {  	[sflag:s0] =	ssyncadd.tile.s32 @!p0 $0x1;
	_ =	shalt  }
.Lfunc_end2:
_tile_overlayer_lowered:
.L_overlay_start_2:
0xa4: {  	(tag) =	ssettag $0x2  }
0xa5: {  	s0 =	rddreg [dreg:$0x0];
	s2 =	stileid.u32  }
0xa6: {  	s1 =	rddreg [dreg:$0x1];
	p0 =	sne.s32 s2, $0x0  }
0xa7: {  	s3 =	rddreg [dreg:$0x2];
	[bflag:$0x3] =	sbarrier.arrive $0xFFFF;
	s2 =	simm.s32 @!p0 $0x1C02  }
0xa8: {  	[timem:s3], [sflag:s2] =	dma.local @!p0 [hbm:s0], s1  }
0xa9: {  	s0 =	simm.s32 @!p0 $0x2  }
0xaa: {  	_ =	swait.ge @!p0 [sflag:s0], s1  }
0xab: {  	s1 =	ssub.s32 @!p0 $0x0, s1;
	[sflag:s0] =	ssyncset.done @!p0 $0x0  }
0xac: {  	[sflag:s0] =	ssyncadd.s32 @!p0 s1  }
0xad: {  	[bflag:$0x3] =	sbarrier.arrive $0xFFFF  }
0xae: {  	_ =	shalt  }

</sc_bundles>
